<compile_context>
chip_gen: v7x
topology: tpu7x:2x2x1
jax: 0.10.2.dev20260603
libtpu: 0.0.44.dev20260713+nightly
codegen_flags: <defaults>
</compile_context>

<pallas_src>
import functools

import jax
import jax.numpy as jnp
from jax import lax
from jax.experimental import pallas as pl
from jax.experimental.pallas import tpu as pltpu
from jax.experimental.pallas import tpu_sc as plsc

_NC = 2
_NS = 16
_CHUNK = 80
_HIGH = lax.Precision.HIGHEST




def _make_seg_kernel(n, e, d, with_count):
    mesh = plsc.VectorSubcoreMesh(core_axis_name="c", subcore_axis_name="s")
    nw = _NC * _NS
    assert e % (nw * _CHUNK) == 0, e
    ew = e // nw
    nchunk = ew // _CHUNK
    nbuf = 5
    assert nchunk % nbuf == 0, nchunk
    niter = nchunk // nbuf
    rps = (n // _NS) // 8 * 8
    rlast = n - (_NS - 1) * rps
    assert rps % 8 == 0 and (_NS - 1) * rps % 8 == 0

    outs = jax.ShapeDtypeStruct((_NC, n, 128), jnp.float32)
    scratch = [
        pltpu.VMEM((nchunk, _CHUNK), jnp.int32),
        pltpu.VMEM((nchunk, _CHUNK), jnp.int32),
        [pltpu.VMEM((_CHUNK, d), jnp.float32)] * nbuf,
        pltpu.VMEM_SHARED((n, d), jnp.float32),
        [pltpu.SemaphoreType.DMA] * nbuf,
        [pltpu.SemaphoreType.DMA] * nbuf,
        pltpu.SemaphoreType.DMA,
    ]
    if with_count:
        outs = (outs, jax.ShapeDtypeStruct((_NC, n, 128), jnp.float32))
        scratch += [
            pltpu.VMEM((_CHUNK, 16), jnp.float32),
            pltpu.VMEM_SHARED((n, 16), jnp.float32),
            [pltpu.SemaphoreType.DMA] * nbuf,
        ]

    def body(refs):
        if with_count:
            (p_hbm, src_hbm, dst_hbm, z64_hbm, z16_hbm,
             acc_out, cnt_out,
             src_v, dst_v, rows_v, acc_sh, gsem, ssem, isem,
             ones_v, cnt_sh, csem) = refs
        else:
            (p_hbm, src_hbm, dst_hbm, z64_hbm,
             acc_out,
             src_v, dst_v, rows_v, acc_sh, gsem, ssem, isem) = refs

        cid = lax.axis_index("c")
        sid = lax.axis_index("s")
        w = sid * _NC + cid
        r0 = pl.multiple_of(sid * rps, 8)

        def slab_copy(mk_src, mk_dst):
            @pl.when(sid < _NS - 1)
            def _():
                pltpu.sync_copy(mk_src(r0, rps), mk_dst(r0, rps))

            @pl.when(sid == _NS - 1)
            def _():
                pltpu.sync_copy(mk_src((_NS - 1) * rps, rlast),
                                mk_dst((_NS - 1) * rps, rlast))

        pltpu.async_copy(src_hbm.at[w], src_v, isem).wait()
        dload = pltpu.async_copy(dst_hbm.at[w], dst_v, isem)

        def gather(j, b):
            return pltpu.async_copy(p_hbm.at[src_v.at[j]], rows_v[b], gsem[b])

        def gather_wait(j, b):
            pltpu.make_async_copy(p_hbm.at[src_v.at[j]], rows_v[b],
                                  gsem[b]).wait()

        def scatter(j, b):
            descs = [pltpu.async_copy(rows_v[b], acc_sh.at[dst_v.at[j]],
                                      ssem[b], add=True)]
            if with_count:
                descs.append(pltpu.async_copy(ones_v, cnt_sh.at[dst_v.at[j]],
                                              csem[b], add=True))
            return descs

        for b in range(nbuf):
            gather(b, b)

        slab_copy(lambda o, s: z64_hbm.at[pl.ds(o, s)],
                  lambda o, s: acc_sh.at[pl.ds(o, s)])
        if with_count:
            slab_copy(lambda o, s: z16_hbm.at[pl.ds(o, s)],
                      lambda o, s: cnt_sh.at[pl.ds(o, s)])

            @pl.loop(0, _CHUNK)
            def _(i):
                ones_v[i, :] = jnp.ones((16,), jnp.float32)
        dload.wait()

        plsc.subcore_barrier()

        @pl.loop(1, niter)
        def _(g):
            scatters = []
            for b in range(nbuf):
                jprev = (g - 1) * nbuf + b
                gather_wait(jprev, b)
                scatters.append(scatter(jprev, b))
            for b in range(nbuf):
                descs = scatters[b]
                descs[0].wait()
                gather(g * nbuf + b, b)
                for dsc in descs[1:]:
                    dsc.wait()

        last_scatters = []
        for b in range(nbuf):
            jlast = (niter - 1) * nbuf + b
            gather_wait(jlast, b)
            last_scatters.append(scatter(jlast, b))
        for descs in last_scatters:
            for dsc in descs:
                dsc.wait()

        plsc.subcore_barrier()

        slab_copy(lambda o, s: acc_sh.at[pl.ds(o, s)],
                  lambda o, s: acc_out.at[cid, pl.ds(o, s), pl.ds(0, d)])
        if with_count:
            slab_copy(lambda o, s: cnt_sh.at[pl.ds(o, s)],
                      lambda o, s: cnt_out.at[cid, pl.ds(o, s), pl.ds(0, 16)])

    @functools.partial(
        pl.kernel, out_type=outs, mesh=mesh, scratch_types=scratch,
        compiler_params=pltpu.CompilerParams(use_tc_tiling_on_sc=False))
    def k(*refs):
        body(refs)

    return k




_ROWBLK = 2000


def _dense(h, wlp, wr, b):
    n, fi = h.shape
    fo = wr.shape[1]

    def body(h_ref, wl_ref, wr_ref, b_ref, p_ref, r_ref):
        hh = h_ref[...]
        p_ref[...] = jnp.dot(hh, wl_ref[...], precision=_HIGH,
                             preferred_element_type=jnp.float32)
        r_ref[...] = jnp.dot(hh, wr_ref[...], precision=_HIGH,
                             preferred_element_type=jnp.float32) + b_ref[...]

    blk = _ROWBLK
    return pl.pallas_call(
        body,
        grid=(n // blk,),
        in_specs=[pl.BlockSpec((blk, fi), lambda i: (i, 0)),
                  pl.BlockSpec((fi, 128), lambda i: (0, 0)),
                  pl.BlockSpec((fi, fo), lambda i: (0, 0)),
                  pl.BlockSpec((1, fo), lambda i: (0, 0))],
        out_specs=[pl.BlockSpec((blk, 128), lambda i: (i, 0)),
                   pl.BlockSpec((blk, fo), lambda i: (i, 0))],
        out_shape=[jax.ShapeDtypeStruct((n, 128), jnp.float32),
                   jax.ShapeDtypeStruct((n, fo), jnp.float32)],
    )(h, wlp, wr, b.reshape(1, fo))


def _mid(acc2, cnt_or_inv, r_prev, wlp, wr, b, want_pre):
    n, d = r_prev.shape
    fo = wr.shape[1]
    blk = _ROWBLK
    first = not want_pre

    def body(acc_ref, c_ref, rp_ref, wl_ref, wr_ref, b_ref, *out_refs):
        if first:
            cnt_col = c_ref[0, :, 0:1] + c_ref[1, :, 0:1]
            inv = 1.0 / jnp.maximum(cnt_col, 1.0)
        else:
            inv = c_ref[:, 0:1]
        s = acc_ref[0, :, :d] + acc_ref[1, :, :d]
        pre = s * inv + rp_ref[...]
        h = jnp.maximum(pre, 0.0)
        if want_pre:
            pre_ref, p_ref, r_ref = out_refs
            pre_ref[...] = pre
        else:
            p_ref, r_ref, inv_ref = out_refs
            inv_ref[...] = jnp.broadcast_to(inv, (blk, d))
        p_ref[...] = jnp.dot(h, wl_ref[...], precision=_HIGH,
                             preferred_element_type=jnp.float32)
        r_ref[...] = jnp.dot(h, wr_ref[...], precision=_HIGH,
                             preferred_element_type=jnp.float32) + b_ref[...]

    shapes = [jax.ShapeDtypeStruct((n, 128), jnp.float32),
              jax.ShapeDtypeStruct((n, fo), jnp.float32)]
    out_specs = [pl.BlockSpec((blk, 128), lambda i: (i, 0)),
                 pl.BlockSpec((blk, fo), lambda i: (i, 0))]
    if want_pre:
        shapes = [jax.ShapeDtypeStruct((n, d), jnp.float32)] + shapes
        out_specs = [pl.BlockSpec((blk, d), lambda i: (i, 0))] + out_specs
        c_spec = pl.BlockSpec((blk, d), lambda i: (i, 0))
    else:
        shapes = shapes + [jax.ShapeDtypeStruct((n, d), jnp.float32)]
        out_specs = out_specs + [pl.BlockSpec((blk, d), lambda i: (i, 0))]
        c_spec = pl.BlockSpec((2, blk, 128), lambda i: (0, i, 0))
    return pl.pallas_call(
        body,
        grid=(n // blk,),
        in_specs=[pl.BlockSpec((2, blk, 128), lambda i: (0, i, 0)),
                  c_spec,
                  pl.BlockSpec((blk, d), lambda i: (i, 0)),
                  pl.BlockSpec((d, 128), lambda i: (0, 0)),
                  pl.BlockSpec((d, fo), lambda i: (0, 0)),
                  pl.BlockSpec((1, fo), lambda i: (0, 0))],
        out_specs=out_specs,
        out_shape=shapes)(acc2, cnt_or_inv, r_prev, wlp, wr, b.reshape(1, fo))


def _final(acc2, inv64, r_prev):
    n, d = r_prev.shape
    blk = _ROWBLK

    def body(acc_ref, inv_ref, rp_ref, o_ref):
        s = acc_ref[0, :, :d] + acc_ref[1, :, :d]
        o_ref[...] = s * inv_ref[:, 0:1] + rp_ref[...]

    return pl.pallas_call(
        body,
        grid=(n // blk,),
        in_specs=[pl.BlockSpec((2, blk, 128), lambda i: (0, i, 0)),
                  pl.BlockSpec((blk, d), lambda i: (i, 0)),
                  pl.BlockSpec((blk, d), lambda i: (i, 0))],
        out_specs=pl.BlockSpec((blk, d), lambda i: (i, 0)),
        out_shape=jax.ShapeDtypeStruct((n, d), jnp.float32))(
            acc2, inv64, r_prev)




def kernel(x, edge_index, W_l0, b0, W_r0, W_l1, b1, W_r1, W_l2, b2, W_r2):
    n = x.shape[0]
    e = edge_index.shape[1]
    d = W_l0.shape[1]

    nw = _NC * _NS
    nchunk = e // (nw * _CHUNK)
    src = (edge_index[0] * 2).reshape(nw, nchunk, _CHUNK)
    dst = edge_index[1].reshape(nw, nchunk, _CHUNK)
    z64 = jnp.zeros((n, d), jnp.float32)
    z16 = jnp.zeros((n, 16), jnp.float32)

    def padl(wl):
        return jnp.concatenate([wl, jnp.zeros_like(wl)], axis=1)

    seg_cnt = _make_seg_kernel(n, e, d, with_count=True)
    seg = _make_seg_kernel(n, e, d, with_count=False)

    p0, r0 = _dense(x, padl(W_l0), W_r0, b0)
    acc0, cnt = seg_cnt(p0.reshape(2 * n, d), src, dst, z64, z16)
    p1, r1, inv64 = _mid(acc0, cnt, r0, padl(W_l1), W_r1, b1, want_pre=False)
    acc1 = seg(p1.reshape(2 * n, d), src, dst, z64)
    feature, p2, r2 = _mid(acc1, inv64, r1, padl(W_l2), W_r2, b2,
                           want_pre=True)
    acc2 = seg(p2.reshape(2 * n, d), src, dst, z64)
    logits = _final(acc2, inv64, r2)

    return (logits, feature)

# --- scband reference (transcript-rebuilt; emitter-appended) ---
"""Pipeline reference for scband-sagebatch-33973191311569 (READ-ONLY COPY).

The authoritative reference and input builder live on the scoring server;
editing this copy changes nothing except your own understanding.
"""

import jax, jax.numpy as jnp
import numpy as np


def _sage_conv(x, src, dst, Wl, b, Wr, N):
    # PyG SAGEConv with mean aggregation: out = lin_l(mean_j x_j) + lin_r(x_i)
    msgs = x[src]
    s = jax.ops.segment_sum(msgs, dst, num_segments=N)
    cnt = jax.ops.segment_sum(jnp.ones((src.shape[0], 1), x.dtype), dst, num_segments=N)
    agg = s / jnp.maximum(cnt, 1.0)
    return agg @ Wl + b + x @ Wr


def setup_inputs(seed: int = 0):
    key = jax.random.key(seed)
    ks = jax.random.split(key, 12)
    N, E, din, h, dout = 10000, 320000, 128, 64, 64
    x = jax.random.normal(ks[0], (N, din), dtype=jnp.float32)
    edge_index = jax.random.randint(ks[1], (2, E), 0, N, dtype=jnp.int32)

    def lin(k, fi, fo):
        return jax.random.normal(k, (fi, fo), dtype=jnp.float32) / np.sqrt(fi)

    inp = {"x": x, "edge_index": edge_index}
    dims = [(din, h), (h, h), (h, dout)]
    for i, (fi, fo) in enumerate(dims):
        inp[f"W_l{i}"] = lin(ks[2 + 3 * i], fi, fo)
        inp[f"b{i}"] = jnp.zeros((fo,), dtype=jnp.float32)
        inp[f"W_r{i}"] = lin(ks[3 + 3 * i], fi, fo)
    return inp


def reference(x, edge_index, W_l0, b0, W_r0, W_l1, b1, W_r1, W_l2, b2, W_r2):
    N = x.shape[0]
    src, dst = edge_index[0], edge_index[1]
    params = [(W_l0, b0, W_r0), (W_l1, b1, W_r1), (W_l2, b2, W_r2)]
    feats = []
    h = x
    for i, (Wl, b, Wr) in enumerate(params):
        h = _sage_conv(h, src, dst, Wl, b, Wr, N)
        feats.append(h)
        if i + 1 == len(params):
            break
        h = jax.nn.relu(h)
        # dropout p=0.0 -> identity
    logits = feats[-1]
    feature = feats[-2]
    return (logits, feature)

if __name__ == "__main__":
    import jax
    _d = setup_inputs()
    print(jax.jit(kernel)(*tuple(_d.values())))

</pallas_src>

<mosaic_0001>
#map = affine_map<(d0, d1) -> (0, 0)>
#map1 = affine_map<(d0, d1) -> (0, 0, 0)>
module attributes {stable_mosaic.version = 14 : i64} {
  func.func @k(%arg0: i32, %arg1: i32, %arg2: memref<20000x64xf32, #tpu.memory_space<hbm>>, %arg3: memref<32x125x80xi32, #tpu.memory_space<hbm>>, %arg4: memref<32x125x80xi32, #tpu.memory_space<hbm>>, %arg5: memref<10000x64xf32, #tpu.memory_space<hbm>>, %arg6: memref<10000x16xf32, #tpu.memory_space<hbm>>, %arg7: memref<2x10000x128xf32, #tpu.memory_space<hbm>>, %arg8: memref<2x10000x128xf32, #tpu.memory_space<hbm>>, %arg9: memref<125x80xi32, #tpu.memory_space<vmem>>, %arg10: memref<125x80xi32, #tpu.memory_space<vmem>>, %arg11: memref<80x64xf32, #tpu.memory_space<vmem>>, %arg12: memref<80x64xf32, #tpu.memory_space<vmem>>, %arg13: memref<80x64xf32, #tpu.memory_space<vmem>>, %arg14: memref<80x64xf32, #tpu.memory_space<vmem>>, %arg15: memref<80x64xf32, #tpu.memory_space<vmem>>, %arg16: memref<10000x64xf32, #tpu.memory_space<vmem_shared>>, %arg17: memref<!tpu.dma_semaphore, #tpu.memory_space<semaphore_mem>>, %arg18: memref<!tpu.dma_semaphore, #tpu.memory_space<semaphore_mem>>, %arg19: memref<!tpu.dma_semaphore, #tpu.memory_space<semaphore_mem>>, %arg20: memref<!tpu.dma_semaphore, #tpu.memory_space<semaphore_mem>>, %arg21: memref<!tpu.dma_semaphore, #tpu.memory_space<semaphore_mem>>, %arg22: memref<!tpu.dma_semaphore, #tpu.memory_space<semaphore_mem>>, %arg23: memref<!tpu.dma_semaphore, #tpu.memory_space<semaphore_mem>>, %arg24: memref<!tpu.dma_semaphore, #tpu.memory_space<semaphore_mem>>, %arg25: memref<!tpu.dma_semaphore, #tpu.memory_space<semaphore_mem>>, %arg26: memref<!tpu.dma_semaphore, #tpu.memory_space<semaphore_mem>>, %arg27: memref<!tpu.dma_semaphore, #tpu.memory_space<semaphore_mem>>, %arg28: memref<80x16xf32, #tpu.memory_space<vmem>>, %arg29: memref<10000x16xf32, #tpu.memory_space<vmem_shared>>, %arg30: memref<!tpu.dma_semaphore, #tpu.memory_space<semaphore_mem>>, %arg31: memref<!tpu.dma_semaphore, #tpu.memory_space<semaphore_mem>>, %arg32: memref<!tpu.dma_semaphore, #tpu.memory_space<semaphore_mem>>, %arg33: memref<!tpu.dma_semaphore, #tpu.memory_space<semaphore_mem>>, %arg34: memref<!tpu.dma_semaphore, #tpu.memory_space<semaphore_mem>>) attributes {dimension_semantics = [#tpu.dimension_semantics<core_parallel>, #tpu.dimension_semantics<subcore_parallel>], iteration_bounds = array<i64: 2, 16>, scalar_prefetch = 0 : i64, scratch_operands = 26 : i64, tpu.core_type = #tpu.core_type<sc_vector_subcore>, window_params = [{transform_indices = #map}, {transform_indices = #map1}, {transform_indices = #map1}, {transform_indices = #map}, {transform_indices = #map}, {transform_indices = #map1}, {transform_indices = #map1}]} {
    %mul3A = arith.constant 2 : i32
    %mul3A_0 = arith.muli %arg1, %mul3A : i32
    %add3A = arith.addi %mul3A_0, %arg0 : i32
    %mul3A_1 = arith.constant 624 : i32
    %mul3A_2 = arith.muli %arg1, %mul3A_1 : i32
    %multiple_of3A = tpu.assume_multiple %mul3A_2, 8 : i32
    %dma_start3A = arith.constant 0 : i32
    %dma_start3A_3 = arith.constant 0 : i32
    %dma_start3A_4 = tpu.memref_slice %arg3[%add3A, %dma_start3A, %dma_start3A_3] : memref<32x125x80xi32, #tpu.memory_space<hbm>> -> memref<1x125x80xi32, #tpu.memory_space<hbm>>
    %dma_start3A_5 = tpu.memref_squeeze %dma_start3A_4 : memref<1x125x80xi32, #tpu.memory_space<hbm>> -> memref<125x80xi32, #tpu.memory_space<hbm>>
    %dma_start3A_6 = arith.constant 0 : i32
    %dma_start3A_7 = arith.constant 0 : i32
    %dma_start3A_8 = tpu.memref_slice %arg3[%add3A, %dma_start3A_6, %dma_start3A_7] : memref<32x125x80xi32, #tpu.memory_space<hbm>> -> memref<1x125x80xi32, #tpu.memory_space<hbm>>
    %dma_start3A_9 = tpu.memref_squeeze %dma_start3A_8 : memref<1x125x80xi32, #tpu.memory_space<hbm>> -> memref<125x80xi32, #tpu.memory_space<hbm>>
    tpu.enqueue_dma source(%dma_start3A_9 : memref<125x80xi32, #tpu.memory_space<hbm>>) target(%arg9 : memref<125x80xi32, #tpu.memory_space<vmem>>) target_semaphore(%arg27 : memref<!tpu.dma_semaphore, #tpu.memory_space<semaphore_mem>>)
    %dma_wait3A = arith.constant 0 : i32
    %dma_wait3A_10 = arith.constant 0 : i32
    %dma_wait3A_11 = tpu.memref_slice %arg3[%add3A, %dma_wait3A, %dma_wait3A_10] : memref<32x125x80xi32, #tpu.memory_space<hbm>> -> memref<1x125x80xi32, #tpu.memory_space<hbm>>
    %dma_wait3A_12 = tpu.memref_squeeze %dma_wait3A_11 : memref<1x125x80xi32, #tpu.memory_space<hbm>> -> memref<125x80xi32, #tpu.memory_space<hbm>>
    %dma_wait3A_13 = arith.constant 0 : i32
    %dma_wait3A_14 = arith.constant 0 : i32
    %dma_wait3A_15 = tpu.memref_slice %arg3[%add3A, %dma_wait3A_13, %dma_wait3A_14] : memref<32x125x80xi32, #tpu.memory_space<hbm>> -> memref<1x125x80xi32, #tpu.memory_space<hbm>>
    %dma_wait3A_16 = tpu.memref_squeeze %dma_wait3A_15 : memref<1x125x80xi32, #tpu.memory_space<hbm>> -> memref<125x80xi32, #tpu.memory_space<hbm>>
    tpu.wait_dma2 semaphore(%arg27 : memref<!tpu.dma_semaphore, #tpu.memory_space<semaphore_mem>>) src(%dma_wait3A_16 : memref<125x80xi32, #tpu.memory_space<hbm>>) dst(%arg9 : memref<125x80xi32, #tpu.memory_space<vmem>>)
    %dma_start3A_17 = arith.constant 0 : i32
    %dma_start3A_18 = arith.constant 0 : i32
    %dma_start3A_19 = tpu.memref_slice %arg4[%add3A, %dma_start3A_17, %dma_start3A_18] : memref<32x125x80xi32, #tpu.memory_space<hbm>> -> memref<1x125x80xi32, #tpu.memory_space<hbm>>
    %dma_start3A_20 = tpu.memref_squeeze %dma_start3A_19 : memref<1x125x80xi32, #tpu.memory_space<hbm>> -> memref<125x80xi32, #tpu.memory_space<hbm>>
    %dma_start3A_21 = arith.constant 0 : i32
    %dma_start3A_22 = arith.constant 0 : i32
    %dma_start3A_23 = tpu.memref_slice %arg4[%add3A, %dma_start3A_21, %dma_start3A_22] : memref<32x125x80xi32, #tpu.memory_space<hbm>> -> memref<1x125x80xi32, #tpu.memory_space<hbm>>
    %dma_start3A_24 = tpu.memref_squeeze %dma_start3A_23 : memref<1x125x80xi32, #tpu.memory_space<hbm>> -> memref<125x80xi32, #tpu.memory_space<hbm>>
    tpu.enqueue_dma source(%dma_start3A_24 : memref<125x80xi32, #tpu.memory_space<hbm>>) target(%arg10 : memref<125x80xi32, #tpu.memory_space<vmem>>) target_semaphore(%arg27 : memref<!tpu.dma_semaphore, #tpu.memory_space<semaphore_mem>>)
    %dma_start3A_25 = arith.constant 0 : i32
    %dma_start3A_26 = arith.constant 0 : i32
    %dma_start3A_27 = tpu.memref_slice %arg9[%dma_start3A_25, %dma_start3A_26] : memref<125x80xi32, #tpu.memory_space<vmem>> -> memref<1x80xi32, #tpu.memory_space<vmem>>
    %dma_start3A_28 = tpu.memref_squeeze %dma_start3A_27 : memref<1x80xi32, #tpu.memory_space<vmem>> -> memref<80xi32, #tpu.memory_space<vmem>>
    %dma_start3A_29 = arith.constant 0 : i32
    %dma_start3A_30 = arith.constant 0 : i32
    %dma_start3A_31 = tpu.memref_slice %arg2[%dma_start3A_29, %dma_start3A_30] : memref<20000x64xf32, #tpu.memory_space<hbm>> -> memref<20000x64xf32, #tpu.memory_space<hbm>>
    tpu.enqueue_indirect_dma source(%dma_start3A_31 : memref<20000x64xf32, #tpu.memory_space<hbm>>) target(%arg11 : memref<80x64xf32, #tpu.memory_space<vmem>>) offsets(%dma_start3A_28 : memref<80xi32, #tpu.memory_space<vmem>>) semaphore(%arg17 : memref<!tpu.dma_semaphore, #tpu.memory_space<semaphore_mem>>)
    %dma_start3A_32 = arith.constant 1 : i32
    %dma_start3A_33 = arith.constant 0 : i32
    %dma_start3A_34 = tpu.memref_slice %arg9[%dma_start3A_32, %dma_start3A_33] : memref<125x80xi32, #tpu.memory_space<vmem>> -> memref<1x80xi32, #tpu.memory_space<vmem>>
    %dma_start3A_35 = tpu.memref_squeeze %dma_start3A_34 : memref<1x80xi32, #tpu.memory_space<vmem>> -> memref<80xi32, #tpu.memory_space<vmem>>
    %dma_start3A_36 = arith.constant 0 : i32
    %dma_start3A_37 = arith.constant 0 : i32
    %dma_start3A_38 = tpu.memref_slice %arg2[%dma_start3A_36, %dma_start3A_37] : memref<20000x64xf32, #tpu.memory_space<hbm>> -> memref<20000x64xf32, #tpu.memory_space<hbm>>
    tpu.enqueue_indirect_dma source(%dma_start3A_38 : memref<20000x64xf32, #tpu.memory_space<hbm>>) target(%arg12 : memref<80x64xf32, #tpu.memory_space<vmem>>) offsets(%dma_start3A_35 : memref<80xi32, #tpu.memory_space<vmem>>) semaphore(%arg18 : memref<!tpu.dma_semaphore, #tpu.memory_space<semaphore_mem>>)
    %dma_start3A_39 = arith.constant 2 : i32
    %dma_start3A_40 = arith.constant 0 : i32
    %dma_start3A_41 = tpu.memref_slice %arg9[%dma_start3A_39, %dma_start3A_40] : memref<125x80xi32, #tpu.memory_space<vmem>> -> memref<1x80xi32, #tpu.memory_space<vmem>>
    %dma_start3A_42 = tpu.memref_squeeze %dma_start3A_41 : memref<1x80xi32, #tpu.memory_space<vmem>> -> memref<80xi32, #tpu.memory_space<vmem>>
    %dma_start3A_43 = arith.constant 0 : i32
    %dma_start3A_44 = arith.constant 0 : i32
    %dma_start3A_45 = tpu.memref_slice %arg2[%dma_start3A_43, %dma_start3A_44] : memref<20000x64xf32, #tpu.memory_space<hbm>> -> memref<20000x64xf32, #tpu.memory_space<hbm>>
    tpu.enqueue_indirect_dma source(%dma_start3A_45 : memref<20000x64xf32, #tpu.memory_space<hbm>>) target(%arg13 : memref<80x64xf32, #tpu.memory_space<vmem>>) offsets(%dma_start3A_42 : memref<80xi32, #tpu.memory_space<vmem>>) semaphore(%arg19 : memref<!tpu.dma_semaphore, #tpu.memory_space<semaphore_mem>>)
    %dma_start3A_46 = arith.constant 3 : i32
    %dma_start3A_47 = arith.constant 0 : i32
    %dma_start3A_48 = tpu.memref_slice %arg9[%dma_start3A_46, %dma_start3A_47] : memref<125x80xi32, #tpu.memory_space<vmem>> -> memref<1x80xi32, #tpu.memory_space<vmem>>
    %dma_start3A_49 = tpu.memref_squeeze %dma_start3A_48 : memref<1x80xi32, #tpu.memory_space<vmem>> -> memref<80xi32, #tpu.memory_space<vmem>>
    %dma_start3A_50 = arith.constant 0 : i32
    %dma_start3A_51 = arith.constant 0 : i32
    %dma_start3A_52 = tpu.memref_slice %arg2[%dma_start3A_50, %dma_start3A_51] : memref<20000x64xf32, #tpu.memory_space<hbm>> -> memref<20000x64xf32, #tpu.memory_space<hbm>>
    tpu.enqueue_indirect_dma source(%dma_start3A_52 : memref<20000x64xf32, #tpu.memory_space<hbm>>) target(%arg14 : memref<80x64xf32, #tpu.memory_space<vmem>>) offsets(%dma_start3A_49 : memref<80xi32, #tpu.memory_space<vmem>>) semaphore(%arg20 : memref<!tpu.dma_semaphore, #tpu.memory_space<semaphore_mem>>)
    %dma_start3A_53 = arith.constant 4 : i32
    %dma_start3A_54 = arith.constant 0 : i32
    %dma_start3A_55 = tpu.memref_slice %arg9[%dma_start3A_53, %dma_start3A_54] : memref<125x80xi32, #tpu.memory_space<vmem>> -> memref<1x80xi32, #tpu.memory_space<vmem>>
    %dma_start3A_56 = tpu.memref_squeeze %dma_start3A_55 : memref<1x80xi32, #tpu.memory_space<vmem>> -> memref<80xi32, #tpu.memory_space<vmem>>
    %dma_start3A_57 = arith.constant 0 : i32
    %dma_start3A_58 = arith.constant 0 : i32
    %dma_start3A_59 = tpu.memref_slice %arg2[%dma_start3A_57, %dma_start3A_58] : memref<20000x64xf32, #tpu.memory_space<hbm>> -> memref<20000x64xf32, #tpu.memory_space<hbm>>
    tpu.enqueue_indirect_dma source(%dma_start3A_59 : memref<20000x64xf32, #tpu.memory_space<hbm>>) target(%arg15 : memref<80x64xf32, #tpu.memory_space<vmem>>) offsets(%dma_start3A_56 : memref<80xi32, #tpu.memory_space<vmem>>) semaphore(%arg21 : memref<!tpu.dma_semaphore, #tpu.memory_space<semaphore_mem>>)
    %lt3A = arith.constant 15 : i32
    %lt3A_60 = arith.cmpi slt, %arg1, %lt3A : i32
    %convert_element_type3A = arith.extui %lt3A_60 : i1 to i32
    %cond3A = arith.constant 0 : i32
    %cond3A_61 = arith.cmpi ne, %convert_element_type3A, %cond3A : i32
    scf.if %cond3A_61 {
      "tpu.region"() ({
        %run_scoped3A = tpu.sem_alloc : memref<!tpu.dma_semaphore, #tpu.memory_space<semaphore_mem>>
        %dma_start3A_289 = arith.constant 0 : i32
        %dma_start3A_290 = tpu.memref_slice %arg16[%multiple_of3A, %dma_start3A_289] : memref<10000x64xf32, #tpu.memory_space<vmem_shared>> -> memref<624x64xf32, #tpu.memory_space<vmem_shared>>
        %dma_start3A_291 = arith.constant 0 : i32
        %dma_start3A_292 = tpu.memref_slice %arg5[%multiple_of3A, %dma_start3A_291] : memref<10000x64xf32, #tpu.memory_space<hbm>> -> memref<624x64xf32, #tpu.memory_space<hbm>>
        tpu.enqueue_dma source(%dma_start3A_292 : memref<624x64xf32, #tpu.memory_space<hbm>>) target(%dma_start3A_290 : memref<624x64xf32, #tpu.memory_space<vmem_shared>>) target_semaphore(%run_scoped3A : memref<!tpu.dma_semaphore, #tpu.memory_space<semaphore_mem>>)
        %dma_wait3A_293 = arith.constant 0 : i32
        %dma_wait3A_294 = tpu.memref_slice %arg16[%multiple_of3A, %dma_wait3A_293] : memref<10000x64xf32, #tpu.memory_space<vmem_shared>> -> memref<624x64xf32, #tpu.memory_space<vmem_shared>>
        %dma_wait3A_295 = arith.constant 0 : i32
        %dma_wait3A_296 = tpu.memref_slice %arg5[%multiple_of3A, %dma_wait3A_295] : memref<10000x64xf32, #tpu.memory_space<hbm>> -> memref<624x64xf32, #tpu.memory_space<hbm>>
        tpu.wait_dma2 semaphore(%run_scoped3A : memref<!tpu.dma_semaphore, #tpu.memory_space<semaphore_mem>>) src(%dma_wait3A_296 : memref<624x64xf32, #tpu.memory_space<hbm>>) dst(%dma_wait3A_294 : memref<624x64xf32, #tpu.memory_space<vmem_shared>>)
        tpu.yield
      }) : () -> ()
    } else {
    }
    %eq3A = arith.constant 15 : i32
    %eq3A_62 = arith.cmpi eq, %arg1, %eq3A : i32
    %convert_element_type3A_63 = arith.extui %eq3A_62 : i1 to i32
    %cond3A_64 = arith.constant 0 : i32
    %cond3A_65 = arith.cmpi ne, %convert_element_type3A_63, %cond3A_64 : i32
    scf.if %cond3A_65 {
      "tpu.region"() ({
        %run_scoped3A = tpu.sem_alloc : memref<!tpu.dma_semaphore, #tpu.memory_space<semaphore_mem>>
        %dma_start3A_289 = arith.constant 9360 : i32
        %dma_start3A_290 = arith.constant 0 : i32
        %dma_start3A_291 = tpu.memref_slice %arg16[%dma_start3A_289, %dma_start3A_290] : memref<10000x64xf32, #tpu.memory_space<vmem_shared>> -> memref<640x64xf32, #tpu.memory_space<vmem_shared>>
        %dma_start3A_292 = arith.constant 9360 : i32
        %dma_start3A_293 = arith.constant 0 : i32
        %dma_start3A_294 = tpu.memref_slice %arg5[%dma_start3A_292, %dma_start3A_293] : memref<10000x64xf32, #tpu.memory_space<hbm>> -> memref<640x64xf32, #tpu.memory_space<hbm>>
        tpu.enqueue_dma source(%dma_start3A_294 : memref<640x64xf32, #tpu.memory_space<hbm>>) target(%dma_start3A_291 : memref<640x64xf32, #tpu.memory_space<vmem_shared>>) target_semaphore(%run_scoped3A : memref<!tpu.dma_semaphore, #tpu.memory_space<semaphore_mem>>)
        %dma_wait3A_295 = arith.constant 9360 : i32
        %dma_wait3A_296 = arith.constant 0 : i32
        %dma_wait3A_297 = tpu.memref_slice %arg16[%dma_wait3A_295, %dma_wait3A_296] : memref<10000x64xf32, #tpu.memory_space<vmem_shared>> -> memref<640x64xf32, #tpu.memory_space<vmem_shared>>
        %dma_wait3A_298 = arith.constant 9360 : i32
        %dma_wait3A_299 = arith.constant 0 : i32
        %dma_wait3A_300 = tpu.memref_slice %arg5[%dma_wait3A_298, %dma_wait3A_299] : memref<10000x64xf32, #tpu.memory_space<hbm>> -> memref<640x64xf32, #tpu.memory_space<hbm>>
        tpu.wait_dma2 semaphore(%run_scoped3A : memref<!tpu.dma_semaphore, #tpu.memory_space<semaphore_mem>>) src(%dma_wait3A_300 : memref<640x64xf32, #tpu.memory_space<hbm>>) dst(%dma_wait3A_297 : memref<640x64xf32, #tpu.memory_space<vmem_shared>>)
        tpu.yield
      }) : () -> ()
    } else {
    }
    %lt3A_66 = arith.constant 15 : i32
    %lt3A_67 = arith.cmpi slt, %arg1, %lt3A_66 : i32
    %convert_element_type3A_68 = arith.extui %lt3A_67 : i1 to i32
    %cond3A_69 = arith.constant 0 : i32
    %cond3A_70 = arith.cmpi ne, %convert_element_type3A_68, %cond3A_69 : i32
    scf.if %cond3A_70 {
      "tpu.region"() ({
        %run_scoped3A = tpu.sem_alloc : memref<!tpu.dma_semaphore, #tpu.memory_space<semaphore_mem>>
        %dma_start3A_289 = arith.constant 0 : i32
        %dma_start3A_290 = tpu.memref_slice %arg29[%multiple_of3A, %dma_start3A_289] : memref<10000x16xf32, #tpu.memory_space<vmem_shared>> -> memref<624x16xf32, #tpu.memory_space<vmem_shared>>
        %dma_start3A_291 = arith.constant 0 : i32
        %dma_start3A_292 = tpu.memref_slice %arg6[%multiple_of3A, %dma_start3A_291] : memref<10000x16xf32, #tpu.memory_space<hbm>> -> memref<624x16xf32, #tpu.memory_space<hbm>>
        tpu.enqueue_dma source(%dma_start3A_292 : memref<624x16xf32, #tpu.memory_space<hbm>>) target(%dma_start3A_290 : memref<624x16xf32, #tpu.memory_space<vmem_shared>>) target_semaphore(%run_scoped3A : memref<!tpu.dma_semaphore, #tpu.memory_space<semaphore_mem>>)
        %dma_wait3A_293 = arith.constant 0 : i32
        %dma_wait3A_294 = tpu.memref_slice %arg29[%multiple_of3A, %dma_wait3A_293] : memref<10000x16xf32, #tpu.memory_space<vmem_shared>> -> memref<624x16xf32, #tpu.memory_space<vmem_shared>>
        %dma_wait3A_295 = arith.constant 0 : i32
        %dma_wait3A_296 = tpu.memref_slice %arg6[%multiple_of3A, %dma_wait3A_295] : memref<10000x16xf32, #tpu.memory_space<hbm>> -> memref<624x16xf32, #tpu.memory_space<hbm>>
        tpu.wait_dma2 semaphore(%run_scoped3A : memref<!tpu.dma_semaphore, #tpu.memory_space<semaphore_mem>>) src(%dma_wait3A_296 : memref<624x16xf32, #tpu.memory_space<hbm>>) dst(%dma_wait3A_294 : memref<624x16xf32, #tpu.memory_space<vmem_shared>>)
        tpu.yield
      }) : () -> ()
    } else {
    }
    %eq3A_71 = arith.constant 15 : i32
    %eq3A_72 = arith.cmpi eq, %arg1, %eq3A_71 : i32
    %convert_element_type3A_73 = arith.extui %eq3A_72 : i1 to i32
    %cond3A_74 = arith.constant 0 : i32
    %cond3A_75 = arith.cmpi ne, %convert_element_type3A_73, %cond3A_74 : i32
    scf.if %cond3A_75 {
      "tpu.region"() ({
        %run_scoped3A = tpu.sem_alloc : memref<!tpu.dma_semaphore, #tpu.memory_space<semaphore_mem>>
        %dma_start3A_289 = arith.constant 9360 : i32
        %dma_start3A_290 = arith.constant 0 : i32
        %dma_start3A_291 = tpu.memref_slice %arg29[%dma_start3A_289, %dma_start3A_290] : memref<10000x16xf32, #tpu.memory_space<vmem_shared>> -> memref<640x16xf32, #tpu.memory_space<vmem_shared>>
        %dma_start3A_292 = arith.constant 9360 : i32
        %dma_start3A_293 = arith.constant 0 : i32
        %dma_start3A_294 = tpu.memref_slice %arg6[%dma_start3A_292, %dma_start3A_293] : memref<10000x16xf32, #tpu.memory_space<hbm>> -> memref<640x16xf32, #tpu.memory_space<hbm>>
        tpu.enqueue_dma source(%dma_start3A_294 : memref<640x16xf32, #tpu.memory_space<hbm>>) target(%dma_start3A_291 : memref<640x16xf32, #tpu.memory_space<vmem_shared>>) target_semaphore(%run_scoped3A : memref<!tpu.dma_semaphore, #tpu.memory_space<semaphore_mem>>)
        %dma_wait3A_295 = arith.constant 9360 : i32
        %dma_wait3A_296 = arith.constant 0 : i32
        %dma_wait3A_297 = tpu.memref_slice %arg29[%dma_wait3A_295, %dma_wait3A_296] : memref<10000x16xf32, #tpu.memory_space<vmem_shared>> -> memref<640x16xf32, #tpu.memory_space<vmem_shared>>
        %dma_wait3A_298 = arith.constant 9360 : i32
        %dma_wait3A_299 = arith.constant 0 : i32
        %dma_wait3A_300 = tpu.memref_slice %arg6[%dma_wait3A_298, %dma_wait3A_299] : memref<10000x16xf32, #tpu.memory_space<hbm>> -> memref<640x16xf32, #tpu.memory_space<hbm>>
        tpu.wait_dma2 semaphore(%run_scoped3A : memref<!tpu.dma_semaphore, #tpu.memory_space<semaphore_mem>>) src(%dma_wait3A_300 : memref<640x16xf32, #tpu.memory_space<hbm>>) dst(%dma_wait3A_297 : memref<640x16xf32, #tpu.memory_space<vmem_shared>>)
        tpu.yield
      }) : () -> ()
    } else {
    }
    %scan3A = arith.constant 0 : i32
    %scan3A_76 = arith.constant 80 : i32
    %scan3A_77 = arith.addi %scan3A, %scan3A_76 : i32
    %scan3A_78 = arith.constant 1 : i32
    scf.for %scan3A_289 = %scan3A to %scan3A_77 step %scan3A_78  : i32 {
      %mul3A_290 = arith.constant 1 : i32
      %mul3A_291 = arith.muli %scan3A_289, %mul3A_290 : i32
      %add3A_292 = arith.constant 0 : i32
      %add3A_293 = arith.addi %add3A_292, %mul3A_291 : i32
      %broadcast_in_dim3A = arith.constant 1.000000e+00 : f32
      %broadcast_in_dim3A_294 = vector.broadcast %broadcast_in_dim3A : f32 to vector<16xf32>
      %swap3A = arith.index_cast %add3A_293 : i32 to index
      %swap3A_295 = arith.constant 0 : index
      %swap3A_296 = tpu.vector_load %arg28[%swap3A, %swap3A_295] {strides = array<i32>} : memref<80x16xf32, #tpu.memory_space<vmem>>, vector<1x16xf32>,
      %swap3A_297 = vector.shape_cast %swap3A_296 : vector<1x16xf32> to vector<16xf32>
      %swap3A_298 = vector.shape_cast %broadcast_in_dim3A_294 : vector<16xf32> to vector<1x16xf32>
      tpu.vector_store %arg28[%swap3A, %swap3A_295], %swap3A_298 {strides = array<i32>} : memref<80x16xf32, #tpu.memory_space<vmem>>, vector<1x16xf32>,
    }
    %scan3A_79 = arith.constant 80 : i32
    %dma_wait3A_80 = arith.constant 0 : i32
    %dma_wait3A_81 = arith.constant 0 : i32
    %dma_wait3A_82 = tpu.memref_slice %arg4[%add3A, %dma_wait3A_80, %dma_wait3A_81] : memref<32x125x80xi32, #tpu.memory_space<hbm>> -> memref<1x125x80xi32, #tpu.memory_space<hbm>>
    %dma_wait3A_83 = tpu.memref_squeeze %dma_wait3A_82 : memref<1x125x80xi32, #tpu.memory_space<hbm>> -> memref<125x80xi32, #tpu.memory_space<hbm>>
    %dma_wait3A_84 = arith.constant 0 : i32
    %dma_wait3A_85 = arith.constant 0 : i32
    %dma_wait3A_86 = tpu.memref_slice %arg4[%add3A, %dma_wait3A_84, %dma_wait3A_85] : memref<32x125x80xi32, #tpu.memory_space<hbm>> -> memref<1x125x80xi32, #tpu.memory_space<hbm>>
    %dma_wait3A_87 = tpu.memref_squeeze %dma_wait3A_86 : memref<1x125x80xi32, #tpu.memory_space<hbm>> -> memref<125x80xi32, #tpu.memory_space<hbm>>
    tpu.wait_dma2 semaphore(%arg27 : memref<!tpu.dma_semaphore, #tpu.memory_space<semaphore_mem>>) src(%dma_wait3A_87 : memref<125x80xi32, #tpu.memory_space<hbm>>) dst(%arg10 : memref<125x80xi32, #tpu.memory_space<vmem>>)
    %barrier3A = arith.constant 0 : index
    tpu.barrier barrier_id(%barrier3A)
    %scan3A_88 = arith.constant 0 : i32
    %scan3A_89 = arith.constant 24 : i32
    %scan3A_90 = arith.addi %scan3A_88, %scan3A_89 : i32
    %scan3A_91 = arith.constant 1 : i32
    scf.for %scan3A_289 = %scan3A_88 to %scan3A_90 step %scan3A_91  : i32 {
      %mul3A_290 = arith.constant 1 : i32
      %mul3A_291 = arith.muli %scan3A_289, %mul3A_290 : i32
      %add3A_292 = arith.constant 1 : i32
      %add3A_293 = arith.addi %add3A_292, %mul3A_291 : i32
      %sub3A = arith.constant 1 : i32
      %sub3A_294 = arith.subi %add3A_293, %sub3A : i32
      %mul3A_295 = arith.constant 5 : i32
      %mul3A_296 = arith.muli %sub3A_294, %mul3A_295 : i32
      %add3A_297 = arith.constant 0 : i32
      %add3A_298 = arith.addi %mul3A_296, %add3A_297 : i32
      %dma_wait3A_299 = arith.constant 0 : i32
      %dma_wait3A_300 = tpu.memref_slice %arg9[%add3A_298, %dma_wait3A_299] : memref<125x80xi32, #tpu.memory_space<vmem>> -> memref<1x80xi32, #tpu.memory_space<vmem>>
      %dma_wait3A_301 = tpu.memref_squeeze %dma_wait3A_300 : memref<1x80xi32, #tpu.memory_space<vmem>> -> memref<80xi32, #tpu.memory_space<vmem>>
      %dma_wait3A_302 = arith.constant 0 : i32
      %dma_wait3A_303 = arith.constant 0 : i32
      %dma_wait3A_304 = tpu.memref_slice %arg2[%dma_wait3A_302, %dma_wait3A_303] : memref<20000x64xf32, #tpu.memory_space<hbm>> -> memref<20000x64xf32, #tpu.memory_space<hbm>>
      tpu.wait_indirect_dma semaphore(%arg17 : memref<!tpu.dma_semaphore, #tpu.memory_space<semaphore_mem>>) src(%dma_wait3A_304 : memref<20000x64xf32, #tpu.memory_space<hbm>>) dst(%arg11 : memref<80x64xf32, #tpu.memory_space<vmem>>)
      %dma_start3A_305 = arith.constant 0 : i32
      %dma_start3A_306 = tpu.memref_slice %arg10[%add3A_298, %dma_start3A_305] : memref<125x80xi32, #tpu.memory_space<vmem>> -> memref<1x80xi32, #tpu.memory_space<vmem>>
      %dma_start3A_307 = tpu.memref_squeeze %dma_start3A_306 : memref<1x80xi32, #tpu.memory_space<vmem>> -> memref<80xi32, #tpu.memory_space<vmem>>
      %dma_start3A_308 = arith.constant 0 : i32
      %dma_start3A_309 = arith.constant 0 : i32
      %dma_start3A_310 = tpu.memref_slice %arg16[%dma_start3A_308, %dma_start3A_309] : memref<10000x64xf32, #tpu.memory_space<vmem_shared>> -> memref<10000x64xf32, #tpu.memory_space<vmem_shared>>
      tpu.enqueue_indirect_dma source(%arg11 : memref<80x64xf32, #tpu.memory_space<vmem>>) target(%dma_start3A_310 : memref<10000x64xf32, #tpu.memory_space<vmem_shared>>) offsets(%dma_start3A_307 : memref<80xi32, #tpu.memory_space<vmem>>) semaphore(%arg22 : memref<!tpu.dma_semaphore, #tpu.memory_space<semaphore_mem>>) {add = true}
      %dma_start3A_311 = arith.constant 0 : i32
      %dma_start3A_312 = tpu.memref_slice %arg10[%add3A_298, %dma_start3A_311] : memref<125x80xi32, #tpu.memory_space<vmem>> -> memref<1x80xi32, #tpu.memory_space<vmem>>
      %dma_start3A_313 = tpu.memref_squeeze %dma_start3A_312 : memref<1x80xi32, #tpu.memory_space<vmem>> -> memref<80xi32, #tpu.memory_space<vmem>>
      %dma_start3A_314 = arith.constant 0 : i32
      %dma_start3A_315 = arith.constant 0 : i32
      %dma_start3A_316 = tpu.memref_slice %arg29[%dma_start3A_314, %dma_start3A_315] : memref<10000x16xf32, #tpu.memory_space<vmem_shared>> -> memref<10000x16xf32, #tpu.memory_space<vmem_shared>>
      tpu.enqueue_indirect_dma source(%arg28 : memref<80x16xf32, #tpu.memory_space<vmem>>) target(%dma_start3A_316 : memref<10000x16xf32, #tpu.memory_space<vmem_shared>>) offsets(%dma_start3A_313 : memref<80xi32, #tpu.memory_space<vmem>>) semaphore(%arg30 : memref<!tpu.dma_semaphore, #tpu.memory_space<semaphore_mem>>) {add = true}
      %sub3A_317 = arith.constant 1 : i32
      %sub3A_318 = arith.subi %add3A_293, %sub3A_317 : i32
      %mul3A_319 = arith.constant 5 : i32
      %mul3A_320 = arith.muli %sub3A_318, %mul3A_319 : i32
      %add3A_321 = arith.constant 1 : i32
      %add3A_322 = arith.addi %mul3A_320, %add3A_321 : i32
      %dma_wait3A_323 = arith.constant 0 : i32
      %dma_wait3A_324 = tpu.memref_slice %arg9[%add3A_322, %dma_wait3A_323] : memref<125x80xi32, #tpu.memory_space<vmem>> -> memref<1x80xi32, #tpu.memory_space<vmem>>
      %dma_wait3A_325 = tpu.memref_squeeze %dma_wait3A_324 : memref<1x80xi32, #tpu.memory_space<vmem>> -> memref<80xi32, #tpu.memory_space<vmem>>
      %dma_wait3A_326 = arith.constant 0 : i32
      %dma_wait3A_327 = arith.constant 0 : i32
      %dma_wait3A_328 = tpu.memref_slice %arg2[%dma_wait3A_326, %dma_wait3A_327] : memref<20000x64xf32, #tpu.memory_space<hbm>> -> memref<20000x64xf32, #tpu.memory_space<hbm>>
      tpu.wait_indirect_dma semaphore(%arg18 : memref<!tpu.dma_semaphore, #tpu.memory_space<semaphore_mem>>) src(%dma_wait3A_328 : memref<20000x64xf32, #tpu.memory_space<hbm>>) dst(%arg12 : memref<80x64xf32, #tpu.memory_space<vmem>>)
      %dma_start3A_329 = arith.constant 0 : i32
      %dma_start3A_330 = tpu.memref_slice %arg10[%add3A_322, %dma_start3A_329] : memref<125x80xi32, #tpu.memory_space<vmem>> -> memref<1x80xi32, #tpu.memory_space<vmem>>
      %dma_start3A_331 = tpu.memref_squeeze %dma_start3A_330 : memref<1x80xi32, #tpu.memory_space<vmem>> -> memref<80xi32, #tpu.memory_space<vmem>>
      %dma_start3A_332 = arith.constant 0 : i32
      %dma_start3A_333 = arith.constant 0 : i32
      %dma_start3A_334 = tpu.memref_slice %arg16[%dma_start3A_332, %dma_start3A_333] : memref<10000x64xf32, #tpu.memory_space<vmem_shared>> -> memref<10000x64xf32, #tpu.memory_space<vmem_shared>>
      tpu.enqueue_indirect_dma source(%arg12 : memref<80x64xf32, #tpu.memory_space<vmem>>) target(%dma_start3A_334 : memref<10000x64xf32, #tpu.memory_space<vmem_shared>>) offsets(%dma_start3A_331 : memref<80xi32, #tpu.memory_space<vmem>>) semaphore(%arg23 : memref<!tpu.dma_semaphore, #tpu.memory_space<semaphore_mem>>) {add = true}
      %dma_start3A_335 = arith.constant 0 : i32
      %dma_start3A_336 = tpu.memref_slice %arg10[%add3A_322, %dma_start3A_335] : memref<125x80xi32, #tpu.memory_space<vmem>> -> memref<1x80xi32, #tpu.memory_space<vmem>>
      %dma_start3A_337 = tpu.memref_squeeze %dma_start3A_336 : memref<1x80xi32, #tpu.memory_space<vmem>> -> memref<80xi32, #tpu.memory_space<vmem>>
      %dma_start3A_338 = arith.constant 0 : i32
      %dma_start3A_339 = arith.constant 0 : i32
      %dma_start3A_340 = tpu.memref_slice %arg29[%dma_start3A_338, %dma_start3A_339] : memref<10000x16xf32, #tpu.memory_space<vmem_shared>> -> memref<10000x16xf32, #tpu.memory_space<vmem_shared>>
      tpu.enqueue_indirect_dma source(%arg28 : memref<80x16xf32, #tpu.memory_space<vmem>>) target(%dma_start3A_340 : memref<10000x16xf32, #tpu.memory_space<vmem_shared>>) offsets(%dma_start3A_337 : memref<80xi32, #tpu.memory_space<vmem>>) semaphore(%arg31 : memref<!tpu.dma_semaphore, #tpu.memory_space<semaphore_mem>>) {add = true}
      %sub3A_341 = arith.constant 1 : i32
      %sub3A_342 = arith.subi %add3A_293, %sub3A_341 : i32
      %mul3A_343 = arith.constant 5 : i32
      %mul3A_344 = arith.muli %sub3A_342, %mul3A_343 : i32
      %add3A_345 = arith.constant 2 : i32
      %add3A_346 = arith.addi %mul3A_344, %add3A_345 : i32
      %dma_wait3A_347 = arith.constant 0 : i32
      %dma_wait3A_348 = tpu.memref_slice %arg9[%add3A_346, %dma_wait3A_347] : memref<125x80xi32, #tpu.memory_space<vmem>> -> memref<1x80xi32, #tpu.memory_space<vmem>>
      %dma_wait3A_349 = tpu.memref_squeeze %dma_wait3A_348 : memref<1x80xi32, #tpu.memory_space<vmem>> -> memref<80xi32, #tpu.memory_space<vmem>>
      %dma_wait3A_350 = arith.constant 0 : i32
      %dma_wait3A_351 = arith.constant 0 : i32
      %dma_wait3A_352 = tpu.memref_slice %arg2[%dma_wait3A_350, %dma_wait3A_351] : memref<20000x64xf32, #tpu.memory_space<hbm>> -> memref<20000x64xf32, #tpu.memory_space<hbm>>
      tpu.wait_indirect_dma semaphore(%arg19 : memref<!tpu.dma_semaphore, #tpu.memory_space<semaphore_mem>>) src(%dma_wait3A_352 : memref<20000x64xf32, #tpu.memory_space<hbm>>) dst(%arg13 : memref<80x64xf32, #tpu.memory_space<vmem>>)
      %dma_start3A_353 = arith.constant 0 : i32
      %dma_start3A_354 = tpu.memref_slice %arg10[%add3A_346, %dma_start3A_353] : memref<125x80xi32, #tpu.memory_space<vmem>> -> memref<1x80xi32, #tpu.memory_space<vmem>>
      %dma_start3A_355 = tpu.memref_squeeze %dma_start3A_354 : memref<1x80xi32, #tpu.memory_space<vmem>> -> memref<80xi32, #tpu.memory_space<vmem>>
      %dma_start3A_356 = arith.constant 0 : i32
      %dma_start3A_357 = arith.constant 0 : i32
      %dma_start3A_358 = tpu.memref_slice %arg16[%dma_start3A_356, %dma_start3A_357] : memref<10000x64xf32, #tpu.memory_space<vmem_shared>> -> memref<10000x64xf32, #tpu.memory_space<vmem_shared>>
      tpu.enqueue_indirect_dma source(%arg13 : memref<80x64xf32, #tpu.memory_space<vmem>>) target(%dma_start3A_358 : memref<10000x64xf32, #tpu.memory_space<vmem_shared>>) offsets(%dma_start3A_355 : memref<80xi32, #tpu.memory_space<vmem>>) semaphore(%arg24 : memref<!tpu.dma_semaphore, #tpu.memory_space<semaphore_mem>>) {add = true}
      %dma_start3A_359 = arith.constant 0 : i32
      %dma_start3A_360 = tpu.memref_slice %arg10[%add3A_346, %dma_start3A_359] : memref<125x80xi32, #tpu.memory_space<vmem>> -> memref<1x80xi32, #tpu.memory_space<vmem>>
      %dma_start3A_361 = tpu.memref_squeeze %dma_start3A_360 : memref<1x80xi32, #tpu.memory_space<vmem>> -> memref<80xi32, #tpu.memory_space<vmem>>
      %dma_start3A_362 = arith.constant 0 : i32
      %dma_start3A_363 = arith.constant 0 : i32
      %dma_start3A_364 = tpu.memref_slice %arg29[%dma_start3A_362, %dma_start3A_363] : memref<10000x16xf32, #tpu.memory_space<vmem_shared>> -> memref<10000x16xf32, #tpu.memory_space<vmem_shared>>
      tpu.enqueue_indirect_dma source(%arg28 : memref<80x16xf32, #tpu.memory_space<vmem>>) target(%dma_start3A_364 : memref<10000x16xf32, #tpu.memory_space<vmem_shared>>) offsets(%dma_start3A_361 : memref<80xi32, #tpu.memory_space<vmem>>) semaphore(%arg32 : memref<!tpu.dma_semaphore, #tpu.memory_space<semaphore_mem>>) {add = true}
      %sub3A_365 = arith.constant 1 : i32
      %sub3A_366 = arith.subi %add3A_293, %sub3A_365 : i32
      %mul3A_367 = arith.constant 5 : i32
      %mul3A_368 = arith.muli %sub3A_366, %mul3A_367 : i32
      %add3A_369 = arith.constant 3 : i32
      %add3A_370 = arith.addi %mul3A_368, %add3A_369 : i32
      %dma_wait3A_371 = arith.constant 0 : i32
      %dma_wait3A_372 = tpu.memref_slice %arg9[%add3A_370, %dma_wait3A_371] : memref<125x80xi32, #tpu.memory_space<vmem>> -> memref<1x80xi32, #tpu.memory_space<vmem>>
      %dma_wait3A_373 = tpu.memref_squeeze %dma_wait3A_372 : memref<1x80xi32, #tpu.memory_space<vmem>> -> memref<80xi32, #tpu.memory_space<vmem>>
      %dma_wait3A_374 = arith.constant 0 : i32
      %dma_wait3A_375 = arith.constant 0 : i32
      %dma_wait3A_376 = tpu.memref_slice %arg2[%dma_wait3A_374, %dma_wait3A_375] : memref<20000x64xf32, #tpu.memory_space<hbm>> -> memref<20000x64xf32, #tpu.memory_space<hbm>>
      tpu.wait_indirect_dma semaphore(%arg20 : memref<!tpu.dma_semaphore, #tpu.memory_space<semaphore_mem>>) src(%dma_wait3A_376 : memref<20000x64xf32, #tpu.memory_space<hbm>>) dst(%arg14 : memref<80x64xf32, #tpu.memory_space<vmem>>)
      %dma_start3A_377 = arith.constant 0 : i32
      %dma_start3A_378 = tpu.memref_slice %arg10[%add3A_370, %dma_start3A_377] : memref<125x80xi32, #tpu.memory_space<vmem>> -> memref<1x80xi32, #tpu.memory_space<vmem>>
      %dma_start3A_379 = tpu.memref_squeeze %dma_start3A_378 : memref<1x80xi32, #tpu.memory_space<vmem>> -> memref<80xi32, #tpu.memory_space<vmem>>
      %dma_start3A_380 = arith.constant 0 : i32
      %dma_start3A_381 = arith.constant 0 : i32
      %dma_start3A_382 = tpu.memref_slice %arg16[%dma_start3A_380, %dma_start3A_381] : memref<10000x64xf32, #tpu.memory_space<vmem_shared>> -> memref<10000x64xf32, #tpu.memory_space<vmem_shared>>
      tpu.enqueue_indirect_dma source(%arg14 : memref<80x64xf32, #tpu.memory_space<vmem>>) target(%dma_start3A_382 : memref<10000x64xf32, #tpu.memory_space<vmem_shared>>) offsets(%dma_start3A_379 : memref<80xi32, #tpu.memory_space<vmem>>) semaphore(%arg25 : memref<!tpu.dma_semaphore, #tpu.memory_space<semaphore_mem>>) {add = true}
      %dma_start3A_383 = arith.constant 0 : i32
      %dma_start3A_384 = tpu.memref_slice %arg10[%add3A_370, %dma_start3A_383] : memref<125x80xi32, #tpu.memory_space<vmem>> -> memref<1x80xi32, #tpu.memory_space<vmem>>
      %dma_start3A_385 = tpu.memref_squeeze %dma_start3A_384 : memref<1x80xi32, #tpu.memory_space<vmem>> -> memref<80xi32, #tpu.memory_space<vmem>>
      %dma_start3A_386 = arith.constant 0 : i32
      %dma_start3A_387 = arith.constant 0 : i32
      %dma_start3A_388 = tpu.memref_slice %arg29[%dma_start3A_386, %dma_start3A_387] : memref<10000x16xf32, #tpu.memory_space<vmem_shared>> -> memref<10000x16xf32, #tpu.memory_space<vmem_shared>>
      tpu.enqueue_indirect_dma source(%arg28 : memref<80x16xf32, #tpu.memory_space<vmem>>) target(%dma_start3A_388 : memref<10000x16xf32, #tpu.memory_space<vmem_shared>>) offsets(%dma_start3A_385 : memref<80xi32, #tpu.memory_space<vmem>>) semaphore(%arg33 : memref<!tpu.dma_semaphore, #tpu.memory_space<semaphore_mem>>) {add = true}
      %sub3A_389 = arith.constant 1 : i32
      %sub3A_390 = arith.subi %add3A_293, %sub3A_389 : i32
      %mul3A_391 = arith.constant 5 : i32
      %mul3A_392 = arith.muli %sub3A_390, %mul3A_391 : i32
      %add3A_393 = arith.constant 4 : i32
      %add3A_394 = arith.addi %mul3A_392, %add3A_393 : i32
      %dma_wait3A_395 = arith.constant 0 : i32
      %dma_wait3A_396 = tpu.memref_slice %arg9[%add3A_394, %dma_wait3A_395] : memref<125x80xi32, #tpu.memory_space<vmem>> -> memref<1x80xi32, #tpu.memory_space<vmem>>
      %dma_wait3A_397 = tpu.memref_squeeze %dma_wait3A_396 : memref<1x80xi32, #tpu.memory_space<vmem>> -> memref<80xi32, #tpu.memory_space<vmem>>
      %dma_wait3A_398 = arith.constant 0 : i32
      %dma_wait3A_399 = arith.constant 0 : i32
      %dma_wait3A_400 = tpu.memref_slice %arg2[%dma_wait3A_398, %dma_wait3A_399] : memref<20000x64xf32, #tpu.memory_space<hbm>> -> memref<20000x64xf32, #tpu.memory_space<hbm>>
      tpu.wait_indirect_dma semaphore(%arg21 : memref<!tpu.dma_semaphore, #tpu.memory_space<semaphore_mem>>) src(%dma_wait3A_400 : memref<20000x64xf32, #tpu.memory_space<hbm>>) dst(%arg15 : memref<80x64xf32, #tpu.memory_space<vmem>>)
      %dma_start3A_401 = arith.constant 0 : i32
      %dma_start3A_402 = tpu.memref_slice %arg10[%add3A_394, %dma_start3A_401] : memref<125x80xi32, #tpu.memory_space<vmem>> -> memref<1x80xi32, #tpu.memory_space<vmem>>
      %dma_start3A_403 = tpu.memref_squeeze %dma_start3A_402 : memref<1x80xi32, #tpu.memory_space<vmem>> -> memref<80xi32, #tpu.memory_space<vmem>>
      %dma_start3A_404 = arith.constant 0 : i32
      %dma_start3A_405 = arith.constant 0 : i32
      %dma_start3A_406 = tpu.memref_slice %arg16[%dma_start3A_404, %dma_start3A_405] : memref<10000x64xf32, #tpu.memory_space<vmem_shared>> -> memref<10000x64xf32, #tpu.memory_space<vmem_shared>>
      tpu.enqueue_indirect_dma source(%arg15 : memref<80x64xf32, #tpu.memory_space<vmem>>) target(%dma_start3A_406 : memref<10000x64xf32, #tpu.memory_space<vmem_shared>>) offsets(%dma_start3A_403 : memref<80xi32, #tpu.memory_space<vmem>>) semaphore(%arg26 : memref<!tpu.dma_semaphore, #tpu.memory_space<semaphore_mem>>) {add = true}
      %dma_start3A_407 = arith.constant 0 : i32
      %dma_start3A_408 = tpu.memref_slice %arg10[%add3A_394, %dma_start3A_407] : memref<125x80xi32, #tpu.memory_space<vmem>> -> memref<1x80xi32, #tpu.memory_space<vmem>>
      %dma_start3A_409 = tpu.memref_squeeze %dma_start3A_408 : memref<1x80xi32, #tpu.memory_space<vmem>> -> memref<80xi32, #tpu.memory_space<vmem>>
      %dma_start3A_410 = arith.constant 0 : i32
      %dma_start3A_411 = arith.constant 0 : i32
      %dma_start3A_412 = tpu.memref_slice %arg29[%dma_start3A_410, %dma_start3A_411] : memref<10000x16xf32, #tpu.memory_space<vmem_shared>> -> memref<10000x16xf32, #tpu.memory_space<vmem_shared>>
      tpu.enqueue_indirect_dma source(%arg28 : memref<80x16xf32, #tpu.memory_space<vmem>>) target(%dma_start3A_412 : memref<10000x16xf32, #tpu.memory_space<vmem_shared>>) offsets(%dma_start3A_409 : memref<80xi32, #tpu.memory_space<vmem>>) semaphore(%arg34 : memref<!tpu.dma_semaphore, #tpu.memory_space<semaphore_mem>>) {add = true}
      %dma_wait3A_413 = arith.constant 0 : i32
      %dma_wait3A_414 = tpu.memref_slice %arg10[%add3A_298, %dma_wait3A_413] : memref<125x80xi32, #tpu.memory_space<vmem>> -> memref<1x80xi32, #tpu.memory_space<vmem>>
      %dma_wait3A_415 = tpu.memref_squeeze %dma_wait3A_414 : memref<1x80xi32, #tpu.memory_space<vmem>> -> memref<80xi32, #tpu.memory_space<vmem>>
      %dma_wait3A_416 = arith.constant 0 : i32
      %dma_wait3A_417 = arith.constant 0 : i32
      %dma_wait3A_418 = tpu.memref_slice %arg16[%dma_wait3A_416, %dma_wait3A_417] : memref<10000x64xf32, #tpu.memory_space<vmem_shared>> -> memref<10000x64xf32, #tpu.memory_space<vmem_shared>>
      tpu.wait_indirect_dma semaphore(%arg22 : memref<!tpu.dma_semaphore, #tpu.memory_space<semaphore_mem>>) src(%arg11 : memref<80x64xf32, #tpu.memory_space<vmem>>) dst(%dma_wait3A_418 : memref<10000x64xf32, #tpu.memory_space<vmem_shared>>)
      %mul3A_419 = arith.constant 5 : i32
      %mul3A_420 = arith.muli %add3A_293, %mul3A_419 : i32
      %add3A_421 = arith.constant 0 : i32
      %add3A_422 = arith.addi %mul3A_420, %add3A_421 : i32
      %dma_start3A_423 = arith.constant 0 : i32
      %dma_start3A_424 = tpu.memref_slice %arg9[%add3A_422, %dma_start3A_423] : memref<125x80xi32, #tpu.memory_space<vmem>> -> memref<1x80xi32, #tpu.memory_space<vmem>>
      %dma_start3A_425 = tpu.memref_squeeze %dma_start3A_424 : memref<1x80xi32, #tpu.memory_space<vmem>> -> memref<80xi32, #tpu.memory_space<vmem>>
      %dma_start3A_426 = arith.constant 0 : i32
      %dma_start3A_427 = arith.constant 0 : i32
      %dma_start3A_428 = tpu.memref_slice %arg2[%dma_start3A_426, %dma_start3A_427] : memref<20000x64xf32, #tpu.memory_space<hbm>> -> memref<20000x64xf32, #tpu.memory_space<hbm>>
      tpu.enqueue_indirect_dma source(%dma_start3A_428 : memref<20000x64xf32, #tpu.memory_space<hbm>>) target(%arg11 : memref<80x64xf32, #tpu.memory_space<vmem>>) offsets(%dma_start3A_425 : memref<80xi32, #tpu.memory_space<vmem>>) semaphore(%arg17 : memref<!tpu.dma_semaphore, #tpu.memory_space<semaphore_mem>>)
      %dma_wait3A_429 = arith.constant 0 : i32
      %dma_wait3A_430 = tpu.memref_slice %arg10[%add3A_298, %dma_wait3A_429] : memref<125x80xi32, #tpu.memory_space<vmem>> -> memref<1x80xi32, #tpu.memory_space<vmem>>
      %dma_wait3A_431 = tpu.memref_squeeze %dma_wait3A_430 : memref<1x80xi32, #tpu.memory_space<vmem>> -> memref<80xi32, #tpu.memory_space<vmem>>
      %dma_wait3A_432 = arith.constant 0 : i32
      %dma_wait3A_433 = arith.constant 0 : i32
      %dma_wait3A_434 = tpu.memref_slice %arg29[%dma_wait3A_432, %dma_wait3A_433] : memref<10000x16xf32, #tpu.memory_space<vmem_shared>> -> memref<10000x16xf32, #tpu.memory_space<vmem_shared>>
      tpu.wait_indirect_dma semaphore(%arg30 : memref<!tpu.dma_semaphore, #tpu.memory_space<semaphore_mem>>) src(%arg28 : memref<80x16xf32, #tpu.memory_space<vmem>>) dst(%dma_wait3A_434 : memref<10000x16xf32, #tpu.memory_space<vmem_shared>>)
      %dma_wait3A_435 = arith.constant 0 : i32
      %dma_wait3A_436 = tpu.memref_slice %arg10[%add3A_322, %dma_wait3A_435] : memref<125x80xi32, #tpu.memory_space<vmem>> -> memref<1x80xi32, #tpu.memory_space<vmem>>
      %dma_wait3A_437 = tpu.memref_squeeze %dma_wait3A_436 : memref<1x80xi32, #tpu.memory_space<vmem>> -> memref<80xi32, #tpu.memory_space<vmem>>
      %dma_wait3A_438 = arith.constant 0 : i32
      %dma_wait3A_439 = arith.constant 0 : i32
      %dma_wait3A_440 = tpu.memref_slice %arg16[%dma_wait3A_438, %dma_wait3A_439] : memref<10000x64xf32, #tpu.memory_space<vmem_shared>> -> memref<10000x64xf32, #tpu.memory_space<vmem_shared>>
      tpu.wait_indirect_dma semaphore(%arg23 : memref<!tpu.dma_semaphore, #tpu.memory_space<semaphore_mem>>) src(%arg12 : memref<80x64xf32, #tpu.memory_space<vmem>>) dst(%dma_wait3A_440 : memref<10000x64xf32, #tpu.memory_space<vmem_shared>>)
      %mul3A_441 = arith.constant 5 : i32
      %mul3A_442 = arith.muli %add3A_293, %mul3A_441 : i32
      %add3A_443 = arith.constant 1 : i32
      %add3A_444 = arith.addi %mul3A_442, %add3A_443 : i32
      %dma_start3A_445 = arith.constant 0 : i32
      %dma_start3A_446 = tpu.memref_slice %arg9[%add3A_444, %dma_start3A_445] : memref<125x80xi32, #tpu.memory_space<vmem>> -> memref<1x80xi32, #tpu.memory_space<vmem>>
      %dma_start3A_447 = tpu.memref_squeeze %dma_start3A_446 : memref<1x80xi32, #tpu.memory_space<vmem>> -> memref<80xi32, #tpu.memory_space<vmem>>
      %dma_start3A_448 = arith.constant 0 : i32
      %dma_start3A_449 = arith.constant 0 : i32
      %dma_start3A_450 = tpu.memref_slice %arg2[%dma_start3A_448, %dma_start3A_449] : memref<20000x64xf32, #tpu.memory_space<hbm>> -> memref<20000x64xf32, #tpu.memory_space<hbm>>
      tpu.enqueue_indirect_dma source(%dma_start3A_450 : memref<20000x64xf32, #tpu.memory_space<hbm>>) target(%arg12 : memref<80x64xf32, #tpu.memory_space<vmem>>) offsets(%dma_start3A_447 : memref<80xi32, #tpu.memory_space<vmem>>) semaphore(%arg18 : memref<!tpu.dma_semaphore, #tpu.memory_space<semaphore_mem>>)
      %dma_wait3A_451 = arith.constant 0 : i32
      %dma_wait3A_452 = tpu.memref_slice %arg10[%add3A_322, %dma_wait3A_451] : memref<125x80xi32, #tpu.memory_space<vmem>> -> memref<1x80xi32, #tpu.memory_space<vmem>>
      %dma_wait3A_453 = tpu.memref_squeeze %dma_wait3A_452 : memref<1x80xi32, #tpu.memory_space<vmem>> -> memref<80xi32, #tpu.memory_space<vmem>>
      %dma_wait3A_454 = arith.constant 0 : i32
      %dma_wait3A_455 = arith.constant 0 : i32
      %dma_wait3A_456 = tpu.memref_slice %arg29[%dma_wait3A_454, %dma_wait3A_455] : memref<10000x16xf32, #tpu.memory_space<vmem_shared>> -> memref<10000x16xf32, #tpu.memory_space<vmem_shared>>
      tpu.wait_indirect_dma semaphore(%arg31 : memref<!tpu.dma_semaphore, #tpu.memory_space<semaphore_mem>>) src(%arg28 : memref<80x16xf32, #tpu.memory_space<vmem>>) dst(%dma_wait3A_456 : memref<10000x16xf32, #tpu.memory_space<vmem_shared>>)
      %dma_wait3A_457 = arith.constant 0 : i32
      %dma_wait3A_458 = tpu.memref_slice %arg10[%add3A_346, %dma_wait3A_457] : memref<125x80xi32, #tpu.memory_space<vmem>> -> memref<1x80xi32, #tpu.memory_space<vmem>>
      %dma_wait3A_459 = tpu.memref_squeeze %dma_wait3A_458 : memref<1x80xi32, #tpu.memory_space<vmem>> -> memref<80xi32, #tpu.memory_space<vmem>>
      %dma_wait3A_460 = arith.constant 0 : i32
      %dma_wait3A_461 = arith.constant 0 : i32
      %dma_wait3A_462 = tpu.memref_slice %arg16[%dma_wait3A_460, %dma_wait3A_461] : memref<10000x64xf32, #tpu.memory_space<vmem_shared>> -> memref<10000x64xf32, #tpu.memory_space<vmem_shared>>
      tpu.wait_indirect_dma semaphore(%arg24 : memref<!tpu.dma_semaphore, #tpu.memory_space<semaphore_mem>>) src(%arg13 : memref<80x64xf32, #tpu.memory_space<vmem>>) dst(%dma_wait3A_462 : memref<10000x64xf32, #tpu.memory_space<vmem_shared>>)
      %mul3A_463 = arith.constant 5 : i32
      %mul3A_464 = arith.muli %add3A_293, %mul3A_463 : i32
      %add3A_465 = arith.constant 2 : i32
      %add3A_466 = arith.addi %mul3A_464, %add3A_465 : i32
      %dma_start3A_467 = arith.constant 0 : i32
      %dma_start3A_468 = tpu.memref_slice %arg9[%add3A_466, %dma_start3A_467] : memref<125x80xi32, #tpu.memory_space<vmem>> -> memref<1x80xi32, #tpu.memory_space<vmem>>
      %dma_start3A_469 = tpu.memref_squeeze %dma_start3A_468 : memref<1x80xi32, #tpu.memory_space<vmem>> -> memref<80xi32, #tpu.memory_space<vmem>>
      %dma_start3A_470 = arith.constant 0 : i32
      %dma_start3A_471 = arith.constant 0 : i32
      %dma_start3A_472 = tpu.memref_slice %arg2[%dma_start3A_470, %dma_start3A_471] : memref<20000x64xf32, #tpu.memory_space<hbm>> -> memref<20000x64xf32, #tpu.memory_space<hbm>>
      tpu.enqueue_indirect_dma source(%dma_start3A_472 : memref<20000x64xf32, #tpu.memory_space<hbm>>) target(%arg13 : memref<80x64xf32, #tpu.memory_space<vmem>>) offsets(%dma_start3A_469 : memref<80xi32, #tpu.memory_space<vmem>>) semaphore(%arg19 : memref<!tpu.dma_semaphore, #tpu.memory_space<semaphore_mem>>)
      %dma_wait3A_473 = arith.constant 0 : i32
      %dma_wait3A_474 = tpu.memref_slice %arg10[%add3A_346, %dma_wait3A_473] : memref<125x80xi32, #tpu.memory_space<vmem>> -> memref<1x80xi32, #tpu.memory_space<vmem>>
      %dma_wait3A_475 = tpu.memref_squeeze %dma_wait3A_474 : memref<1x80xi32, #tpu.memory_space<vmem>> -> memref<80xi32, #tpu.memory_space<vmem>>
      %dma_wait3A_476 = arith.constant 0 : i32
      %dma_wait3A_477 = arith.constant 0 : i32
      %dma_wait3A_478 = tpu.memref_slice %arg29[%dma_wait3A_476, %dma_wait3A_477] : memref<10000x16xf32, #tpu.memory_space<vmem_shared>> -> memref<10000x16xf32, #tpu.memory_space<vmem_shared>>
      tpu.wait_indirect_dma semaphore(%arg32 : memref<!tpu.dma_semaphore, #tpu.memory_space<semaphore_mem>>) src(%arg28 : memref<80x16xf32, #tpu.memory_space<vmem>>) dst(%dma_wait3A_478 : memref<10000x16xf32, #tpu.memory_space<vmem_shared>>)
      %dma_wait3A_479 = arith.constant 0 : i32
      %dma_wait3A_480 = tpu.memref_slice %arg10[%add3A_370, %dma_wait3A_479] : memref<125x80xi32, #tpu.memory_space<vmem>> -> memref<1x80xi32, #tpu.memory_space<vmem>>
      %dma_wait3A_481 = tpu.memref_squeeze %dma_wait3A_480 : memref<1x80xi32, #tpu.memory_space<vmem>> -> memref<80xi32, #tpu.memory_space<vmem>>
      %dma_wait3A_482 = arith.constant 0 : i32
      %dma_wait3A_483 = arith.constant 0 : i32
      %dma_wait3A_484 = tpu.memref_slice %arg16[%dma_wait3A_482, %dma_wait3A_483] : memref<10000x64xf32, #tpu.memory_space<vmem_shared>> -> memref<10000x64xf32, #tpu.memory_space<vmem_shared>>
      tpu.wait_indirect_dma semaphore(%arg25 : memref<!tpu.dma_semaphore, #tpu.memory_space<semaphore_mem>>) src(%arg14 : memref<80x64xf32, #tpu.memory_space<vmem>>) dst(%dma_wait3A_484 : memref<10000x64xf32, #tpu.memory_space<vmem_shared>>)
      %mul3A_485 = arith.constant 5 : i32
      %mul3A_486 = arith.muli %add3A_293, %mul3A_485 : i32
      %add3A_487 = arith.constant 3 : i32
      %add3A_488 = arith.addi %mul3A_486, %add3A_487 : i32
      %dma_start3A_489 = arith.constant 0 : i32
      %dma_start3A_490 = tpu.memref_slice %arg9[%add3A_488, %dma_start3A_489] : memref<125x80xi32, #tpu.memory_space<vmem>> -> memref<1x80xi32, #tpu.memory_space<vmem>>
      %dma_start3A_491 = tpu.memref_squeeze %dma_start3A_490 : memref<1x80xi32, #tpu.memory_space<vmem>> -> memref<80xi32, #tpu.memory_space<vmem>>
      %dma_start3A_492 = arith.constant 0 : i32
      %dma_start3A_493 = arith.constant 0 : i32
      %dma_start3A_494 = tpu.memref_slice %arg2[%dma_start3A_492, %dma_start3A_493] : memref<20000x64xf32, #tpu.memory_space<hbm>> -> memref<20000x64xf32, #tpu.memory_space<hbm>>
      tpu.enqueue_indirect_dma source(%dma_start3A_494 : memref<20000x64xf32, #tpu.memory_space<hbm>>) target(%arg14 : memref<80x64xf32, #tpu.memory_space<vmem>>) offsets(%dma_start3A_491 : memref<80xi32, #tpu.memory_space<vmem>>) semaphore(%arg20 : memref<!tpu.dma_semaphore, #tpu.memory_space<semaphore_mem>>)
      %dma_wait3A_495 = arith.constant 0 : i32
      %dma_wait3A_496 = tpu.memref_slice %arg10[%add3A_370, %dma_wait3A_495] : memref<125x80xi32, #tpu.memory_space<vmem>> -> memref<1x80xi32, #tpu.memory_space<vmem>>
      %dma_wait3A_497 = tpu.memref_squeeze %dma_wait3A_496 : memref<1x80xi32, #tpu.memory_space<vmem>> -> memref<80xi32, #tpu.memory_space<vmem>>
      %dma_wait3A_498 = arith.constant 0 : i32
      %dma_wait3A_499 = arith.constant 0 : i32
      %dma_wait3A_500 = tpu.memref_slice %arg29[%dma_wait3A_498, %dma_wait3A_499] : memref<10000x16xf32, #tpu.memory_space<vmem_shared>> -> memref<10000x16xf32, #tpu.memory_space<vmem_shared>>
      tpu.wait_indirect_dma semaphore(%arg33 : memref<!tpu.dma_semaphore, #tpu.memory_space<semaphore_mem>>) src(%arg28 : memref<80x16xf32, #tpu.memory_space<vmem>>) dst(%dma_wait3A_500 : memref<10000x16xf32, #tpu.memory_space<vmem_shared>>)
      %dma_wait3A_501 = arith.constant 0 : i32
      %dma_wait3A_502 = tpu.memref_slice %arg10[%add3A_394, %dma_wait3A_501] : memref<125x80xi32, #tpu.memory_space<vmem>> -> memref<1x80xi32, #tpu.memory_space<vmem>>
      %dma_wait3A_503 = tpu.memref_squeeze %dma_wait3A_502 : memref<1x80xi32, #tpu.memory_space<vmem>> -> memref<80xi32, #tpu.memory_space<vmem>>
      %dma_wait3A_504 = arith.constant 0 : i32
      %dma_wait3A_505 = arith.constant 0 : i32
      %dma_wait3A_506 = tpu.memref_slice %arg16[%dma_wait3A_504, %dma_wait3A_505] : memref<10000x64xf32, #tpu.memory_space<vmem_shared>> -> memref<10000x64xf32, #tpu.memory_space<vmem_shared>>
      tpu.wait_indirect_dma semaphore(%arg26 : memref<!tpu.dma_semaphore, #tpu.memory_space<semaphore_mem>>) src(%arg15 : memref<80x64xf32, #tpu.memory_space<vmem>>) dst(%dma_wait3A_506 : memref<10000x64xf32, #tpu.memory_space<vmem_shared>>)
      %mul3A_507 = arith.constant 5 : i32
      %mul3A_508 = arith.muli %add3A_293, %mul3A_507 : i32
      %add3A_509 = arith.constant 4 : i32
      %add3A_510 = arith.addi %mul3A_508, %add3A_509 : i32
      %dma_start3A_511 = arith.constant 0 : i32
      %dma_start3A_512 = tpu.memref_slice %arg9[%add3A_510, %dma_start3A_511] : memref<125x80xi32, #tpu.memory_space<vmem>> -> memref<1x80xi32, #tpu.memory_space<vmem>>
      %dma_start3A_513 = tpu.memref_squeeze %dma_start3A_512 : memref<1x80xi32, #tpu.memory_space<vmem>> -> memref<80xi32, #tpu.memory_space<vmem>>
      %dma_start3A_514 = arith.constant 0 : i32
      %dma_start3A_515 = arith.constant 0 : i32
      %dma_start3A_516 = tpu.memref_slice %arg2[%dma_start3A_514, %dma_start3A_515] : memref<20000x64xf32, #tpu.memory_space<hbm>> -> memref<20000x64xf32, #tpu.memory_space<hbm>>
      tpu.enqueue_indirect_dma source(%dma_start3A_516 : memref<20000x64xf32, #tpu.memory_space<hbm>>) target(%arg15 : memref<80x64xf32, #tpu.memory_space<vmem>>) offsets(%dma_start3A_513 : memref<80xi32, #tpu.memory_space<vmem>>) semaphore(%arg21 : memref<!tpu.dma_semaphore, #tpu.memory_space<semaphore_mem>>)
      %dma_wait3A_517 = arith.constant 0 : i32
      %dma_wait3A_518 = tpu.memref_slice %arg10[%add3A_394, %dma_wait3A_517] : memref<125x80xi32, #tpu.memory_space<vmem>> -> memref<1x80xi32, #tpu.memory_space<vmem>>
      %dma_wait3A_519 = tpu.memref_squeeze %dma_wait3A_518 : memref<1x80xi32, #tpu.memory_space<vmem>> -> memref<80xi32, #tpu.memory_space<vmem>>
      %dma_wait3A_520 = arith.constant 0 : i32
      %dma_wait3A_521 = arith.constant 0 : i32
      %dma_wait3A_522 = tpu.memref_slice %arg29[%dma_wait3A_520, %dma_wait3A_521] : memref<10000x16xf32, #tpu.memory_space<vmem_shared>> -> memref<10000x16xf32, #tpu.memory_space<vmem_shared>>
      tpu.wait_indirect_dma semaphore(%arg34 : memref<!tpu.dma_semaphore, #tpu.memory_space<semaphore_mem>>) src(%arg28 : memref<80x16xf32, #tpu.memory_space<vmem>>) dst(%dma_wait3A_522 : memref<10000x16xf32, #tpu.memory_space<vmem_shared>>)
    }
    %scan3A_92 = arith.constant 24 : i32
    %dma_wait3A_93 = arith.constant 120 : i32
    %dma_wait3A_94 = arith.constant 0 : i32
    %dma_wait3A_95 = tpu.memref_slice %arg9[%dma_wait3A_93, %dma_wait3A_94] : memref<125x80xi32, #tpu.memory_space<vmem>> -> memref<1x80xi32, #tpu.memory_space<vmem>>
    %dma_wait3A_96 = tpu.memref_squeeze %dma_wait3A_95 : memref<1x80xi32, #tpu.memory_space<vmem>> -> memref<80xi32, #tpu.memory_space<vmem>>
    %dma_wait3A_97 = arith.constant 0 : i32
    %dma_wait3A_98 = arith.constant 0 : i32
    %dma_wait3A_99 = tpu.memref_slice %arg2[%dma_wait3A_97, %dma_wait3A_98] : memref<20000x64xf32, #tpu.memory_space<hbm>> -> memref<20000x64xf32, #tpu.memory_space<hbm>>
    tpu.wait_indirect_dma semaphore(%arg17 : memref<!tpu.dma_semaphore, #tpu.memory_space<semaphore_mem>>) src(%dma_wait3A_99 : memref<20000x64xf32, #tpu.memory_space<hbm>>) dst(%arg11 : memref<80x64xf32, #tpu.memory_space<vmem>>)
    %dma_start3A_100 = arith.constant 120 : i32
    %dma_start3A_101 = arith.constant 0 : i32
    %dma_start3A_102 = tpu.memref_slice %arg10[%dma_start3A_100, %dma_start3A_101] : memref<125x80xi32, #tpu.memory_space<vmem>> -> memref<1x80xi32, #tpu.memory_space<vmem>>
    %dma_start3A_103 = tpu.memref_squeeze %dma_start3A_102 : memref<1x80xi32, #tpu.memory_space<vmem>> -> memref<80xi32, #tpu.memory_space<vmem>>
    %dma_start3A_104 = arith.constant 0 : i32
    %dma_start3A_105 = arith.constant 0 : i32
    %dma_start3A_106 = tpu.memref_slice %arg16[%dma_start3A_104, %dma_start3A_105] : memref<10000x64xf32, #tpu.memory_space<vmem_shared>> -> memref<10000x64xf32, #tpu.memory_space<vmem_shared>>
    tpu.enqueue_indirect_dma source(%arg11 : memref<80x64xf32, #tpu.memory_space<vmem>>) target(%dma_start3A_106 : memref<10000x64xf32, #tpu.memory_space<vmem_shared>>) offsets(%dma_start3A_103 : memref<80xi32, #tpu.memory_space<vmem>>) semaphore(%arg22 : memref<!tpu.dma_semaphore, #tpu.memory_space<semaphore_mem>>) {add = true}
    %dma_start3A_107 = arith.constant 120 : i32
    %dma_start3A_108 = arith.constant 0 : i32
    %dma_start3A_109 = tpu.memref_slice %arg10[%dma_start3A_107, %dma_start3A_108] : memref<125x80xi32, #tpu.memory_space<vmem>> -> memref<1x80xi32, #tpu.memory_space<vmem>>
    %dma_start3A_110 = tpu.memref_squeeze %dma_start3A_109 : memref<1x80xi32, #tpu.memory_space<vmem>> -> memref<80xi32, #tpu.memory_space<vmem>>
    %dma_start3A_111 = arith.constant 0 : i32
    %dma_start3A_112 = arith.constant 0 : i32
    %dma_start3A_113 = tpu.memref_slice %arg29[%dma_start3A_111, %dma_start3A_112] : memref<10000x16xf32, #tpu.memory_space<vmem_shared>> -> memref<10000x16xf32, #tpu.memory_space<vmem_shared>>
    tpu.enqueue_indirect_dma source(%arg28 : memref<80x16xf32, #tpu.memory_space<vmem>>) target(%dma_start3A_113 : memref<10000x16xf32, #tpu.memory_space<vmem_shared>>) offsets(%dma_start3A_110 : memref<80xi32, #tpu.memory_space<vmem>>) semaphore(%arg30 : memref<!tpu.dma_semaphore, #tpu.memory_space<semaphore_mem>>) {add = true}
    %dma_wait3A_114 = arith.constant 121 : i32
    %dma_wait3A_115 = arith.constant 0 : i32
    %dma_wait3A_116 = tpu.memref_slice %arg9[%dma_wait3A_114, %dma_wait3A_115] : memref<125x80xi32, #tpu.memory_space<vmem>> -> memref<1x80xi32, #tpu.memory_space<vmem>>
    %dma_wait3A_117 = tpu.memref_squeeze %dma_wait3A_116 : memref<1x80xi32, #tpu.memory_space<vmem>> -> memref<80xi32, #tpu.memory_space<vmem>>
    %dma_wait3A_118 = arith.constant 0 : i32
    %dma_wait3A_119 = arith.constant 0 : i32
    %dma_wait3A_120 = tpu.memref_slice %arg2[%dma_wait3A_118, %dma_wait3A_119] : memref<20000x64xf32, #tpu.memory_space<hbm>> -> memref<20000x64xf32, #tpu.memory_space<hbm>>
    tpu.wait_indirect_dma semaphore(%arg18 : memref<!tpu.dma_semaphore, #tpu.memory_space<semaphore_mem>>) src(%dma_wait3A_120 : memref<20000x64xf32, #tpu.memory_space<hbm>>) dst(%arg12 : memref<80x64xf32, #tpu.memory_space<vmem>>)
    %dma_start3A_121 = arith.constant 121 : i32
    %dma_start3A_122 = arith.constant 0 : i32
    %dma_start3A_123 = tpu.memref_slice %arg10[%dma_start3A_121, %dma_start3A_122] : memref<125x80xi32, #tpu.memory_space<vmem>> -> memref<1x80xi32, #tpu.memory_space<vmem>>
    %dma_start3A_124 = tpu.memref_squeeze %dma_start3A_123 : memref<1x80xi32, #tpu.memory_space<vmem>> -> memref<80xi32, #tpu.memory_space<vmem>>
    %dma_start3A_125 = arith.constant 0 : i32
    %dma_start3A_126 = arith.constant 0 : i32
    %dma_start3A_127 = tpu.memref_slice %arg16[%dma_start3A_125, %dma_start3A_126] : memref<10000x64xf32, #tpu.memory_space<vmem_shared>> -> memref<10000x64xf32, #tpu.memory_space<vmem_shared>>
    tpu.enqueue_indirect_dma source(%arg12 : memref<80x64xf32, #tpu.memory_space<vmem>>) target(%dma_start3A_127 : memref<10000x64xf32, #tpu.memory_space<vmem_shared>>) offsets(%dma_start3A_124 : memref<80xi32, #tpu.memory_space<vmem>>) semaphore(%arg23 : memref<!tpu.dma_semaphore, #tpu.memory_space<semaphore_mem>>) {add = true}
    %dma_start3A_128 = arith.constant 121 : i32
    %dma_start3A_129 = arith.constant 0 : i32
    %dma_start3A_130 = tpu.memref_slice %arg10[%dma_start3A_128, %dma_start3A_129] : memref<125x80xi32, #tpu.memory_space<vmem>> -> memref<1x80xi32, #tpu.memory_space<vmem>>
    %dma_start3A_131 = tpu.memref_squeeze %dma_start3A_130 : memref<1x80xi32, #tpu.memory_space<vmem>> -> memref<80xi32, #tpu.memory_space<vmem>>
    %dma_start3A_132 = arith.constant 0 : i32
    %dma_start3A_133 = arith.constant 0 : i32
    %dma_start3A_134 = tpu.memref_slice %arg29[%dma_start3A_132, %dma_start3A_133] : memref<10000x16xf32, #tpu.memory_space<vmem_shared>> -> memref<10000x16xf32, #tpu.memory_space<vmem_shared>>
    tpu.enqueue_indirect_dma source(%arg28 : memref<80x16xf32, #tpu.memory_space<vmem>>) target(%dma_start3A_134 : memref<10000x16xf32, #tpu.memory_space<vmem_shared>>) offsets(%dma_start3A_131 : memref<80xi32, #tpu.memory_space<vmem>>) semaphore(%arg31 : memref<!tpu.dma_semaphore, #tpu.memory_space<semaphore_mem>>) {add = true}
    %dma_wait3A_135 = arith.constant 122 : i32
    %dma_wait3A_136 = arith.constant 0 : i32
    %dma_wait3A_137 = tpu.memref_slice %arg9[%dma_wait3A_135, %dma_wait3A_136] : memref<125x80xi32, #tpu.memory_space<vmem>> -> memref<1x80xi32, #tpu.memory_space<vmem>>
    %dma_wait3A_138 = tpu.memref_squeeze %dma_wait3A_137 : memref<1x80xi32, #tpu.memory_space<vmem>> -> memref<80xi32, #tpu.memory_space<vmem>>
    %dma_wait3A_139 = arith.constant 0 : i32
    %dma_wait3A_140 = arith.constant 0 : i32
    %dma_wait3A_141 = tpu.memref_slice %arg2[%dma_wait3A_139, %dma_wait3A_140] : memref<20000x64xf32, #tpu.memory_space<hbm>> -> memref<20000x64xf32, #tpu.memory_space<hbm>>
    tpu.wait_indirect_dma semaphore(%arg19 : memref<!tpu.dma_semaphore, #tpu.memory_space<semaphore_mem>>) src(%dma_wait3A_141 : memref<20000x64xf32, #tpu.memory_space<hbm>>) dst(%arg13 : memref<80x64xf32, #tpu.memory_space<vmem>>)
    %dma_start3A_142 = arith.constant 122 : i32
    %dma_start3A_143 = arith.constant 0 : i32
    %dma_start3A_144 = tpu.memref_slice %arg10[%dma_start3A_142, %dma_start3A_143] : memref<125x80xi32, #tpu.memory_space<vmem>> -> memref<1x80xi32, #tpu.memory_space<vmem>>
    %dma_start3A_145 = tpu.memref_squeeze %dma_start3A_144 : memref<1x80xi32, #tpu.memory_space<vmem>> -> memref<80xi32, #tpu.memory_space<vmem>>
    %dma_start3A_146 = arith.constant 0 : i32
    %dma_start3A_147 = arith.constant 0 : i32
    %dma_start3A_148 = tpu.memref_slice %arg16[%dma_start3A_146, %dma_start3A_147] : memref<10000x64xf32, #tpu.memory_space<vmem_shared>> -> memref<10000x64xf32, #tpu.memory_space<vmem_shared>>
    tpu.enqueue_indirect_dma source(%arg13 : memref<80x64xf32, #tpu.memory_space<vmem>>) target(%dma_start3A_148 : memref<10000x64xf32, #tpu.memory_space<vmem_shared>>) offsets(%dma_start3A_145 : memref<80xi32, #tpu.memory_space<vmem>>) semaphore(%arg24 : memref<!tpu.dma_semaphore, #tpu.memory_space<semaphore_mem>>) {add = true}
    %dma_start3A_149 = arith.constant 122 : i32
    %dma_start3A_150 = arith.constant 0 : i32
    %dma_start3A_151 = tpu.memref_slice %arg10[%dma_start3A_149, %dma_start3A_150] : memref<125x80xi32, #tpu.memory_space<vmem>> -> memref<1x80xi32, #tpu.memory_space<vmem>>
    %dma_start3A_152 = tpu.memref_squeeze %dma_start3A_151 : memref<1x80xi32, #tpu.memory_space<vmem>> -> memref<80xi32, #tpu.memory_space<vmem>>
    %dma_start3A_153 = arith.constant 0 : i32
    %dma_start3A_154 = arith.constant 0 : i32
    %dma_start3A_155 = tpu.memref_slice %arg29[%dma_start3A_153, %dma_start3A_154] : memref<10000x16xf32, #tpu.memory_space<vmem_shared>> -> memref<10000x16xf32, #tpu.memory_space<vmem_shared>>
    tpu.enqueue_indirect_dma source(%arg28 : memref<80x16xf32, #tpu.memory_space<vmem>>) target(%dma_start3A_155 : memref<10000x16xf32, #tpu.memory_space<vmem_shared>>) offsets(%dma_start3A_152 : memref<80xi32, #tpu.memory_space<vmem>>) semaphore(%arg32 : memref<!tpu.dma_semaphore, #tpu.memory_space<semaphore_mem>>) {add = true}
    %dma_wait3A_156 = arith.constant 123 : i32
    %dma_wait3A_157 = arith.constant 0 : i32
    %dma_wait3A_158 = tpu.memref_slice %arg9[%dma_wait3A_156, %dma_wait3A_157] : memref<125x80xi32, #tpu.memory_space<vmem>> -> memref<1x80xi32, #tpu.memory_space<vmem>>
    %dma_wait3A_159 = tpu.memref_squeeze %dma_wait3A_158 : memref<1x80xi32, #tpu.memory_space<vmem>> -> memref<80xi32, #tpu.memory_space<vmem>>
    %dma_wait3A_160 = arith.constant 0 : i32
    %dma_wait3A_161 = arith.constant 0 : i32
    %dma_wait3A_162 = tpu.memref_slice %arg2[%dma_wait3A_160, %dma_wait3A_161] : memref<20000x64xf32, #tpu.memory_space<hbm>> -> memref<20000x64xf32, #tpu.memory_space<hbm>>
    tpu.wait_indirect_dma semaphore(%arg20 : memref<!tpu.dma_semaphore, #tpu.memory_space<semaphore_mem>>) src(%dma_wait3A_162 : memref<20000x64xf32, #tpu.memory_space<hbm>>) dst(%arg14 : memref<80x64xf32, #tpu.memory_space<vmem>>)
    %dma_start3A_163 = arith.constant 123 : i32
    %dma_start3A_164 = arith.constant 0 : i32
    %dma_start3A_165 = tpu.memref_slice %arg10[%dma_start3A_163, %dma_start3A_164] : memref<125x80xi32, #tpu.memory_space<vmem>> -> memref<1x80xi32, #tpu.memory_space<vmem>>
    %dma_start3A_166 = tpu.memref_squeeze %dma_start3A_165 : memref<1x80xi32, #tpu.memory_space<vmem>> -> memref<80xi32, #tpu.memory_space<vmem>>
    %dma_start3A_167 = arith.constant 0 : i32
    %dma_start3A_168 = arith.constant 0 : i32
    %dma_start3A_169 = tpu.memref_slice %arg16[%dma_start3A_167, %dma_start3A_168] : memref<10000x64xf32, #tpu.memory_space<vmem_shared>> -> memref<10000x64xf32, #tpu.memory_space<vmem_shared>>
    tpu.enqueue_indirect_dma source(%arg14 : memref<80x64xf32, #tpu.memory_space<vmem>>) target(%dma_start3A_169 : memref<10000x64xf32, #tpu.memory_space<vmem_shared>>) offsets(%dma_start3A_166 : memref<80xi32, #tpu.memory_space<vmem>>) semaphore(%arg25 : memref<!tpu.dma_semaphore, #tpu.memory_space<semaphore_mem>>) {add = true}
    %dma_start3A_170 = arith.constant 123 : i32
    %dma_start3A_171 = arith.constant 0 : i32
    %dma_start3A_172 = tpu.memref_slice %arg10[%dma_start3A_170, %dma_start3A_171] : memref<125x80xi32, #tpu.memory_space<vmem>> -> memref<1x80xi32, #tpu.memory_space<vmem>>
    %dma_start3A_173 = tpu.memref_squeeze %dma_start3A_172 : memref<1x80xi32, #tpu.memory_space<vmem>> -> memref<80xi32, #tpu.memory_space<vmem>>
    %dma_start3A_174 = arith.constant 0 : i32
    %dma_start3A_175 = arith.constant 0 : i32
    %dma_start3A_176 = tpu.memref_slice %arg29[%dma_start3A_174, %dma_start3A_175] : memref<10000x16xf32, #tpu.memory_space<vmem_shared>> -> memref<10000x16xf32, #tpu.memory_space<vmem_shared>>
    tpu.enqueue_indirect_dma source(%arg28 : memref<80x16xf32, #tpu.memory_space<vmem>>) target(%dma_start3A_176 : memref<10000x16xf32, #tpu.memory_space<vmem_shared>>) offsets(%dma_start3A_173 : memref<80xi32, #tpu.memory_space<vmem>>) semaphore(%arg33 : memref<!tpu.dma_semaphore, #tpu.memory_space<semaphore_mem>>) {add = true}
    %dma_wait3A_177 = arith.constant 124 : i32
    %dma_wait3A_178 = arith.constant 0 : i32
    %dma_wait3A_179 = tpu.memref_slice %arg9[%dma_wait3A_177, %dma_wait3A_178] : memref<125x80xi32, #tpu.memory_space<vmem>> -> memref<1x80xi32, #tpu.memory_space<vmem>>
    %dma_wait3A_180 = tpu.memref_squeeze %dma_wait3A_179 : memref<1x80xi32, #tpu.memory_space<vmem>> -> memref<80xi32, #tpu.memory_space<vmem>>
    %dma_wait3A_181 = arith.constant 0 : i32
    %dma_wait3A_182 = arith.constant 0 : i32
    %dma_wait3A_183 = tpu.memref_slice %arg2[%dma_wait3A_181, %dma_wait3A_182] : memref<20000x64xf32, #tpu.memory_space<hbm>> -> memref<20000x64xf32, #tpu.memory_space<hbm>>
    tpu.wait_indirect_dma semaphore(%arg21 : memref<!tpu.dma_semaphore, #tpu.memory_space<semaphore_mem>>) src(%dma_wait3A_183 : memref<20000x64xf32, #tpu.memory_space<hbm>>) dst(%arg15 : memref<80x64xf32, #tpu.memory_space<vmem>>)
    %dma_start3A_184 = arith.constant 124 : i32
    %dma_start3A_185 = arith.constant 0 : i32
    %dma_start3A_186 = tpu.memref_slice %arg10[%dma_start3A_184, %dma_start3A_185] : memref<125x80xi32, #tpu.memory_space<vmem>> -> memref<1x80xi32, #tpu.memory_space<vmem>>
    %dma_start3A_187 = tpu.memref_squeeze %dma_start3A_186 : memref<1x80xi32, #tpu.memory_space<vmem>> -> memref<80xi32, #tpu.memory_space<vmem>>
    %dma_start3A_188 = arith.constant 0 : i32
    %dma_start3A_189 = arith.constant 0 : i32
    %dma_start3A_190 = tpu.memref_slice %arg16[%dma_start3A_188, %dma_start3A_189] : memref<10000x64xf32, #tpu.memory_space<vmem_shared>> -> memref<10000x64xf32, #tpu.memory_space<vmem_shared>>
    tpu.enqueue_indirect_dma source(%arg15 : memref<80x64xf32, #tpu.memory_space<vmem>>) target(%dma_start3A_190 : memref<10000x64xf32, #tpu.memory_space<vmem_shared>>) offsets(%dma_start3A_187 : memref<80xi32, #tpu.memory_space<vmem>>) semaphore(%arg26 : memref<!tpu.dma_semaphore, #tpu.memory_space<semaphore_mem>>) {add = true}
    %dma_start3A_191 = arith.constant 124 : i32
    %dma_start3A_192 = arith.constant 0 : i32
    %dma_start3A_193 = tpu.memref_slice %arg10[%dma_start3A_191, %dma_start3A_192] : memref<125x80xi32, #tpu.memory_space<vmem>> -> memref<1x80xi32, #tpu.memory_space<vmem>>
    %dma_start3A_194 = tpu.memref_squeeze %dma_start3A_193 : memref<1x80xi32, #tpu.memory_space<vmem>> -> memref<80xi32, #tpu.memory_space<vmem>>
    %dma_start3A_195 = arith.constant 0 : i32
    %dma_start3A_196 = arith.constant 0 : i32
    %dma_start3A_197 = tpu.memref_slice %arg29[%dma_start3A_195, %dma_start3A_196] : memref<10000x16xf32, #tpu.memory_space<vmem_shared>> -> memref<10000x16xf32, #tpu.memory_space<vmem_shared>>
    tpu.enqueue_indirect_dma source(%arg28 : memref<80x16xf32, #tpu.memory_space<vmem>>) target(%dma_start3A_197 : memref<10000x16xf32, #tpu.memory_space<vmem_shared>>) offsets(%dma_start3A_194 : memref<80xi32, #tpu.memory_space<vmem>>) semaphore(%arg34 : memref<!tpu.dma_semaphore, #tpu.memory_space<semaphore_mem>>) {add = true}
    %dma_wait3A_198 = arith.constant 120 : i32
    %dma_wait3A_199 = arith.constant 0 : i32
    %dma_wait3A_200 = tpu.memref_slice %arg10[%dma_wait3A_198, %dma_wait3A_199] : memref<125x80xi32, #tpu.memory_space<vmem>> -> memref<1x80xi32, #tpu.memory_space<vmem>>
    %dma_wait3A_201 = tpu.memref_squeeze %dma_wait3A_200 : memref<1x80xi32, #tpu.memory_space<vmem>> -> memref<80xi32, #tpu.memory_space<vmem>>
    %dma_wait3A_202 = arith.constant 0 : i32
    %dma_wait3A_203 = arith.constant 0 : i32
    %dma_wait3A_204 = tpu.memref_slice %arg16[%dma_wait3A_202, %dma_wait3A_203] : memref<10000x64xf32, #tpu.memory_space<vmem_shared>> -> memref<10000x64xf32, #tpu.memory_space<vmem_shared>>
    tpu.wait_indirect_dma semaphore(%arg22 : memref<!tpu.dma_semaphore, #tpu.memory_space<semaphore_mem>>) src(%arg11 : memref<80x64xf32, #tpu.memory_space<vmem>>) dst(%dma_wait3A_204 : memref<10000x64xf32, #tpu.memory_space<vmem_shared>>)
    %dma_wait3A_205 = arith.constant 120 : i32
    %dma_wait3A_206 = arith.constant 0 : i32
    %dma_wait3A_207 = tpu.memref_slice %arg10[%dma_wait3A_205, %dma_wait3A_206] : memref<125x80xi32, #tpu.memory_space<vmem>> -> memref<1x80xi32, #tpu.memory_space<vmem>>
    %dma_wait3A_208 = tpu.memref_squeeze %dma_wait3A_207 : memref<1x80xi32, #tpu.memory_space<vmem>> -> memref<80xi32, #tpu.memory_space<vmem>>
    %dma_wait3A_209 = arith.constant 0 : i32
    %dma_wait3A_210 = arith.constant 0 : i32
    %dma_wait3A_211 = tpu.memref_slice %arg29[%dma_wait3A_209, %dma_wait3A_210] : memref<10000x16xf32, #tpu.memory_space<vmem_shared>> -> memref<10000x16xf32, #tpu.memory_space<vmem_shared>>
    tpu.wait_indirect_dma semaphore(%arg30 : memref<!tpu.dma_semaphore, #tpu.memory_space<semaphore_mem>>) src(%arg28 : memref<80x16xf32, #tpu.memory_space<vmem>>) dst(%dma_wait3A_211 : memref<10000x16xf32, #tpu.memory_space<vmem_shared>>)
    %dma_wait3A_212 = arith.constant 121 : i32
    %dma_wait3A_213 = arith.constant 0 : i32
    %dma_wait3A_214 = tpu.memref_slice %arg10[%dma_wait3A_212, %dma_wait3A_213] : memref<125x80xi32, #tpu.memory_space<vmem>> -> memref<1x80xi32, #tpu.memory_space<vmem>>
    %dma_wait3A_215 = tpu.memref_squeeze %dma_wait3A_214 : memref<1x80xi32, #tpu.memory_space<vmem>> -> memref<80xi32, #tpu.memory_space<vmem>>
    %dma_wait3A_216 = arith.constant 0 : i32
    %dma_wait3A_217 = arith.constant 0 : i32
    %dma_wait3A_218 = tpu.memref_slice %arg16[%dma_wait3A_216, %dma_wait3A_217] : memref<10000x64xf32, #tpu.memory_space<vmem_shared>> -> memref<10000x64xf32, #tpu.memory_space<vmem_shared>>
    tpu.wait_indirect_dma semaphore(%arg23 : memref<!tpu.dma_semaphore, #tpu.memory_space<semaphore_mem>>) src(%arg12 : memref<80x64xf32, #tpu.memory_space<vmem>>) dst(%dma_wait3A_218 : memref<10000x64xf32, #tpu.memory_space<vmem_shared>>)
    %dma_wait3A_219 = arith.constant 121 : i32
    %dma_wait3A_220 = arith.constant 0 : i32
    %dma_wait3A_221 = tpu.memref_slice %arg10[%dma_wait3A_219, %dma_wait3A_220] : memref<125x80xi32, #tpu.memory_space<vmem>> -> memref<1x80xi32, #tpu.memory_space<vmem>>
    %dma_wait3A_222 = tpu.memref_squeeze %dma_wait3A_221 : memref<1x80xi32, #tpu.memory_space<vmem>> -> memref<80xi32, #tpu.memory_space<vmem>>
    %dma_wait3A_223 = arith.constant 0 : i32
    %dma_wait3A_224 = arith.constant 0 : i32
    %dma_wait3A_225 = tpu.memref_slice %arg29[%dma_wait3A_223, %dma_wait3A_224] : memref<10000x16xf32, #tpu.memory_space<vmem_shared>> -> memref<10000x16xf32, #tpu.memory_space<vmem_shared>>
    tpu.wait_indirect_dma semaphore(%arg31 : memref<!tpu.dma_semaphore, #tpu.memory_space<semaphore_mem>>) src(%arg28 : memref<80x16xf32, #tpu.memory_space<vmem>>) dst(%dma_wait3A_225 : memref<10000x16xf32, #tpu.memory_space<vmem_shared>>)
    %dma_wait3A_226 = arith.constant 122 : i32
    %dma_wait3A_227 = arith.constant 0 : i32
    %dma_wait3A_228 = tpu.memref_slice %arg10[%dma_wait3A_226, %dma_wait3A_227] : memref<125x80xi32, #tpu.memory_space<vmem>> -> memref<1x80xi32, #tpu.memory_space<vmem>>
    %dma_wait3A_229 = tpu.memref_squeeze %dma_wait3A_228 : memref<1x80xi32, #tpu.memory_space<vmem>> -> memref<80xi32, #tpu.memory_space<vmem>>
    %dma_wait3A_230 = arith.constant 0 : i32
    %dma_wait3A_231 = arith.constant 0 : i32
    %dma_wait3A_232 = tpu.memref_slice %arg16[%dma_wait3A_230, %dma_wait3A_231] : memref<10000x64xf32, #tpu.memory_space<vmem_shared>> -> memref<10000x64xf32, #tpu.memory_space<vmem_shared>>
    tpu.wait_indirect_dma semaphore(%arg24 : memref<!tpu.dma_semaphore, #tpu.memory_space<semaphore_mem>>) src(%arg13 : memref<80x64xf32, #tpu.memory_space<vmem>>) dst(%dma_wait3A_232 : memref<10000x64xf32, #tpu.memory_space<vmem_shared>>)
    %dma_wait3A_233 = arith.constant 122 : i32
    %dma_wait3A_234 = arith.constant 0 : i32
    %dma_wait3A_235 = tpu.memref_slice %arg10[%dma_wait3A_233, %dma_wait3A_234] : memref<125x80xi32, #tpu.memory_space<vmem>> -> memref<1x80xi32, #tpu.memory_space<vmem>>
    %dma_wait3A_236 = tpu.memref_squeeze %dma_wait3A_235 : memref<1x80xi32, #tpu.memory_space<vmem>> -> memref<80xi32, #tpu.memory_space<vmem>>
    %dma_wait3A_237 = arith.constant 0 : i32
    %dma_wait3A_238 = arith.constant 0 : i32
    %dma_wait3A_239 = tpu.memref_slice %arg29[%dma_wait3A_237, %dma_wait3A_238] : memref<10000x16xf32, #tpu.memory_space<vmem_shared>> -> memref<10000x16xf32, #tpu.memory_space<vmem_shared>>
    tpu.wait_indirect_dma semaphore(%arg32 : memref<!tpu.dma_semaphore, #tpu.memory_space<semaphore_mem>>) src(%arg28 : memref<80x16xf32, #tpu.memory_space<vmem>>) dst(%dma_wait3A_239 : memref<10000x16xf32, #tpu.memory_space<vmem_shared>>)
    %dma_wait3A_240 = arith.constant 123 : i32
    %dma_wait3A_241 = arith.constant 0 : i32
    %dma_wait3A_242 = tpu.memref_slice %arg10[%dma_wait3A_240, %dma_wait3A_241] : memref<125x80xi32, #tpu.memory_space<vmem>> -> memref<1x80xi32, #tpu.memory_space<vmem>>
    %dma_wait3A_243 = tpu.memref_squeeze %dma_wait3A_242 : memref<1x80xi32, #tpu.memory_space<vmem>> -> memref<80xi32, #tpu.memory_space<vmem>>
    %dma_wait3A_244 = arith.constant 0 : i32
    %dma_wait3A_245 = arith.constant 0 : i32
    %dma_wait3A_246 = tpu.memref_slice %arg16[%dma_wait3A_244, %dma_wait3A_245] : memref<10000x64xf32, #tpu.memory_space<vmem_shared>> -> memref<10000x64xf32, #tpu.memory_space<vmem_shared>>
    tpu.wait_indirect_dma semaphore(%arg25 : memref<!tpu.dma_semaphore, #tpu.memory_space<semaphore_mem>>) src(%arg14 : memref<80x64xf32, #tpu.memory_space<vmem>>) dst(%dma_wait3A_246 : memref<10000x64xf32, #tpu.memory_space<vmem_shared>>)
    %dma_wait3A_247 = arith.constant 123 : i32
    %dma_wait3A_248 = arith.constant 0 : i32
    %dma_wait3A_249 = tpu.memref_slice %arg10[%dma_wait3A_247, %dma_wait3A_248] : memref<125x80xi32, #tpu.memory_space<vmem>> -> memref<1x80xi32, #tpu.memory_space<vmem>>
    %dma_wait3A_250 = tpu.memref_squeeze %dma_wait3A_249 : memref<1x80xi32, #tpu.memory_space<vmem>> -> memref<80xi32, #tpu.memory_space<vmem>>
    %dma_wait3A_251 = arith.constant 0 : i32
    %dma_wait3A_252 = arith.constant 0 : i32
    %dma_wait3A_253 = tpu.memref_slice %arg29[%dma_wait3A_251, %dma_wait3A_252] : memref<10000x16xf32, #tpu.memory_space<vmem_shared>> -> memref<10000x16xf32, #tpu.memory_space<vmem_shared>>
    tpu.wait_indirect_dma semaphore(%arg33 : memref<!tpu.dma_semaphore, #tpu.memory_space<semaphore_mem>>) src(%arg28 : memref<80x16xf32, #tpu.memory_space<vmem>>) dst(%dma_wait3A_253 : memref<10000x16xf32, #tpu.memory_space<vmem_shared>>)
    %dma_wait3A_254 = arith.constant 124 : i32
    %dma_wait3A_255 = arith.constant 0 : i32
    %dma_wait3A_256 = tpu.memref_slice %arg10[%dma_wait3A_254, %dma_wait3A_255] : memref<125x80xi32, #tpu.memory_space<vmem>> -> memref<1x80xi32, #tpu.memory_space<vmem>>
    %dma_wait3A_257 = tpu.memref_squeeze %dma_wait3A_256 : memref<1x80xi32, #tpu.memory_space<vmem>> -> memref<80xi32, #tpu.memory_space<vmem>>
    %dma_wait3A_258 = arith.constant 0 : i32
    %dma_wait3A_259 = arith.constant 0 : i32
    %dma_wait3A_260 = tpu.memref_slice %arg16[%dma_wait3A_258, %dma_wait3A_259] : memref<10000x64xf32, #tpu.memory_space<vmem_shared>> -> memref<10000x64xf32, #tpu.memory_space<vmem_shared>>
    tpu.wait_indirect_dma semaphore(%arg26 : memref<!tpu.dma_semaphore, #tpu.memory_space<semaphore_mem>>) src(%arg15 : memref<80x64xf32, #tpu.memory_space<vmem>>) dst(%dma_wait3A_260 : memref<10000x64xf32, #tpu.memory_space<vmem_shared>>)
    %dma_wait3A_261 = arith.constant 124 : i32
    %dma_wait3A_262 = arith.constant 0 : i32
    %dma_wait3A_263 = tpu.memref_slice %arg10[%dma_wait3A_261, %dma_wait3A_262] : memref<125x80xi32, #tpu.memory_space<vmem>> -> memref<1x80xi32, #tpu.memory_space<vmem>>
    %dma_wait3A_264 = tpu.memref_squeeze %dma_wait3A_263 : memref<1x80xi32, #tpu.memory_space<vmem>> -> memref<80xi32, #tpu.memory_space<vmem>>
    %dma_wait3A_265 = arith.constant 0 : i32
    %dma_wait3A_266 = arith.constant 0 : i32
    %dma_wait3A_267 = tpu.memref_slice %arg29[%dma_wait3A_265, %dma_wait3A_266] : memref<10000x16xf32, #tpu.memory_space<vmem_shared>> -> memref<10000x16xf32, #tpu.memory_space<vmem_shared>>
    tpu.wait_indirect_dma semaphore(%arg34 : memref<!tpu.dma_semaphore, #tpu.memory_space<semaphore_mem>>) src(%arg28 : memref<80x16xf32, #tpu.memory_space<vmem>>) dst(%dma_wait3A_267 : memref<10000x16xf32, #tpu.memory_space<vmem_shared>>)
    %barrier3A_268 = arith.constant 0 : index
    tpu.barrier barrier_id(%barrier3A_268)
    %lt3A_269 = arith.constant 15 : i32
    %lt3A_270 = arith.cmpi slt, %arg1, %lt3A_269 : i32
    %convert_element_type3A_271 = arith.extui %lt3A_270 : i1 to i32
    %cond3A_272 = arith.constant 0 : i32
    %cond3A_273 = arith.cmpi ne, %convert_element_type3A_271, %cond3A_272 : i32
    scf.if %cond3A_273 {
      "tpu.region"() ({
        %run_scoped3A = tpu.sem_alloc : memref<!tpu.dma_semaphore, #tpu.memory_space<semaphore_mem>>
        %dma_start3A_289 = arith.constant 0 : i32
        %dma_start3A_290 = tpu.memref_slice %arg7[%arg0, %multiple_of3A, %dma_start3A_289] : memref<2x10000x128xf32, #tpu.memory_space<hbm>> -> memref<1x624x64xf32, #tpu.memory_space<hbm>>
        %dma_start3A_291 = tpu.memref_squeeze %dma_start3A_290 : memref<1x624x64xf32, #tpu.memory_space<hbm>> -> memref<624x64xf32, #tpu.memory_space<hbm>>
        %dma_start3A_292 = arith.constant 0 : i32
        %dma_start3A_293 = tpu.memref_slice %arg16[%multiple_of3A, %dma_start3A_292] : memref<10000x64xf32, #tpu.memory_space<vmem_shared>> -> memref<624x64xf32, #tpu.memory_space<vmem_shared>>
        tpu.enqueue_dma source(%dma_start3A_293 : memref<624x64xf32, #tpu.memory_space<vmem_shared>>) target(%dma_start3A_291 : memref<624x64xf32, #tpu.memory_space<hbm>>) target_semaphore(%run_scoped3A : memref<!tpu.dma_semaphore, #tpu.memory_space<semaphore_mem>>)
        %dma_wait3A_294 = arith.constant 0 : i32
        %dma_wait3A_295 = tpu.memref_slice %arg7[%arg0, %multiple_of3A, %dma_wait3A_294] : memref<2x10000x128xf32, #tpu.memory_space<hbm>> -> memref<1x624x64xf32, #tpu.memory_space<hbm>>
        %dma_wait3A_296 = tpu.memref_squeeze %dma_wait3A_295 : memref<1x624x64xf32, #tpu.memory_space<hbm>> -> memref<624x64xf32, #tpu.memory_space<hbm>>
        %dma_wait3A_297 = arith.constant 0 : i32
        %dma_wait3A_298 = tpu.memref_slice %arg16[%multiple_of3A, %dma_wait3A_297] : memref<10000x64xf32, #tpu.memory_space<vmem_shared>> -> memref<624x64xf32, #tpu.memory_space<vmem_shared>>
        tpu.wait_dma2 semaphore(%run_scoped3A : memref<!tpu.dma_semaphore, #tpu.memory_space<semaphore_mem>>) src(%dma_wait3A_298 : memref<624x64xf32, #tpu.memory_space<vmem_shared>>) dst(%dma_wait3A_296 : memref<624x64xf32, #tpu.memory_space<hbm>>)
        tpu.yield
      }) : () -> ()
    } else {
    }
    %eq3A_274 = arith.constant 15 : i32
    %eq3A_275 = arith.cmpi eq, %arg1, %eq3A_274 : i32
    %convert_element_type3A_276 = arith.extui %eq3A_275 : i1 to i32
    %cond3A_277 = arith.constant 0 : i32
    %cond3A_278 = arith.cmpi ne, %convert_element_type3A_276, %cond3A_277 : i32
    scf.if %cond3A_278 {
      "tpu.region"() ({
        %run_scoped3A = tpu.sem_alloc : memref<!tpu.dma_semaphore, #tpu.memory_space<semaphore_mem>>
        %dma_start3A_289 = arith.constant 9360 : i32
        %dma_start3A_290 = arith.constant 0 : i32
        %dma_start3A_291 = tpu.memref_slice %arg7[%arg0, %dma_start3A_289, %dma_start3A_290] : memref<2x10000x128xf32, #tpu.memory_space<hbm>> -> memref<1x640x64xf32, #tpu.memory_space<hbm>>
        %dma_start3A_292 = tpu.memref_squeeze %dma_start3A_291 : memref<1x640x64xf32, #tpu.memory_space<hbm>> -> memref<640x64xf32, #tpu.memory_space<hbm>>
        %dma_start3A_293 = arith.constant 9360 : i32
        %dma_start3A_294 = arith.constant 0 : i32
        %dma_start3A_295 = tpu.memref_slice %arg16[%dma_start3A_293, %dma_start3A_294] : memref<10000x64xf32, #tpu.memory_space<vmem_shared>> -> memref<640x64xf32, #tpu.memory_space<vmem_shared>>
        tpu.enqueue_dma source(%dma_start3A_295 : memref<640x64xf32, #tpu.memory_space<vmem_shared>>) target(%dma_start3A_292 : memref<640x64xf32, #tpu.memory_space<hbm>>) target_semaphore(%run_scoped3A : memref<!tpu.dma_semaphore, #tpu.memory_space<semaphore_mem>>)
        %dma_wait3A_296 = arith.constant 9360 : i32
        %dma_wait3A_297 = arith.constant 0 : i32
        %dma_wait3A_298 = tpu.memref_slice %arg7[%arg0, %dma_wait3A_296, %dma_wait3A_297] : memref<2x10000x128xf32, #tpu.memory_space<hbm>> -> memref<1x640x64xf32, #tpu.memory_space<hbm>>
        %dma_wait3A_299 = tpu.memref_squeeze %dma_wait3A_298 : memref<1x640x64xf32, #tpu.memory_space<hbm>> -> memref<640x64xf32, #tpu.memory_space<hbm>>
        %dma_wait3A_300 = arith.constant 9360 : i32
        %dma_wait3A_301 = arith.constant 0 : i32
        %dma_wait3A_302 = tpu.memref_slice %arg16[%dma_wait3A_300, %dma_wait3A_301] : memref<10000x64xf32, #tpu.memory_space<vmem_shared>> -> memref<640x64xf32, #tpu.memory_space<vmem_shared>>
        tpu.wait_dma2 semaphore(%run_scoped3A : memref<!tpu.dma_semaphore, #tpu.memory_space<semaphore_mem>>) src(%dma_wait3A_302 : memref<640x64xf32, #tpu.memory_space<vmem_shared>>) dst(%dma_wait3A_299 : memref<640x64xf32, #tpu.memory_space<hbm>>)
        tpu.yield
      }) : () -> ()
    } else {
    }
    %lt3A_279 = arith.constant 15 : i32
    %lt3A_280 = arith.cmpi slt, %arg1, %lt3A_279 : i32
    %convert_element_type3A_281 = arith.extui %lt3A_280 : i1 to i32
    %cond3A_282 = arith.constant 0 : i32
    %cond3A_283 = arith.cmpi ne, %convert_element_type3A_281, %cond3A_282 : i32
    scf.if %cond3A_283 {
      "tpu.region"() ({
        %run_scoped3A = tpu.sem_alloc : memref<!tpu.dma_semaphore, #tpu.memory_space<semaphore_mem>>
        %dma_start3A_289 = arith.constant 0 : i32
        %dma_start3A_290 = tpu.memref_slice %arg8[%arg0, %multiple_of3A, %dma_start3A_289] : memref<2x10000x128xf32, #tpu.memory_space<hbm>> -> memref<1x624x16xf32, #tpu.memory_space<hbm>>
        %dma_start3A_291 = tpu.memref_squeeze %dma_start3A_290 : memref<1x624x16xf32, #tpu.memory_space<hbm>> -> memref<624x16xf32, #tpu.memory_space<hbm>>
        %dma_start3A_292 = arith.constant 0 : i32
        %dma_start3A_293 = tpu.memref_slice %arg29[%multiple_of3A, %dma_start3A_292] : memref<10000x16xf32, #tpu.memory_space<vmem_shared>> -> memref<624x16xf32, #tpu.memory_space<vmem_shared>>
        tpu.enqueue_dma source(%dma_start3A_293 : memref<624x16xf32, #tpu.memory_space<vmem_shared>>) target(%dma_start3A_291 : memref<624x16xf32, #tpu.memory_space<hbm>>) target_semaphore(%run_scoped3A : memref<!tpu.dma_semaphore, #tpu.memory_space<semaphore_mem>>)
        %dma_wait3A_294 = arith.constant 0 : i32
        %dma_wait3A_295 = tpu.memref_slice %arg8[%arg0, %multiple_of3A, %dma_wait3A_294] : memref<2x10000x128xf32, #tpu.memory_space<hbm>> -> memref<1x624x16xf32, #tpu.memory_space<hbm>>
        %dma_wait3A_296 = tpu.memref_squeeze %dma_wait3A_295 : memref<1x624x16xf32, #tpu.memory_space<hbm>> -> memref<624x16xf32, #tpu.memory_space<hbm>>
        %dma_wait3A_297 = arith.constant 0 : i32
        %dma_wait3A_298 = tpu.memref_slice %arg29[%multiple_of3A, %dma_wait3A_297] : memref<10000x16xf32, #tpu.memory_space<vmem_shared>> -> memref<624x16xf32, #tpu.memory_space<vmem_shared>>
        tpu.wait_dma2 semaphore(%run_scoped3A : memref<!tpu.dma_semaphore, #tpu.memory_space<semaphore_mem>>) src(%dma_wait3A_298 : memref<624x16xf32, #tpu.memory_space<vmem_shared>>) dst(%dma_wait3A_296 : memref<624x16xf32, #tpu.memory_space<hbm>>)
        tpu.yield
      }) : () -> ()
    } else {
    }
    %eq3A_284 = arith.constant 15 : i32
    %eq3A_285 = arith.cmpi eq, %arg1, %eq3A_284 : i32
    %convert_element_type3A_286 = arith.extui %eq3A_285 : i1 to i32
    %cond3A_287 = arith.constant 0 : i32
    %cond3A_288 = arith.cmpi ne, %convert_element_type3A_286, %cond3A_287 : i32
    scf.if %cond3A_288 {
      "tpu.region"() ({
        %run_scoped3A = tpu.sem_alloc : memref<!tpu.dma_semaphore, #tpu.memory_space<semaphore_mem>>
        %dma_start3A_289 = arith.constant 9360 : i32
        %dma_start3A_290 = arith.constant 0 : i32
        %dma_start3A_291 = tpu.memref_slice %arg8[%arg0, %dma_start3A_289, %dma_start3A_290] : memref<2x10000x128xf32, #tpu.memory_space<hbm>> -> memref<1x640x16xf32, #tpu.memory_space<hbm>>
        %dma_start3A_292 = tpu.memref_squeeze %dma_start3A_291 : memref<1x640x16xf32, #tpu.memory_space<hbm>> -> memref<640x16xf32, #tpu.memory_space<hbm>>
        %dma_start3A_293 = arith.constant 9360 : i32
        %dma_start3A_294 = arith.constant 0 : i32
        %dma_start3A_295 = tpu.memref_slice %arg29[%dma_start3A_293, %dma_start3A_294] : memref<10000x16xf32, #tpu.memory_space<vmem_shared>> -> memref<640x16xf32, #tpu.memory_space<vmem_shared>>
        tpu.enqueue_dma source(%dma_start3A_295 : memref<640x16xf32, #tpu.memory_space<vmem_shared>>) target(%dma_start3A_292 : memref<640x16xf32, #tpu.memory_space<hbm>>) target_semaphore(%run_scoped3A : memref<!tpu.dma_semaphore, #tpu.memory_space<semaphore_mem>>)
        %dma_wait3A_296 = arith.constant 9360 : i32
        %dma_wait3A_297 = arith.constant 0 : i32
        %dma_wait3A_298 = tpu.memref_slice %arg8[%arg0, %dma_wait3A_296, %dma_wait3A_297] : memref<2x10000x128xf32, #tpu.memory_space<hbm>> -> memref<1x640x16xf32, #tpu.memory_space<hbm>>
        %dma_wait3A_299 = tpu.memref_squeeze %dma_wait3A_298 : memref<1x640x16xf32, #tpu.memory_space<hbm>> -> memref<640x16xf32, #tpu.memory_space<hbm>>
        %dma_wait3A_300 = arith.constant 9360 : i32
        %dma_wait3A_301 = arith.constant 0 : i32
        %dma_wait3A_302 = tpu.memref_slice %arg29[%dma_wait3A_300, %dma_wait3A_301] : memref<10000x16xf32, #tpu.memory_space<vmem_shared>> -> memref<640x16xf32, #tpu.memory_space<vmem_shared>>
        tpu.wait_dma2 semaphore(%run_scoped3A : memref<!tpu.dma_semaphore, #tpu.memory_space<semaphore_mem>>) src(%dma_wait3A_302 : memref<640x16xf32, #tpu.memory_space<vmem_shared>>) dst(%dma_wait3A_299 : memref<640x16xf32, #tpu.memory_space<hbm>>)
        tpu.yield
      }) : () -> ()
    } else {
    }
    return
  }
}

#map = affine_map<(d0, d1) -> (0, 0)>
#map1 = affine_map<(d0, d1) -> (0, 0, 0)>
module attributes {stable_mosaic.version = 14 : i64} {
  func.func @k(%arg0: i32, %arg1: i32, %arg2: memref<20000x64xf32, #tpu.memory_space<hbm>>, %arg3: memref<32x125x80xi32, #tpu.memory_space<hbm>>, %arg4: memref<32x125x80xi32, #tpu.memory_space<hbm>>, %arg5: memref<10000x64xf32, #tpu.memory_space<hbm>>, %arg6: memref<2x10000x128xf32, #tpu.memory_space<hbm>>, %arg7: memref<125x80xi32, #tpu.memory_space<vmem>>, %arg8: memref<125x80xi32, #tpu.memory_space<vmem>>, %arg9: memref<80x64xf32, #tpu.memory_space<vmem>>, %arg10: memref<80x64xf32, #tpu.memory_space<vmem>>, %arg11: memref<80x64xf32, #tpu.memory_space<vmem>>, %arg12: memref<80x64xf32, #tpu.memory_space<vmem>>, %arg13: memref<80x64xf32, #tpu.memory_space<vmem>>, %arg14: memref<10000x64xf32, #tpu.memory_space<vmem_shared>>, %arg15: memref<!tpu.dma_semaphore, #tpu.memory_space<semaphore_mem>>, %arg16: memref<!tpu.dma_semaphore, #tpu.memory_space<semaphore_mem>>, %arg17: memref<!tpu.dma_semaphore, #tpu.memory_space<semaphore_mem>>, %arg18: memref<!tpu.dma_semaphore, #tpu.memory_space<semaphore_mem>>, %arg19: memref<!tpu.dma_semaphore, #tpu.memory_space<semaphore_mem>>, %arg20: memref<!tpu.dma_semaphore, #tpu.memory_space<semaphore_mem>>, %arg21: memref<!tpu.dma_semaphore, #tpu.memory_space<semaphore_mem>>, %arg22: memref<!tpu.dma_semaphore, #tpu.memory_space<semaphore_mem>>, %arg23: memref<!tpu.dma_semaphore, #tpu.memory_space<semaphore_mem>>, %arg24: memref<!tpu.dma_semaphore, #tpu.memory_space<semaphore_mem>>, %arg25: memref<!tpu.dma_semaphore, #tpu.memory_space<semaphore_mem>>) attributes {dimension_semantics = [#tpu.dimension_semantics<core_parallel>, #tpu.dimension_semantics<subcore_parallel>], iteration_bounds = array<i64: 2, 16>, scalar_prefetch = 0 : i64, scratch_operands = 19 : i64, tpu.core_type = #tpu.core_type<sc_vector_subcore>, window_params = [{transform_indices = #map}, {transform_indices = #map1}, {transform_indices = #map1}, {transform_indices = #map}, {transform_indices = #map1}]} {
    %mul3A = arith.constant 2 : i32
    %mul3A_0 = arith.muli %arg1, %mul3A : i32
    %add3A = arith.addi %mul3A_0, %arg0 : i32
    %mul3A_1 = arith.constant 624 : i32
    %mul3A_2 = arith.muli %arg1, %mul3A_1 : i32
    %multiple_of3A = tpu.assume_multiple %mul3A_2, 8 : i32
    %dma_start3A = arith.constant 0 : i32
    %dma_start3A_3 = arith.constant 0 : i32
    %dma_start3A_4 = tpu.memref_slice %arg3[%add3A, %dma_start3A, %dma_start3A_3] : memref<32x125x80xi32, #tpu.memory_space<hbm>> -> memref<1x125x80xi32, #tpu.memory_space<hbm>>
    %dma_start3A_5 = tpu.memref_squeeze %dma_start3A_4 : memref<1x125x80xi32, #tpu.memory_space<hbm>> -> memref<125x80xi32, #tpu.memory_space<hbm>>
    %dma_start3A_6 = arith.constant 0 : i32
    %dma_start3A_7 = arith.constant 0 : i32
    %dma_start3A_8 = tpu.memref_slice %arg3[%add3A, %dma_start3A_6, %dma_start3A_7] : memref<32x125x80xi32, #tpu.memory_space<hbm>> -> memref<1x125x80xi32, #tpu.memory_space<hbm>>
    %dma_start3A_9 = tpu.memref_squeeze %dma_start3A_8 : memref<1x125x80xi32, #tpu.memory_space<hbm>> -> memref<125x80xi32, #tpu.memory_space<hbm>>
    tpu.enqueue_dma source(%dma_start3A_9 : memref<125x80xi32, #tpu.memory_space<hbm>>) target(%arg7 : memref<125x80xi32, #tpu.memory_space<vmem>>) target_semaphore(%arg25 : memref<!tpu.dma_semaphore, #tpu.memory_space<semaphore_mem>>)
    %dma_wait3A = arith.constant 0 : i32
    %dma_wait3A_10 = arith.constant 0 : i32
    %dma_wait3A_11 = tpu.memref_slice %arg3[%add3A, %dma_wait3A, %dma_wait3A_10] : memref<32x125x80xi32, #tpu.memory_space<hbm>> -> memref<1x125x80xi32, #tpu.memory_space<hbm>>
    %dma_wait3A_12 = tpu.memref_squeeze %dma_wait3A_11 : memref<1x125x80xi32, #tpu.memory_space<hbm>> -> memref<125x80xi32, #tpu.memory_space<hbm>>
    %dma_wait3A_13 = arith.constant 0 : i32
    %dma_wait3A_14 = arith.constant 0 : i32
    %dma_wait3A_15 = tpu.memref_slice %arg3[%add3A, %dma_wait3A_13, %dma_wait3A_14] : memref<32x125x80xi32, #tpu.memory_space<hbm>> -> memref<1x125x80xi32, #tpu.memory_space<hbm>>
    %dma_wait3A_16 = tpu.memref_squeeze %dma_wait3A_15 : memref<1x125x80xi32, #tpu.memory_space<hbm>> -> memref<125x80xi32, #tpu.memory_space<hbm>>
    tpu.wait_dma2 semaphore(%arg25 : memref<!tpu.dma_semaphore, #tpu.memory_space<semaphore_mem>>) src(%dma_wait3A_16 : memref<125x80xi32, #tpu.memory_space<hbm>>) dst(%arg7 : memref<125x80xi32, #tpu.memory_space<vmem>>)
    %dma_start3A_17 = arith.constant 0 : i32
    %dma_start3A_18 = arith.constant 0 : i32
    %dma_start3A_19 = tpu.memref_slice %arg4[%add3A, %dma_start3A_17, %dma_start3A_18] : memref<32x125x80xi32, #tpu.memory_space<hbm>> -> memref<1x125x80xi32, #tpu.memory_space<hbm>>
    %dma_start3A_20 = tpu.memref_squeeze %dma_start3A_19 : memref<1x125x80xi32, #tpu.memory_space<hbm>> -> memref<125x80xi32, #tpu.memory_space<hbm>>
    %dma_start3A_21 = arith.constant 0 : i32
    %dma_start3A_22 = arith.constant 0 : i32
    %dma_start3A_23 = tpu.memref_slice %arg4[%add3A, %dma_start3A_21, %dma_start3A_22] : memref<32x125x80xi32, #tpu.memory_space<hbm>> -> memref<1x125x80xi32, #tpu.memory_space<hbm>>
    %dma_start3A_24 = tpu.memref_squeeze %dma_start3A_23 : memref<1x125x80xi32, #tpu.memory_space<hbm>> -> memref<125x80xi32, #tpu.memory_space<hbm>>
    tpu.enqueue_dma source(%dma_start3A_24 : memref<125x80xi32, #tpu.memory_space<hbm>>) target(%arg8 : memref<125x80xi32, #tpu.memory_space<vmem>>) target_semaphore(%arg25 : memref<!tpu.dma_semaphore, #tpu.memory_space<semaphore_mem>>)
    %dma_start3A_25 = arith.constant 0 : i32
    %dma_start3A_26 = arith.constant 0 : i32
    %dma_start3A_27 = tpu.memref_slice %arg7[%dma_start3A_25, %dma_start3A_26] : memref<125x80xi32, #tpu.memory_space<vmem>> -> memref<1x80xi32, #tpu.memory_space<vmem>>
    %dma_start3A_28 = tpu.memref_squeeze %dma_start3A_27 : memref<1x80xi32, #tpu.memory_space<vmem>> -> memref<80xi32, #tpu.memory_space<vmem>>
    %dma_start3A_29 = arith.constant 0 : i32
    %dma_start3A_30 = arith.constant 0 : i32
    %dma_start3A_31 = tpu.memref_slice %arg2[%dma_start3A_29, %dma_start3A_30] : memref<20000x64xf32, #tpu.memory_space<hbm>> -> memref<20000x64xf32, #tpu.memory_space<hbm>>
    tpu.enqueue_indirect_dma source(%dma_start3A_31 : memref<20000x64xf32, #tpu.memory_space<hbm>>) target(%arg9 : memref<80x64xf32, #tpu.memory_space<vmem>>) offsets(%dma_start3A_28 : memref<80xi32, #tpu.memory_space<vmem>>) semaphore(%arg15 : memref<!tpu.dma_semaphore, #tpu.memory_space<semaphore_mem>>)
    %dma_start3A_32 = arith.constant 1 : i32
    %dma_start3A_33 = arith.constant 0 : i32
    %dma_start3A_34 = tpu.memref_slice %arg7[%dma_start3A_32, %dma_start3A_33] : memref<125x80xi32, #tpu.memory_space<vmem>> -> memref<1x80xi32, #tpu.memory_space<vmem>>
    %dma_start3A_35 = tpu.memref_squeeze %dma_start3A_34 : memref<1x80xi32, #tpu.memory_space<vmem>> -> memref<80xi32, #tpu.memory_space<vmem>>
    %dma_start3A_36 = arith.constant 0 : i32
    %dma_start3A_37 = arith.constant 0 : i32
    %dma_start3A_38 = tpu.memref_slice %arg2[%dma_start3A_36, %dma_start3A_37] : memref<20000x64xf32, #tpu.memory_space<hbm>> -> memref<20000x64xf32, #tpu.memory_space<hbm>>
    tpu.enqueue_indirect_dma source(%dma_start3A_38 : memref<20000x64xf32, #tpu.memory_space<hbm>>) target(%arg10 : memref<80x64xf32, #tpu.memory_space<vmem>>) offsets(%dma_start3A_35 : memref<80xi32, #tpu.memory_space<vmem>>) semaphore(%arg16 : memref<!tpu.dma_semaphore, #tpu.memory_space<semaphore_mem>>)
    %dma_start3A_39 = arith.constant 2 : i32
    %dma_start3A_40 = arith.constant 0 : i32
    %dma_start3A_41 = tpu.memref_slice %arg7[%dma_start3A_39, %dma_start3A_40] : memref<125x80xi32, #tpu.memory_space<vmem>> -> memref<1x80xi32, #tpu.memory_space<vmem>>
    %dma_start3A_42 = tpu.memref_squeeze %dma_start3A_41 : memref<1x80xi32, #tpu.memory_space<vmem>> -> memref<80xi32, #tpu.memory_space<vmem>>
    %dma_start3A_43 = arith.constant 0 : i32
    %dma_start3A_44 = arith.constant 0 : i32
    %dma_start3A_45 = tpu.memref_slice %arg2[%dma_start3A_43, %dma_start3A_44] : memref<20000x64xf32, #tpu.memory_space<hbm>> -> memref<20000x64xf32, #tpu.memory_space<hbm>>
    tpu.enqueue_indirect_dma source(%dma_start3A_45 : memref<20000x64xf32, #tpu.memory_space<hbm>>) target(%arg11 : memref<80x64xf32, #tpu.memory_space<vmem>>) offsets(%dma_start3A_42 : memref<80xi32, #tpu.memory_space<vmem>>) semaphore(%arg17 : memref<!tpu.dma_semaphore, #tpu.memory_space<semaphore_mem>>)
    %dma_start3A_46 = arith.constant 3 : i32
    %dma_start3A_47 = arith.constant 0 : i32
    %dma_start3A_48 = tpu.memref_slice %arg7[%dma_start3A_46, %dma_start3A_47] : memref<125x80xi32, #tpu.memory_space<vmem>> -> memref<1x80xi32, #tpu.memory_space<vmem>>
    %dma_start3A_49 = tpu.memref_squeeze %dma_start3A_48 : memref<1x80xi32, #tpu.memory_space<vmem>> -> memref<80xi32, #tpu.memory_space<vmem>>
    %dma_start3A_50 = arith.constant 0 : i32
    %dma_start3A_51 = arith.constant 0 : i32
    %dma_start3A_52 = tpu.memref_slice %arg2[%dma_start3A_50, %dma_start3A_51] : memref<20000x64xf32, #tpu.memory_space<hbm>> -> memref<20000x64xf32, #tpu.memory_space<hbm>>
    tpu.enqueue_indirect_dma source(%dma_start3A_52 : memref<20000x64xf32, #tpu.memory_space<hbm>>) target(%arg12 : memref<80x64xf32, #tpu.memory_space<vmem>>) offsets(%dma_start3A_49 : memref<80xi32, #tpu.memory_space<vmem>>) semaphore(%arg18 : memref<!tpu.dma_semaphore, #tpu.memory_space<semaphore_mem>>)
    %dma_start3A_53 = arith.constant 4 : i32
    %dma_start3A_54 = arith.constant 0 : i32
    %dma_start3A_55 = tpu.memref_slice %arg7[%dma_start3A_53, %dma_start3A_54] : memref<125x80xi32, #tpu.memory_space<vmem>> -> memref<1x80xi32, #tpu.memory_space<vmem>>
    %dma_start3A_56 = tpu.memref_squeeze %dma_start3A_55 : memref<1x80xi32, #tpu.memory_space<vmem>> -> memref<80xi32, #tpu.memory_space<vmem>>
    %dma_start3A_57 = arith.constant 0 : i32
    %dma_start3A_58 = arith.constant 0 : i32
    %dma_start3A_59 = tpu.memref_slice %arg2[%dma_start3A_57, %dma_start3A_58] : memref<20000x64xf32, #tpu.memory_space<hbm>> -> memref<20000x64xf32, #tpu.memory_space<hbm>>
    tpu.enqueue_indirect_dma source(%dma_start3A_59 : memref<20000x64xf32, #tpu.memory_space<hbm>>) target(%arg13 : memref<80x64xf32, #tpu.memory_space<vmem>>) offsets(%dma_start3A_56 : memref<80xi32, #tpu.memory_space<vmem>>) semaphore(%arg19 : memref<!tpu.dma_semaphore, #tpu.memory_space<semaphore_mem>>)
    %lt3A = arith.constant 15 : i32
    %lt3A_60 = arith.cmpi slt, %arg1, %lt3A : i32
    %convert_element_type3A = arith.extui %lt3A_60 : i1 to i32
    %cond3A = arith.constant 0 : i32
    %cond3A_61 = arith.cmpi ne, %convert_element_type3A, %cond3A : i32
    scf.if %cond3A_61 {
      "tpu.region"() ({
        %run_scoped3A = tpu.sem_alloc : memref<!tpu.dma_semaphore, #tpu.memory_space<semaphore_mem>>
        %dma_start3A_194 = arith.constant 0 : i32
        %dma_start3A_195 = tpu.memref_slice %arg14[%multiple_of3A, %dma_start3A_194] : memref<10000x64xf32, #tpu.memory_space<vmem_shared>> -> memref<624x64xf32, #tpu.memory_space<vmem_shared>>
        %dma_start3A_196 = arith.constant 0 : i32
        %dma_start3A_197 = tpu.memref_slice %arg5[%multiple_of3A, %dma_start3A_196] : memref<10000x64xf32, #tpu.memory_space<hbm>> -> memref<624x64xf32, #tpu.memory_space<hbm>>
        tpu.enqueue_dma source(%dma_start3A_197 : memref<624x64xf32, #tpu.memory_space<hbm>>) target(%dma_start3A_195 : memref<624x64xf32, #tpu.memory_space<vmem_shared>>) target_semaphore(%run_scoped3A : memref<!tpu.dma_semaphore, #tpu.memory_space<semaphore_mem>>)
        %dma_wait3A_198 = arith.constant 0 : i32
        %dma_wait3A_199 = tpu.memref_slice %arg14[%multiple_of3A, %dma_wait3A_198] : memref<10000x64xf32, #tpu.memory_space<vmem_shared>> -> memref<624x64xf32, #tpu.memory_space<vmem_shared>>
        %dma_wait3A_200 = arith.constant 0 : i32
        %dma_wait3A_201 = tpu.memref_slice %arg5[%multiple_of3A, %dma_wait3A_200] : memref<10000x64xf32, #tpu.memory_space<hbm>> -> memref<624x64xf32, #tpu.memory_space<hbm>>
        tpu.wait_dma2 semaphore(%run_scoped3A : memref<!tpu.dma_semaphore, #tpu.memory_space<semaphore_mem>>) src(%dma_wait3A_201 : memref<624x64xf32, #tpu.memory_space<hbm>>) dst(%dma_wait3A_199 : memref<624x64xf32, #tpu.memory_space<vmem_shared>>)
        tpu.yield
      }) : () -> ()
    } else {
    }
    %eq3A = arith.constant 15 : i32
    %eq3A_62 = arith.cmpi eq, %arg1, %eq3A : i32
    %convert_element_type3A_63 = arith.extui %eq3A_62 : i1 to i32
    %cond3A_64 = arith.constant 0 : i32
    %cond3A_65 = arith.cmpi ne, %convert_element_type3A_63, %cond3A_64 : i32
    scf.if %cond3A_65 {
      "tpu.region"() ({
        %run_scoped3A = tpu.sem_alloc : memref<!tpu.dma_semaphore, #tpu.memory_space<semaphore_mem>>
        %dma_start3A_194 = arith.constant 9360 : i32
        %dma_start3A_195 = arith.constant 0 : i32
        %dma_start3A_196 = tpu.memref_slice %arg14[%dma_start3A_194, %dma_start3A_195] : memref<10000x64xf32, #tpu.memory_space<vmem_shared>> -> memref<640x64xf32, #tpu.memory_space<vmem_shared>>
        %dma_start3A_197 = arith.constant 9360 : i32
        %dma_start3A_198 = arith.constant 0 : i32
        %dma_start3A_199 = tpu.memref_slice %arg5[%dma_start3A_197, %dma_start3A_198] : memref<10000x64xf32, #tpu.memory_space<hbm>> -> memref<640x64xf32, #tpu.memory_space<hbm>>
        tpu.enqueue_dma source(%dma_start3A_199 : memref<640x64xf32, #tpu.memory_space<hbm>>) target(%dma_start3A_196 : memref<640x64xf32, #tpu.memory_space<vmem_shared>>) target_semaphore(%run_scoped3A : memref<!tpu.dma_semaphore, #tpu.memory_space<semaphore_mem>>)
        %dma_wait3A_200 = arith.constant 9360 : i32
        %dma_wait3A_201 = arith.constant 0 : i32
        %dma_wait3A_202 = tpu.memref_slice %arg14[%dma_wait3A_200, %dma_wait3A_201] : memref<10000x64xf32, #tpu.memory_space<vmem_shared>> -> memref<640x64xf32, #tpu.memory_space<vmem_shared>>
        %dma_wait3A_203 = arith.constant 9360 : i32
        %dma_wait3A_204 = arith.constant 0 : i32
        %dma_wait3A_205 = tpu.memref_slice %arg5[%dma_wait3A_203, %dma_wait3A_204] : memref<10000x64xf32, #tpu.memory_space<hbm>> -> memref<640x64xf32, #tpu.memory_space<hbm>>
        tpu.wait_dma2 semaphore(%run_scoped3A : memref<!tpu.dma_semaphore, #tpu.memory_space<semaphore_mem>>) src(%dma_wait3A_205 : memref<640x64xf32, #tpu.memory_space<hbm>>) dst(%dma_wait3A_202 : memref<640x64xf32, #tpu.memory_space<vmem_shared>>)
        tpu.yield
      }) : () -> ()
    } else {
    }
    %dma_wait3A_66 = arith.constant 0 : i32
    %dma_wait3A_67 = arith.constant 0 : i32
    %dma_wait3A_68 = tpu.memref_slice %arg4[%add3A, %dma_wait3A_66, %dma_wait3A_67] : memref<32x125x80xi32, #tpu.memory_space<hbm>> -> memref<1x125x80xi32, #tpu.memory_space<hbm>>
    %dma_wait3A_69 = tpu.memref_squeeze %dma_wait3A_68 : memref<1x125x80xi32, #tpu.memory_space<hbm>> -> memref<125x80xi32, #tpu.memory_space<hbm>>
    %dma_wait3A_70 = arith.constant 0 : i32
    %dma_wait3A_71 = arith.constant 0 : i32
    %dma_wait3A_72 = tpu.memref_slice %arg4[%add3A, %dma_wait3A_70, %dma_wait3A_71] : memref<32x125x80xi32, #tpu.memory_space<hbm>> -> memref<1x125x80xi32, #tpu.memory_space<hbm>>
    %dma_wait3A_73 = tpu.memref_squeeze %dma_wait3A_72 : memref<1x125x80xi32, #tpu.memory_space<hbm>> -> memref<125x80xi32, #tpu.memory_space<hbm>>
    tpu.wait_dma2 semaphore(%arg25 : memref<!tpu.dma_semaphore, #tpu.memory_space<semaphore_mem>>) src(%dma_wait3A_73 : memref<125x80xi32, #tpu.memory_space<hbm>>) dst(%arg8 : memref<125x80xi32, #tpu.memory_space<vmem>>)
    %barrier3A = arith.constant 0 : index
    tpu.barrier barrier_id(%barrier3A)
    %scan3A = arith.constant 0 : i32
    %scan3A_74 = arith.constant 24 : i32
    %scan3A_75 = arith.addi %scan3A, %scan3A_74 : i32
    %scan3A_76 = arith.constant 1 : i32
    scf.for %scan3A_194 = %scan3A to %scan3A_75 step %scan3A_76  : i32 {
      %mul3A_195 = arith.constant 1 : i32
      %mul3A_196 = arith.muli %scan3A_194, %mul3A_195 : i32
      %add3A_197 = arith.constant 1 : i32
      %add3A_198 = arith.addi %add3A_197, %mul3A_196 : i32
      %sub3A = arith.constant 1 : i32
      %sub3A_199 = arith.subi %add3A_198, %sub3A : i32
      %mul3A_200 = arith.constant 5 : i32
      %mul3A_201 = arith.muli %sub3A_199, %mul3A_200 : i32
      %add3A_202 = arith.constant 0 : i32
      %add3A_203 = arith.addi %mul3A_201, %add3A_202 : i32
      %dma_wait3A_204 = arith.constant 0 : i32
      %dma_wait3A_205 = tpu.memref_slice %arg7[%add3A_203, %dma_wait3A_204] : memref<125x80xi32, #tpu.memory_space<vmem>> -> memref<1x80xi32, #tpu.memory_space<vmem>>
      %dma_wait3A_206 = tpu.memref_squeeze %dma_wait3A_205 : memref<1x80xi32, #tpu.memory_space<vmem>> -> memref<80xi32, #tpu.memory_space<vmem>>
      %dma_wait3A_207 = arith.constant 0 : i32
      %dma_wait3A_208 = arith.constant 0 : i32
      %dma_wait3A_209 = tpu.memref_slice %arg2[%dma_wait3A_207, %dma_wait3A_208] : memref<20000x64xf32, #tpu.memory_space<hbm>> -> memref<20000x64xf32, #tpu.memory_space<hbm>>
      tpu.wait_indirect_dma semaphore(%arg15 : memref<!tpu.dma_semaphore, #tpu.memory_space<semaphore_mem>>) src(%dma_wait3A_209 : memref<20000x64xf32, #tpu.memory_space<hbm>>) dst(%arg9 : memref<80x64xf32, #tpu.memory_space<vmem>>)
      %dma_start3A_210 = arith.constant 0 : i32
      %dma_start3A_211 = tpu.memref_slice %arg8[%add3A_203, %dma_start3A_210] : memref<125x80xi32, #tpu.memory_space<vmem>> -> memref<1x80xi32, #tpu.memory_space<vmem>>
      %dma_start3A_212 = tpu.memref_squeeze %dma_start3A_211 : memref<1x80xi32, #tpu.memory_space<vmem>> -> memref<80xi32, #tpu.memory_space<vmem>>
      %dma_start3A_213 = arith.constant 0 : i32
      %dma_start3A_214 = arith.constant 0 : i32
      %dma_start3A_215 = tpu.memref_slice %arg14[%dma_start3A_213, %dma_start3A_214] : memref<10000x64xf32, #tpu.memory_space<vmem_shared>> -> memref<10000x64xf32, #tpu.memory_space<vmem_shared>>
      tpu.enqueue_indirect_dma source(%arg9 : memref<80x64xf32, #tpu.memory_space<vmem>>) target(%dma_start3A_215 : memref<10000x64xf32, #tpu.memory_space<vmem_shared>>) offsets(%dma_start3A_212 : memref<80xi32, #tpu.memory_space<vmem>>) semaphore(%arg20 : memref<!tpu.dma_semaphore, #tpu.memory_space<semaphore_mem>>) {add = true}
      %sub3A_216 = arith.constant 1 : i32
      %sub3A_217 = arith.subi %add3A_198, %sub3A_216 : i32
      %mul3A_218 = arith.constant 5 : i32
      %mul3A_219 = arith.muli %sub3A_217, %mul3A_218 : i32
      %add3A_220 = arith.constant 1 : i32
      %add3A_221 = arith.addi %mul3A_219, %add3A_220 : i32
      %dma_wait3A_222 = arith.constant 0 : i32
      %dma_wait3A_223 = tpu.memref_slice %arg7[%add3A_221, %dma_wait3A_222] : memref<125x80xi32, #tpu.memory_space<vmem>> -> memref<1x80xi32, #tpu.memory_space<vmem>>
      %dma_wait3A_224 = tpu.memref_squeeze %dma_wait3A_223 : memref<1x80xi32, #tpu.memory_space<vmem>> -> memref<80xi32, #tpu.memory_space<vmem>>
      %dma_wait3A_225 = arith.constant 0 : i32
      %dma_wait3A_226 = arith.constant 0 : i32
      %dma_wait3A_227 = tpu.memref_slice %arg2[%dma_wait3A_225, %dma_wait3A_226] : memref<20000x64xf32, #tpu.memory_space<hbm>> -> memref<20000x64xf32, #tpu.memory_space<hbm>>
      tpu.wait_indirect_dma semaphore(%arg16 : memref<!tpu.dma_semaphore, #tpu.memory_space<semaphore_mem>>) src(%dma_wait3A_227 : memref<20000x64xf32, #tpu.memory_space<hbm>>) dst(%arg10 : memref<80x64xf32, #tpu.memory_space<vmem>>)
      %dma_start3A_228 = arith.constant 0 : i32
      %dma_start3A_229 = tpu.memref_slice %arg8[%add3A_221, %dma_start3A_228] : memref<125x80xi32, #tpu.memory_space<vmem>> -> memref<1x80xi32, #tpu.memory_space<vmem>>
      %dma_start3A_230 = tpu.memref_squeeze %dma_start3A_229 : memref<1x80xi32, #tpu.memory_space<vmem>> -> memref<80xi32, #tpu.memory_space<vmem>>
      %dma_start3A_231 = arith.constant 0 : i32
      %dma_start3A_232 = arith.constant 0 : i32
      %dma_start3A_233 = tpu.memref_slice %arg14[%dma_start3A_231, %dma_start3A_232] : memref<10000x64xf32, #tpu.memory_space<vmem_shared>> -> memref<10000x64xf32, #tpu.memory_space<vmem_shared>>
      tpu.enqueue_indirect_dma source(%arg10 : memref<80x64xf32, #tpu.memory_space<vmem>>) target(%dma_start3A_233 : memref<10000x64xf32, #tpu.memory_space<vmem_shared>>) offsets(%dma_start3A_230 : memref<80xi32, #tpu.memory_space<vmem>>) semaphore(%arg21 : memref<!tpu.dma_semaphore, #tpu.memory_space<semaphore_mem>>) {add = true}
      %sub3A_234 = arith.constant 1 : i32
      %sub3A_235 = arith.subi %add3A_198, %sub3A_234 : i32
      %mul3A_236 = arith.constant 5 : i32
      %mul3A_237 = arith.muli %sub3A_235, %mul3A_236 : i32
      %add3A_238 = arith.constant 2 : i32
      %add3A_239 = arith.addi %mul3A_237, %add3A_238 : i32
      %dma_wait3A_240 = arith.constant 0 : i32
      %dma_wait3A_241 = tpu.memref_slice %arg7[%add3A_239, %dma_wait3A_240] : memref<125x80xi32, #tpu.memory_space<vmem>> -> memref<1x80xi32, #tpu.memory_space<vmem>>
      %dma_wait3A_242 = tpu.memref_squeeze %dma_wait3A_241 : memref<1x80xi32, #tpu.memory_space<vmem>> -> memref<80xi32, #tpu.memory_space<vmem>>
      %dma_wait3A_243 = arith.constant 0 : i32
      %dma_wait3A_244 = arith.constant 0 : i32
      %dma_wait3A_245 = tpu.memref_slice %arg2[%dma_wait3A_243, %dma_wait3A_244] : memref<20000x64xf32, #tpu.memory_space<hbm>> -> memref<20000x64xf32, #tpu.memory_space<hbm>>
      tpu.wait_indirect_dma semaphore(%arg17 : memref<!tpu.dma_semaphore, #tpu.memory_space<semaphore_mem>>) src(%dma_wait3A_245 : memref<20000x64xf32, #tpu.memory_space<hbm>>) dst(%arg11 : memref<80x64xf32, #tpu.memory_space<vmem>>)
      %dma_start3A_246 = arith.constant 0 : i32
      %dma_start3A_247 = tpu.memref_slice %arg8[%add3A_239, %dma_start3A_246] : memref<125x80xi32, #tpu.memory_space<vmem>> -> memref<1x80xi32, #tpu.memory_space<vmem>>
      %dma_start3A_248 = tpu.memref_squeeze %dma_start3A_247 : memref<1x80xi32, #tpu.memory_space<vmem>> -> memref<80xi32, #tpu.memory_space<vmem>>
      %dma_start3A_249 = arith.constant 0 : i32
      %dma_start3A_250 = arith.constant 0 : i32
      %dma_start3A_251 = tpu.memref_slice %arg14[%dma_start3A_249, %dma_start3A_250] : memref<10000x64xf32, #tpu.memory_space<vmem_shared>> -> memref<10000x64xf32, #tpu.memory_space<vmem_shared>>
      tpu.enqueue_indirect_dma source(%arg11 : memref<80x64xf32, #tpu.memory_space<vmem>>) target(%dma_start3A_251 : memref<10000x64xf32, #tpu.memory_space<vmem_shared>>) offsets(%dma_start3A_248 : memref<80xi32, #tpu.memory_space<vmem>>) semaphore(%arg22 : memref<!tpu.dma_semaphore, #tpu.memory_space<semaphore_mem>>) {add = true}
      %sub3A_252 = arith.constant 1 : i32
      %sub3A_253 = arith.subi %add3A_198, %sub3A_252 : i32
      %mul3A_254 = arith.constant 5 : i32
      %mul3A_255 = arith.muli %sub3A_253, %mul3A_254 : i32
      %add3A_256 = arith.constant 3 : i32
      %add3A_257 = arith.addi %mul3A_255, %add3A_256 : i32
      %dma_wait3A_258 = arith.constant 0 : i32
      %dma_wait3A_259 = tpu.memref_slice %arg7[%add3A_257, %dma_wait3A_258] : memref<125x80xi32, #tpu.memory_space<vmem>> -> memref<1x80xi32, #tpu.memory_space<vmem>>
      %dma_wait3A_260 = tpu.memref_squeeze %dma_wait3A_259 : memref<1x80xi32, #tpu.memory_space<vmem>> -> memref<80xi32, #tpu.memory_space<vmem>>
      %dma_wait3A_261 = arith.constant 0 : i32
      %dma_wait3A_262 = arith.constant 0 : i32
      %dma_wait3A_263 = tpu.memref_slice %arg2[%dma_wait3A_261, %dma_wait3A_262] : memref<20000x64xf32, #tpu.memory_space<hbm>> -> memref<20000x64xf32, #tpu.memory_space<hbm>>
      tpu.wait_indirect_dma semaphore(%arg18 : memref<!tpu.dma_semaphore, #tpu.memory_space<semaphore_mem>>) src(%dma_wait3A_263 : memref<20000x64xf32, #tpu.memory_space<hbm>>) dst(%arg12 : memref<80x64xf32, #tpu.memory_space<vmem>>)
      %dma_start3A_264 = arith.constant 0 : i32
      %dma_start3A_265 = tpu.memref_slice %arg8[%add3A_257, %dma_start3A_264] : memref<125x80xi32, #tpu.memory_space<vmem>> -> memref<1x80xi32, #tpu.memory_space<vmem>>
      %dma_start3A_266 = tpu.memref_squeeze %dma_start3A_265 : memref<1x80xi32, #tpu.memory_space<vmem>> -> memref<80xi32, #tpu.memory_space<vmem>>
      %dma_start3A_267 = arith.constant 0 : i32
      %dma_start3A_268 = arith.constant 0 : i32
      %dma_start3A_269 = tpu.memref_slice %arg14[%dma_start3A_267, %dma_start3A_268] : memref<10000x64xf32, #tpu.memory_space<vmem_shared>> -> memref<10000x64xf32, #tpu.memory_space<vmem_shared>>
      tpu.enqueue_indirect_dma source(%arg12 : memref<80x64xf32, #tpu.memory_space<vmem>>) target(%dma_start3A_269 : memref<10000x64xf32, #tpu.memory_space<vmem_shared>>) offsets(%dma_start3A_266 : memref<80xi32, #tpu.memory_space<vmem>>) semaphore(%arg23 : memref<!tpu.dma_semaphore, #tpu.memory_space<semaphore_mem>>) {add = true}
      %sub3A_270 = arith.constant 1 : i32
      %sub3A_271 = arith.subi %add3A_198, %sub3A_270 : i32
      %mul3A_272 = arith.constant 5 : i32
      %mul3A_273 = arith.muli %sub3A_271, %mul3A_272 : i32
      %add3A_274 = arith.constant 4 : i32
      %add3A_275 = arith.addi %mul3A_273, %add3A_274 : i32
      %dma_wait3A_276 = arith.constant 0 : i32
      %dma_wait3A_277 = tpu.memref_slice %arg7[%add3A_275, %dma_wait3A_276] : memref<125x80xi32, #tpu.memory_space<vmem>> -> memref<1x80xi32, #tpu.memory_space<vmem>>
      %dma_wait3A_278 = tpu.memref_squeeze %dma_wait3A_277 : memref<1x80xi32, #tpu.memory_space<vmem>> -> memref<80xi32, #tpu.memory_space<vmem>>
      %dma_wait3A_279 = arith.constant 0 : i32
      %dma_wait3A_280 = arith.constant 0 : i32
      %dma_wait3A_281 = tpu.memref_slice %arg2[%dma_wait3A_279, %dma_wait3A_280] : memref<20000x64xf32, #tpu.memory_space<hbm>> -> memref<20000x64xf32, #tpu.memory_space<hbm>>
      tpu.wait_indirect_dma semaphore(%arg19 : memref<!tpu.dma_semaphore, #tpu.memory_space<semaphore_mem>>) src(%dma_wait3A_281 : memref<20000x64xf32, #tpu.memory_space<hbm>>) dst(%arg13 : memref<80x64xf32, #tpu.memory_space<vmem>>)
      %dma_start3A_282 = arith.constant 0 : i32
      %dma_start3A_283 = tpu.memref_slice %arg8[%add3A_275, %dma_start3A_282] : memref<125x80xi32, #tpu.memory_space<vmem>> -> memref<1x80xi32, #tpu.memory_space<vmem>>
      %dma_start3A_284 = tpu.memref_squeeze %dma_start3A_283 : memref<1x80xi32, #tpu.memory_space<vmem>> -> memref<80xi32, #tpu.memory_space<vmem>>
      %dma_start3A_285 = arith.constant 0 : i32
      %dma_start3A_286 = arith.constant 0 : i32
      %dma_start3A_287 = tpu.memref_slice %arg14[%dma_start3A_285, %dma_start3A_286] : memref<10000x64xf32, #tpu.memory_space<vmem_shared>> -> memref<10000x64xf32, #tpu.memory_space<vmem_shared>>
      tpu.enqueue_indirect_dma source(%arg13 : memref<80x64xf32, #tpu.memory_space<vmem>>) target(%dma_start3A_287 : memref<10000x64xf32, #tpu.memory_space<vmem_shared>>) offsets(%dma_start3A_284 : memref<80xi32, #tpu.memory_space<vmem>>) semaphore(%arg24 : memref<!tpu.dma_semaphore, #tpu.memory_space<semaphore_mem>>) {add = true}
      %dma_wait3A_288 = arith.constant 0 : i32
      %dma_wait3A_289 = tpu.memref_slice %arg8[%add3A_203, %dma_wait3A_288] : memref<125x80xi32, #tpu.memory_space<vmem>> -> memref<1x80xi32, #tpu.memory_space<vmem>>
      %dma_wait3A_290 = tpu.memref_squeeze %dma_wait3A_289 : memref<1x80xi32, #tpu.memory_space<vmem>> -> memref<80xi32, #tpu.memory_space<vmem>>
      %dma_wait3A_291 = arith.constant 0 : i32
      %dma_wait3A_292 = arith.constant 0 : i32
      %dma_wait3A_293 = tpu.memref_slice %arg14[%dma_wait3A_291, %dma_wait3A_292] : memref<10000x64xf32, #tpu.memory_space<vmem_shared>> -> memref<10000x64xf32, #tpu.memory_space<vmem_shared>>
      tpu.wait_indirect_dma semaphore(%arg20 : memref<!tpu.dma_semaphore, #tpu.memory_space<semaphore_mem>>) src(%arg9 : memref<80x64xf32, #tpu.memory_space<vmem>>) dst(%dma_wait3A_293 : memref<10000x64xf32, #tpu.memory_space<vmem_shared>>)
      %mul3A_294 = arith.constant 5 : i32
      %mul3A_295 = arith.muli %add3A_198, %mul3A_294 : i32
      %add3A_296 = arith.constant 0 : i32
      %add3A_297 = arith.addi %mul3A_295, %add3A_296 : i32
      %dma_start3A_298 = arith.constant 0 : i32
      %dma_start3A_299 = tpu.memref_slice %arg7[%add3A_297, %dma_start3A_298] : memref<125x80xi32, #tpu.memory_space<vmem>> -> memref<1x80xi32, #tpu.memory_space<vmem>>
      %dma_start3A_300 = tpu.memref_squeeze %dma_start3A_299 : memref<1x80xi32, #tpu.memory_space<vmem>> -> memref<80xi32, #tpu.memory_space<vmem>>
      %dma_start3A_301 = arith.constant 0 : i32
      %dma_start3A_302 = arith.constant 0 : i32
      %dma_start3A_303 = tpu.memref_slice %arg2[%dma_start3A_301, %dma_start3A_302] : memref<20000x64xf32, #tpu.memory_space<hbm>> -> memref<20000x64xf32, #tpu.memory_space<hbm>>
      tpu.enqueue_indirect_dma source(%dma_start3A_303 : memref<20000x64xf32, #tpu.memory_space<hbm>>) target(%arg9 : memref<80x64xf32, #tpu.memory_space<vmem>>) offsets(%dma_start3A_300 : memref<80xi32, #tpu.memory_space<vmem>>) semaphore(%arg15 : memref<!tpu.dma_semaphore, #tpu.memory_space<semaphore_mem>>)
      %dma_wait3A_304 = arith.constant 0 : i32
      %dma_wait3A_305 = tpu.memref_slice %arg8[%add3A_221, %dma_wait3A_304] : memref<125x80xi32, #tpu.memory_space<vmem>> -> memref<1x80xi32, #tpu.memory_space<vmem>>
      %dma_wait3A_306 = tpu.memref_squeeze %dma_wait3A_305 : memref<1x80xi32, #tpu.memory_space<vmem>> -> memref<80xi32, #tpu.memory_space<vmem>>
      %dma_wait3A_307 = arith.constant 0 : i32
      %dma_wait3A_308 = arith.constant 0 : i32
      %dma_wait3A_309 = tpu.memref_slice %arg14[%dma_wait3A_307, %dma_wait3A_308] : memref<10000x64xf32, #tpu.memory_space<vmem_shared>> -> memref<10000x64xf32, #tpu.memory_space<vmem_shared>>
      tpu.wait_indirect_dma semaphore(%arg21 : memref<!tpu.dma_semaphore, #tpu.memory_space<semaphore_mem>>) src(%arg10 : memref<80x64xf32, #tpu.memory_space<vmem>>) dst(%dma_wait3A_309 : memref<10000x64xf32, #tpu.memory_space<vmem_shared>>)
      %mul3A_310 = arith.constant 5 : i32
      %mul3A_311 = arith.muli %add3A_198, %mul3A_310 : i32
      %add3A_312 = arith.constant 1 : i32
      %add3A_313 = arith.addi %mul3A_311, %add3A_312 : i32
      %dma_start3A_314 = arith.constant 0 : i32
      %dma_start3A_315 = tpu.memref_slice %arg7[%add3A_313, %dma_start3A_314] : memref<125x80xi32, #tpu.memory_space<vmem>> -> memref<1x80xi32, #tpu.memory_space<vmem>>
      %dma_start3A_316 = tpu.memref_squeeze %dma_start3A_315 : memref<1x80xi32, #tpu.memory_space<vmem>> -> memref<80xi32, #tpu.memory_space<vmem>>
      %dma_start3A_317 = arith.constant 0 : i32
      %dma_start3A_318 = arith.constant 0 : i32
      %dma_start3A_319 = tpu.memref_slice %arg2[%dma_start3A_317, %dma_start3A_318] : memref<20000x64xf32, #tpu.memory_space<hbm>> -> memref<20000x64xf32, #tpu.memory_space<hbm>>
      tpu.enqueue_indirect_dma source(%dma_start3A_319 : memref<20000x64xf32, #tpu.memory_space<hbm>>) target(%arg10 : memref<80x64xf32, #tpu.memory_space<vmem>>) offsets(%dma_start3A_316 : memref<80xi32, #tpu.memory_space<vmem>>) semaphore(%arg16 : memref<!tpu.dma_semaphore, #tpu.memory_space<semaphore_mem>>)
      %dma_wait3A_320 = arith.constant 0 : i32
      %dma_wait3A_321 = tpu.memref_slice %arg8[%add3A_239, %dma_wait3A_320] : memref<125x80xi32, #tpu.memory_space<vmem>> -> memref<1x80xi32, #tpu.memory_space<vmem>>
      %dma_wait3A_322 = tpu.memref_squeeze %dma_wait3A_321 : memref<1x80xi32, #tpu.memory_space<vmem>> -> memref<80xi32, #tpu.memory_space<vmem>>
      %dma_wait3A_323 = arith.constant 0 : i32
      %dma_wait3A_324 = arith.constant 0 : i32
      %dma_wait3A_325 = tpu.memref_slice %arg14[%dma_wait3A_323, %dma_wait3A_324] : memref<10000x64xf32, #tpu.memory_space<vmem_shared>> -> memref<10000x64xf32, #tpu.memory_space<vmem_shared>>
      tpu.wait_indirect_dma semaphore(%arg22 : memref<!tpu.dma_semaphore, #tpu.memory_space<semaphore_mem>>) src(%arg11 : memref<80x64xf32, #tpu.memory_space<vmem>>) dst(%dma_wait3A_325 : memref<10000x64xf32, #tpu.memory_space<vmem_shared>>)
      %mul3A_326 = arith.constant 5 : i32
      %mul3A_327 = arith.muli %add3A_198, %mul3A_326 : i32
      %add3A_328 = arith.constant 2 : i32
      %add3A_329 = arith.addi %mul3A_327, %add3A_328 : i32
      %dma_start3A_330 = arith.constant 0 : i32
      %dma_start3A_331 = tpu.memref_slice %arg7[%add3A_329, %dma_start3A_330] : memref<125x80xi32, #tpu.memory_space<vmem>> -> memref<1x80xi32, #tpu.memory_space<vmem>>
      %dma_start3A_332 = tpu.memref_squeeze %dma_start3A_331 : memref<1x80xi32, #tpu.memory_space<vmem>> -> memref<80xi32, #tpu.memory_space<vmem>>
      %dma_start3A_333 = arith.constant 0 : i32
      %dma_start3A_334 = arith.constant 0 : i32
      %dma_start3A_335 = tpu.memref_slice %arg2[%dma_start3A_333, %dma_start3A_334] : memref<20000x64xf32, #tpu.memory_space<hbm>> -> memref<20000x64xf32, #tpu.memory_space<hbm>>
      tpu.enqueue_indirect_dma source(%dma_start3A_335 : memref<20000x64xf32, #tpu.memory_space<hbm>>) target(%arg11 : memref<80x64xf32, #tpu.memory_space<vmem>>) offsets(%dma_start3A_332 : memref<80xi32, #tpu.memory_space<vmem>>) semaphore(%arg17 : memref<!tpu.dma_semaphore, #tpu.memory_space<semaphore_mem>>)
      %dma_wait3A_336 = arith.constant 0 : i32
      %dma_wait3A_337 = tpu.memref_slice %arg8[%add3A_257, %dma_wait3A_336] : memref<125x80xi32, #tpu.memory_space<vmem>> -> memref<1x80xi32, #tpu.memory_space<vmem>>
      %dma_wait3A_338 = tpu.memref_squeeze %dma_wait3A_337 : memref<1x80xi32, #tpu.memory_space<vmem>> -> memref<80xi32, #tpu.memory_space<vmem>>
      %dma_wait3A_339 = arith.constant 0 : i32
      %dma_wait3A_340 = arith.constant 0 : i32
      %dma_wait3A_341 = tpu.memref_slice %arg14[%dma_wait3A_339, %dma_wait3A_340] : memref<10000x64xf32, #tpu.memory_space<vmem_shared>> -> memref<10000x64xf32, #tpu.memory_space<vmem_shared>>
      tpu.wait_indirect_dma semaphore(%arg23 : memref<!tpu.dma_semaphore, #tpu.memory_space<semaphore_mem>>) src(%arg12 : memref<80x64xf32, #tpu.memory_space<vmem>>) dst(%dma_wait3A_341 : memref<10000x64xf32, #tpu.memory_space<vmem_shared>>)
      %mul3A_342 = arith.constant 5 : i32
      %mul3A_343 = arith.muli %add3A_198, %mul3A_342 : i32
      %add3A_344 = arith.constant 3 : i32
      %add3A_345 = arith.addi %mul3A_343, %add3A_344 : i32
      %dma_start3A_346 = arith.constant 0 : i32
      %dma_start3A_347 = tpu.memref_slice %arg7[%add3A_345, %dma_start3A_346] : memref<125x80xi32, #tpu.memory_space<vmem>> -> memref<1x80xi32, #tpu.memory_space<vmem>>
      %dma_start3A_348 = tpu.memref_squeeze %dma_start3A_347 : memref<1x80xi32, #tpu.memory_space<vmem>> -> memref<80xi32, #tpu.memory_space<vmem>>
      %dma_start3A_349 = arith.constant 0 : i32
      %dma_start3A_350 = arith.constant 0 : i32
      %dma_start3A_351 = tpu.memref_slice %arg2[%dma_start3A_349, %dma_start3A_350] : memref<20000x64xf32, #tpu.memory_space<hbm>> -> memref<20000x64xf32, #tpu.memory_space<hbm>>
      tpu.enqueue_indirect_dma source(%dma_start3A_351 : memref<20000x64xf32, #tpu.memory_space<hbm>>) target(%arg12 : memref<80x64xf32, #tpu.memory_space<vmem>>) offsets(%dma_start3A_348 : memref<80xi32, #tpu.memory_space<vmem>>) semaphore(%arg18 : memref<!tpu.dma_semaphore, #tpu.memory_space<semaphore_mem>>)
      %dma_wait3A_352 = arith.constant 0 : i32
      %dma_wait3A_353 = tpu.memref_slice %arg8[%add3A_275, %dma_wait3A_352] : memref<125x80xi32, #tpu.memory_space<vmem>> -> memref<1x80xi32, #tpu.memory_space<vmem>>
      %dma_wait3A_354 = tpu.memref_squeeze %dma_wait3A_353 : memref<1x80xi32, #tpu.memory_space<vmem>> -> memref<80xi32, #tpu.memory_space<vmem>>
      %dma_wait3A_355 = arith.constant 0 : i32
      %dma_wait3A_356 = arith.constant 0 : i32
      %dma_wait3A_357 = tpu.memref_slice %arg14[%dma_wait3A_355, %dma_wait3A_356] : memref<10000x64xf32, #tpu.memory_space<vmem_shared>> -> memref<10000x64xf32, #tpu.memory_space<vmem_shared>>
      tpu.wait_indirect_dma semaphore(%arg24 : memref<!tpu.dma_semaphore, #tpu.memory_space<semaphore_mem>>) src(%arg13 : memref<80x64xf32, #tpu.memory_space<vmem>>) dst(%dma_wait3A_357 : memref<10000x64xf32, #tpu.memory_space<vmem_shared>>)
      %mul3A_358 = arith.constant 5 : i32
      %mul3A_359 = arith.muli %add3A_198, %mul3A_358 : i32
      %add3A_360 = arith.constant 4 : i32
      %add3A_361 = arith.addi %mul3A_359, %add3A_360 : i32
      %dma_start3A_362 = arith.constant 0 : i32
      %dma_start3A_363 = tpu.memref_slice %arg7[%add3A_361, %dma_start3A_362] : memref<125x80xi32, #tpu.memory_space<vmem>> -> memref<1x80xi32, #tpu.memory_space<vmem>>
      %dma_start3A_364 = tpu.memref_squeeze %dma_start3A_363 : memref<1x80xi32, #tpu.memory_space<vmem>> -> memref<80xi32, #tpu.memory_space<vmem>>
      %dma_start3A_365 = arith.constant 0 : i32
      %dma_start3A_366 = arith.constant 0 : i32
      %dma_start3A_367 = tpu.memref_slice %arg2[%dma_start3A_365, %dma_start3A_366] : memref<20000x64xf32, #tpu.memory_space<hbm>> -> memref<20000x64xf32, #tpu.memory_space<hbm>>
      tpu.enqueue_indirect_dma source(%dma_start3A_367 : memref<20000x64xf32, #tpu.memory_space<hbm>>) target(%arg13 : memref<80x64xf32, #tpu.memory_space<vmem>>) offsets(%dma_start3A_364 : memref<80xi32, #tpu.memory_space<vmem>>) semaphore(%arg19 : memref<!tpu.dma_semaphore, #tpu.memory_space<semaphore_mem>>)
    }
    %scan3A_77 = arith.constant 24 : i32
    %dma_wait3A_78 = arith.constant 120 : i32
    %dma_wait3A_79 = arith.constant 0 : i32
    %dma_wait3A_80 = tpu.memref_slice %arg7[%dma_wait3A_78, %dma_wait3A_79] : memref<125x80xi32, #tpu.memory_space<vmem>> -> memref<1x80xi32, #tpu.memory_space<vmem>>
    %dma_wait3A_81 = tpu.memref_squeeze %dma_wait3A_80 : memref<1x80xi32, #tpu.memory_space<vmem>> -> memref<80xi32, #tpu.memory_space<vmem>>
    %dma_wait3A_82 = arith.constant 0 : i32
    %dma_wait3A_83 = arith.constant 0 : i32
    %dma_wait3A_84 = tpu.memref_slice %arg2[%dma_wait3A_82, %dma_wait3A_83] : memref<20000x64xf32, #tpu.memory_space<hbm>> -> memref<20000x64xf32, #tpu.memory_space<hbm>>
    tpu.wait_indirect_dma semaphore(%arg15 : memref<!tpu.dma_semaphore, #tpu.memory_space<semaphore_mem>>) src(%dma_wait3A_84 : memref<20000x64xf32, #tpu.memory_space<hbm>>) dst(%arg9 : memref<80x64xf32, #tpu.memory_space<vmem>>)
    %dma_start3A_85 = arith.constant 120 : i32
    %dma_start3A_86 = arith.constant 0 : i32
    %dma_start3A_87 = tpu.memref_slice %arg8[%dma_start3A_85, %dma_start3A_86] : memref<125x80xi32, #tpu.memory_space<vmem>> -> memref<1x80xi32, #tpu.memory_space<vmem>>
    %dma_start3A_88 = tpu.memref_squeeze %dma_start3A_87 : memref<1x80xi32, #tpu.memory_space<vmem>> -> memref<80xi32, #tpu.memory_space<vmem>>
    %dma_start3A_89 = arith.constant 0 : i32
    %dma_start3A_90 = arith.constant 0 : i32
    %dma_start3A_91 = tpu.memref_slice %arg14[%dma_start3A_89, %dma_start3A_90] : memref<10000x64xf32, #tpu.memory_space<vmem_shared>> -> memref<10000x64xf32, #tpu.memory_space<vmem_shared>>
    tpu.enqueue_indirect_dma source(%arg9 : memref<80x64xf32, #tpu.memory_space<vmem>>) target(%dma_start3A_91 : memref<10000x64xf32, #tpu.memory_space<vmem_shared>>) offsets(%dma_start3A_88 : memref<80xi32, #tpu.memory_space<vmem>>) semaphore(%arg20 : memref<!tpu.dma_semaphore, #tpu.memory_space<semaphore_mem>>) {add = true}
    %dma_wait3A_92 = arith.constant 121 : i32
    %dma_wait3A_93 = arith.constant 0 : i32
    %dma_wait3A_94 = tpu.memref_slice %arg7[%dma_wait3A_92, %dma_wait3A_93] : memref<125x80xi32, #tpu.memory_space<vmem>> -> memref<1x80xi32, #tpu.memory_space<vmem>>
    %dma_wait3A_95 = tpu.memref_squeeze %dma_wait3A_94 : memref<1x80xi32, #tpu.memory_space<vmem>> -> memref<80xi32, #tpu.memory_space<vmem>>
    %dma_wait3A_96 = arith.constant 0 : i32
    %dma_wait3A_97 = arith.constant 0 : i32
    %dma_wait3A_98 = tpu.memref_slice %arg2[%dma_wait3A_96, %dma_wait3A_97] : memref<20000x64xf32, #tpu.memory_space<hbm>> -> memref<20000x64xf32, #tpu.memory_space<hbm>>
    tpu.wait_indirect_dma semaphore(%arg16 : memref<!tpu.dma_semaphore, #tpu.memory_space<semaphore_mem>>) src(%dma_wait3A_98 : memref<20000x64xf32, #tpu.memory_space<hbm>>) dst(%arg10 : memref<80x64xf32, #tpu.memory_space<vmem>>)
    %dma_start3A_99 = arith.constant 121 : i32
    %dma_start3A_100 = arith.constant 0 : i32
    %dma_start3A_101 = tpu.memref_slice %arg8[%dma_start3A_99, %dma_start3A_100] : memref<125x80xi32, #tpu.memory_space<vmem>> -> memref<1x80xi32, #tpu.memory_space<vmem>>
    %dma_start3A_102 = tpu.memref_squeeze %dma_start3A_101 : memref<1x80xi32, #tpu.memory_space<vmem>> -> memref<80xi32, #tpu.memory_space<vmem>>
    %dma_start3A_103 = arith.constant 0 : i32
    %dma_start3A_104 = arith.constant 0 : i32
    %dma_start3A_105 = tpu.memref_slice %arg14[%dma_start3A_103, %dma_start3A_104] : memref<10000x64xf32, #tpu.memory_space<vmem_shared>> -> memref<10000x64xf32, #tpu.memory_space<vmem_shared>>
    tpu.enqueue_indirect_dma source(%arg10 : memref<80x64xf32, #tpu.memory_space<vmem>>) target(%dma_start3A_105 : memref<10000x64xf32, #tpu.memory_space<vmem_shared>>) offsets(%dma_start3A_102 : memref<80xi32, #tpu.memory_space<vmem>>) semaphore(%arg21 : memref<!tpu.dma_semaphore, #tpu.memory_space<semaphore_mem>>) {add = true}
    %dma_wait3A_106 = arith.constant 122 : i32
    %dma_wait3A_107 = arith.constant 0 : i32
    %dma_wait3A_108 = tpu.memref_slice %arg7[%dma_wait3A_106, %dma_wait3A_107] : memref<125x80xi32, #tpu.memory_space<vmem>> -> memref<1x80xi32, #tpu.memory_space<vmem>>
    %dma_wait3A_109 = tpu.memref_squeeze %dma_wait3A_108 : memref<1x80xi32, #tpu.memory_space<vmem>> -> memref<80xi32, #tpu.memory_space<vmem>>
    %dma_wait3A_110 = arith.constant 0 : i32
    %dma_wait3A_111 = arith.constant 0 : i32
    %dma_wait3A_112 = tpu.memref_slice %arg2[%dma_wait3A_110, %dma_wait3A_111] : memref<20000x64xf32, #tpu.memory_space<hbm>> -> memref<20000x64xf32, #tpu.memory_space<hbm>>
    tpu.wait_indirect_dma semaphore(%arg17 : memref<!tpu.dma_semaphore, #tpu.memory_space<semaphore_mem>>) src(%dma_wait3A_112 : memref<20000x64xf32, #tpu.memory_space<hbm>>) dst(%arg11 : memref<80x64xf32, #tpu.memory_space<vmem>>)
    %dma_start3A_113 = arith.constant 122 : i32
    %dma_start3A_114 = arith.constant 0 : i32
    %dma_start3A_115 = tpu.memref_slice %arg8[%dma_start3A_113, %dma_start3A_114] : memref<125x80xi32, #tpu.memory_space<vmem>> -> memref<1x80xi32, #tpu.memory_space<vmem>>
    %dma_start3A_116 = tpu.memref_squeeze %dma_start3A_115 : memref<1x80xi32, #tpu.memory_space<vmem>> -> memref<80xi32, #tpu.memory_space<vmem>>
    %dma_start3A_117 = arith.constant 0 : i32
    %dma_start3A_118 = arith.constant 0 : i32
    %dma_start3A_119 = tpu.memref_slice %arg14[%dma_start3A_117, %dma_start3A_118] : memref<10000x64xf32, #tpu.memory_space<vmem_shared>> -> memref<10000x64xf32, #tpu.memory_space<vmem_shared>>
    tpu.enqueue_indirect_dma source(%arg11 : memref<80x64xf32, #tpu.memory_space<vmem>>) target(%dma_start3A_119 : memref<10000x64xf32, #tpu.memory_space<vmem_shared>>) offsets(%dma_start3A_116 : memref<80xi32, #tpu.memory_space<vmem>>) semaphore(%arg22 : memref<!tpu.dma_semaphore, #tpu.memory_space<semaphore_mem>>) {add = true}
    %dma_wait3A_120 = arith.constant 123 : i32
    %dma_wait3A_121 = arith.constant 0 : i32
    %dma_wait3A_122 = tpu.memref_slice %arg7[%dma_wait3A_120, %dma_wait3A_121] : memref<125x80xi32, #tpu.memory_space<vmem>> -> memref<1x80xi32, #tpu.memory_space<vmem>>
    %dma_wait3A_123 = tpu.memref_squeeze %dma_wait3A_122 : memref<1x80xi32, #tpu.memory_space<vmem>> -> memref<80xi32, #tpu.memory_space<vmem>>
    %dma_wait3A_124 = arith.constant 0 : i32
    %dma_wait3A_125 = arith.constant 0 : i32
    %dma_wait3A_126 = tpu.memref_slice %arg2[%dma_wait3A_124, %dma_wait3A_125] : memref<20000x64xf32, #tpu.memory_space<hbm>> -> memref<20000x64xf32, #tpu.memory_space<hbm>>
    tpu.wait_indirect_dma semaphore(%arg18 : memref<!tpu.dma_semaphore, #tpu.memory_space<semaphore_mem>>) src(%dma_wait3A_126 : memref<20000x64xf32, #tpu.memory_space<hbm>>) dst(%arg12 : memref<80x64xf32, #tpu.memory_space<vmem>>)
    %dma_start3A_127 = arith.constant 123 : i32
    %dma_start3A_128 = arith.constant 0 : i32
    %dma_start3A_129 = tpu.memref_slice %arg8[%dma_start3A_127, %dma_start3A_128] : memref<125x80xi32, #tpu.memory_space<vmem>> -> memref<1x80xi32, #tpu.memory_space<vmem>>
    %dma_start3A_130 = tpu.memref_squeeze %dma_start3A_129 : memref<1x80xi32, #tpu.memory_space<vmem>> -> memref<80xi32, #tpu.memory_space<vmem>>
    %dma_start3A_131 = arith.constant 0 : i32
    %dma_start3A_132 = arith.constant 0 : i32
    %dma_start3A_133 = tpu.memref_slice %arg14[%dma_start3A_131, %dma_start3A_132] : memref<10000x64xf32, #tpu.memory_space<vmem_shared>> -> memref<10000x64xf32, #tpu.memory_space<vmem_shared>>
    tpu.enqueue_indirect_dma source(%arg12 : memref<80x64xf32, #tpu.memory_space<vmem>>) target(%dma_start3A_133 : memref<10000x64xf32, #tpu.memory_space<vmem_shared>>) offsets(%dma_start3A_130 : memref<80xi32, #tpu.memory_space<vmem>>) semaphore(%arg23 : memref<!tpu.dma_semaphore, #tpu.memory_space<semaphore_mem>>) {add = true}
    %dma_wait3A_134 = arith.constant 124 : i32
    %dma_wait3A_135 = arith.constant 0 : i32
    %dma_wait3A_136 = tpu.memref_slice %arg7[%dma_wait3A_134, %dma_wait3A_135] : memref<125x80xi32, #tpu.memory_space<vmem>> -> memref<1x80xi32, #tpu.memory_space<vmem>>
    %dma_wait3A_137 = tpu.memref_squeeze %dma_wait3A_136 : memref<1x80xi32, #tpu.memory_space<vmem>> -> memref<80xi32, #tpu.memory_space<vmem>>
    %dma_wait3A_138 = arith.constant 0 : i32
    %dma_wait3A_139 = arith.constant 0 : i32
    %dma_wait3A_140 = tpu.memref_slice %arg2[%dma_wait3A_138, %dma_wait3A_139] : memref<20000x64xf32, #tpu.memory_space<hbm>> -> memref<20000x64xf32, #tpu.memory_space<hbm>>
    tpu.wait_indirect_dma semaphore(%arg19 : memref<!tpu.dma_semaphore, #tpu.memory_space<semaphore_mem>>) src(%dma_wait3A_140 : memref<20000x64xf32, #tpu.memory_space<hbm>>) dst(%arg13 : memref<80x64xf32, #tpu.memory_space<vmem>>)
    %dma_start3A_141 = arith.constant 124 : i32
    %dma_start3A_142 = arith.constant 0 : i32
    %dma_start3A_143 = tpu.memref_slice %arg8[%dma_start3A_141, %dma_start3A_142] : memref<125x80xi32, #tpu.memory_space<vmem>> -> memref<1x80xi32, #tpu.memory_space<vmem>>
    %dma_start3A_144 = tpu.memref_squeeze %dma_start3A_143 : memref<1x80xi32, #tpu.memory_space<vmem>> -> memref<80xi32, #tpu.memory_space<vmem>>
    %dma_start3A_145 = arith.constant 0 : i32
    %dma_start3A_146 = arith.constant 0 : i32
    %dma_start3A_147 = tpu.memref_slice %arg14[%dma_start3A_145, %dma_start3A_146] : memref<10000x64xf32, #tpu.memory_space<vmem_shared>> -> memref<10000x64xf32, #tpu.memory_space<vmem_shared>>
    tpu.enqueue_indirect_dma source(%arg13 : memref<80x64xf32, #tpu.memory_space<vmem>>) target(%dma_start3A_147 : memref<10000x64xf32, #tpu.memory_space<vmem_shared>>) offsets(%dma_start3A_144 : memref<80xi32, #tpu.memory_space<vmem>>) semaphore(%arg24 : memref<!tpu.dma_semaphore, #tpu.memory_space<semaphore_mem>>) {add = true}
    %dma_wait3A_148 = arith.constant 120 : i32
    %dma_wait3A_149 = arith.constant 0 : i32
    %dma_wait3A_150 = tpu.memref_slice %arg8[%dma_wait3A_148, %dma_wait3A_149] : memref<125x80xi32, #tpu.memory_space<vmem>> -> memref<1x80xi32, #tpu.memory_space<vmem>>
    %dma_wait3A_151 = tpu.memref_squeeze %dma_wait3A_150 : memref<1x80xi32, #tpu.memory_space<vmem>> -> memref<80xi32, #tpu.memory_space<vmem>>
    %dma_wait3A_152 = arith.constant 0 : i32
    %dma_wait3A_153 = arith.constant 0 : i32
    %dma_wait3A_154 = tpu.memref_slice %arg14[%dma_wait3A_152, %dma_wait3A_153] : memref<10000x64xf32, #tpu.memory_space<vmem_shared>> -> memref<10000x64xf32, #tpu.memory_space<vmem_shared>>
    tpu.wait_indirect_dma semaphore(%arg20 : memref<!tpu.dma_semaphore, #tpu.memory_space<semaphore_mem>>) src(%arg9 : memref<80x64xf32, #tpu.memory_space<vmem>>) dst(%dma_wait3A_154 : memref<10000x64xf32, #tpu.memory_space<vmem_shared>>)
    %dma_wait3A_155 = arith.constant 121 : i32
    %dma_wait3A_156 = arith.constant 0 : i32
    %dma_wait3A_157 = tpu.memref_slice %arg8[%dma_wait3A_155, %dma_wait3A_156] : memref<125x80xi32, #tpu.memory_space<vmem>> -> memref<1x80xi32, #tpu.memory_space<vmem>>
    %dma_wait3A_158 = tpu.memref_squeeze %dma_wait3A_157 : memref<1x80xi32, #tpu.memory_space<vmem>> -> memref<80xi32, #tpu.memory_space<vmem>>
    %dma_wait3A_159 = arith.constant 0 : i32
    %dma_wait3A_160 = arith.constant 0 : i32
    %dma_wait3A_161 = tpu.memref_slice %arg14[%dma_wait3A_159, %dma_wait3A_160] : memref<10000x64xf32, #tpu.memory_space<vmem_shared>> -> memref<10000x64xf32, #tpu.memory_space<vmem_shared>>
    tpu.wait_indirect_dma semaphore(%arg21 : memref<!tpu.dma_semaphore, #tpu.memory_space<semaphore_mem>>) src(%arg10 : memref<80x64xf32, #tpu.memory_space<vmem>>) dst(%dma_wait3A_161 : memref<10000x64xf32, #tpu.memory_space<vmem_shared>>)
    %dma_wait3A_162 = arith.constant 122 : i32
    %dma_wait3A_163 = arith.constant 0 : i32
    %dma_wait3A_164 = tpu.memref_slice %arg8[%dma_wait3A_162, %dma_wait3A_163] : memref<125x80xi32, #tpu.memory_space<vmem>> -> memref<1x80xi32, #tpu.memory_space<vmem>>
    %dma_wait3A_165 = tpu.memref_squeeze %dma_wait3A_164 : memref<1x80xi32, #tpu.memory_space<vmem>> -> memref<80xi32, #tpu.memory_space<vmem>>
    %dma_wait3A_166 = arith.constant 0 : i32
    %dma_wait3A_167 = arith.constant 0 : i32
    %dma_wait3A_168 = tpu.memref_slice %arg14[%dma_wait3A_166, %dma_wait3A_167] : memref<10000x64xf32, #tpu.memory_space<vmem_shared>> -> memref<10000x64xf32, #tpu.memory_space<vmem_shared>>
    tpu.wait_indirect_dma semaphore(%arg22 : memref<!tpu.dma_semaphore, #tpu.memory_space<semaphore_mem>>) src(%arg11 : memref<80x64xf32, #tpu.memory_space<vmem>>) dst(%dma_wait3A_168 : memref<10000x64xf32, #tpu.memory_space<vmem_shared>>)
    %dma_wait3A_169 = arith.constant 123 : i32
    %dma_wait3A_170 = arith.constant 0 : i32
    %dma_wait3A_171 = tpu.memref_slice %arg8[%dma_wait3A_169, %dma_wait3A_170] : memref<125x80xi32, #tpu.memory_space<vmem>> -> memref<1x80xi32, #tpu.memory_space<vmem>>
    %dma_wait3A_172 = tpu.memref_squeeze %dma_wait3A_171 : memref<1x80xi32, #tpu.memory_space<vmem>> -> memref<80xi32, #tpu.memory_space<vmem>>
    %dma_wait3A_173 = arith.constant 0 : i32
    %dma_wait3A_174 = arith.constant 0 : i32
    %dma_wait3A_175 = tpu.memref_slice %arg14[%dma_wait3A_173, %dma_wait3A_174] : memref<10000x64xf32, #tpu.memory_space<vmem_shared>> -> memref<10000x64xf32, #tpu.memory_space<vmem_shared>>
    tpu.wait_indirect_dma semaphore(%arg23 : memref<!tpu.dma_semaphore, #tpu.memory_space<semaphore_mem>>) src(%arg12 : memref<80x64xf32, #tpu.memory_space<vmem>>) dst(%dma_wait3A_175 : memref<10000x64xf32, #tpu.memory_space<vmem_shared>>)
    %dma_wait3A_176 = arith.constant 124 : i32
    %dma_wait3A_177 = arith.constant 0 : i32
    %dma_wait3A_178 = tpu.memref_slice %arg8[%dma_wait3A_176, %dma_wait3A_177] : memref<125x80xi32, #tpu.memory_space<vmem>> -> memref<1x80xi32, #tpu.memory_space<vmem>>
    %dma_wait3A_179 = tpu.memref_squeeze %dma_wait3A_178 : memref<1x80xi32, #tpu.memory_space<vmem>> -> memref<80xi32, #tpu.memory_space<vmem>>
    %dma_wait3A_180 = arith.constant 0 : i32
    %dma_wait3A_181 = arith.constant 0 : i32
    %dma_wait3A_182 = tpu.memref_slice %arg14[%dma_wait3A_180, %dma_wait3A_181] : memref<10000x64xf32, #tpu.memory_space<vmem_shared>> -> memref<10000x64xf32, #tpu.memory_space<vmem_shared>>
    tpu.wait_indirect_dma semaphore(%arg24 : memref<!tpu.dma_semaphore, #tpu.memory_space<semaphore_mem>>) src(%arg13 : memref<80x64xf32, #tpu.memory_space<vmem>>) dst(%dma_wait3A_182 : memref<10000x64xf32, #tpu.memory_space<vmem_shared>>)
    %barrier3A_183 = arith.constant 0 : index
    tpu.barrier barrier_id(%barrier3A_183)
    %lt3A_184 = arith.constant 15 : i32
    %lt3A_185 = arith.cmpi slt, %arg1, %lt3A_184 : i32
    %convert_element_type3A_186 = arith.extui %lt3A_185 : i1 to i32
    %cond3A_187 = arith.constant 0 : i32
    %cond3A_188 = arith.cmpi ne, %convert_element_type3A_186, %cond3A_187 : i32
    scf.if %cond3A_188 {
      "tpu.region"() ({
        %run_scoped3A = tpu.sem_alloc : memref<!tpu.dma_semaphore, #tpu.memory_space<semaphore_mem>>
        %dma_start3A_194 = arith.constant 0 : i32
        %dma_start3A_195 = tpu.memref_slice %arg6[%arg0, %multiple_of3A, %dma_start3A_194] : memref<2x10000x128xf32, #tpu.memory_space<hbm>> -> memref<1x624x64xf32, #tpu.memory_space<hbm>>
        %dma_start3A_196 = tpu.memref_squeeze %dma_start3A_195 : memref<1x624x64xf32, #tpu.memory_space<hbm>> -> memref<624x64xf32, #tpu.memory_space<hbm>>
        %dma_start3A_197 = arith.constant 0 : i32
        %dma_start3A_198 = tpu.memref_slice %arg14[%multiple_of3A, %dma_start3A_197] : memref<10000x64xf32, #tpu.memory_space<vmem_shared>> -> memref<624x64xf32, #tpu.memory_space<vmem_shared>>
        tpu.enqueue_dma source(%dma_start3A_198 : memref<624x64xf32, #tpu.memory_space<vmem_shared>>) target(%dma_start3A_196 : memref<624x64xf32, #tpu.memory_space<hbm>>) target_semaphore(%run_scoped3A : memref<!tpu.dma_semaphore, #tpu.memory_space<semaphore_mem>>)
        %dma_wait3A_199 = arith.constant 0 : i32
        %dma_wait3A_200 = tpu.memref_slice %arg6[%arg0, %multiple_of3A, %dma_wait3A_199] : memref<2x10000x128xf32, #tpu.memory_space<hbm>> -> memref<1x624x64xf32, #tpu.memory_space<hbm>>
        %dma_wait3A_201 = tpu.memref_squeeze %dma_wait3A_200 : memref<1x624x64xf32, #tpu.memory_space<hbm>> -> memref<624x64xf32, #tpu.memory_space<hbm>>
        %dma_wait3A_202 = arith.constant 0 : i32
        %dma_wait3A_203 = tpu.memref_slice %arg14[%multiple_of3A, %dma_wait3A_202] : memref<10000x64xf32, #tpu.memory_space<vmem_shared>> -> memref<624x64xf32, #tpu.memory_space<vmem_shared>>
        tpu.wait_dma2 semaphore(%run_scoped3A : memref<!tpu.dma_semaphore, #tpu.memory_space<semaphore_mem>>) src(%dma_wait3A_203 : memref<624x64xf32, #tpu.memory_space<vmem_shared>>) dst(%dma_wait3A_201 : memref<624x64xf32, #tpu.memory_space<hbm>>)
        tpu.yield
      }) : () -> ()
    } else {
    }
    %eq3A_189 = arith.constant 15 : i32
    %eq3A_190 = arith.cmpi eq, %arg1, %eq3A_189 : i32
    %convert_element_type3A_191 = arith.extui %eq3A_190 : i1 to i32
    %cond3A_192 = arith.constant 0 : i32
    %cond3A_193 = arith.cmpi ne, %convert_element_type3A_191, %cond3A_192 : i32
    scf.if %cond3A_193 {
      "tpu.region"() ({
        %run_scoped3A = tpu.sem_alloc : memref<!tpu.dma_semaphore, #tpu.memory_space<semaphore_mem>>
        %dma_start3A_194 = arith.constant 9360 : i32
        %dma_start3A_195 = arith.constant 0 : i32
        %dma_start3A_196 = tpu.memref_slice %arg6[%arg0, %dma_start3A_194, %dma_start3A_195] : memref<2x10000x128xf32, #tpu.memory_space<hbm>> -> memref<1x640x64xf32, #tpu.memory_space<hbm>>
        %dma_start3A_197 = tpu.memref_squeeze %dma_start3A_196 : memref<1x640x64xf32, #tpu.memory_space<hbm>> -> memref<640x64xf32, #tpu.memory_space<hbm>>
        %dma_start3A_198 = arith.constant 9360 : i32
        %dma_start3A_199 = arith.constant 0 : i32
        %dma_start3A_200 = tpu.memref_slice %arg14[%dma_start3A_198, %dma_start3A_199] : memref<10000x64xf32, #tpu.memory_space<vmem_shared>> -> memref<640x64xf32, #tpu.memory_space<vmem_shared>>
        tpu.enqueue_dma source(%dma_start3A_200 : memref<640x64xf32, #tpu.memory_space<vmem_shared>>) target(%dma_start3A_197 : memref<640x64xf32, #tpu.memory_space<hbm>>) target_semaphore(%run_scoped3A : memref<!tpu.dma_semaphore, #tpu.memory_space<semaphore_mem>>)
        %dma_wait3A_201 = arith.constant 9360 : i32
        %dma_wait3A_202 = arith.constant 0 : i32
        %dma_wait3A_203 = tpu.memref_slice %arg6[%arg0, %dma_wait3A_201, %dma_wait3A_202] : memref<2x10000x128xf32, #tpu.memory_space<hbm>> -> memref<1x640x64xf32, #tpu.memory_space<hbm>>
        %dma_wait3A_204 = tpu.memref_squeeze %dma_wait3A_203 : memref<1x640x64xf32, #tpu.memory_space<hbm>> -> memref<640x64xf32, #tpu.memory_space<hbm>>
        %dma_wait3A_205 = arith.constant 9360 : i32
        %dma_wait3A_206 = arith.constant 0 : i32
        %dma_wait3A_207 = tpu.memref_slice %arg14[%dma_wait3A_205, %dma_wait3A_206] : memref<10000x64xf32, #tpu.memory_space<vmem_shared>> -> memref<640x64xf32, #tpu.memory_space<vmem_shared>>
        tpu.wait_dma2 semaphore(%run_scoped3A : memref<!tpu.dma_semaphore, #tpu.memory_space<semaphore_mem>>) src(%dma_wait3A_207 : memref<640x64xf32, #tpu.memory_space<vmem_shared>>) dst(%dma_wait3A_204 : memref<640x64xf32, #tpu.memory_space<hbm>>)
        tpu.yield
      }) : () -> ()
    } else {
    }
    return
  }
}

#map = affine_map<(d0, d1) -> (0, 0)>
#map1 = affine_map<(d0, d1) -> (0, 0, 0)>
module attributes {stable_mosaic.version = 14 : i64} {
  func.func @k(%arg0: i32, %arg1: i32, %arg2: memref<20000x64xf32, #tpu.memory_space<hbm>>, %arg3: memref<32x125x80xi32, #tpu.memory_space<hbm>>, %arg4: memref<32x125x80xi32, #tpu.memory_space<hbm>>, %arg5: memref<10000x64xf32, #tpu.memory_space<hbm>>, %arg6: memref<2x10000x128xf32, #tpu.memory_space<hbm>>, %arg7: memref<125x80xi32, #tpu.memory_space<vmem>>, %arg8: memref<125x80xi32, #tpu.memory_space<vmem>>, %arg9: memref<80x64xf32, #tpu.memory_space<vmem>>, %arg10: memref<80x64xf32, #tpu.memory_space<vmem>>, %arg11: memref<80x64xf32, #tpu.memory_space<vmem>>, %arg12: memref<80x64xf32, #tpu.memory_space<vmem>>, %arg13: memref<80x64xf32, #tpu.memory_space<vmem>>, %arg14: memref<10000x64xf32, #tpu.memory_space<vmem_shared>>, %arg15: memref<!tpu.dma_semaphore, #tpu.memory_space<semaphore_mem>>, %arg16: memref<!tpu.dma_semaphore, #tpu.memory_space<semaphore_mem>>, %arg17: memref<!tpu.dma_semaphore, #tpu.memory_space<semaphore_mem>>, %arg18: memref<!tpu.dma_semaphore, #tpu.memory_space<semaphore_mem>>, %arg19: memref<!tpu.dma_semaphore, #tpu.memory_space<semaphore_mem>>, %arg20: memref<!tpu.dma_semaphore, #tpu.memory_space<semaphore_mem>>, %arg21: memref<!tpu.dma_semaphore, #tpu.memory_space<semaphore_mem>>, %arg22: memref<!tpu.dma_semaphore, #tpu.memory_space<semaphore_mem>>, %arg23: memref<!tpu.dma_semaphore, #tpu.memory_space<semaphore_mem>>, %arg24: memref<!tpu.dma_semaphore, #tpu.memory_space<semaphore_mem>>, %arg25: memref<!tpu.dma_semaphore, #tpu.memory_space<semaphore_mem>>) attributes {dimension_semantics = [#tpu.dimension_semantics<core_parallel>, #tpu.dimension_semantics<subcore_parallel>], iteration_bounds = array<i64: 2, 16>, scalar_prefetch = 0 : i64, scratch_operands = 19 : i64, tpu.core_type = #tpu.core_type<sc_vector_subcore>, window_params = [{transform_indices = #map}, {transform_indices = #map1}, {transform_indices = #map1}, {transform_indices = #map}, {transform_indices = #map1}]} {
    %mul3A = arith.constant 2 : i32
    %mul3A_0 = arith.muli %arg1, %mul3A : i32
    %add3A = arith.addi %mul3A_0, %arg0 : i32
    %mul3A_1 = arith.constant 624 : i32
    %mul3A_2 = arith.muli %arg1, %mul3A_1 : i32
    %multiple_of3A = tpu.assume_multiple %mul3A_2, 8 : i32
    %dma_start3A = arith.constant 0 : i32
    %dma_start3A_3 = arith.constant 0 : i32
    %dma_start3A_4 = tpu.memref_slice %arg3[%add3A, %dma_start3A, %dma_start3A_3] : memref<32x125x80xi32, #tpu.memory_space<hbm>> -> memref<1x125x80xi32, #tpu.memory_space<hbm>>
    %dma_start3A_5 = tpu.memref_squeeze %dma_start3A_4 : memref<1x125x80xi32, #tpu.memory_space<hbm>> -> memref<125x80xi32, #tpu.memory_space<hbm>>
    %dma_start3A_6 = arith.constant 0 : i32
    %dma_start3A_7 = arith.constant 0 : i32
    %dma_start3A_8 = tpu.memref_slice %arg3[%add3A, %dma_start3A_6, %dma_start3A_7] : memref<32x125x80xi32, #tpu.memory_space<hbm>> -> memref<1x125x80xi32, #tpu.memory_space<hbm>>
    %dma_start3A_9 = tpu.memref_squeeze %dma_start3A_8 : memref<1x125x80xi32, #tpu.memory_space<hbm>> -> memref<125x80xi32, #tpu.memory_space<hbm>>
    tpu.enqueue_dma source(%dma_start3A_9 : memref<125x80xi32, #tpu.memory_space<hbm>>) target(%arg7 : memref<125x80xi32, #tpu.memory_space<vmem>>) target_semaphore(%arg25 : memref<!tpu.dma_semaphore, #tpu.memory_space<semaphore_mem>>)
    %dma_wait3A = arith.constant 0 : i32
    %dma_wait3A_10 = arith.constant 0 : i32
    %dma_wait3A_11 = tpu.memref_slice %arg3[%add3A, %dma_wait3A, %dma_wait3A_10] : memref<32x125x80xi32, #tpu.memory_space<hbm>> -> memref<1x125x80xi32, #tpu.memory_space<hbm>>
    %dma_wait3A_12 = tpu.memref_squeeze %dma_wait3A_11 : memref<1x125x80xi32, #tpu.memory_space<hbm>> -> memref<125x80xi32, #tpu.memory_space<hbm>>
    %dma_wait3A_13 = arith.constant 0 : i32
    %dma_wait3A_14 = arith.constant 0 : i32
    %dma_wait3A_15 = tpu.memref_slice %arg3[%add3A, %dma_wait3A_13, %dma_wait3A_14] : memref<32x125x80xi32, #tpu.memory_space<hbm>> -> memref<1x125x80xi32, #tpu.memory_space<hbm>>
    %dma_wait3A_16 = tpu.memref_squeeze %dma_wait3A_15 : memref<1x125x80xi32, #tpu.memory_space<hbm>> -> memref<125x80xi32, #tpu.memory_space<hbm>>
    tpu.wait_dma2 semaphore(%arg25 : memref<!tpu.dma_semaphore, #tpu.memory_space<semaphore_mem>>) src(%dma_wait3A_16 : memref<125x80xi32, #tpu.memory_space<hbm>>) dst(%arg7 : memref<125x80xi32, #tpu.memory_space<vmem>>)
    %dma_start3A_17 = arith.constant 0 : i32
    %dma_start3A_18 = arith.constant 0 : i32
    %dma_start3A_19 = tpu.memref_slice %arg4[%add3A, %dma_start3A_17, %dma_start3A_18] : memref<32x125x80xi32, #tpu.memory_space<hbm>> -> memref<1x125x80xi32, #tpu.memory_space<hbm>>
    %dma_start3A_20 = tpu.memref_squeeze %dma_start3A_19 : memref<1x125x80xi32, #tpu.memory_space<hbm>> -> memref<125x80xi32, #tpu.memory_space<hbm>>
    %dma_start3A_21 = arith.constant 0 : i32
    %dma_start3A_22 = arith.constant 0 : i32
    %dma_start3A_23 = tpu.memref_slice %arg4[%add3A, %dma_start3A_21, %dma_start3A_22] : memref<32x125x80xi32, #tpu.memory_space<hbm>> -> memref<1x125x80xi32, #tpu.memory_space<hbm>>
    %dma_start3A_24 = tpu.memref_squeeze %dma_start3A_23 : memref<1x125x80xi32, #tpu.memory_space<hbm>> -> memref<125x80xi32, #tpu.memory_space<hbm>>
    tpu.enqueue_dma source(%dma_start3A_24 : memref<125x80xi32, #tpu.memory_space<hbm>>) target(%arg8 : memref<125x80xi32, #tpu.memory_space<vmem>>) target_semaphore(%arg25 : memref<!tpu.dma_semaphore, #tpu.memory_space<semaphore_mem>>)
    %dma_start3A_25 = arith.constant 0 : i32
    %dma_start3A_26 = arith.constant 0 : i32
    %dma_start3A_27 = tpu.memref_slice %arg7[%dma_start3A_25, %dma_start3A_26] : memref<125x80xi32, #tpu.memory_space<vmem>> -> memref<1x80xi32, #tpu.memory_space<vmem>>
    %dma_start3A_28 = tpu.memref_squeeze %dma_start3A_27 : memref<1x80xi32, #tpu.memory_space<vmem>> -> memref<80xi32, #tpu.memory_space<vmem>>
    %dma_start3A_29 = arith.constant 0 : i32
    %dma_start3A_30 = arith.constant 0 : i32
    %dma_start3A_31 = tpu.memref_slice %arg2[%dma_start3A_29, %dma_start3A_30] : memref<20000x64xf32, #tpu.memory_space<hbm>> -> memref<20000x64xf32, #tpu.memory_space<hbm>>
    tpu.enqueue_indirect_dma source(%dma_start3A_31 : memref<20000x64xf32, #tpu.memory_space<hbm>>) target(%arg9 : memref<80x64xf32, #tpu.memory_space<vmem>>) offsets(%dma_start3A_28 : memref<80xi32, #tpu.memory_space<vmem>>) semaphore(%arg15 : memref<!tpu.dma_semaphore, #tpu.memory_space<semaphore_mem>>)
    %dma_start3A_32 = arith.constant 1 : i32
    %dma_start3A_33 = arith.constant 0 : i32
    %dma_start3A_34 = tpu.memref_slice %arg7[%dma_start3A_32, %dma_start3A_33] : memref<125x80xi32, #tpu.memory_space<vmem>> -> memref<1x80xi32, #tpu.memory_space<vmem>>
    %dma_start3A_35 = tpu.memref_squeeze %dma_start3A_34 : memref<1x80xi32, #tpu.memory_space<vmem>> -> memref<80xi32, #tpu.memory_space<vmem>>
    %dma_start3A_36 = arith.constant 0 : i32
    %dma_start3A_37 = arith.constant 0 : i32
    %dma_start3A_38 = tpu.memref_slice %arg2[%dma_start3A_36, %dma_start3A_37] : memref<20000x64xf32, #tpu.memory_space<hbm>> -> memref<20000x64xf32, #tpu.memory_space<hbm>>
    tpu.enqueue_indirect_dma source(%dma_start3A_38 : memref<20000x64xf32, #tpu.memory_space<hbm>>) target(%arg10 : memref<80x64xf32, #tpu.memory_space<vmem>>) offsets(%dma_start3A_35 : memref<80xi32, #tpu.memory_space<vmem>>) semaphore(%arg16 : memref<!tpu.dma_semaphore, #tpu.memory_space<semaphore_mem>>)
    %dma_start3A_39 = arith.constant 2 : i32
    %dma_start3A_40 = arith.constant 0 : i32
    %dma_start3A_41 = tpu.memref_slice %arg7[%dma_start3A_39, %dma_start3A_40] : memref<125x80xi32, #tpu.memory_space<vmem>> -> memref<1x80xi32, #tpu.memory_space<vmem>>
    %dma_start3A_42 = tpu.memref_squeeze %dma_start3A_41 : memref<1x80xi32, #tpu.memory_space<vmem>> -> memref<80xi32, #tpu.memory_space<vmem>>
    %dma_start3A_43 = arith.constant 0 : i32
    %dma_start3A_44 = arith.constant 0 : i32
    %dma_start3A_45 = tpu.memref_slice %arg2[%dma_start3A_43, %dma_start3A_44] : memref<20000x64xf32, #tpu.memory_space<hbm>> -> memref<20000x64xf32, #tpu.memory_space<hbm>>
    tpu.enqueue_indirect_dma source(%dma_start3A_45 : memref<20000x64xf32, #tpu.memory_space<hbm>>) target(%arg11 : memref<80x64xf32, #tpu.memory_space<vmem>>) offsets(%dma_start3A_42 : memref<80xi32, #tpu.memory_space<vmem>>) semaphore(%arg17 : memref<!tpu.dma_semaphore, #tpu.memory_space<semaphore_mem>>)
    %dma_start3A_46 = arith.constant 3 : i32
    %dma_start3A_47 = arith.constant 0 : i32
    %dma_start3A_48 = tpu.memref_slice %arg7[%dma_start3A_46, %dma_start3A_47] : memref<125x80xi32, #tpu.memory_space<vmem>> -> memref<1x80xi32, #tpu.memory_space<vmem>>
    %dma_start3A_49 = tpu.memref_squeeze %dma_start3A_48 : memref<1x80xi32, #tpu.memory_space<vmem>> -> memref<80xi32, #tpu.memory_space<vmem>>
    %dma_start3A_50 = arith.constant 0 : i32
    %dma_start3A_51 = arith.constant 0 : i32
    %dma_start3A_52 = tpu.memref_slice %arg2[%dma_start3A_50, %dma_start3A_51] : memref<20000x64xf32, #tpu.memory_space<hbm>> -> memref<20000x64xf32, #tpu.memory_space<hbm>>
    tpu.enqueue_indirect_dma source(%dma_start3A_52 : memref<20000x64xf32, #tpu.memory_space<hbm>>) target(%arg12 : memref<80x64xf32, #tpu.memory_space<vmem>>) offsets(%dma_start3A_49 : memref<80xi32, #tpu.memory_space<vmem>>) semaphore(%arg18 : memref<!tpu.dma_semaphore, #tpu.memory_space<semaphore_mem>>)
    %dma_start3A_53 = arith.constant 4 : i32
    %dma_start3A_54 = arith.constant 0 : i32
    %dma_start3A_55 = tpu.memref_slice %arg7[%dma_start3A_53, %dma_start3A_54] : memref<125x80xi32, #tpu.memory_space<vmem>> -> memref<1x80xi32, #tpu.memory_space<vmem>>
    %dma_start3A_56 = tpu.memref_squeeze %dma_start3A_55 : memref<1x80xi32, #tpu.memory_space<vmem>> -> memref<80xi32, #tpu.memory_space<vmem>>
    %dma_start3A_57 = arith.constant 0 : i32
    %dma_start3A_58 = arith.constant 0 : i32
    %dma_start3A_59 = tpu.memref_slice %arg2[%dma_start3A_57, %dma_start3A_58] : memref<20000x64xf32, #tpu.memory_space<hbm>> -> memref<20000x64xf32, #tpu.memory_space<hbm>>
    tpu.enqueue_indirect_dma source(%dma_start3A_59 : memref<20000x64xf32, #tpu.memory_space<hbm>>) target(%arg13 : memref<80x64xf32, #tpu.memory_space<vmem>>) offsets(%dma_start3A_56 : memref<80xi32, #tpu.memory_space<vmem>>) semaphore(%arg19 : memref<!tpu.dma_semaphore, #tpu.memory_space<semaphore_mem>>)
    %lt3A = arith.constant 15 : i32
    %lt3A_60 = arith.cmpi slt, %arg1, %lt3A : i32
    %convert_element_type3A = arith.extui %lt3A_60 : i1 to i32
    %cond3A = arith.constant 0 : i32
    %cond3A_61 = arith.cmpi ne, %convert_element_type3A, %cond3A : i32
    scf.if %cond3A_61 {
      "tpu.region"() ({
        %run_scoped3A = tpu.sem_alloc : memref<!tpu.dma_semaphore, #tpu.memory_space<semaphore_mem>>
        %dma_start3A_194 = arith.constant 0 : i32
        %dma_start3A_195 = tpu.memref_slice %arg14[%multiple_of3A, %dma_start3A_194] : memref<10000x64xf32, #tpu.memory_space<vmem_shared>> -> memref<624x64xf32, #tpu.memory_space<vmem_shared>>
        %dma_start3A_196 = arith.constant 0 : i32
        %dma_start3A_197 = tpu.memref_slice %arg5[%multiple_of3A, %dma_start3A_196] : memref<10000x64xf32, #tpu.memory_space<hbm>> -> memref<624x64xf32, #tpu.memory_space<hbm>>
        tpu.enqueue_dma source(%dma_start3A_197 : memref<624x64xf32, #tpu.memory_space<hbm>>) target(%dma_start3A_195 : memref<624x64xf32, #tpu.memory_space<vmem_shared>>) target_semaphore(%run_scoped3A : memref<!tpu.dma_semaphore, #tpu.memory_space<semaphore_mem>>)
        %dma_wait3A_198 = arith.constant 0 : i32
        %dma_wait3A_199 = tpu.memref_slice %arg14[%multiple_of3A, %dma_wait3A_198] : memref<10000x64xf32, #tpu.memory_space<vmem_shared>> -> memref<624x64xf32, #tpu.memory_space<vmem_shared>>
        %dma_wait3A_200 = arith.constant 0 : i32
        %dma_wait3A_201 = tpu.memref_slice %arg5[%multiple_of3A, %dma_wait3A_200] : memref<10000x64xf32, #tpu.memory_space<hbm>> -> memref<624x64xf32, #tpu.memory_space<hbm>>
        tpu.wait_dma2 semaphore(%run_scoped3A : memref<!tpu.dma_semaphore, #tpu.memory_space<semaphore_mem>>) src(%dma_wait3A_201 : memref<624x64xf32, #tpu.memory_space<hbm>>) dst(%dma_wait3A_199 : memref<624x64xf32, #tpu.memory_space<vmem_shared>>)
        tpu.yield
      }) : () -> ()
    } else {
    }
    %eq3A = arith.constant 15 : i32
    %eq3A_62 = arith.cmpi eq, %arg1, %eq3A : i32
    %convert_element_type3A_63 = arith.extui %eq3A_62 : i1 to i32
    %cond3A_64 = arith.constant 0 : i32
    %cond3A_65 = arith.cmpi ne, %convert_element_type3A_63, %cond3A_64 : i32
    scf.if %cond3A_65 {
      "tpu.region"() ({
        %run_scoped3A = tpu.sem_alloc : memref<!tpu.dma_semaphore, #tpu.memory_space<semaphore_mem>>
        %dma_start3A_194 = arith.constant 9360 : i32
        %dma_start3A_195 = arith.constant 0 : i32
        %dma_start3A_196 = tpu.memref_slice %arg14[%dma_start3A_194, %dma_start3A_195] : memref<10000x64xf32, #tpu.memory_space<vmem_shared>> -> memref<640x64xf32, #tpu.memory_space<vmem_shared>>
        %dma_start3A_197 = arith.constant 9360 : i32
        %dma_start3A_198 = arith.constant 0 : i32
        %dma_start3A_199 = tpu.memref_slice %arg5[%dma_start3A_197, %dma_start3A_198] : memref<10000x64xf32, #tpu.memory_space<hbm>> -> memref<640x64xf32, #tpu.memory_space<hbm>>
        tpu.enqueue_dma source(%dma_start3A_199 : memref<640x64xf32, #tpu.memory_space<hbm>>) target(%dma_start3A_196 : memref<640x64xf32, #tpu.memory_space<vmem_shared>>) target_semaphore(%run_scoped3A : memref<!tpu.dma_semaphore, #tpu.memory_space<semaphore_mem>>)
        %dma_wait3A_200 = arith.constant 9360 : i32
        %dma_wait3A_201 = arith.constant 0 : i32
        %dma_wait3A_202 = tpu.memref_slice %arg14[%dma_wait3A_200, %dma_wait3A_201] : memref<10000x64xf32, #tpu.memory_space<vmem_shared>> -> memref<640x64xf32, #tpu.memory_space<vmem_shared>>
        %dma_wait3A_203 = arith.constant 9360 : i32
        %dma_wait3A_204 = arith.constant 0 : i32
        %dma_wait3A_205 = tpu.memref_slice %arg5[%dma_wait3A_203, %dma_wait3A_204] : memref<10000x64xf32, #tpu.memory_space<hbm>> -> memref<640x64xf32, #tpu.memory_space<hbm>>
        tpu.wait_dma2 semaphore(%run_scoped3A : memref<!tpu.dma_semaphore, #tpu.memory_space<semaphore_mem>>) src(%dma_wait3A_205 : memref<640x64xf32, #tpu.memory_space<hbm>>) dst(%dma_wait3A_202 : memref<640x64xf32, #tpu.memory_space<vmem_shared>>)
        tpu.yield
      }) : () -> ()
    } else {
    }
    %dma_wait3A_66 = arith.constant 0 : i32
    %dma_wait3A_67 = arith.constant 0 : i32
    %dma_wait3A_68 = tpu.memref_slice %arg4[%add3A, %dma_wait3A_66, %dma_wait3A_67] : memref<32x125x80xi32, #tpu.memory_space<hbm>> -> memref<1x125x80xi32, #tpu.memory_space<hbm>>
    %dma_wait3A_69 = tpu.memref_squeeze %dma_wait3A_68 : memref<1x125x80xi32, #tpu.memory_space<hbm>> -> memref<125x80xi32, #tpu.memory_space<hbm>>
    %dma_wait3A_70 = arith.constant 0 : i32
    %dma_wait3A_71 = arith.constant 0 : i32
    %dma_wait3A_72 = tpu.memref_slice %arg4[%add3A, %dma_wait3A_70, %dma_wait3A_71] : memref<32x125x80xi32, #tpu.memory_space<hbm>> -> memref<1x125x80xi32, #tpu.memory_space<hbm>>
    %dma_wait3A_73 = tpu.memref_squeeze %dma_wait3A_72 : memref<1x125x80xi32, #tpu.memory_space<hbm>> -> memref<125x80xi32, #tpu.memory_space<hbm>>
    tpu.wait_dma2 semaphore(%arg25 : memref<!tpu.dma_semaphore, #tpu.memory_space<semaphore_mem>>) src(%dma_wait3A_73 : memref<125x80xi32, #tpu.memory_space<hbm>>) dst(%arg8 : memref<125x80xi32, #tpu.memory_space<vmem>>)
    %barrier3A = arith.constant 0 : index
    tpu.barrier barrier_id(%barrier3A)
    %scan3A = arith.constant 0 : i32
    %scan3A_74 = arith.constant 24 : i32
    %scan3A_75 = arith.addi %scan3A, %scan3A_74 : i32
    %scan3A_76 = arith.constant 1 : i32
    scf.for %scan3A_194 = %scan3A to %scan3A_75 step %scan3A_76  : i32 {
      %mul3A_195 = arith.constant 1 : i32
      %mul3A_196 = arith.muli %scan3A_194, %mul3A_195 : i32
      %add3A_197 = arith.constant 1 : i32
      %add3A_198 = arith.addi %add3A_197, %mul3A_196 : i32
      %sub3A = arith.constant 1 : i32
      %sub3A_199 = arith.subi %add3A_198, %sub3A : i32
      %mul3A_200 = arith.constant 5 : i32
      %mul3A_201 = arith.muli %sub3A_199, %mul3A_200 : i32
      %add3A_202 = arith.constant 0 : i32
      %add3A_203 = arith.addi %mul3A_201, %add3A_202 : i32
      %dma_wait3A_204 = arith.constant 0 : i32
      %dma_wait3A_205 = tpu.memref_slice %arg7[%add3A_203, %dma_wait3A_204] : memref<125x80xi32, #tpu.memory_space<vmem>> -> memref<1x80xi32, #tpu.memory_space<vmem>>
      %dma_wait3A_206 = tpu.memref_squeeze %dma_wait3A_205 : memref<1x80xi32, #tpu.memory_space<vmem>> -> memref<80xi32, #tpu.memory_space<vmem>>
      %dma_wait3A_207 = arith.constant 0 : i32
      %dma_wait3A_208 = arith.constant 0 : i32
      %dma_wait3A_209 = tpu.memref_slice %arg2[%dma_wait3A_207, %dma_wait3A_208] : memref<20000x64xf32, #tpu.memory_space<hbm>> -> memref<20000x64xf32, #tpu.memory_space<hbm>>
      tpu.wait_indirect_dma semaphore(%arg15 : memref<!tpu.dma_semaphore, #tpu.memory_space<semaphore_mem>>) src(%dma_wait3A_209 : memref<20000x64xf32, #tpu.memory_space<hbm>>) dst(%arg9 : memref<80x64xf32, #tpu.memory_space<vmem>>)
      %dma_start3A_210 = arith.constant 0 : i32
      %dma_start3A_211 = tpu.memref_slice %arg8[%add3A_203, %dma_start3A_210] : memref<125x80xi32, #tpu.memory_space<vmem>> -> memref<1x80xi32, #tpu.memory_space<vmem>>
      %dma_start3A_212 = tpu.memref_squeeze %dma_start3A_211 : memref<1x80xi32, #tpu.memory_space<vmem>> -> memref<80xi32, #tpu.memory_space<vmem>>
      %dma_start3A_213 = arith.constant 0 : i32
      %dma_start3A_214 = arith.constant 0 : i32
      %dma_start3A_215 = tpu.memref_slice %arg14[%dma_start3A_213, %dma_start3A_214] : memref<10000x64xf32, #tpu.memory_space<vmem_shared>> -> memref<10000x64xf32, #tpu.memory_space<vmem_shared>>
      tpu.enqueue_indirect_dma source(%arg9 : memref<80x64xf32, #tpu.memory_space<vmem>>) target(%dma_start3A_215 : memref<10000x64xf32, #tpu.memory_space<vmem_shared>>) offsets(%dma_start3A_212 : memref<80xi32, #tpu.memory_space<vmem>>) semaphore(%arg20 : memref<!tpu.dma_semaphore, #tpu.memory_space<semaphore_mem>>) {add = true}
      %sub3A_216 = arith.constant 1 : i32
      %sub3A_217 = arith.subi %add3A_198, %sub3A_216 : i32
      %mul3A_218 = arith.constant 5 : i32
      %mul3A_219 = arith.muli %sub3A_217, %mul3A_218 : i32
      %add3A_220 = arith.constant 1 : i32
      %add3A_221 = arith.addi %mul3A_219, %add3A_220 : i32
      %dma_wait3A_222 = arith.constant 0 : i32
      %dma_wait3A_223 = tpu.memref_slice %arg7[%add3A_221, %dma_wait3A_222] : memref<125x80xi32, #tpu.memory_space<vmem>> -> memref<1x80xi32, #tpu.memory_space<vmem>>
      %dma_wait3A_224 = tpu.memref_squeeze %dma_wait3A_223 : memref<1x80xi32, #tpu.memory_space<vmem>> -> memref<80xi32, #tpu.memory_space<vmem>>
      %dma_wait3A_225 = arith.constant 0 : i32
      %dma_wait3A_226 = arith.constant 0 : i32
      %dma_wait3A_227 = tpu.memref_slice %arg2[%dma_wait3A_225, %dma_wait3A_226] : memref<20000x64xf32, #tpu.memory_space<hbm>> -> memref<20000x64xf32, #tpu.memory_space<hbm>>
      tpu.wait_indirect_dma semaphore(%arg16 : memref<!tpu.dma_semaphore, #tpu.memory_space<semaphore_mem>>) src(%dma_wait3A_227 : memref<20000x64xf32, #tpu.memory_space<hbm>>) dst(%arg10 : memref<80x64xf32, #tpu.memory_space<vmem>>)
      %dma_start3A_228 = arith.constant 0 : i32
      %dma_start3A_229 = tpu.memref_slice %arg8[%add3A_221, %dma_start3A_228] : memref<125x80xi32, #tpu.memory_space<vmem>> -> memref<1x80xi32, #tpu.memory_space<vmem>>
      %dma_start3A_230 = tpu.memref_squeeze %dma_start3A_229 : memref<1x80xi32, #tpu.memory_space<vmem>> -> memref<80xi32, #tpu.memory_space<vmem>>
      %dma_start3A_231 = arith.constant 0 : i32
      %dma_start3A_232 = arith.constant 0 : i32
      %dma_start3A_233 = tpu.memref_slice %arg14[%dma_start3A_231, %dma_start3A_232] : memref<10000x64xf32, #tpu.memory_space<vmem_shared>> -> memref<10000x64xf32, #tpu.memory_space<vmem_shared>>
      tpu.enqueue_indirect_dma source(%arg10 : memref<80x64xf32, #tpu.memory_space<vmem>>) target(%dma_start3A_233 : memref<10000x64xf32, #tpu.memory_space<vmem_shared>>) offsets(%dma_start3A_230 : memref<80xi32, #tpu.memory_space<vmem>>) semaphore(%arg21 : memref<!tpu.dma_semaphore, #tpu.memory_space<semaphore_mem>>) {add = true}
      %sub3A_234 = arith.constant 1 : i32
      %sub3A_235 = arith.subi %add3A_198, %sub3A_234 : i32
      %mul3A_236 = arith.constant 5 : i32
      %mul3A_237 = arith.muli %sub3A_235, %mul3A_236 : i32
      %add3A_238 = arith.constant 2 : i32
      %add3A_239 = arith.addi %mul3A_237, %add3A_238 : i32
      %dma_wait3A_240 = arith.constant 0 : i32
      %dma_wait3A_241 = tpu.memref_slice %arg7[%add3A_239, %dma_wait3A_240] : memref<125x80xi32, #tpu.memory_space<vmem>> -> memref<1x80xi32, #tpu.memory_space<vmem>>
      %dma_wait3A_242 = tpu.memref_squeeze %dma_wait3A_241 : memref<1x80xi32, #tpu.memory_space<vmem>> -> memref<80xi32, #tpu.memory_space<vmem>>
      %dma_wait3A_243 = arith.constant 0 : i32
      %dma_wait3A_244 = arith.constant 0 : i32
      %dma_wait3A_245 = tpu.memref_slice %arg2[%dma_wait3A_243, %dma_wait3A_244] : memref<20000x64xf32, #tpu.memory_space<hbm>> -> memref<20000x64xf32, #tpu.memory_space<hbm>>
      tpu.wait_indirect_dma semaphore(%arg17 : memref<!tpu.dma_semaphore, #tpu.memory_space<semaphore_mem>>) src(%dma_wait3A_245 : memref<20000x64xf32, #tpu.memory_space<hbm>>) dst(%arg11 : memref<80x64xf32, #tpu.memory_space<vmem>>)
      %dma_start3A_246 = arith.constant 0 : i32
      %dma_start3A_247 = tpu.memref_slice %arg8[%add3A_239, %dma_start3A_246] : memref<125x80xi32, #tpu.memory_space<vmem>> -> memref<1x80xi32, #tpu.memory_space<vmem>>
      %dma_start3A_248 = tpu.memref_squeeze %dma_start3A_247 : memref<1x80xi32, #tpu.memory_space<vmem>> -> memref<80xi32, #tpu.memory_space<vmem>>
      %dma_start3A_249 = arith.constant 0 : i32
      %dma_start3A_250 = arith.constant 0 : i32
      %dma_start3A_251 = tpu.memref_slice %arg14[%dma_start3A_249, %dma_start3A_250] : memref<10000x64xf32, #tpu.memory_space<vmem_shared>> -> memref<10000x64xf32, #tpu.memory_space<vmem_shared>>
      tpu.enqueue_indirect_dma source(%arg11 : memref<80x64xf32, #tpu.memory_space<vmem>>) target(%dma_start3A_251 : memref<10000x64xf32, #tpu.memory_space<vmem_shared>>) offsets(%dma_start3A_248 : memref<80xi32, #tpu.memory_space<vmem>>) semaphore(%arg22 : memref<!tpu.dma_semaphore, #tpu.memory_space<semaphore_mem>>) {add = true}
      %sub3A_252 = arith.constant 1 : i32
      %sub3A_253 = arith.subi %add3A_198, %sub3A_252 : i32
      %mul3A_254 = arith.constant 5 : i32
      %mul3A_255 = arith.muli %sub3A_253, %mul3A_254 : i32
      %add3A_256 = arith.constant 3 : i32
      %add3A_257 = arith.addi %mul3A_255, %add3A_256 : i32
      %dma_wait3A_258 = arith.constant 0 : i32
      %dma_wait3A_259 = tpu.memref_slice %arg7[%add3A_257, %dma_wait3A_258] : memref<125x80xi32, #tpu.memory_space<vmem>> -> memref<1x80xi32, #tpu.memory_space<vmem>>
      %dma_wait3A_260 = tpu.memref_squeeze %dma_wait3A_259 : memref<1x80xi32, #tpu.memory_space<vmem>> -> memref<80xi32, #tpu.memory_space<vmem>>
      %dma_wait3A_261 = arith.constant 0 : i32
      %dma_wait3A_262 = arith.constant 0 : i32
      %dma_wait3A_263 = tpu.memref_slice %arg2[%dma_wait3A_261, %dma_wait3A_262] : memref<20000x64xf32, #tpu.memory_space<hbm>> -> memref<20000x64xf32, #tpu.memory_space<hbm>>
      tpu.wait_indirect_dma semaphore(%arg18 : memref<!tpu.dma_semaphore, #tpu.memory_space<semaphore_mem>>) src(%dma_wait3A_263 : memref<20000x64xf32, #tpu.memory_space<hbm>>) dst(%arg12 : memref<80x64xf32, #tpu.memory_space<vmem>>)
      %dma_start3A_264 = arith.constant 0 : i32
      %dma_start3A_265 = tpu.memref_slice %arg8[%add3A_257, %dma_start3A_264] : memref<125x80xi32, #tpu.memory_space<vmem>> -> memref<1x80xi32, #tpu.memory_space<vmem>>
      %dma_start3A_266 = tpu.memref_squeeze %dma_start3A_265 : memref<1x80xi32, #tpu.memory_space<vmem>> -> memref<80xi32, #tpu.memory_space<vmem>>
      %dma_start3A_267 = arith.constant 0 : i32
      %dma_start3A_268 = arith.constant 0 : i32
      %dma_start3A_269 = tpu.memref_slice %arg14[%dma_start3A_267, %dma_start3A_268] : memref<10000x64xf32, #tpu.memory_space<vmem_shared>> -> memref<10000x64xf32, #tpu.memory_space<vmem_shared>>
      tpu.enqueue_indirect_dma source(%arg12 : memref<80x64xf32, #tpu.memory_space<vmem>>) target(%dma_start3A_269 : memref<10000x64xf32, #tpu.memory_space<vmem_shared>>) offsets(%dma_start3A_266 : memref<80xi32, #tpu.memory_space<vmem>>) semaphore(%arg23 : memref<!tpu.dma_semaphore, #tpu.memory_space<semaphore_mem>>) {add = true}
      %sub3A_270 = arith.constant 1 : i32
      %sub3A_271 = arith.subi %add3A_198, %sub3A_270 : i32
      %mul3A_272 = arith.constant 5 : i32
      %mul3A_273 = arith.muli %sub3A_271, %mul3A_272 : i32
      %add3A_274 = arith.constant 4 : i32
      %add3A_275 = arith.addi %mul3A_273, %add3A_274 : i32
      %dma_wait3A_276 = arith.constant 0 : i32
      %dma_wait3A_277 = tpu.memref_slice %arg7[%add3A_275, %dma_wait3A_276] : memref<125x80xi32, #tpu.memory_space<vmem>> -> memref<1x80xi32, #tpu.memory_space<vmem>>
      %dma_wait3A_278 = tpu.memref_squeeze %dma_wait3A_277 : memref<1x80xi32, #tpu.memory_space<vmem>> -> memref<80xi32, #tpu.memory_space<vmem>>
      %dma_wait3A_279 = arith.constant 0 : i32
      %dma_wait3A_280 = arith.constant 0 : i32
      %dma_wait3A_281 = tpu.memref_slice %arg2[%dma_wait3A_279, %dma_wait3A_280] : memref<20000x64xf32, #tpu.memory_space<hbm>> -> memref<20000x64xf32, #tpu.memory_space<hbm>>
      tpu.wait_indirect_dma semaphore(%arg19 : memref<!tpu.dma_semaphore, #tpu.memory_space<semaphore_mem>>) src(%dma_wait3A_281 : memref<20000x64xf32, #tpu.memory_space<hbm>>) dst(%arg13 : memref<80x64xf32, #tpu.memory_space<vmem>>)
      %dma_start3A_282 = arith.constant 0 : i32
      %dma_start3A_283 = tpu.memref_slice %arg8[%add3A_275, %dma_start3A_282] : memref<125x80xi32, #tpu.memory_space<vmem>> -> memref<1x80xi32, #tpu.memory_space<vmem>>
      %dma_start3A_284 = tpu.memref_squeeze %dma_start3A_283 : memref<1x80xi32, #tpu.memory_space<vmem>> -> memref<80xi32, #tpu.memory_space<vmem>>
      %dma_start3A_285 = arith.constant 0 : i32
      %dma_start3A_286 = arith.constant 0 : i32
      %dma_start3A_287 = tpu.memref_slice %arg14[%dma_start3A_285, %dma_start3A_286] : memref<10000x64xf32, #tpu.memory_space<vmem_shared>> -> memref<10000x64xf32, #tpu.memory_space<vmem_shared>>
      tpu.enqueue_indirect_dma source(%arg13 : memref<80x64xf32, #tpu.memory_space<vmem>>) target(%dma_start3A_287 : memref<10000x64xf32, #tpu.memory_space<vmem_shared>>) offsets(%dma_start3A_284 : memref<80xi32, #tpu.memory_space<vmem>>) semaphore(%arg24 : memref<!tpu.dma_semaphore, #tpu.memory_space<semaphore_mem>>) {add = true}
      %dma_wait3A_288 = arith.constant 0 : i32
      %dma_wait3A_289 = tpu.memref_slice %arg8[%add3A_203, %dma_wait3A_288] : memref<125x80xi32, #tpu.memory_space<vmem>> -> memref<1x80xi32, #tpu.memory_space<vmem>>
      %dma_wait3A_290 = tpu.memref_squeeze %dma_wait3A_289 : memref<1x80xi32, #tpu.memory_space<vmem>> -> memref<80xi32, #tpu.memory_space<vmem>>
      %dma_wait3A_291 = arith.constant 0 : i32
      %dma_wait3A_292 = arith.constant 0 : i32
      %dma_wait3A_293 = tpu.memref_slice %arg14[%dma_wait3A_291, %dma_wait3A_292] : memref<10000x64xf32, #tpu.memory_space<vmem_shared>> -> memref<10000x64xf32, #tpu.memory_space<vmem_shared>>
      tpu.wait_indirect_dma semaphore(%arg20 : memref<!tpu.dma_semaphore, #tpu.memory_space<semaphore_mem>>) src(%arg9 : memref<80x64xf32, #tpu.memory_space<vmem>>) dst(%dma_wait3A_293 : memref<10000x64xf32, #tpu.memory_space<vmem_shared>>)
      %mul3A_294 = arith.constant 5 : i32
      %mul3A_295 = arith.muli %add3A_198, %mul3A_294 : i32
      %add3A_296 = arith.constant 0 : i32
      %add3A_297 = arith.addi %mul3A_295, %add3A_296 : i32
      %dma_start3A_298 = arith.constant 0 : i32
      %dma_start3A_299 = tpu.memref_slice %arg7[%add3A_297, %dma_start3A_298] : memref<125x80xi32, #tpu.memory_space<vmem>> -> memref<1x80xi32, #tpu.memory_space<vmem>>
      %dma_start3A_300 = tpu.memref_squeeze %dma_start3A_299 : memref<1x80xi32, #tpu.memory_space<vmem>> -> memref<80xi32, #tpu.memory_space<vmem>>
      %dma_start3A_301 = arith.constant 0 : i32
      %dma_start3A_302 = arith.constant 0 : i32
      %dma_start3A_303 = tpu.memref_slice %arg2[%dma_start3A_301, %dma_start3A_302] : memref<20000x64xf32, #tpu.memory_space<hbm>> -> memref<20000x64xf32, #tpu.memory_space<hbm>>
      tpu.enqueue_indirect_dma source(%dma_start3A_303 : memref<20000x64xf32, #tpu.memory_space<hbm>>) target(%arg9 : memref<80x64xf32, #tpu.memory_space<vmem>>) offsets(%dma_start3A_300 : memref<80xi32, #tpu.memory_space<vmem>>) semaphore(%arg15 : memref<!tpu.dma_semaphore, #tpu.memory_space<semaphore_mem>>)
      %dma_wait3A_304 = arith.constant 0 : i32
      %dma_wait3A_305 = tpu.memref_slice %arg8[%add3A_221, %dma_wait3A_304] : memref<125x80xi32, #tpu.memory_space<vmem>> -> memref<1x80xi32, #tpu.memory_space<vmem>>
      %dma_wait3A_306 = tpu.memref_squeeze %dma_wait3A_305 : memref<1x80xi32, #tpu.memory_space<vmem>> -> memref<80xi32, #tpu.memory_space<vmem>>
      %dma_wait3A_307 = arith.constant 0 : i32
      %dma_wait3A_308 = arith.constant 0 : i32
      %dma_wait3A_309 = tpu.memref_slice %arg14[%dma_wait3A_307, %dma_wait3A_308] : memref<10000x64xf32, #tpu.memory_space<vmem_shared>> -> memref<10000x64xf32, #tpu.memory_space<vmem_shared>>
      tpu.wait_indirect_dma semaphore(%arg21 : memref<!tpu.dma_semaphore, #tpu.memory_space<semaphore_mem>>) src(%arg10 : memref<80x64xf32, #tpu.memory_space<vmem>>) dst(%dma_wait3A_309 : memref<10000x64xf32, #tpu.memory_space<vmem_shared>>)
      %mul3A_310 = arith.constant 5 : i32
      %mul3A_311 = arith.muli %add3A_198, %mul3A_310 : i32
      %add3A_312 = arith.constant 1 : i32
      %add3A_313 = arith.addi %mul3A_311, %add3A_312 : i32
      %dma_start3A_314 = arith.constant 0 : i32
      %dma_start3A_315 = tpu.memref_slice %arg7[%add3A_313, %dma_start3A_314] : memref<125x80xi32, #tpu.memory_space<vmem>> -> memref<1x80xi32, #tpu.memory_space<vmem>>
      %dma_start3A_316 = tpu.memref_squeeze %dma_start3A_315 : memref<1x80xi32, #tpu.memory_space<vmem>> -> memref<80xi32, #tpu.memory_space<vmem>>
      %dma_start3A_317 = arith.constant 0 : i32
      %dma_start3A_318 = arith.constant 0 : i32
      %dma_start3A_319 = tpu.memref_slice %arg2[%dma_start3A_317, %dma_start3A_318] : memref<20000x64xf32, #tpu.memory_space<hbm>> -> memref<20000x64xf32, #tpu.memory_space<hbm>>
      tpu.enqueue_indirect_dma source(%dma_start3A_319 : memref<20000x64xf32, #tpu.memory_space<hbm>>) target(%arg10 : memref<80x64xf32, #tpu.memory_space<vmem>>) offsets(%dma_start3A_316 : memref<80xi32, #tpu.memory_space<vmem>>) semaphore(%arg16 : memref<!tpu.dma_semaphore, #tpu.memory_space<semaphore_mem>>)
      %dma_wait3A_320 = arith.constant 0 : i32
      %dma_wait3A_321 = tpu.memref_slice %arg8[%add3A_239, %dma_wait3A_320] : memref<125x80xi32, #tpu.memory_space<vmem>> -> memref<1x80xi32, #tpu.memory_space<vmem>>
      %dma_wait3A_322 = tpu.memref_squeeze %dma_wait3A_321 : memref<1x80xi32, #tpu.memory_space<vmem>> -> memref<80xi32, #tpu.memory_space<vmem>>
      %dma_wait3A_323 = arith.constant 0 : i32
      %dma_wait3A_324 = arith.constant 0 : i32
      %dma_wait3A_325 = tpu.memref_slice %arg14[%dma_wait3A_323, %dma_wait3A_324] : memref<10000x64xf32, #tpu.memory_space<vmem_shared>> -> memref<10000x64xf32, #tpu.memory_space<vmem_shared>>
      tpu.wait_indirect_dma semaphore(%arg22 : memref<!tpu.dma_semaphore, #tpu.memory_space<semaphore_mem>>) src(%arg11 : memref<80x64xf32, #tpu.memory_space<vmem>>) dst(%dma_wait3A_325 : memref<10000x64xf32, #tpu.memory_space<vmem_shared>>)
      %mul3A_326 = arith.constant 5 : i32
      %mul3A_327 = arith.muli %add3A_198, %mul3A_326 : i32
      %add3A_328 = arith.constant 2 : i32
      %add3A_329 = arith.addi %mul3A_327, %add3A_328 : i32
      %dma_start3A_330 = arith.constant 0 : i32
      %dma_start3A_331 = tpu.memref_slice %arg7[%add3A_329, %dma_start3A_330] : memref<125x80xi32, #tpu.memory_space<vmem>> -> memref<1x80xi32, #tpu.memory_space<vmem>>
      %dma_start3A_332 = tpu.memref_squeeze %dma_start3A_331 : memref<1x80xi32, #tpu.memory_space<vmem>> -> memref<80xi32, #tpu.memory_space<vmem>>
      %dma_start3A_333 = arith.constant 0 : i32
      %dma_start3A_334 = arith.constant 0 : i32
      %dma_start3A_335 = tpu.memref_slice %arg2[%dma_start3A_333, %dma_start3A_334] : memref<20000x64xf32, #tpu.memory_space<hbm>> -> memref<20000x64xf32, #tpu.memory_space<hbm>>
      tpu.enqueue_indirect_dma source(%dma_start3A_335 : memref<20000x64xf32, #tpu.memory_space<hbm>>) target(%arg11 : memref<80x64xf32, #tpu.memory_space<vmem>>) offsets(%dma_start3A_332 : memref<80xi32, #tpu.memory_space<vmem>>) semaphore(%arg17 : memref<!tpu.dma_semaphore, #tpu.memory_space<semaphore_mem>>)
      %dma_wait3A_336 = arith.constant 0 : i32
      %dma_wait3A_337 = tpu.memref_slice %arg8[%add3A_257, %dma_wait3A_336] : memref<125x80xi32, #tpu.memory_space<vmem>> -> memref<1x80xi32, #tpu.memory_space<vmem>>
      %dma_wait3A_338 = tpu.memref_squeeze %dma_wait3A_337 : memref<1x80xi32, #tpu.memory_space<vmem>> -> memref<80xi32, #tpu.memory_space<vmem>>
      %dma_wait3A_339 = arith.constant 0 : i32
      %dma_wait3A_340 = arith.constant 0 : i32
      %dma_wait3A_341 = tpu.memref_slice %arg14[%dma_wait3A_339, %dma_wait3A_340] : memref<10000x64xf32, #tpu.memory_space<vmem_shared>> -> memref<10000x64xf32, #tpu.memory_space<vmem_shared>>
      tpu.wait_indirect_dma semaphore(%arg23 : memref<!tpu.dma_semaphore, #tpu.memory_space<semaphore_mem>>) src(%arg12 : memref<80x64xf32, #tpu.memory_space<vmem>>) dst(%dma_wait3A_341 : memref<10000x64xf32, #tpu.memory_space<vmem_shared>>)
      %mul3A_342 = arith.constant 5 : i32
      %mul3A_343 = arith.muli %add3A_198, %mul3A_342 : i32
      %add3A_344 = arith.constant 3 : i32
      %add3A_345 = arith.addi %mul3A_343, %add3A_344 : i32
      %dma_start3A_346 = arith.constant 0 : i32
      %dma_start3A_347 = tpu.memref_slice %arg7[%add3A_345, %dma_start3A_346] : memref<125x80xi32, #tpu.memory_space<vmem>> -> memref<1x80xi32, #tpu.memory_space<vmem>>
      %dma_start3A_348 = tpu.memref_squeeze %dma_start3A_347 : memref<1x80xi32, #tpu.memory_space<vmem>> -> memref<80xi32, #tpu.memory_space<vmem>>
      %dma_start3A_349 = arith.constant 0 : i32
      %dma_start3A_350 = arith.constant 0 : i32
      %dma_start3A_351 = tpu.memref_slice %arg2[%dma_start3A_349, %dma_start3A_350] : memref<20000x64xf32, #tpu.memory_space<hbm>> -> memref<20000x64xf32, #tpu.memory_space<hbm>>
      tpu.enqueue_indirect_dma source(%dma_start3A_351 : memref<20000x64xf32, #tpu.memory_space<hbm>>) target(%arg12 : memref<80x64xf32, #tpu.memory_space<vmem>>) offsets(%dma_start3A_348 : memref<80xi32, #tpu.memory_space<vmem>>) semaphore(%arg18 : memref<!tpu.dma_semaphore, #tpu.memory_space<semaphore_mem>>)
      %dma_wait3A_352 = arith.constant 0 : i32
      %dma_wait3A_353 = tpu.memref_slice %arg8[%add3A_275, %dma_wait3A_352] : memref<125x80xi32, #tpu.memory_space<vmem>> -> memref<1x80xi32, #tpu.memory_space<vmem>>
      %dma_wait3A_354 = tpu.memref_squeeze %dma_wait3A_353 : memref<1x80xi32, #tpu.memory_space<vmem>> -> memref<80xi32, #tpu.memory_space<vmem>>
      %dma_wait3A_355 = arith.constant 0 : i32
      %dma_wait3A_356 = arith.constant 0 : i32
      %dma_wait3A_357 = tpu.memref_slice %arg14[%dma_wait3A_355, %dma_wait3A_356] : memref<10000x64xf32, #tpu.memory_space<vmem_shared>> -> memref<10000x64xf32, #tpu.memory_space<vmem_shared>>
      tpu.wait_indirect_dma semaphore(%arg24 : memref<!tpu.dma_semaphore, #tpu.memory_space<semaphore_mem>>) src(%arg13 : memref<80x64xf32, #tpu.memory_space<vmem>>) dst(%dma_wait3A_357 : memref<10000x64xf32, #tpu.memory_space<vmem_shared>>)
      %mul3A_358 = arith.constant 5 : i32
      %mul3A_359 = arith.muli %add3A_198, %mul3A_358 : i32
      %add3A_360 = arith.constant 4 : i32
      %add3A_361 = arith.addi %mul3A_359, %add3A_360 : i32
      %dma_start3A_362 = arith.constant 0 : i32
      %dma_start3A_363 = tpu.memref_slice %arg7[%add3A_361, %dma_start3A_362] : memref<125x80xi32, #tpu.memory_space<vmem>> -> memref<1x80xi32, #tpu.memory_space<vmem>>
      %dma_start3A_364 = tpu.memref_squeeze %dma_start3A_363 : memref<1x80xi32, #tpu.memory_space<vmem>> -> memref<80xi32, #tpu.memory_space<vmem>>
      %dma_start3A_365 = arith.constant 0 : i32
      %dma_start3A_366 = arith.constant 0 : i32
      %dma_start3A_367 = tpu.memref_slice %arg2[%dma_start3A_365, %dma_start3A_366] : memref<20000x64xf32, #tpu.memory_space<hbm>> -> memref<20000x64xf32, #tpu.memory_space<hbm>>
      tpu.enqueue_indirect_dma source(%dma_start3A_367 : memref<20000x64xf32, #tpu.memory_space<hbm>>) target(%arg13 : memref<80x64xf32, #tpu.memory_space<vmem>>) offsets(%dma_start3A_364 : memref<80xi32, #tpu.memory_space<vmem>>) semaphore(%arg19 : memref<!tpu.dma_semaphore, #tpu.memory_space<semaphore_mem>>)
    }
    %scan3A_77 = arith.constant 24 : i32
    %dma_wait3A_78 = arith.constant 120 : i32
    %dma_wait3A_79 = arith.constant 0 : i32
    %dma_wait3A_80 = tpu.memref_slice %arg7[%dma_wait3A_78, %dma_wait3A_79] : memref<125x80xi32, #tpu.memory_space<vmem>> -> memref<1x80xi32, #tpu.memory_space<vmem>>
    %dma_wait3A_81 = tpu.memref_squeeze %dma_wait3A_80 : memref<1x80xi32, #tpu.memory_space<vmem>> -> memref<80xi32, #tpu.memory_space<vmem>>
    %dma_wait3A_82 = arith.constant 0 : i32
    %dma_wait3A_83 = arith.constant 0 : i32
    %dma_wait3A_84 = tpu.memref_slice %arg2[%dma_wait3A_82, %dma_wait3A_83] : memref<20000x64xf32, #tpu.memory_space<hbm>> -> memref<20000x64xf32, #tpu.memory_space<hbm>>
    tpu.wait_indirect_dma semaphore(%arg15 : memref<!tpu.dma_semaphore, #tpu.memory_space<semaphore_mem>>) src(%dma_wait3A_84 : memref<20000x64xf32, #tpu.memory_space<hbm>>) dst(%arg9 : memref<80x64xf32, #tpu.memory_space<vmem>>)
    %dma_start3A_85 = arith.constant 120 : i32
    %dma_start3A_86 = arith.constant 0 : i32
    %dma_start3A_87 = tpu.memref_slice %arg8[%dma_start3A_85, %dma_start3A_86] : memref<125x80xi32, #tpu.memory_space<vmem>> -> memref<1x80xi32, #tpu.memory_space<vmem>>
    %dma_start3A_88 = tpu.memref_squeeze %dma_start3A_87 : memref<1x80xi32, #tpu.memory_space<vmem>> -> memref<80xi32, #tpu.memory_space<vmem>>
    %dma_start3A_89 = arith.constant 0 : i32
    %dma_start3A_90 = arith.constant 0 : i32
    %dma_start3A_91 = tpu.memref_slice %arg14[%dma_start3A_89, %dma_start3A_90] : memref<10000x64xf32, #tpu.memory_space<vmem_shared>> -> memref<10000x64xf32, #tpu.memory_space<vmem_shared>>
    tpu.enqueue_indirect_dma source(%arg9 : memref<80x64xf32, #tpu.memory_space<vmem>>) target(%dma_start3A_91 : memref<10000x64xf32, #tpu.memory_space<vmem_shared>>) offsets(%dma_start3A_88 : memref<80xi32, #tpu.memory_space<vmem>>) semaphore(%arg20 : memref<!tpu.dma_semaphore, #tpu.memory_space<semaphore_mem>>) {add = true}
    %dma_wait3A_92 = arith.constant 121 : i32
    %dma_wait3A_93 = arith.constant 0 : i32
    %dma_wait3A_94 = tpu.memref_slice %arg7[%dma_wait3A_92, %dma_wait3A_93] : memref<125x80xi32, #tpu.memory_space<vmem>> -> memref<1x80xi32, #tpu.memory_space<vmem>>
    %dma_wait3A_95 = tpu.memref_squeeze %dma_wait3A_94 : memref<1x80xi32, #tpu.memory_space<vmem>> -> memref<80xi32, #tpu.memory_space<vmem>>
    %dma_wait3A_96 = arith.constant 0 : i32
    %dma_wait3A_97 = arith.constant 0 : i32
    %dma_wait3A_98 = tpu.memref_slice %arg2[%dma_wait3A_96, %dma_wait3A_97] : memref<20000x64xf32, #tpu.memory_space<hbm>> -> memref<20000x64xf32, #tpu.memory_space<hbm>>
    tpu.wait_indirect_dma semaphore(%arg16 : memref<!tpu.dma_semaphore, #tpu.memory_space<semaphore_mem>>) src(%dma_wait3A_98 : memref<20000x64xf32, #tpu.memory_space<hbm>>) dst(%arg10 : memref<80x64xf32, #tpu.memory_space<vmem>>)
    %dma_start3A_99 = arith.constant 121 : i32
    %dma_start3A_100 = arith.constant 0 : i32
    %dma_start3A_101 = tpu.memref_slice %arg8[%dma_start3A_99, %dma_start3A_100] : memref<125x80xi32, #tpu.memory_space<vmem>> -> memref<1x80xi32, #tpu.memory_space<vmem>>
    %dma_start3A_102 = tpu.memref_squeeze %dma_start3A_101 : memref<1x80xi32, #tpu.memory_space<vmem>> -> memref<80xi32, #tpu.memory_space<vmem>>
    %dma_start3A_103 = arith.constant 0 : i32
    %dma_start3A_104 = arith.constant 0 : i32
    %dma_start3A_105 = tpu.memref_slice %arg14[%dma_start3A_103, %dma_start3A_104] : memref<10000x64xf32, #tpu.memory_space<vmem_shared>> -> memref<10000x64xf32, #tpu.memory_space<vmem_shared>>
    tpu.enqueue_indirect_dma source(%arg10 : memref<80x64xf32, #tpu.memory_space<vmem>>) target(%dma_start3A_105 : memref<10000x64xf32, #tpu.memory_space<vmem_shared>>) offsets(%dma_start3A_102 : memref<80xi32, #tpu.memory_space<vmem>>) semaphore(%arg21 : memref<!tpu.dma_semaphore, #tpu.memory_space<semaphore_mem>>) {add = true}
    %dma_wait3A_106 = arith.constant 122 : i32
    %dma_wait3A_107 = arith.constant 0 : i32
    %dma_wait3A_108 = tpu.memref_slice %arg7[%dma_wait3A_106, %dma_wait3A_107] : memref<125x80xi32, #tpu.memory_space<vmem>> -> memref<1x80xi32, #tpu.memory_space<vmem>>
    %dma_wait3A_109 = tpu.memref_squeeze %dma_wait3A_108 : memref<1x80xi32, #tpu.memory_space<vmem>> -> memref<80xi32, #tpu.memory_space<vmem>>
    %dma_wait3A_110 = arith.constant 0 : i32
    %dma_wait3A_111 = arith.constant 0 : i32
    %dma_wait3A_112 = tpu.memref_slice %arg2[%dma_wait3A_110, %dma_wait3A_111] : memref<20000x64xf32, #tpu.memory_space<hbm>> -> memref<20000x64xf32, #tpu.memory_space<hbm>>
    tpu.wait_indirect_dma semaphore(%arg17 : memref<!tpu.dma_semaphore, #tpu.memory_space<semaphore_mem>>) src(%dma_wait3A_112 : memref<20000x64xf32, #tpu.memory_space<hbm>>) dst(%arg11 : memref<80x64xf32, #tpu.memory_space<vmem>>)
    %dma_start3A_113 = arith.constant 122 : i32
    %dma_start3A_114 = arith.constant 0 : i32
    %dma_start3A_115 = tpu.memref_slice %arg8[%dma_start3A_113, %dma_start3A_114] : memref<125x80xi32, #tpu.memory_space<vmem>> -> memref<1x80xi32, #tpu.memory_space<vmem>>
    %dma_start3A_116 = tpu.memref_squeeze %dma_start3A_115 : memref<1x80xi32, #tpu.memory_space<vmem>> -> memref<80xi32, #tpu.memory_space<vmem>>
    %dma_start3A_117 = arith.constant 0 : i32
    %dma_start3A_118 = arith.constant 0 : i32
    %dma_start3A_119 = tpu.memref_slice %arg14[%dma_start3A_117, %dma_start3A_118] : memref<10000x64xf32, #tpu.memory_space<vmem_shared>> -> memref<10000x64xf32, #tpu.memory_space<vmem_shared>>
    tpu.enqueue_indirect_dma source(%arg11 : memref<80x64xf32, #tpu.memory_space<vmem>>) target(%dma_start3A_119 : memref<10000x64xf32, #tpu.memory_space<vmem_shared>>) offsets(%dma_start3A_116 : memref<80xi32, #tpu.memory_space<vmem>>) semaphore(%arg22 : memref<!tpu.dma_semaphore, #tpu.memory_space<semaphore_mem>>) {add = true}
    %dma_wait3A_120 = arith.constant 123 : i32
    %dma_wait3A_121 = arith.constant 0 : i32
    %dma_wait3A_122 = tpu.memref_slice %arg7[%dma_wait3A_120, %dma_wait3A_121] : memref<125x80xi32, #tpu.memory_space<vmem>> -> memref<1x80xi32, #tpu.memory_space<vmem>>
    %dma_wait3A_123 = tpu.memref_squeeze %dma_wait3A_122 : memref<1x80xi32, #tpu.memory_space<vmem>> -> memref<80xi32, #tpu.memory_space<vmem>>
    %dma_wait3A_124 = arith.constant 0 : i32
    %dma_wait3A_125 = arith.constant 0 : i32
    %dma_wait3A_126 = tpu.memref_slice %arg2[%dma_wait3A_124, %dma_wait3A_125] : memref<20000x64xf32, #tpu.memory_space<hbm>> -> memref<20000x64xf32, #tpu.memory_space<hbm>>
    tpu.wait_indirect_dma semaphore(%arg18 : memref<!tpu.dma_semaphore, #tpu.memory_space<semaphore_mem>>) src(%dma_wait3A_126 : memref<20000x64xf32, #tpu.memory_space<hbm>>) dst(%arg12 : memref<80x64xf32, #tpu.memory_space<vmem>>)
    %dma_start3A_127 = arith.constant 123 : i32
    %dma_start3A_128 = arith.constant 0 : i32
    %dma_start3A_129 = tpu.memref_slice %arg8[%dma_start3A_127, %dma_start3A_128] : memref<125x80xi32, #tpu.memory_space<vmem>> -> memref<1x80xi32, #tpu.memory_space<vmem>>
    %dma_start3A_130 = tpu.memref_squeeze %dma_start3A_129 : memref<1x80xi32, #tpu.memory_space<vmem>> -> memref<80xi32, #tpu.memory_space<vmem>>
    %dma_start3A_131 = arith.constant 0 : i32
    %dma_start3A_132 = arith.constant 0 : i32
    %dma_start3A_133 = tpu.memref_slice %arg14[%dma_start3A_131, %dma_start3A_132] : memref<10000x64xf32, #tpu.memory_space<vmem_shared>> -> memref<10000x64xf32, #tpu.memory_space<vmem_shared>>
    tpu.enqueue_indirect_dma source(%arg12 : memref<80x64xf32, #tpu.memory_space<vmem>>) target(%dma_start3A_133 : memref<10000x64xf32, #tpu.memory_space<vmem_shared>>) offsets(%dma_start3A_130 : memref<80xi32, #tpu.memory_space<vmem>>) semaphore(%arg23 : memref<!tpu.dma_semaphore, #tpu.memory_space<semaphore_mem>>) {add = true}
    %dma_wait3A_134 = arith.constant 124 : i32
    %dma_wait3A_135 = arith.constant 0 : i32
    %dma_wait3A_136 = tpu.memref_slice %arg7[%dma_wait3A_134, %dma_wait3A_135] : memref<125x80xi32, #tpu.memory_space<vmem>> -> memref<1x80xi32, #tpu.memory_space<vmem>>
    %dma_wait3A_137 = tpu.memref_squeeze %dma_wait3A_136 : memref<1x80xi32, #tpu.memory_space<vmem>> -> memref<80xi32, #tpu.memory_space<vmem>>
    %dma_wait3A_138 = arith.constant 0 : i32
    %dma_wait3A_139 = arith.constant 0 : i32
    %dma_wait3A_140 = tpu.memref_slice %arg2[%dma_wait3A_138, %dma_wait3A_139] : memref<20000x64xf32, #tpu.memory_space<hbm>> -> memref<20000x64xf32, #tpu.memory_space<hbm>>
    tpu.wait_indirect_dma semaphore(%arg19 : memref<!tpu.dma_semaphore, #tpu.memory_space<semaphore_mem>>) src(%dma_wait3A_140 : memref<20000x64xf32, #tpu.memory_space<hbm>>) dst(%arg13 : memref<80x64xf32, #tpu.memory_space<vmem>>)
    %dma_start3A_141 = arith.constant 124 : i32
    %dma_start3A_142 = arith.constant 0 : i32
    %dma_start3A_143 = tpu.memref_slice %arg8[%dma_start3A_141, %dma_start3A_142] : memref<125x80xi32, #tpu.memory_space<vmem>> -> memref<1x80xi32, #tpu.memory_space<vmem>>
    %dma_start3A_144 = tpu.memref_squeeze %dma_start3A_143 : memref<1x80xi32, #tpu.memory_space<vmem>> -> memref<80xi32, #tpu.memory_space<vmem>>
    %dma_start3A_145 = arith.constant 0 : i32
    %dma_start3A_146 = arith.constant 0 : i32
    %dma_start3A_147 = tpu.memref_slice %arg14[%dma_start3A_145, %dma_start3A_146] : memref<10000x64xf32, #tpu.memory_space<vmem_shared>> -> memref<10000x64xf32, #tpu.memory_space<vmem_shared>>
    tpu.enqueue_indirect_dma source(%arg13 : memref<80x64xf32, #tpu.memory_space<vmem>>) target(%dma_start3A_147 : memref<10000x64xf32, #tpu.memory_space<vmem_shared>>) offsets(%dma_start3A_144 : memref<80xi32, #tpu.memory_space<vmem>>) semaphore(%arg24 : memref<!tpu.dma_semaphore, #tpu.memory_space<semaphore_mem>>) {add = true}
    %dma_wait3A_148 = arith.constant 120 : i32
    %dma_wait3A_149 = arith.constant 0 : i32
    %dma_wait3A_150 = tpu.memref_slice %arg8[%dma_wait3A_148, %dma_wait3A_149] : memref<125x80xi32, #tpu.memory_space<vmem>> -> memref<1x80xi32, #tpu.memory_space<vmem>>
    %dma_wait3A_151 = tpu.memref_squeeze %dma_wait3A_150 : memref<1x80xi32, #tpu.memory_space<vmem>> -> memref<80xi32, #tpu.memory_space<vmem>>
    %dma_wait3A_152 = arith.constant 0 : i32
    %dma_wait3A_153 = arith.constant 0 : i32
    %dma_wait3A_154 = tpu.memref_slice %arg14[%dma_wait3A_152, %dma_wait3A_153] : memref<10000x64xf32, #tpu.memory_space<vmem_shared>> -> memref<10000x64xf32, #tpu.memory_space<vmem_shared>>
    tpu.wait_indirect_dma semaphore(%arg20 : memref<!tpu.dma_semaphore, #tpu.memory_space<semaphore_mem>>) src(%arg9 : memref<80x64xf32, #tpu.memory_space<vmem>>) dst(%dma_wait3A_154 : memref<10000x64xf32, #tpu.memory_space<vmem_shared>>)
    %dma_wait3A_155 = arith.constant 121 : i32
    %dma_wait3A_156 = arith.constant 0 : i32
    %dma_wait3A_157 = tpu.memref_slice %arg8[%dma_wait3A_155, %dma_wait3A_156] : memref<125x80xi32, #tpu.memory_space<vmem>> -> memref<1x80xi32, #tpu.memory_space<vmem>>
    %dma_wait3A_158 = tpu.memref_squeeze %dma_wait3A_157 : memref<1x80xi32, #tpu.memory_space<vmem>> -> memref<80xi32, #tpu.memory_space<vmem>>
    %dma_wait3A_159 = arith.constant 0 : i32
    %dma_wait3A_160 = arith.constant 0 : i32
    %dma_wait3A_161 = tpu.memref_slice %arg14[%dma_wait3A_159, %dma_wait3A_160] : memref<10000x64xf32, #tpu.memory_space<vmem_shared>> -> memref<10000x64xf32, #tpu.memory_space<vmem_shared>>
    tpu.wait_indirect_dma semaphore(%arg21 : memref<!tpu.dma_semaphore, #tpu.memory_space<semaphore_mem>>) src(%arg10 : memref<80x64xf32, #tpu.memory_space<vmem>>) dst(%dma_wait3A_161 : memref<10000x64xf32, #tpu.memory_space<vmem_shared>>)
    %dma_wait3A_162 = arith.constant 122 : i32
    %dma_wait3A_163 = arith.constant 0 : i32
    %dma_wait3A_164 = tpu.memref_slice %arg8[%dma_wait3A_162, %dma_wait3A_163] : memref<125x80xi32, #tpu.memory_space<vmem>> -> memref<1x80xi32, #tpu.memory_space<vmem>>
    %dma_wait3A_165 = tpu.memref_squeeze %dma_wait3A_164 : memref<1x80xi32, #tpu.memory_space<vmem>> -> memref<80xi32, #tpu.memory_space<vmem>>
    %dma_wait3A_166 = arith.constant 0 : i32
    %dma_wait3A_167 = arith.constant 0 : i32
    %dma_wait3A_168 = tpu.memref_slice %arg14[%dma_wait3A_166, %dma_wait3A_167] : memref<10000x64xf32, #tpu.memory_space<vmem_shared>> -> memref<10000x64xf32, #tpu.memory_space<vmem_shared>>
    tpu.wait_indirect_dma semaphore(%arg22 : memref<!tpu.dma_semaphore, #tpu.memory_space<semaphore_mem>>) src(%arg11 : memref<80x64xf32, #tpu.memory_space<vmem>>) dst(%dma_wait3A_168 : memref<10000x64xf32, #tpu.memory_space<vmem_shared>>)
    %dma_wait3A_169 = arith.constant 123 : i32
    %dma_wait3A_170 = arith.constant 0 : i32
    %dma_wait3A_171 = tpu.memref_slice %arg8[%dma_wait3A_169, %dma_wait3A_170] : memref<125x80xi32, #tpu.memory_space<vmem>> -> memref<1x80xi32, #tpu.memory_space<vmem>>
    %dma_wait3A_172 = tpu.memref_squeeze %dma_wait3A_171 : memref<1x80xi32, #tpu.memory_space<vmem>> -> memref<80xi32, #tpu.memory_space<vmem>>
    %dma_wait3A_173 = arith.constant 0 : i32
    %dma_wait3A_174 = arith.constant 0 : i32
    %dma_wait3A_175 = tpu.memref_slice %arg14[%dma_wait3A_173, %dma_wait3A_174] : memref<10000x64xf32, #tpu.memory_space<vmem_shared>> -> memref<10000x64xf32, #tpu.memory_space<vmem_shared>>
    tpu.wait_indirect_dma semaphore(%arg23 : memref<!tpu.dma_semaphore, #tpu.memory_space<semaphore_mem>>) src(%arg12 : memref<80x64xf32, #tpu.memory_space<vmem>>) dst(%dma_wait3A_175 : memref<10000x64xf32, #tpu.memory_space<vmem_shared>>)
    %dma_wait3A_176 = arith.constant 124 : i32
    %dma_wait3A_177 = arith.constant 0 : i32
    %dma_wait3A_178 = tpu.memref_slice %arg8[%dma_wait3A_176, %dma_wait3A_177] : memref<125x80xi32, #tpu.memory_space<vmem>> -> memref<1x80xi32, #tpu.memory_space<vmem>>
    %dma_wait3A_179 = tpu.memref_squeeze %dma_wait3A_178 : memref<1x80xi32, #tpu.memory_space<vmem>> -> memref<80xi32, #tpu.memory_space<vmem>>
    %dma_wait3A_180 = arith.constant 0 : i32
    %dma_wait3A_181 = arith.constant 0 : i32
    %dma_wait3A_182 = tpu.memref_slice %arg14[%dma_wait3A_180, %dma_wait3A_181] : memref<10000x64xf32, #tpu.memory_space<vmem_shared>> -> memref<10000x64xf32, #tpu.memory_space<vmem_shared>>
    tpu.wait_indirect_dma semaphore(%arg24 : memref<!tpu.dma_semaphore, #tpu.memory_space<semaphore_mem>>) src(%arg13 : memref<80x64xf32, #tpu.memory_space<vmem>>) dst(%dma_wait3A_182 : memref<10000x64xf32, #tpu.memory_space<vmem_shared>>)
    %barrier3A_183 = arith.constant 0 : index
    tpu.barrier barrier_id(%barrier3A_183)
    %lt3A_184 = arith.constant 15 : i32
    %lt3A_185 = arith.cmpi slt, %arg1, %lt3A_184 : i32
    %convert_element_type3A_186 = arith.extui %lt3A_185 : i1 to i32
    %cond3A_187 = arith.constant 0 : i32
    %cond3A_188 = arith.cmpi ne, %convert_element_type3A_186, %cond3A_187 : i32
    scf.if %cond3A_188 {
      "tpu.region"() ({
        %run_scoped3A = tpu.sem_alloc : memref<!tpu.dma_semaphore, #tpu.memory_space<semaphore_mem>>
        %dma_start3A_194 = arith.constant 0 : i32
        %dma_start3A_195 = tpu.memref_slice %arg6[%arg0, %multiple_of3A, %dma_start3A_194] : memref<2x10000x128xf32, #tpu.memory_space<hbm>> -> memref<1x624x64xf32, #tpu.memory_space<hbm>>
        %dma_start3A_196 = tpu.memref_squeeze %dma_start3A_195 : memref<1x624x64xf32, #tpu.memory_space<hbm>> -> memref<624x64xf32, #tpu.memory_space<hbm>>
        %dma_start3A_197 = arith.constant 0 : i32
        %dma_start3A_198 = tpu.memref_slice %arg14[%multiple_of3A, %dma_start3A_197] : memref<10000x64xf32, #tpu.memory_space<vmem_shared>> -> memref<624x64xf32, #tpu.memory_space<vmem_shared>>
        tpu.enqueue_dma source(%dma_start3A_198 : memref<624x64xf32, #tpu.memory_space<vmem_shared>>) target(%dma_start3A_196 : memref<624x64xf32, #tpu.memory_space<hbm>>) target_semaphore(%run_scoped3A : memref<!tpu.dma_semaphore, #tpu.memory_space<semaphore_mem>>)
        %dma_wait3A_199 = arith.constant 0 : i32
        %dma_wait3A_200 = tpu.memref_slice %arg6[%arg0, %multiple_of3A, %dma_wait3A_199] : memref<2x10000x128xf32, #tpu.memory_space<hbm>> -> memref<1x624x64xf32, #tpu.memory_space<hbm>>
        %dma_wait3A_201 = tpu.memref_squeeze %dma_wait3A_200 : memref<1x624x64xf32, #tpu.memory_space<hbm>> -> memref<624x64xf32, #tpu.memory_space<hbm>>
        %dma_wait3A_202 = arith.constant 0 : i32
        %dma_wait3A_203 = tpu.memref_slice %arg14[%multiple_of3A, %dma_wait3A_202] : memref<10000x64xf32, #tpu.memory_space<vmem_shared>> -> memref<624x64xf32, #tpu.memory_space<vmem_shared>>
        tpu.wait_dma2 semaphore(%run_scoped3A : memref<!tpu.dma_semaphore, #tpu.memory_space<semaphore_mem>>) src(%dma_wait3A_203 : memref<624x64xf32, #tpu.memory_space<vmem_shared>>) dst(%dma_wait3A_201 : memref<624x64xf32, #tpu.memory_space<hbm>>)
        tpu.yield
      }) : () -> ()
    } else {
    }
    %eq3A_189 = arith.constant 15 : i32
    %eq3A_190 = arith.cmpi eq, %arg1, %eq3A_189 : i32
    %convert_element_type3A_191 = arith.extui %eq3A_190 : i1 to i32
    %cond3A_192 = arith.constant 0 : i32
    %cond3A_193 = arith.cmpi ne, %convert_element_type3A_191, %cond3A_192 : i32
    scf.if %cond3A_193 {
      "tpu.region"() ({
        %run_scoped3A = tpu.sem_alloc : memref<!tpu.dma_semaphore, #tpu.memory_space<semaphore_mem>>
        %dma_start3A_194 = arith.constant 9360 : i32
        %dma_start3A_195 = arith.constant 0 : i32
        %dma_start3A_196 = tpu.memref_slice %arg6[%arg0, %dma_start3A_194, %dma_start3A_195] : memref<2x10000x128xf32, #tpu.memory_space<hbm>> -> memref<1x640x64xf32, #tpu.memory_space<hbm>>
        %dma_start3A_197 = tpu.memref_squeeze %dma_start3A_196 : memref<1x640x64xf32, #tpu.memory_space<hbm>> -> memref<640x64xf32, #tpu.memory_space<hbm>>
        %dma_start3A_198 = arith.constant 9360 : i32
        %dma_start3A_199 = arith.constant 0 : i32
        %dma_start3A_200 = tpu.memref_slice %arg14[%dma_start3A_198, %dma_start3A_199] : memref<10000x64xf32, #tpu.memory_space<vmem_shared>> -> memref<640x64xf32, #tpu.memory_space<vmem_shared>>
        tpu.enqueue_dma source(%dma_start3A_200 : memref<640x64xf32, #tpu.memory_space<vmem_shared>>) target(%dma_start3A_197 : memref<640x64xf32, #tpu.memory_space<hbm>>) target_semaphore(%run_scoped3A : memref<!tpu.dma_semaphore, #tpu.memory_space<semaphore_mem>>)
        %dma_wait3A_201 = arith.constant 9360 : i32
        %dma_wait3A_202 = arith.constant 0 : i32
        %dma_wait3A_203 = tpu.memref_slice %arg6[%arg0, %dma_wait3A_201, %dma_wait3A_202] : memref<2x10000x128xf32, #tpu.memory_space<hbm>> -> memref<1x640x64xf32, #tpu.memory_space<hbm>>
        %dma_wait3A_204 = tpu.memref_squeeze %dma_wait3A_203 : memref<1x640x64xf32, #tpu.memory_space<hbm>> -> memref<640x64xf32, #tpu.memory_space<hbm>>
        %dma_wait3A_205 = arith.constant 9360 : i32
        %dma_wait3A_206 = arith.constant 0 : i32
        %dma_wait3A_207 = tpu.memref_slice %arg14[%dma_wait3A_205, %dma_wait3A_206] : memref<10000x64xf32, #tpu.memory_space<vmem_shared>> -> memref<640x64xf32, #tpu.memory_space<vmem_shared>>
        tpu.wait_dma2 semaphore(%run_scoped3A : memref<!tpu.dma_semaphore, #tpu.memory_space<semaphore_mem>>) src(%dma_wait3A_207 : memref<640x64xf32, #tpu.memory_space<vmem_shared>>) dst(%dma_wait3A_204 : memref<640x64xf32, #tpu.memory_space<hbm>>)
        tpu.yield
      }) : () -> ()
    } else {
    }
    return
  }
}

module attributes {stable_mosaic.version = 14 : i64} {
  func.func @body(%arg0: i32, %arg1: memref<2000x128xf32, #tpu.memory_space<vmem>>, %arg2: memref<128x128xf32, #tpu.memory_space<vmem>>, %arg3: memref<128x64xf32, #tpu.memory_space<vmem>>, %arg4: memref<1x64xf32, #tpu.memory_space<vmem>>, %arg5: memref<2000x128xf32, #tpu.memory_space<vmem>>, %arg6: memref<2000x64xf32, #tpu.memory_space<vmem>>) attributes {dimension_semantics = [#tpu.dimension_semantics<arbitrary>], iteration_bounds = array<i64: 5>, scalar_prefetch = 0 : i64, scratch_operands = 0 : i64, tpu.core_type = #tpu.core_type<tc>, window_params = [{transform_indices = @transform_0, window_bounds = array<i64: 2000, 128>}, {pipeline_mode = #tpu.pipeline_mode<synchronous>, transform_indices = @transform_1, window_bounds = array<i64: 128, 128>}, {pipeline_mode = #tpu.pipeline_mode<synchronous>, transform_indices = @transform_2, window_bounds = array<i64: 128, 64>}, {pipeline_mode = #tpu.pipeline_mode<synchronous>, transform_indices = @transform_3, window_bounds = array<i64: 1, 64>}, {transform_indices = @transform_4, window_bounds = array<i64: 2000, 128>}, {transform_indices = @transform_5, window_bounds = array<i64: 2000, 64>}]} {
    %get3A = arith.constant 0 : index
    %get3A_0 = arith.constant 0 : index
    %get3A_1 = vector.load %arg1[%get3A, %get3A_0] : memref<2000x128xf32, #tpu.memory_space<vmem>>, vector<2000x128xf32>
    %get3A_2 = arith.constant 0 : index
    %get3A_3 = arith.constant 0 : index
    %get3A_4 = vector.load %arg2[%get3A_2, %get3A_3] : memref<128x128xf32, #tpu.memory_space<vmem>>, vector<128x128xf32>
    %dot_general3A = arith.constant dense<0.000000e+00> : vector<2000x128xf32>
    %dot_general3A_5 = tpu.matmul %get3A_1, %get3A_4, %dot_general3A {dimension_numbers = #tpu.dot_dimension_numbers<[1], [0], [0], [1], [0, 0, 1, 1], [], []>, precision = #tpu.contract_precision<fp32>, transpose_lhs_hint = false} : vector<2000x128xf32>, vector<128x128xf32>, vector<2000x128xf32> -> vector<2000x128xf32>
    %swap3A = arith.constant 0 : index
    %swap3A_6 = arith.constant 0 : index
    %swap3A_7 = vector.load %arg5[%swap3A, %swap3A_6] : memref<2000x128xf32, #tpu.memory_space<vmem>>, vector<2000x128xf32>
    tpu.vector_store %arg5[%swap3A, %swap3A_6], %dot_general3A_5 {strides = array<i32>} : memref<2000x128xf32, #tpu.memory_space<vmem>>, vector<2000x128xf32>,
    %get3A_8 = arith.constant 0 : index
    %get3A_9 = arith.constant 0 : index
    %get3A_10 = vector.load %arg3[%get3A_8, %get3A_9] : memref<128x64xf32, #tpu.memory_space<vmem>>, vector<128x64xf32>
    %dot_general3A_11 = arith.constant dense<0.000000e+00> : vector<2000x64xf32>
    %dot_general3A_12 = tpu.matmul %get3A_1, %get3A_10, %dot_general3A_11 {dimension_numbers = #tpu.dot_dimension_numbers<[1], [0], [0], [1], [0, 0, 1, 1], [], []>, precision = #tpu.contract_precision<fp32>, transpose_lhs_hint = false} : vector<2000x128xf32>, vector<128x64xf32>, vector<2000x64xf32> -> vector<2000x64xf32>
    %get3A_13 = arith.constant 0 : index
    %get3A_14 = arith.constant 0 : index
    %get3A_15 = vector.load %arg4[%get3A_13, %get3A_14] : memref<1x64xf32, #tpu.memory_space<vmem>>, vector<1x64xf32>
    %add3A = vector.broadcast %get3A_15 : vector<1x64xf32> to vector<2000x64xf32>
    %add3A_16 = arith.addf %dot_general3A_12, %add3A : vector<2000x64xf32>
    %swap3A_17 = arith.constant 0 : index
    %swap3A_18 = arith.constant 0 : index
    %swap3A_19 = vector.load %arg6[%swap3A_17, %swap3A_18] : memref<2000x64xf32, #tpu.memory_space<vmem>>, vector<2000x64xf32>
    tpu.vector_store %arg6[%swap3A_17, %swap3A_18], %add3A_16 {strides = array<i32>} : memref<2000x64xf32, #tpu.memory_space<vmem>>, vector<2000x64xf32>,
    return
  }
  func.func @transform_0(%arg0: i32) -> (i32, i32) {
    %c0_i32 = arith.constant 0 : i32
    %c0_i32_0 = arith.constant 0 : i32
    return %arg0, %c0_i32 : i32, i32
  }
  func.func @transform_1(%arg0: i32) -> (i32, i32) {
    %c0_i32 = arith.constant 0 : i32
    %c0_i32_0 = arith.constant 0 : i32
    %c0_i32_1 = arith.constant 0 : i32
    return %c0_i32, %c0_i32_0 : i32, i32
  }
  func.func @transform_2(%arg0: i32) -> (i32, i32) {
    %c0_i32 = arith.constant 0 : i32
    %c0_i32_0 = arith.constant 0 : i32
    %c0_i32_1 = arith.constant 0 : i32
    return %c0_i32, %c0_i32_0 : i32, i32
  }
  func.func @transform_3(%arg0: i32) -> (i32, i32) {
    %c0_i32 = arith.constant 0 : i32
    %c0_i32_0 = arith.constant 0 : i32
    %c0_i32_1 = arith.constant 0 : i32
    return %c0_i32, %c0_i32_0 : i32, i32
  }
  func.func @transform_4(%arg0: i32) -> (i32, i32) {
    %c0_i32 = arith.constant 0 : i32
    %c0_i32_0 = arith.constant 0 : i32
    return %arg0, %c0_i32 : i32, i32
  }
  func.func @transform_5(%arg0: i32) -> (i32, i32) {
    %c0_i32 = arith.constant 0 : i32
    %c0_i32_0 = arith.constant 0 : i32
    return %arg0, %c0_i32 : i32, i32
  }
}

module attributes {stable_mosaic.version = 14 : i64} {
  func.func @body(%arg0: i32, %arg1: memref<2x2000x128xf32, #tpu.memory_space<vmem>>, %arg2: memref<2x2000x128xf32, #tpu.memory_space<vmem>>, %arg3: memref<2000x64xf32, #tpu.memory_space<vmem>>, %arg4: memref<64x128xf32, #tpu.memory_space<vmem>>, %arg5: memref<64x64xf32, #tpu.memory_space<vmem>>, %arg6: memref<1x64xf32, #tpu.memory_space<vmem>>, %arg7: memref<2000x128xf32, #tpu.memory_space<vmem>>, %arg8: memref<2000x64xf32, #tpu.memory_space<vmem>>, %arg9: memref<2000x64xf32, #tpu.memory_space<vmem>>) attributes {dimension_semantics = [#tpu.dimension_semantics<arbitrary>], iteration_bounds = array<i64: 5>, scalar_prefetch = 0 : i64, scratch_operands = 0 : i64, tpu.core_type = #tpu.core_type<tc>, window_params = [{transform_indices = @transform_0, window_bounds = array<i64: 2, 2000, 128>}, {transform_indices = @transform_1, window_bounds = array<i64: 2, 2000, 128>}, {transform_indices = @transform_2, window_bounds = array<i64: 2000, 64>}, {pipeline_mode = #tpu.pipeline_mode<synchronous>, transform_indices = @transform_3, window_bounds = array<i64: 64, 128>}, {pipeline_mode = #tpu.pipeline_mode<synchronous>, transform_indices = @transform_4, window_bounds = array<i64: 64, 64>}, {pipeline_mode = #tpu.pipeline_mode<synchronous>, transform_indices = @transform_5, window_bounds = array<i64: 1, 64>}, {transform_indices = @transform_6, window_bounds = array<i64: 2000, 128>}, {transform_indices = @transform_7, window_bounds = array<i64: 2000, 64>}, {transform_indices = @transform_8, window_bounds = array<i64: 2000, 64>}]} {
    %get3A = arith.constant 0 : index
    %get3A_0 = arith.constant 0 : index
    %get3A_1 = arith.constant 0 : index
    %get3A_2 = vector.load %arg2[%get3A, %get3A_0, %get3A_1] : memref<2x2000x128xf32, #tpu.memory_space<vmem>>, vector<1x2000x1xf32>
    %get3A_3 = vector.shape_cast %get3A_2 : vector<1x2000x1xf32> to vector<2000x1xf32>
    %get3A_4 = arith.constant 1 : index
    %get3A_5 = arith.constant 0 : index
    %get3A_6 = arith.constant 0 : index
    %get3A_7 = vector.load %arg2[%get3A_4, %get3A_5, %get3A_6] : memref<2x2000x128xf32, #tpu.memory_space<vmem>>, vector<1x2000x1xf32>
    %get3A_8 = vector.shape_cast %get3A_7 : vector<1x2000x1xf32> to vector<2000x1xf32>
    %add3A = arith.addf %get3A_3, %get3A_8 : vector<2000x1xf32>
    %max3A = arith.constant 1.000000e+00 : f32
    %max3A_9 = vector.broadcast %max3A : f32 to vector<2000x1xf32>
    %max3A_10 = arith.maximumf %add3A, %max3A_9 : vector<2000x1xf32>
    %div3A = arith.constant 1.000000e+00 : f32
    %div3A_11 = vector.broadcast %div3A : f32 to vector<2000x1xf32>
    %div3A_12 = arith.divf %div3A_11, %max3A_10 : vector<2000x1xf32>
    %get3A_13 = arith.constant 0 : index
    %get3A_14 = arith.constant 0 : index
    %get3A_15 = arith.constant 0 : index
    %get3A_16 = vector.load %arg1[%get3A_13, %get3A_14, %get3A_15] : memref<2x2000x128xf32, #tpu.memory_space<vmem>>, vector<1x2000x64xf32>
    %get3A_17 = vector.shape_cast %get3A_16 : vector<1x2000x64xf32> to vector<2000x64xf32>
    %get3A_18 = arith.constant 1 : index
    %get3A_19 = arith.constant 0 : index
    %get3A_20 = arith.constant 0 : index
    %get3A_21 = vector.load %arg1[%get3A_18, %get3A_19, %get3A_20] : memref<2x2000x128xf32, #tpu.memory_space<vmem>>, vector<1x2000x64xf32>
    %get3A_22 = vector.shape_cast %get3A_21 : vector<1x2000x64xf32> to vector<2000x64xf32>
    %add3A_23 = arith.addf %get3A_17, %get3A_22 : vector<2000x64xf32>
    %mul3A = vector.broadcast %div3A_12 : vector<2000x1xf32> to vector<2000x64xf32>
    %mul3A_24 = arith.mulf %add3A_23, %mul3A : vector<2000x64xf32>
    %get3A_25 = arith.constant 0 : index
    %get3A_26 = arith.constant 0 : index
    %get3A_27 = vector.load %arg3[%get3A_25, %get3A_26] : memref<2000x64xf32, #tpu.memory_space<vmem>>, vector<2000x64xf32>
    %add3A_28 = arith.addf %mul3A_24, %get3A_27 : vector<2000x64xf32>
    %max3A_29 = arith.constant 0.000000e+00 : f32
    %max3A_30 = vector.broadcast %max3A_29 : f32 to vector<2000x64xf32>
    %max3A_31 = arith.maximumf %add3A_28, %max3A_30 : vector<2000x64xf32>
    %broadcast_in_dim3A = vector.shape_cast %div3A_12 : vector<2000x1xf32> to vector<2000x1xf32>
    %broadcast_in_dim3A_32 = vector.broadcast %broadcast_in_dim3A : vector<2000x1xf32> to vector<2000x64xf32>
    %swap3A = arith.constant 0 : index
    %swap3A_33 = arith.constant 0 : index
    %swap3A_34 = vector.load %arg9[%swap3A, %swap3A_33] : memref<2000x64xf32, #tpu.memory_space<vmem>>, vector<2000x64xf32>
    tpu.vector_store %arg9[%swap3A, %swap3A_33], %broadcast_in_dim3A_32 {strides = array<i32>} : memref<2000x64xf32, #tpu.memory_space<vmem>>, vector<2000x64xf32>,
    %get3A_35 = arith.constant 0 : index
    %get3A_36 = arith.constant 0 : index
    %get3A_37 = vector.load %arg4[%get3A_35, %get3A_36] : memref<64x128xf32, #tpu.memory_space<vmem>>, vector<64x128xf32>
    %dot_general3A = arith.constant dense<0.000000e+00> : vector<2000x128xf32>
    %dot_general3A_38 = tpu.matmul %max3A_31, %get3A_37, %dot_general3A {dimension_numbers = #tpu.dot_dimension_numbers<[1], [0], [0], [1], [0, 0, 1, 1], [], []>, precision = #tpu.contract_precision<fp32>, transpose_lhs_hint = false} : vector<2000x64xf32>, vector<64x128xf32>, vector<2000x128xf32> -> vector<2000x128xf32>
    %swap3A_39 = arith.constant 0 : index
    %swap3A_40 = arith.constant 0 : index
    %swap3A_41 = vector.load %arg7[%swap3A_39, %swap3A_40] : memref<2000x128xf32, #tpu.memory_space<vmem>>, vector<2000x128xf32>
    tpu.vector_store %arg7[%swap3A_39, %swap3A_40], %dot_general3A_38 {strides = array<i32>} : memref<2000x128xf32, #tpu.memory_space<vmem>>, vector<2000x128xf32>,
    %get3A_42 = arith.constant 0 : index
    %get3A_43 = arith.constant 0 : index
    %get3A_44 = vector.load %arg5[%get3A_42, %get3A_43] : memref<64x64xf32, #tpu.memory_space<vmem>>, vector<64x64xf32>
    %dot_general3A_45 = arith.constant dense<0.000000e+00> : vector<2000x64xf32>
    %dot_general3A_46 = tpu.matmul %max3A_31, %get3A_44, %dot_general3A_45 {dimension_numbers = #tpu.dot_dimension_numbers<[1], [0], [0], [1], [0, 0, 1, 1], [], []>, precision = #tpu.contract_precision<fp32>, transpose_lhs_hint = false} : vector<2000x64xf32>, vector<64x64xf32>, vector<2000x64xf32> -> vector<2000x64xf32>
    %get3A_47 = arith.constant 0 : index
    %get3A_48 = arith.constant 0 : index
    %get3A_49 = vector.load %arg6[%get3A_47, %get3A_48] : memref<1x64xf32, #tpu.memory_space<vmem>>, vector<1x64xf32>
    %add3A_50 = vector.broadcast %get3A_49 : vector<1x64xf32> to vector<2000x64xf32>
    %add3A_51 = arith.addf %dot_general3A_46, %add3A_50 : vector<2000x64xf32>
    %swap3A_52 = arith.constant 0 : index
    %swap3A_53 = arith.constant 0 : index
    %swap3A_54 = vector.load %arg8[%swap3A_52, %swap3A_53] : memref<2000x64xf32, #tpu.memory_space<vmem>>, vector<2000x64xf32>
    tpu.vector_store %arg8[%swap3A_52, %swap3A_53], %add3A_51 {strides = array<i32>} : memref<2000x64xf32, #tpu.memory_space<vmem>>, vector<2000x64xf32>,
    return
  }
  func.func @transform_0(%arg0: i32) -> (i32, i32, i32) {
    %c0_i32 = arith.constant 0 : i32
    %c0_i32_0 = arith.constant 0 : i32
    %c0_i32_1 = arith.constant 0 : i32
    return %c0_i32, %arg0, %c0_i32_0 : i32, i32, i32
  }
  func.func @transform_1(%arg0: i32) -> (i32, i32, i32) {
    %c0_i32 = arith.constant 0 : i32
    %c0_i32_0 = arith.constant 0 : i32
    %c0_i32_1 = arith.constant 0 : i32
    return %c0_i32, %arg0, %c0_i32_0 : i32, i32, i32
  }
  func.func @transform_2(%arg0: i32) -> (i32, i32) {
    %c0_i32 = arith.constant 0 : i32
    %c0_i32_0 = arith.constant 0 : i32
    return %arg0, %c0_i32 : i32, i32
  }
  func.func @transform_3(%arg0: i32) -> (i32, i32) {
    %c0_i32 = arith.constant 0 : i32
    %c0_i32_0 = arith.constant 0 : i32
    %c0_i32_1 = arith.constant 0 : i32
    return %c0_i32, %c0_i32_0 : i32, i32
  }
  func.func @transform_4(%arg0: i32) -> (i32, i32) {
    %c0_i32 = arith.constant 0 : i32
    %c0_i32_0 = arith.constant 0 : i32
    %c0_i32_1 = arith.constant 0 : i32
    return %c0_i32, %c0_i32_0 : i32, i32
  }
  func.func @transform_5(%arg0: i32) -> (i32, i32) {
    %c0_i32 = arith.constant 0 : i32
    %c0_i32_0 = arith.constant 0 : i32
    %c0_i32_1 = arith.constant 0 : i32
    return %c0_i32, %c0_i32_0 : i32, i32
  }
  func.func @transform_6(%arg0: i32) -> (i32, i32) {
    %c0_i32 = arith.constant 0 : i32
    %c0_i32_0 = arith.constant 0 : i32
    return %arg0, %c0_i32 : i32, i32
  }
  func.func @transform_7(%arg0: i32) -> (i32, i32) {
    %c0_i32 = arith.constant 0 : i32
    %c0_i32_0 = arith.constant 0 : i32
    return %arg0, %c0_i32 : i32, i32
  }
  func.func @transform_8(%arg0: i32) -> (i32, i32) {
    %c0_i32 = arith.constant 0 : i32
    %c0_i32_0 = arith.constant 0 : i32
    return %arg0, %c0_i32 : i32, i32
  }
}

module attributes {stable_mosaic.version = 14 : i64} {
  func.func @body(%arg0: i32, %arg1: memref<2x2000x128xf32, #tpu.memory_space<vmem>>, %arg2: memref<2000x64xf32, #tpu.memory_space<vmem>>, %arg3: memref<2000x64xf32, #tpu.memory_space<vmem>>, %arg4: memref<64x128xf32, #tpu.memory_space<vmem>>, %arg5: memref<64x64xf32, #tpu.memory_space<vmem>>, %arg6: memref<1x64xf32, #tpu.memory_space<vmem>>, %arg7: memref<2000x64xf32, #tpu.memory_space<vmem>>, %arg8: memref<2000x128xf32, #tpu.memory_space<vmem>>, %arg9: memref<2000x64xf32, #tpu.memory_space<vmem>>) attributes {dimension_semantics = [#tpu.dimension_semantics<arbitrary>], iteration_bounds = array<i64: 5>, scalar_prefetch = 0 : i64, scratch_operands = 0 : i64, tpu.core_type = #tpu.core_type<tc>, window_params = [{transform_indices = @transform_0, window_bounds = array<i64: 2, 2000, 128>}, {transform_indices = @transform_1, window_bounds = array<i64: 2000, 64>}, {transform_indices = @transform_2, window_bounds = array<i64: 2000, 64>}, {pipeline_mode = #tpu.pipeline_mode<synchronous>, transform_indices = @transform_3, window_bounds = array<i64: 64, 128>}, {pipeline_mode = #tpu.pipeline_mode<synchronous>, transform_indices = @transform_4, window_bounds = array<i64: 64, 64>}, {pipeline_mode = #tpu.pipeline_mode<synchronous>, transform_indices = @transform_5, window_bounds = array<i64: 1, 64>}, {transform_indices = @transform_6, window_bounds = array<i64: 2000, 64>}, {transform_indices = @transform_7, window_bounds = array<i64: 2000, 128>}, {transform_indices = @transform_8, window_bounds = array<i64: 2000, 64>}]} {
    %get3A = arith.constant 0 : index
    %get3A_0 = arith.constant 0 : index
    %get3A_1 = vector.load %arg2[%get3A, %get3A_0] : memref<2000x64xf32, #tpu.memory_space<vmem>>, vector<2000x1xf32>
    %get3A_2 = arith.constant 0 : index
    %get3A_3 = arith.constant 0 : index
    %get3A_4 = arith.constant 0 : index
    %get3A_5 = vector.load %arg1[%get3A_2, %get3A_3, %get3A_4] : memref<2x2000x128xf32, #tpu.memory_space<vmem>>, vector<1x2000x64xf32>
    %get3A_6 = vector.shape_cast %get3A_5 : vector<1x2000x64xf32> to vector<2000x64xf32>
    %get3A_7 = arith.constant 1 : index
    %get3A_8 = arith.constant 0 : index
    %get3A_9 = arith.constant 0 : index
    %get3A_10 = vector.load %arg1[%get3A_7, %get3A_8, %get3A_9] : memref<2x2000x128xf32, #tpu.memory_space<vmem>>, vector<1x2000x64xf32>
    %get3A_11 = vector.shape_cast %get3A_10 : vector<1x2000x64xf32> to vector<2000x64xf32>
    %add3A = arith.addf %get3A_6, %get3A_11 : vector<2000x64xf32>
    %mul3A = vector.broadcast %get3A_1 : vector<2000x1xf32> to vector<2000x64xf32>
    %mul3A_12 = arith.mulf %add3A, %mul3A : vector<2000x64xf32>
    %get3A_13 = arith.constant 0 : index
    %get3A_14 = arith.constant 0 : index
    %get3A_15 = vector.load %arg3[%get3A_13, %get3A_14] : memref<2000x64xf32, #tpu.memory_space<vmem>>, vector<2000x64xf32>
    %add3A_16 = arith.addf %mul3A_12, %get3A_15 : vector<2000x64xf32>
    %max3A = arith.constant 0.000000e+00 : f32
    %max3A_17 = vector.broadcast %max3A : f32 to vector<2000x64xf32>
    %max3A_18 = arith.maximumf %add3A_16, %max3A_17 : vector<2000x64xf32>
    %swap3A = arith.constant 0 : index
    %swap3A_19 = arith.constant 0 : index
    %swap3A_20 = vector.load %arg7[%swap3A, %swap3A_19] : memref<2000x64xf32, #tpu.memory_space<vmem>>, vector<2000x64xf32>
    tpu.vector_store %arg7[%swap3A, %swap3A_19], %add3A_16 {strides = array<i32>} : memref<2000x64xf32, #tpu.memory_space<vmem>>, vector<2000x64xf32>,
    %get3A_21 = arith.constant 0 : index
    %get3A_22 = arith.constant 0 : index
    %get3A_23 = vector.load %arg4[%get3A_21, %get3A_22] : memref<64x128xf32, #tpu.memory_space<vmem>>, vector<64x128xf32>
    %dot_general3A = arith.constant dense<0.000000e+00> : vector<2000x128xf32>
    %dot_general3A_24 = tpu.matmul %max3A_18, %get3A_23, %dot_general3A {dimension_numbers = #tpu.dot_dimension_numbers<[1], [0], [0], [1], [0, 0, 1, 1], [], []>, precision = #tpu.contract_precision<fp32>, transpose_lhs_hint = false} : vector<2000x64xf32>, vector<64x128xf32>, vector<2000x128xf32> -> vector<2000x128xf32>
    %swap3A_25 = arith.constant 0 : index
    %swap3A_26 = arith.constant 0 : index
    %swap3A_27 = vector.load %arg8[%swap3A_25, %swap3A_26] : memref<2000x128xf32, #tpu.memory_space<vmem>>, vector<2000x128xf32>
    tpu.vector_store %arg8[%swap3A_25, %swap3A_26], %dot_general3A_24 {strides = array<i32>} : memref<2000x128xf32, #tpu.memory_space<vmem>>, vector<2000x128xf32>,
    %get3A_28 = arith.constant 0 : index
    %get3A_29 = arith.constant 0 : index
    %get3A_30 = vector.load %arg5[%get3A_28, %get3A_29] : memref<64x64xf32, #tpu.memory_space<vmem>>, vector<64x64xf32>
    %dot_general3A_31 = arith.constant dense<0.000000e+00> : vector<2000x64xf32>
    %dot_general3A_32 = tpu.matmul %max3A_18, %get3A_30, %dot_general3A_31 {dimension_numbers = #tpu.dot_dimension_numbers<[1], [0], [0], [1], [0, 0, 1, 1], [], []>, precision = #tpu.contract_precision<fp32>, transpose_lhs_hint = false} : vector<2000x64xf32>, vector<64x64xf32>, vector<2000x64xf32> -> vector<2000x64xf32>
    %get3A_33 = arith.constant 0 : index
    %get3A_34 = arith.constant 0 : index
    %get3A_35 = vector.load %arg6[%get3A_33, %get3A_34] : memref<1x64xf32, #tpu.memory_space<vmem>>, vector<1x64xf32>
    %add3A_36 = vector.broadcast %get3A_35 : vector<1x64xf32> to vector<2000x64xf32>
    %add3A_37 = arith.addf %dot_general3A_32, %add3A_36 : vector<2000x64xf32>
    %swap3A_38 = arith.constant 0 : index
    %swap3A_39 = arith.constant 0 : index
    %swap3A_40 = vector.load %arg9[%swap3A_38, %swap3A_39] : memref<2000x64xf32, #tpu.memory_space<vmem>>, vector<2000x64xf32>
    tpu.vector_store %arg9[%swap3A_38, %swap3A_39], %add3A_37 {strides = array<i32>} : memref<2000x64xf32, #tpu.memory_space<vmem>>, vector<2000x64xf32>,
    return
  }
  func.func @transform_0(%arg0: i32) -> (i32, i32, i32) {
    %c0_i32 = arith.constant 0 : i32
    %c0_i32_0 = arith.constant 0 : i32
    %c0_i32_1 = arith.constant 0 : i32
    return %c0_i32, %arg0, %c0_i32_0 : i32, i32, i32
  }
  func.func @transform_1(%arg0: i32) -> (i32, i32) {
    %c0_i32 = arith.constant 0 : i32
    %c0_i32_0 = arith.constant 0 : i32
    return %arg0, %c0_i32 : i32, i32
  }
  func.func @transform_2(%arg0: i32) -> (i32, i32) {
    %c0_i32 = arith.constant 0 : i32
    %c0_i32_0 = arith.constant 0 : i32
    return %arg0, %c0_i32 : i32, i32
  }
  func.func @transform_3(%arg0: i32) -> (i32, i32) {
    %c0_i32 = arith.constant 0 : i32
    %c0_i32_0 = arith.constant 0 : i32
    %c0_i32_1 = arith.constant 0 : i32
    return %c0_i32, %c0_i32_0 : i32, i32
  }
  func.func @transform_4(%arg0: i32) -> (i32, i32) {
    %c0_i32 = arith.constant 0 : i32
    %c0_i32_0 = arith.constant 0 : i32
    %c0_i32_1 = arith.constant 0 : i32
    return %c0_i32, %c0_i32_0 : i32, i32
  }
  func.func @transform_5(%arg0: i32) -> (i32, i32) {
    %c0_i32 = arith.constant 0 : i32
    %c0_i32_0 = arith.constant 0 : i32
    %c0_i32_1 = arith.constant 0 : i32
    return %c0_i32, %c0_i32_0 : i32, i32
  }
  func.func @transform_6(%arg0: i32) -> (i32, i32) {
    %c0_i32 = arith.constant 0 : i32
    %c0_i32_0 = arith.constant 0 : i32
    return %arg0, %c0_i32 : i32, i32
  }
  func.func @transform_7(%arg0: i32) -> (i32, i32) {
    %c0_i32 = arith.constant 0 : i32
    %c0_i32_0 = arith.constant 0 : i32
    return %arg0, %c0_i32 : i32, i32
  }
  func.func @transform_8(%arg0: i32) -> (i32, i32) {
    %c0_i32 = arith.constant 0 : i32
    %c0_i32_0 = arith.constant 0 : i32
    return %arg0, %c0_i32 : i32, i32
  }
}

module attributes {stable_mosaic.version = 14 : i64} {
  func.func @body(%arg0: i32, %arg1: memref<2x2000x128xf32, #tpu.memory_space<vmem>>, %arg2: memref<2000x64xf32, #tpu.memory_space<vmem>>, %arg3: memref<2000x64xf32, #tpu.memory_space<vmem>>, %arg4: memref<2000x64xf32, #tpu.memory_space<vmem>>) attributes {dimension_semantics = [#tpu.dimension_semantics<arbitrary>], iteration_bounds = array<i64: 5>, scalar_prefetch = 0 : i64, scratch_operands = 0 : i64, tpu.core_type = #tpu.core_type<tc>, window_params = [{transform_indices = @transform_0, window_bounds = array<i64: 2, 2000, 128>}, {transform_indices = @transform_1, window_bounds = array<i64: 2000, 64>}, {transform_indices = @transform_2, window_bounds = array<i64: 2000, 64>}, {transform_indices = @transform_3, window_bounds = array<i64: 2000, 64>}]} {
    %get3A = arith.constant 0 : index
    %get3A_0 = arith.constant 0 : index
    %get3A_1 = arith.constant 0 : index
    %get3A_2 = vector.load %arg1[%get3A, %get3A_0, %get3A_1] : memref<2x2000x128xf32, #tpu.memory_space<vmem>>, vector<1x2000x64xf32>
    %get3A_3 = vector.shape_cast %get3A_2 : vector<1x2000x64xf32> to vector<2000x64xf32>
    %get3A_4 = arith.constant 1 : index
    %get3A_5 = arith.constant 0 : index
    %get3A_6 = arith.constant 0 : index
    %get3A_7 = vector.load %arg1[%get3A_4, %get3A_5, %get3A_6] : memref<2x2000x128xf32, #tpu.memory_space<vmem>>, vector<1x2000x64xf32>
    %get3A_8 = vector.shape_cast %get3A_7 : vector<1x2000x64xf32> to vector<2000x64xf32>
    %add3A = arith.addf %get3A_3, %get3A_8 : vector<2000x64xf32>
    %get3A_9 = arith.constant 0 : index
    %get3A_10 = arith.constant 0 : index
    %get3A_11 = vector.load %arg2[%get3A_9, %get3A_10] : memref<2000x64xf32, #tpu.memory_space<vmem>>, vector<2000x1xf32>
    %mul3A = vector.broadcast %get3A_11 : vector<2000x1xf32> to vector<2000x64xf32>
    %mul3A_12 = arith.mulf %add3A, %mul3A : vector<2000x64xf32>
    %get3A_13 = arith.constant 0 : index
    %get3A_14 = arith.constant 0 : index
    %get3A_15 = vector.load %arg3[%get3A_13, %get3A_14] : memref<2000x64xf32, #tpu.memory_space<vmem>>, vector<2000x64xf32>
    %add3A_16 = arith.addf %mul3A_12, %get3A_15 : vector<2000x64xf32>
    %swap3A = arith.constant 0 : index
    %swap3A_17 = arith.constant 0 : index
    %swap3A_18 = vector.load %arg4[%swap3A, %swap3A_17] : memref<2000x64xf32, #tpu.memory_space<vmem>>, vector<2000x64xf32>
    tpu.vector_store %arg4[%swap3A, %swap3A_17], %add3A_16 {strides = array<i32>} : memref<2000x64xf32, #tpu.memory_space<vmem>>, vector<2000x64xf32>,
    return
  }
  func.func @transform_0(%arg0: i32) -> (i32, i32, i32) {
    %c0_i32 = arith.constant 0 : i32
    %c0_i32_0 = arith.constant 0 : i32
    %c0_i32_1 = arith.constant 0 : i32
    return %c0_i32, %arg0, %c0_i32_0 : i32, i32, i32
  }
  func.func @transform_1(%arg0: i32) -> (i32, i32) {
    %c0_i32 = arith.constant 0 : i32
    %c0_i32_0 = arith.constant 0 : i32
    return %arg0, %c0_i32 : i32, i32
  }
  func.func @transform_2(%arg0: i32) -> (i32, i32) {
    %c0_i32 = arith.constant 0 : i32
    %c0_i32_0 = arith.constant 0 : i32
    return %arg0, %c0_i32 : i32, i32
  }
  func.func @transform_3(%arg0: i32) -> (i32, i32) {
    %c0_i32 = arith.constant 0 : i32
    %c0_i32_0 = arith.constant 0 : i32
    return %arg0, %c0_i32 : i32, i32
  }
}

</mosaic_0001>

<sc_bundles>
// kernel: kernel.12.cloned.1.call-start
scs
__scs_entry_jumppad:
0x0: {  	(pc) =	sbr.rel $0x88, $3  }
0x1: {  	(tag) =	ssettag $0x0;
	lr =	simm.s32 $0x1  }
0x2: {  	[smem:$0x3F96] =	sst lr;
	_ =	strace $0xD0000000  }
0x3: {  	_ = 	snop  }
0x4: {  	_ = 	snop  }
0x5: {  	_ = 	snop  }
0x6: {  	_ = 	snop  }
0x7: {  	_ = 	snop  }
__scs_overlays_trampoline_lowered:
0x8: {  	[smem:$0x3FA5] =	sst s0  }
0x9: {  	[smem:$0x3FA6] =	sst s1  }
0xa: {  	[smem:$0x3FA7] =	sst s2  }
0xb: {  	[smem:$0x3FA8] =	sst s3  }
0xc: {  	[smem:$0x3FA9] =	sst s4  }
0xd: {  	[smem:$0x3FAA] =	sst s5  }
0xe: {  	[smem:$0x3FAB] =	sst s6  }
0xf: {  	[smem:$0x3FAC] =	sst s7  }
0x10: {  	[smem:$0x3FAD] =	sst s8  }
0x11: {  	[smem:$0x3FAE] =	sst s9;
	s0 =	simm.s32 @!p0 $0x0  }
0x12: {  	s1 =	sld [smem:$0x3F94];
	s0 =	simm.s32 @p0 $0x1  }
0x13: {  	[smem:$0x3FAF] =	sst s0;
	s0 =	simm.s32 @!p1 $0x0  }
0x14: {  	s2 =	sld [smem:$0x3F93];
	s0 =	simm.s32 @p1 $0x1  }
0x15: {  	[smem:$0x3FB0] =	sst s0;
	s0 =	simm.s32 @!p2 $0x0  }
0x16: {  	s3 =	sld [smem:$0x3FDB];
	s0 =	simm.s32 @p2 $0x1  }
0x17: {  	s4 =	simm.s32 $0x1BF5;
	[smem:$0x3FB2] =	sst s0  }
0x18: {  	s0 =	sld [smem:$0x3F95];
	_ =	swait.ge [sflag:s4], $0x0  }
0x19: {  	s7 =	sld [smem:$0x3F96]  }
0x1a: {  	s8 =	sadd.s32 $0xFFFFE003, lr  }
0x1b: {  	s9 =	sadd.s32 $0xFFFFFEF7, lr;
	s5 =	simm.s32 $0xFFFFFFFF;
	p2 =	slt.u32 s8, $0xFFFFF086  }
0x1c: {  	p1 =	slt.u32 s9, $0xF7A;
	s5 =	simm.s32 @!p2 $0x0  }
0x1d: {  	s5 =	simm.s32 @p1 $0x1;
	p0 =	seq.s32 s7, s2  }
0x1e: {  	s7 =	smul.u32 @!p0 $0xF7A, s2;
	p2 =	seq.s32 @!p0 s5, $0x0  }
0x1f: {  	s9 =	smul.u32 $0xF7A, s1;
	s8 =	simm.s32 @!p0 $0x1BF5;
	p2 =	por !p2, p0  }
0x20: {  	[sflag:s8] =	ssyncset.s32 @!p0 $0xFFFFF086;
	s6 =	sadd.s32 @!p0 s3, s7;
	s7 =	simm.s32 @!p0 $0x108  }
0x21: {  	s3 =	sadd.s32 s3, s9;
	s6 =	sadd.s32 @!p0 $0x88, s6;
	s7 =	simm.s32 @p2 $0x1082  }
0x22: {  	[simem:s7], [sflag:s8] =	dma.local @!p0 [hbm:s6], $0xF7A  }
0x23: {  	s9 =	sor.u32 $0xD0000000, s2;
	s6 =	simm.s32 $0x108;
	_ =	swait.ge @!p0 [sflag:s8], $0x0  }
0x24: {  	s3 =	sadd.s32 $0x88, s3;
	s6 =	simm.s32 @!p1 $0x1082;
	[sflag:s4] =	ssyncset.s32 $0xFFFFF086  }
0x25: {  	[simem:s6], [sflag:s4] =	dma.local [hbm:s3], $0xF7A  }
0x26: {  	[smem:$0x3F96] =	sst s1;
	(tag) =	ssettag s2;
	_ =	strace s9  }
0x27: {  	s1 =	sld [smem:$0x3FA6]  }
0x28: {  	s2 =	sld [smem:$0x3FA7]  }
0x29: {  	s4 =	sld [smem:$0x3FA9]  }
0x2a: {  	p0 =	seq.s32 s5, $0x0;
	s5 =	sld [smem:$0x3FAA]  }
0x2b: {  	s6 =	sld [smem:$0x3FAB]  }
0x2c: {  	s7 =	sld [smem:$0x3FAC]  }
0x2d: {  	s3 =	simm.s32 $0x108;
	s8 =	sld [smem:$0x3FAD]  }
0x2e: {  	s3 =	simm.s32 @!p0 $0x1082;
	s9 =	sld [smem:$0x3FAE]  }
0x2f: {  	lr =	sadd.s32 s0, s3;
	s0 =	sld [smem:$0x3FA5]  }
0x30: {  	s3 =	sld [smem:$0x3FA8]  }
0x31: {  	[smem:$0x3FB1] =	sst s10  }
0x32: {  	s10 =	sld [smem:$0x3FAF];
	_ =	sdelay $0x3  }
0x33: {  	p0 =	seq.s32 s10, $0x1;
	s10 =	sld [smem:$0x3FB1];
	_ =	sdelay $0x3  }
0x34: {  	[smem:$0x3FB1] =	sst s10  }
0x35: {  	s10 =	sld [smem:$0x3FB0];
	_ =	sdelay $0x3  }
0x36: {  	p1 =	seq.s32 s10, $0x1;
	s10 =	sld [smem:$0x3FB1];
	_ =	sdelay $0x3  }
0x37: {  	[smem:$0x3FB1] =	sst s10  }
0x38: {  	s10 =	sld [smem:$0x3FB2]  }
0x39: {  	_ = 	snop;
	(pc) =	sbr.ind lr, $3  }
0x3a: {  	_ = 	snop  }
0x3b: {  	_ = 	snop  }
0x3c: {  	p2 =	seq.s32 s10, $0x1;
	s10 =	sld [smem:$0x3FB1]  }
0x3d: {  	_ =	shalt  }
0x3e: {  	_ =	shalt  }
0x3f: {  	_ =	shalt  }
0x40: {  	_ =	shalt  }
0x41: {  	_ =	shalt  }
0x42: {  	_ =	shalt  }
0x43: {  	_ =	shalt  }
0x44: {  	_ =	shalt  }
0x45: {  	_ =	shalt  }
0x46: {  	_ =	shalt  }
0x47: {  	_ =	shalt  }
0x48: {  	_ =	shalt  }
0x49: {  	_ =	shalt  }
0x4a: {  	_ =	shalt  }
0x4b: {  	_ =	shalt  }
0x4c: {  	_ =	shalt  }
0x4d: {  	_ =	shalt  }
0x4e: {  	_ =	shalt  }
0x4f: {  	_ =	shalt  }
0x50: {  	_ =	shalt  }
0x51: {  	_ =	shalt  }
0x52: {  	_ =	shalt  }
0x53: {  	_ =	shalt  }
0x54: {  	_ =	shalt  }
0x55: {  	_ =	shalt  }
0x56: {  	_ =	shalt  }
0x57: {  	_ =	shalt  }
0x58: {  	_ =	shalt  }
0x59: {  	_ =	shalt  }
0x5a: {  	_ =	shalt  }
0x5b: {  	_ =	shalt  }
0x5c: {  	_ =	shalt  }
0x5d: {  	_ =	shalt  }
0x5e: {  	_ =	shalt  }
0x5f: {  	_ =	shalt  }
0x60: {  	_ =	shalt  }
0x61: {  	_ =	shalt  }
0x62: {  	_ =	shalt  }
0x63: {  	_ =	shalt  }
0x64: {  	_ =	shalt  }
0x65: {  	_ =	shalt  }
0x66: {  	_ =	shalt  }
0x67: {  	_ =	shalt  }
0x68: {  	_ =	shalt  }
0x69: {  	_ =	shalt  }
0x6a: {  	_ =	shalt  }
0x6b: {  	_ =	shalt  }
0x6c: {  	_ =	shalt  }
0x6d: {  	_ =	shalt  }
0x6e: {  	_ =	shalt  }
0x6f: {  	_ =	shalt  }
0x70: {  	_ =	shalt  }
0x71: {  	_ =	shalt  }
0x72: {  	_ =	shalt  }
0x73: {  	_ =	shalt  }
0x74: {  	_ =	shalt  }
0x75: {  	_ =	shalt  }
0x76: {  	_ =	shalt  }
0x77: {  	_ =	shalt  }
0x78: {  	_ =	shalt  }
0x79: {  	_ =	shalt  }
0x7a: {  	_ =	shalt  }
0x7b: {  	_ =	shalt  }
0x7c: {  	_ =	shalt  }
0x7d: {  	_ =	shalt  }
0x7e: {  	_ =	shalt  }
0x7f: {  	_ =	shalt  }
0x80: {  	_ =	shalt  }
0x81: {  	_ =	shalt  }
0x82: {  	_ =	shalt  }
0x83: {  	_ =	shalt  }
0x84: {  	_ =	shalt  }
0x85: {  	_ =	shalt  }
0x86: {  	_ =	shalt  }
0x87: {  	_ =	shalt  }
.Lfunc_end0:
.L_simem_size_0:
called_computation.1_lowered:
.L_overlay_start_0:
0x88: {  	s2 =	sld [smem:$0x3FD9]  }
0x89: {  	s3 =	sld [smem:$0x3FFE];
	_ =	sdelay $0x1  }
0x8a: {  	s1 =	srdreg.scid  }
0x8b: {  	s0 =	sand.u32 $0x1, s1  }
0x8c: {  	s14 =	sshll.u32 s0, $0xA;
	s2 =	sadd.s32 s3, s2  }
0x8d: {  	s2 =	sadd.s32 s2, s14  }
0x8e: {  	[smem:$0x3FBD] =	sst s2  }
0x8f: {  	_ = 	snop  }
0x90: {  	s2 =	sld [smem:$0x3FD0];
	_ =	sdelay $0x2  }
0x91: {  	s15 =	simm.s32 $0xA;
	s4 =	simm.s32 $0x10  }
0x92: {  	[smem:s4], [sflag:s15] =	dma.local [hbm:s2], $0x1  }
0x93: {  	_ =	swait.eq [sflag:s15], $0x1  }
0x94: {  	[sflag:s15] =	ssyncset.done $0x0  }
0x95: {  	[sflag:s15] =	ssyncadd.s32 $0xFFFFFFFF  }
0x96: {  	s16 =	sld [smem:$0x10];
	(tm) =	ssettm $0x1  }
0x97: {  	s17 =	sld [smem:$0x3FFB];
	_ =	sdelay $0x3  }
0x98: {  	_ =	strace s17  }
0x99: {  	s3 =	sld [smem:$0x3FFC];
	_ =	sdelay $0x3  }
0x9a: {  	_ =	strace s3  }
0x9b: {  	s3 =	sld [smem:$0x3FFD];
	_ =	sdelay $0x3  }
0x9c: {  	_ =	strace s3  }
0x9d: {  	_ =	strace $0x8FFFFFFF  }
0x9e: {  	s18 =	sld [smem:$0x3FDB];
	_ =	sdelay $0x1  }
0x9f: {  	s19 =	simm.s32 $_scs_section_size  }
0xa0: {  	s5 =	simm.s32 $_size__tile_overlayer_lowered;
	s6 =	simm.s32 $_tile_overlayer_lowered  }
0xa1: {  	s22 =	simm.s32 $0x1BFF;
	s21 =	sshll.u32 s6, $0x1;
	s3 =	sadd.s32 s19, s18  }
0xa2: {  	s7 =	simm.s32 $0x0;
	s20 =	sshll.u32 s5, $0x1;
	s5 =	sadd.s32 s21, s3  }
0xa3: {  	[timem:s7], [sflag:s22] =	dma.local [hbm:s5], s20  }
0xa4: {  	_ =	swait.ge [sflag:s22], s20  }
0xa5: {  	s4 =	ssub.s32 $0x0, s20;
	[sflag:s22] =	ssyncset.done $0x0  }
0xa6: {  	[sflag:s22] =	ssyncadd.s32 s4;
	_ =	sdelay $0x1  }
0xa7: {  	s23 =	simm.s32 $0x1B8B  }
0xa8: {  	_ =	swait.ge [sflag:s23], $0x1  }
0xa9: {  	[sflag:s23] =	ssyncset.done $0x0  }
0xaa: {  	s25 =	simm.s32 $0x1B8E;
	s24 =	sld [smem:$0x3FFE];
	[sflag:s23] =	ssyncadd.s32 $0xFFFFFFFF  }
0xab: {  	s26 =	simm.s32 $execute0_lowered;
	[smem:$0x3FD2] =	sst s25  }
0xac: {  	s5 =	sshll.u32 s26, $0x1;
	_ =	strace $0x80000049;
	[dreg:$0x1] =	wrdreg $0xFFFFFFFF  }
0xad: {  	s28 =	simm.s32 $_size_execute0_lowered;
	s3 =	sadd.s32 s3, s5;
	[dreg:$0x0] =	wrdreg $0x0  }
0xae: {  	s5 =	sshll.u32 s28, $0x1;
	[dreg:$0x2] =	wrdreg s3  }
0xaf: {  	[dreg:$0x3] =	wrdreg s5  }
0xb0: {  	[dreg:$0x4] =	wrdreg $0xC0  }
0xb1: {  	_ =	task [dreg:s7], $0x5FFFF  }
0xb2: {  	[dreg:$0x1] =	wrdreg $0xFFFFFFFF  }
0xb3: {  	[dreg:$0x0] =	wrdreg $0x60  }
0xb4: {  	[dreg:$0x2] =	wrdreg s24  }
0xb5: {  	[dreg:$0x3] =	wrdreg s16  }
0xb6: {  	[dreg:$0x4] =	wrdreg $0xB2200  }
0xb7: {  	[dreg:$0x5] =	wrdreg $0x9  }
0xb8: {  	_ =	task.clear_ibuf [dreg:s7], $0x6FFFF;
	_ =	strace $0x90000049  }
0xb9: {  	s29 =	simm.s32 $0x9;
	_ =	strace $0x8000004B  }
0xba: {  	_ =	swait.ge [sflag:s29], $0x1  }
0xbb: {  	[sflag:s29] =	ssyncadd.s32 $0xFFFFFFFF  }
0xbc: {  	_ =	strace $0x9000004B  }
0xbd: {  	_ =	sfence  }
0xbe: {  	s30 =	sld [smem:$0x0];
	_ =	sdelay $0x2  }
0xbf: {  	s31 =	sshll.u32 s1, $0xD;
	s1 =	sshrl.u32 s1, $0x2  }
0xc0: {  	s3 =	sand.u32 $0x4000, s31;
	s1 =	sadd.s32 s1, s30  }
0xc1: {  	s0 =	sor.u32 s3, s0;
	s1 =	sshll.u32 s1, $0x11  }
0xc2: {  	s0 =	sor.u32 s1, s0  }
0xc3: {  	s0 =	sadd.s32 $0x8F2B, s0  }
0xc4: {  	[sflag:s0] =	ssyncadd.remote.s32 $0x1  }
0xc5: {  	_ =	sfence.sel $0xFFFF  }
0xc6: {  	[dreg:$0x0] =	wrdreg $0xFFFFFFFF;
	(pc) =	sbr.abs _section_cstart, $3  }
0xc7: {  	[dreg:$0x1] =	wrdreg $0xFFFFFFFF  }
0xc8: {  	_ =	task.clear_ibuf [dreg:s7], $0x2FFFF;
	_ =	strace $0x9FFFFFFF  }
0xc9: {  	(tm) =	ssettm $0x7FFFFFFF  }
tec
execute0_lowered:
.L_overlay_start_1:
0x0: {  	(tag) =	ssettag $0x1  }
0x1: {  	s0 =	rddreg [dreg:$0x0]  }
0x2: {  	s1 =	rddreg [dreg:$0x1];
	s3 =	srdreg.scid  }
0x3: {  	s13 =	stileid.u32;
	s2 =	rddreg [dreg:$0x2]  }
0x4: {  	s15 =	simm.s32 $0x50;
	s16 =	simm.s32 $0x4E20;
	s17 =	simm.s32 $0x6220  }
0x5: {  	s19 =	simm.s32 $0x7620;
	s28 =	simm.s32 $0x2;
	s29 =	simm.s32 $0x3  }
0x6: {  	s30 =	simm.s32 $0x4;
	s31 =	simm.s32 $0x5;
	s14 =	simm.s32 $0x7  }
0x7: {  	s18 =	simm.s32 $0x8;
	s20 =	simm.s32 $0x9;
	s9 =	smul.u32 $0x9C00, s13  }
0x8: {  	s5 =	sand.u32 $0x1, s3;
	s4 =	sshll.u32 s13, $0x1;
	s10 =	smul.u32 $0x13800, s13  }
0x9: {  	s3 =	simm.s32 $0x0;
	s23 =	sadd.s32 $0x92400, s2;
	s11 =	smul.u32 $0x27000, s13  }
0xa: {  	p0 =	seq.s32 s13, $0xF;
	s13 =	simm.s32 $0xB;
	s4 =	sor.u32 s5, s4  }
0xb: {  	[smem:$0x7FF] =	sst s3;
	s7 =	ssub.s32 $0x2, s5;
	s5 =	smul.u32 $0x138800, s5  }
0xc: {  	s6 =	smul.u32 $0x4E2, s4;
	_ =	strace $0x8000004A;
	s4 =	sadd.s32 $0x16600, s0  }
0xd: {  	s8 =	sshrl.u32 s7, $0x1;
	s22 =	sshrl.u32 s9, $0x3;
	[dreg:$0x7] =	wrdreg s23  }
0xe: {  	s26 =	sshrl.u32 s11, $0x2;
	s23 =	simm.s32 $0x9E20;
	s7 =	ssub.s32 s7, s8  }
0xf: {  	s8 =	sadd.s32 s1, s22;
	s24 =	sadd.s32 s10, s5;
	s1 =	sadd.s32 $0x12480, s1  }
0x10: {  	s5 =	sshrl.u32 s5, $0x3;
	s22 =	simm.s32 $0xA;
	[dreg:$0x6] =	wrdreg s8  }
0x11: {  	s6 =	sadd.s32 s6, s0;
	s0 =	sadd.s32 $0x64A00, s0;
	[dreg:$0x8] =	wrdreg s1  }
0x12: {  	s25 =	sshrl.u32 s24, $0x3;
	s12 =	smax.u32 s7, $0x1;
	s21 =	sadd.s32 $0xC800, s6  }
0x13: {  	s6 =	sadd.s32 $0x2A00, s6;
	s1 =	sadd.s32 s0, s25;
	[dreg:$0x4] =	wrdreg s21  }
0x14: {  	s0 =	sadd.s32 s0, s5;
	[dreg:$0x5] =	wrdreg s6;
	s6 =	sadd.s32 s9, s2  }
0x15: {  	[dreg:$0x9] =	wrdreg s1;
	s1 =	sadd.s32 s26, s2;
	s11 =	sadd.s32 $0x24900, s0  }
0x16: {  	s21 =	simm.s32 $0x8A20;
	s26 =	simm.s32 $0x1;
	s0 =	simm.s32 $0x0  }
0x17: {  	s24 =	sshrl.u32 @!p0 s6, $0x3;
	s25 =	sshrl.u32 @!p0 s1, $0x3;
	s1 =	simm.s32 $0x6  }
.LBB2_1:
0x18: {  	s5 =	rddreg [dreg:$0x4]  }
0x19: {  	[tilespmem:s3], [sflag:$0xB] =	stream.linear.gather [hbm4b:s5+s3], $0x2710, $0x38;
	[tilespmem:$0x14E60] =	vst v63  }
0x1a: {  	_ =	swait.ge [sflag:s13], $0x2710  }
0x1b: {  	[sflag:s13] =	ssyncset.done $0x0  }
0x1c: {  	s6 =	simm.s32 $0x2710;
	s9 =	rddreg [dreg:$0x5];
	[sflag:s13] =	ssyncadd.s32 $0xFFFFD8F0  }
0x1d: {  	[tilespmem:s6], [sflag:$0xB] =	stream.linear.gather [hbm4b:s9+s3], $0x2710, $0x38;
	[tilespmem:$0x14E60] =	vst v63  }
0x1e: {  	_ = 	snop  }
0x1f: {  	[tilespmem:s16], [sflag:$0x1] =	stream.indirect.gather [hbm4b:s4+s15], $0x40, s3, s15, $0xb8;
	[tilespmem:$0x14E60] =	vst v63  }
0x20: {  	_ = 	snop  }
0x21: {  	[tilespmem:s17], [sflag:$0x2] =	stream.indirect.gather [hbm4b:s4+s15], $0x40, s15, s15, $0xb8;
	[tilespmem:$0x14E60] =	vst v63  }
0x22: {  	s10 =	simm.s32 $0xA0  }
0x23: {  	[tilespmem:s19], [sflag:$0x3] =	stream.indirect.gather [hbm4b:s4+s15], $0x40, s10, s15, $0xb8;
	[tilespmem:$0x14E60] =	vst v63  }
0x24: {  	s6 =	simm.s32 $0xF0  }
0x25: {  	[tilespmem:s21], [sflag:$0x4] =	stream.indirect.gather [hbm4b:s4+s15], $0x40, s6, s15, $0xb8;
	[tilespmem:$0x14E60] =	vst v63  }
0x26: {  	s7 =	simm.s32 $0x140;
	s5 =	rddreg [dreg:$0x7]  }
0x27: {  	[tilespmem:s23], [sflag:$0x5] =	stream.indirect.gather [hbm4b:s4+s15], $0x40, s7, s15, $0xb8;
	[tilespmem:$0x14E60] =	vst v63  }
0x28: {  	s6 =	sshrl.u32 @p0 s5, $0x3;
	s5 =	simm.s32 @p0 $0x1FCC;
	s7 =	rddreg [dreg:$0x8]  }
0x29: {  	[spmem:s6], [sflag:s5] =	dma.local @p0 [hbm:s7], $0x1400  }
0x2a: {  	s5 =	simm.s32 @p0 $0xC  }
0x2b: {  	s7 =	stileid.u32;
	_ =	swait.ge @p0 [sflag:s5], $0x1400  }
0x2c: {  	s7 =	sshll.u32 @!p0 s7, $0x6;
	[sflag:s5] =	ssyncset.done @p0 $0x0  }
0x2d: {  	[sflag:s5] =	ssyncadd.s32 @p0 $0xFFFFEC00;
	s5 =	sor.u32 @!p0 $0x1C0C, s7;
	s7 =	rddreg [dreg:$0x6]  }
0x2e: {  	[spmem:s24], [sflag:s5] =	dma.local @!p0 [hbm:s7], $0x1380  }
0x2f: {  	s7 =	simm.s32 @!p0 $0xC  }
0x30: {  	_ =	swait.ge @!p0 [sflag:s7], $0x1380  }
0x31: {  	[sflag:s7] =	ssyncset.done @!p0 $0x0  }
0x32: {  	[sflag:s7] =	ssyncadd.s32 @!p0 $0xFFFFEC80  }
0x33: {  	_ =	swait.ge [sflag:s13], $0x2710  }
0x34: {  	[sflag:s13] =	ssyncset.done $0x0  }
0x35: {  	[sflag:s13] =	ssyncadd.s32 $0xFFFFD8F0  }
0x36: {  	[bflag:$0x0] =	sbarrier.arrive $0xFFFF  }
0x37: {  	_ =	swait.ge [sflag:s26], $0x1400  }
0x38: {  	[sflag:s26] =	ssyncset.done $0x0  }
0x39: {  	s8 =	simm.s32 $0x2710;
	[sflag:s26] =	ssyncadd.s32 $0xFFFFEC00  }
0x3a: {  	[spmem:s2] =	stream.indirect.scatter.add.f32 [tilespmem:s16], [sflag:$0x6], $0x40, s8, s15, $0xb8;
	[tilespmem:$0x14E60] =	vst v63  }
0x3b: {  	_ =	swait.ge [sflag:s28], $0x1400  }
0x3c: {  	[sflag:s28] =	ssyncset.done $0x0  }
0x3d: {  	s9 =	simm.s32 $0x2760;
	[sflag:s28] =	ssyncadd.s32 $0xFFFFEC00  }
0x3e: {  	[spmem:s2] =	stream.indirect.scatter.add.f32 [tilespmem:s17], [sflag:$0x7], $0x40, s9, s15, $0xb8;
	[tilespmem:$0x14E60] =	vst v63  }
0x3f: {  	_ =	swait.ge [sflag:s29], $0x1400  }
0x40: {  	[sflag:s29] =	ssyncset.done $0x0  }
0x41: {  	s10 =	simm.s32 $0x27B0;
	[sflag:s29] =	ssyncadd.s32 $0xFFFFEC00  }
0x42: {  	[spmem:s2] =	stream.indirect.scatter.add.f32 [tilespmem:s19], [sflag:$0x8], $0x40, s10, s15, $0xb8;
	[tilespmem:$0x14E60] =	vst v63  }
0x43: {  	_ =	swait.ge [sflag:s30], $0x1400  }
0x44: {  	[sflag:s30] =	ssyncset.done $0x0  }
0x45: {  	s8 =	simm.s32 $0x2800;
	[sflag:s30] =	ssyncadd.s32 $0xFFFFEC00  }
0x46: {  	[spmem:s2] =	stream.indirect.scatter.add.f32 [tilespmem:s21], [sflag:$0x9], $0x40, s8, s15, $0xb8;
	[tilespmem:$0x14E60] =	vst v63  }
0x47: {  	_ =	swait.ge [sflag:s31], $0x1400  }
0x48: {  	[sflag:s31] =	ssyncset.done $0x0  }
0x49: {  	s9 =	simm.s32 $0x2850;
	[sflag:s31] =	ssyncadd.s32 $0xFFFFEC00  }
0x4a: {  	[spmem:s2] =	stream.indirect.scatter.add.f32 [tilespmem:s23], [sflag:$0xA], $0x40, s9, s15, $0xb8;
	[tilespmem:$0x14E60] =	vst v63  }
0x4b: {  	_ =	swait.ge [sflag:s1], $0x1400  }
0x4c: {  	[sflag:s1] =	ssyncset.done $0x0  }
0x4d: {  	s10 =	simm.s32 $0x190;
	[sflag:s1] =	ssyncadd.s32 $0xFFFFEC00  }
0x4e: {  	[tilespmem:s16], [sflag:$0x1] =	stream.indirect.gather [hbm4b:s4+s15], $0x40, s10, s15, $0xb8;
	[tilespmem:$0x14E60] =	vst v63  }
0x4f: {  	_ =	swait.ge [sflag:s14], $0x1400  }
0x50: {  	[sflag:s14] =	ssyncset.done $0x0  }
0x51: {  	s8 =	simm.s32 $0x1E0;
	[sflag:s14] =	ssyncadd.s32 $0xFFFFEC00  }
0x52: {  	[tilespmem:s17], [sflag:$0x2] =	stream.indirect.gather [hbm4b:s4+s15], $0x40, s8, s15, $0xb8;
	[tilespmem:$0x14E60] =	vst v63  }
0x53: {  	_ =	swait.ge [sflag:s18], $0x1400  }
0x54: {  	[sflag:s18] =	ssyncset.done $0x0  }
0x55: {  	s9 =	simm.s32 $0x230;
	[sflag:s18] =	ssyncadd.s32 $0xFFFFEC00  }
0x56: {  	[tilespmem:s19], [sflag:$0x3] =	stream.indirect.gather [hbm4b:s4+s15], $0x40, s9, s15, $0xb8;
	[tilespmem:$0x14E60] =	vst v63  }
0x57: {  	_ =	swait.ge [sflag:s20], $0x1400  }
0x58: {  	[sflag:s20] =	ssyncset.done $0x0  }
0x59: {  	s10 =	simm.s32 $0x280;
	[sflag:s20] =	ssyncadd.s32 $0xFFFFEC00  }
0x5a: {  	[tilespmem:s21], [sflag:$0x4] =	stream.indirect.gather [hbm4b:s4+s15], $0x40, s10, s15, $0xb8;
	[tilespmem:$0x14E60] =	vst v63  }
0x5b: {  	_ =	swait.ge [sflag:s22], $0x1400  }
0x5c: {  	[sflag:s22] =	ssyncset.done $0x0  }
0x5d: {  	s7 =	simm.s32 $0x640;
	s8 =	simm.s32 $0x2D0;
	[sflag:s22] =	ssyncadd.s32 $0xFFFFEC00  }
.LBB2_2:
0x5e: {  	[tilespmem:s23], [sflag:$0x5] =	stream.indirect.gather [hbm4b:s4+s15], $0x40, s8, s15, $0xb8;
	[tilespmem:$0x14E60] =	vst v63  }
0x5f: {  	s8 =	smov.u32 s7  }
0x60: {  	p1 =	sne.s32 s7, $0x8FC0;
	s7 =	sadd.s32 $0x640, s7;
	_ =	swait.ge [sflag:s26], $0x1400  }
0x61: {  	s8 =	sshra.s32 s8, $0x2;
	[sflag:s26] =	ssyncset.done $0x0  }
0x62: {  	s9 =	sadd.s32 $0x2710, s8;
	[sflag:s26] =	ssyncadd.s32 $0xFFFFEC00  }
0x63: {  	[spmem:s2] =	stream.indirect.scatter.add.f32 [tilespmem:s16], [sflag:$0x6], $0x40, s9, s15, $0xb8;
	[tilespmem:$0x14E60] =	vst v63  }
0x64: {  	_ =	swait.ge [sflag:s28], $0x1400  }
0x65: {  	[sflag:s28] =	ssyncset.done $0x0  }
0x66: {  	s9 =	sadd.s32 $0x2760, s8;
	[sflag:s28] =	ssyncadd.s32 $0xFFFFEC00  }
0x67: {  	[spmem:s2] =	stream.indirect.scatter.add.f32 [tilespmem:s17], [sflag:$0x7], $0x40, s9, s15, $0xb8;
	[tilespmem:$0x14E60] =	vst v63  }
0x68: {  	_ =	swait.ge [sflag:s29], $0x1400  }
0x69: {  	[sflag:s29] =	ssyncset.done $0x0  }
0x6a: {  	s9 =	sadd.s32 $0x27B0, s8;
	[sflag:s29] =	ssyncadd.s32 $0xFFFFEC00  }
0x6b: {  	[spmem:s2] =	stream.indirect.scatter.add.f32 [tilespmem:s19], [sflag:$0x8], $0x40, s9, s15, $0xb8;
	[tilespmem:$0x14E60] =	vst v63  }
0x6c: {  	_ =	swait.ge [sflag:s30], $0x1400  }
0x6d: {  	[sflag:s30] =	ssyncset.done $0x0  }
0x6e: {  	s9 =	sadd.s32 $0x2800, s8;
	[sflag:s30] =	ssyncadd.s32 $0xFFFFEC00  }
0x6f: {  	[spmem:s2] =	stream.indirect.scatter.add.f32 [tilespmem:s21], [sflag:$0x9], $0x40, s9, s15, $0xb8;
	[tilespmem:$0x14E60] =	vst v63  }
0x70: {  	_ =	swait.ge [sflag:s31], $0x1400  }
0x71: {  	[sflag:s31] =	ssyncset.done $0x0  }
0x72: {  	s9 =	sadd.s32 $0x2850, s8;
	[sflag:s31] =	ssyncadd.s32 $0xFFFFEC00  }
0x73: {  	[spmem:s2] =	stream.indirect.scatter.add.f32 [tilespmem:s23], [sflag:$0xA], $0x40, s9, s15, $0xb8;
	[tilespmem:$0x14E60] =	vst v63  }
0x74: {  	_ =	swait.ge [sflag:s1], $0x1400  }
0x75: {  	[sflag:s1] =	ssyncset.done $0x0  }
0x76: {  	s9 =	sadd.s32 $0x190, s8;
	[sflag:s1] =	ssyncadd.s32 $0xFFFFEC00  }
0x77: {  	[tilespmem:s16], [sflag:$0x1] =	stream.indirect.gather [hbm4b:s4+s15], $0x40, s9, s15, $0xb8;
	[tilespmem:$0x14E60] =	vst v63  }
0x78: {  	_ =	swait.ge [sflag:s14], $0x1400  }
0x79: {  	[sflag:s14] =	ssyncset.done $0x0  }
0x7a: {  	s9 =	sadd.s32 $0x1E0, s8;
	[sflag:s14] =	ssyncadd.s32 $0xFFFFEC00  }
0x7b: {  	[tilespmem:s17], [sflag:$0x2] =	stream.indirect.gather [hbm4b:s4+s15], $0x40, s9, s15, $0xb8;
	[tilespmem:$0x14E60] =	vst v63  }
0x7c: {  	_ =	swait.ge [sflag:s18], $0x1400  }
0x7d: {  	[sflag:s18] =	ssyncset.done $0x0  }
0x7e: {  	s9 =	sadd.s32 $0x230, s8;
	[sflag:s18] =	ssyncadd.s32 $0xFFFFEC00  }
0x7f: {  	[tilespmem:s19], [sflag:$0x3] =	stream.indirect.gather [hbm4b:s4+s15], $0x40, s9, s15, $0xb8;
	[tilespmem:$0x14E60] =	vst v63  }
0x80: {  	_ =	swait.ge [sflag:s20], $0x1400  }
0x81: {  	[sflag:s20] =	ssyncset.done $0x0  }
.Ltmp0:
0x82: {  	s9 =	sadd.s32 $0x280, s8;
	[sflag:s20] =	ssyncadd.s32 $0xFFFFEC00;
	(pc) =	sbr.rel @p1 .LBB2_2-.Ltmp0, $4  }
0x83: {  	[tilespmem:s21], [sflag:$0x4] =	stream.indirect.gather [hbm4b:s4+s15], $0x40, s9, s15, $0xb8;
	[tilespmem:$0x14E60] =	vst v63  }
0x84: {  	_ =	swait.ge [sflag:s22], $0x1400  }
0x85: {  	[sflag:s22] =	ssyncset.done $0x0  }
0x86: {  	s8 =	sadd.s32 $0x2D0, s8;
	[sflag:s22] =	ssyncadd.s32 $0xFFFFEC00  }
0x87: {  	[tilespmem:s23], [sflag:$0x5] =	stream.indirect.gather [hbm4b:s4+s15], $0x40, s8, s15, $0xb8;
	[tilespmem:$0x14E60] =	vst v63  }
0x88: {  	_ =	swait.ge [sflag:s26], $0x1400  }
0x89: {  	[sflag:s26] =	ssyncset.done $0x0  }
0x8a: {  	s7 =	simm.s32 $0x4C90;
	[sflag:s26] =	ssyncadd.s32 $0xFFFFEC00  }
0x8b: {  	[spmem:s2] =	stream.indirect.scatter.add.f32 [tilespmem:s16], [sflag:$0x6], $0x40, s7, s15, $0xb8;
	[tilespmem:$0x14E60] =	vst v63  }
0x8c: {  	_ =	swait.ge [sflag:s28], $0x1400  }
0x8d: {  	[sflag:s28] =	ssyncset.done $0x0  }
0x8e: {  	s10 =	simm.s32 $0x4CE0;
	[sflag:s28] =	ssyncadd.s32 $0xFFFFEC00  }
0x8f: {  	[spmem:s2] =	stream.indirect.scatter.add.f32 [tilespmem:s17], [sflag:$0x7], $0x40, s10, s15, $0xb8;
	[tilespmem:$0x14E60] =	vst v63  }
0x90: {  	_ =	swait.ge [sflag:s29], $0x1400  }
0x91: {  	[sflag:s29] =	ssyncset.done $0x0  }
0x92: {  	s8 =	simm.s32 $0x4D30;
	[sflag:s29] =	ssyncadd.s32 $0xFFFFEC00  }
0x93: {  	[spmem:s2] =	stream.indirect.scatter.add.f32 [tilespmem:s19], [sflag:$0x8], $0x40, s8, s15, $0xb8;
	[tilespmem:$0x14E60] =	vst v63  }
0x94: {  	_ =	swait.ge [sflag:s30], $0x1400  }
0x95: {  	[sflag:s30] =	ssyncset.done $0x0  }
0x96: {  	s9 =	simm.s32 $0x4D80;
	[sflag:s30] =	ssyncadd.s32 $0xFFFFEC00  }
0x97: {  	[spmem:s2] =	stream.indirect.scatter.add.f32 [tilespmem:s21], [sflag:$0x9], $0x40, s9, s15, $0xb8;
	[tilespmem:$0x14E60] =	vst v63  }
0x98: {  	_ =	swait.ge [sflag:s31], $0x1400  }
0x99: {  	[sflag:s31] =	ssyncset.done $0x0  }
0x9a: {  	s10 =	simm.s32 $0x4DD0;
	[sflag:s31] =	ssyncadd.s32 $0xFFFFEC00  }
0x9b: {  	[spmem:s2] =	stream.indirect.scatter.add.f32 [tilespmem:s23], [sflag:$0xA], $0x40, s10, s15, $0xb8;
	[tilespmem:$0x14E60] =	vst v63  }
0x9c: {  	_ =	swait.ge [sflag:s1], $0x1400  }
0x9d: {  	[sflag:s1] =	ssyncset.done $0x0  }
0x9e: {  	[sflag:s1] =	ssyncadd.s32 $0xFFFFEC00  }
0x9f: {  	_ =	swait.ge [sflag:s14], $0x1400  }
0xa0: {  	[sflag:s14] =	ssyncset.done $0x0  }
0xa1: {  	[sflag:s14] =	ssyncadd.s32 $0xFFFFEC00  }
0xa2: {  	_ =	swait.ge [sflag:s18], $0x1400  }
0xa3: {  	[sflag:s18] =	ssyncset.done $0x0  }
0xa4: {  	[sflag:s18] =	ssyncadd.s32 $0xFFFFEC00  }
0xa5: {  	_ =	swait.ge [sflag:s20], $0x1400  }
0xa6: {  	[sflag:s20] =	ssyncset.done $0x0  }
0xa7: {  	[sflag:s20] =	ssyncadd.s32 $0xFFFFEC00  }
0xa8: {  	_ =	swait.ge [sflag:s22], $0x1400  }
0xa9: {  	[sflag:s22] =	ssyncset.done $0x0  }
0xaa: {  	s7 =	simm.s32 @p0 $0x1;
	s8 =	simm.s32 @p0 $0x10;
	[sflag:s22] =	ssyncadd.s32 $0xFFFFEC00  }
0xab: {  	s9 =	simm.s32 @p0 $0x8;
	s10 =	simm.s32 @p0 $0x1FCC;
	[bflag:$0x0] =	sbarrier.arrive $0xFFFF  }
0xac: {  	[hbm:s11@s8], [sflag:s10] =	dma.strided @p0 [spmem:s6@s9], $0x1400, s7, $0x8   }
0xad: {  	s0 =	sadd.s32 $0x1, s0;
	s6 =	simm.s32 @p0 $0xC  }
0xae: {  	p1 =	sne.s32 s0, s12;
	_ =	swait.ge @p0 [sflag:s6], $0x1400  }
0xaf: {  	s7 =	simm.s32 @!p0 $0x10;
	s8 =	simm.s32 @!p0 $0x8;
	[sflag:s6] =	ssyncset.done @p0 $0x0  }
0xb0: {  	s9 =	rddreg [dreg:$0x9];
	[sflag:s6] =	ssyncadd.s32 @p0 $0xFFFFEC00;
	s6 =	simm.s32 @!p0 $0x1  }
0xb1: {  	[hbm:s9@s7], [sflag:s5] =	dma.strided @!p0 [spmem:s25@s8], $0x1380, s6, $0x8   }
.Ltmp1:
0xb2: {  	_ = 	snop;
	(pc) =	sbr.rel @p1 .LBB2_1-.Ltmp1, $4  }
0xb3: {  	s5 =	simm.s32 @!p0 $0xC  }
0xb4: {  	_ =	swait.ge @!p0 [sflag:s5], $0x1380  }
0xb5: {  	[sflag:s5] =	ssyncset.done @!p0 $0x0  }
0xb6: {  	[sflag:s5] =	ssyncadd.s32 @!p0 $0xFFFFEC80  }
0xb7: {  	_ =	sfence.sel $0x180000  }
0xb8: {  	[bflag:$0x0] =	sbarrier.arrive $0xFFFF  }
0xb9: {  	_ =	strace $0x9000004A  }
0xba: {  	s0 =	stileid.u32;
	[bflag:$0x2] =	sbarrier.arrive $0xFFFF  }
0xbb: {  	p0 =	sne.s32 s0, $0x0;
	s0 =	rddreg [dreg:$0x3]  }
0xbc: {  	s0 =	sadd.s32 @!p0 $0x100000, s0  }
0xbd: {  	[sflag:s0] =	ssyncadd.tile.s32 @!p0 $0x1;
	_ =	shalt  }
.Lfunc_end2:
_tile_overlayer_lowered:
.L_overlay_start_2:
0xbe: {  	(tag) =	ssettag $0x2  }
0xbf: {  	s0 =	rddreg [dreg:$0x0];
	s2 =	stileid.u32  }
0xc0: {  	s1 =	rddreg [dreg:$0x1];
	p0 =	sne.s32 s2, $0x0  }
0xc1: {  	s3 =	rddreg [dreg:$0x2];
	[bflag:$0x3] =	sbarrier.arrive $0xFFFF;
	s2 =	simm.s32 @!p0 $0x1C0C  }
0xc2: {  	[timem:s3], [sflag:s2] =	dma.local @!p0 [hbm:s0], s1  }
0xc3: {  	s0 =	simm.s32 @!p0 $0xC  }
0xc4: {  	_ =	swait.ge @!p0 [sflag:s0], s1  }
0xc5: {  	s1 =	ssub.s32 @!p0 $0x0, s1;
	[sflag:s0] =	ssyncset.done @!p0 $0x0  }
0xc6: {  	[sflag:s0] =	ssyncadd.s32 @!p0 s1  }
0xc7: {  	[bflag:$0x3] =	sbarrier.arrive $0xFFFF  }
0xc8: {  	_ =	shalt  }

// kernel: kernel.15.cloned.1.call-start
scs
__scs_entry_jumppad:
0x0: {  	(pc) =	sbr.rel $0x88, $3  }
0x1: {  	(tag) =	ssettag $0x0;
	lr =	simm.s32 $0x1  }
0x2: {  	[smem:$0x3F96] =	sst lr;
	_ =	strace $0xD0000000  }
0x3: {  	_ = 	snop  }
0x4: {  	_ = 	snop  }
0x5: {  	_ = 	snop  }
0x6: {  	_ = 	snop  }
0x7: {  	_ = 	snop  }
__scs_overlays_trampoline_lowered:
0x8: {  	[smem:$0x3FA5] =	sst s0  }
0x9: {  	[smem:$0x3FA6] =	sst s1  }
0xa: {  	[smem:$0x3FA7] =	sst s2  }
0xb: {  	[smem:$0x3FA8] =	sst s3  }
0xc: {  	[smem:$0x3FA9] =	sst s4  }
0xd: {  	[smem:$0x3FAA] =	sst s5  }
0xe: {  	[smem:$0x3FAB] =	sst s6  }
0xf: {  	[smem:$0x3FAC] =	sst s7  }
0x10: {  	[smem:$0x3FAD] =	sst s8  }
0x11: {  	[smem:$0x3FAE] =	sst s9;
	s0 =	simm.s32 @!p0 $0x0  }
0x12: {  	s1 =	sld [smem:$0x3F94];
	s0 =	simm.s32 @p0 $0x1  }
0x13: {  	[smem:$0x3FAF] =	sst s0;
	s0 =	simm.s32 @!p1 $0x0  }
0x14: {  	s2 =	sld [smem:$0x3F93];
	s0 =	simm.s32 @p1 $0x1  }
0x15: {  	[smem:$0x3FB0] =	sst s0;
	s0 =	simm.s32 @!p2 $0x0  }
0x16: {  	s3 =	sld [smem:$0x3FDB];
	s0 =	simm.s32 @p2 $0x1  }
0x17: {  	s4 =	simm.s32 $0x1BF5;
	[smem:$0x3FB2] =	sst s0  }
0x18: {  	s0 =	sld [smem:$0x3F95];
	_ =	swait.ge [sflag:s4], $0x0  }
0x19: {  	s7 =	sld [smem:$0x3F96]  }
0x1a: {  	s8 =	sadd.s32 $0xFFFFE003, lr  }
0x1b: {  	s9 =	sadd.s32 $0xFFFFFEF7, lr;
	s5 =	simm.s32 $0xFFFFFFFF;
	p2 =	slt.u32 s8, $0xFFFFF086  }
0x1c: {  	p1 =	slt.u32 s9, $0xF7A;
	s5 =	simm.s32 @!p2 $0x0  }
0x1d: {  	s5 =	simm.s32 @p1 $0x1;
	p0 =	seq.s32 s7, s2  }
0x1e: {  	s7 =	smul.u32 @!p0 $0xF7A, s2;
	p2 =	seq.s32 @!p0 s5, $0x0  }
0x1f: {  	s9 =	smul.u32 $0xF7A, s1;
	s8 =	simm.s32 @!p0 $0x1BF5;
	p2 =	por !p2, p0  }
0x20: {  	[sflag:s8] =	ssyncset.s32 @!p0 $0xFFFFF086;
	s6 =	sadd.s32 @!p0 s3, s7;
	s7 =	simm.s32 @!p0 $0x108  }
0x21: {  	s3 =	sadd.s32 s3, s9;
	s6 =	sadd.s32 @!p0 $0x88, s6;
	s7 =	simm.s32 @p2 $0x1082  }
0x22: {  	[simem:s7], [sflag:s8] =	dma.local @!p0 [hbm:s6], $0xF7A  }
0x23: {  	s9 =	sor.u32 $0xD0000000, s2;
	s6 =	simm.s32 $0x108;
	_ =	swait.ge @!p0 [sflag:s8], $0x0  }
0x24: {  	s3 =	sadd.s32 $0x88, s3;
	s6 =	simm.s32 @!p1 $0x1082;
	[sflag:s4] =	ssyncset.s32 $0xFFFFF086  }
0x25: {  	[simem:s6], [sflag:s4] =	dma.local [hbm:s3], $0xF7A  }
0x26: {  	[smem:$0x3F96] =	sst s1;
	(tag) =	ssettag s2;
	_ =	strace s9  }
0x27: {  	s1 =	sld [smem:$0x3FA6]  }
0x28: {  	s2 =	sld [smem:$0x3FA7]  }
0x29: {  	s4 =	sld [smem:$0x3FA9]  }
0x2a: {  	p0 =	seq.s32 s5, $0x0;
	s5 =	sld [smem:$0x3FAA]  }
0x2b: {  	s6 =	sld [smem:$0x3FAB]  }
0x2c: {  	s7 =	sld [smem:$0x3FAC]  }
0x2d: {  	s3 =	simm.s32 $0x108;
	s8 =	sld [smem:$0x3FAD]  }
0x2e: {  	s3 =	simm.s32 @!p0 $0x1082;
	s9 =	sld [smem:$0x3FAE]  }
0x2f: {  	lr =	sadd.s32 s0, s3;
	s0 =	sld [smem:$0x3FA5]  }
0x30: {  	s3 =	sld [smem:$0x3FA8]  }
0x31: {  	[smem:$0x3FB1] =	sst s10  }
0x32: {  	s10 =	sld [smem:$0x3FAF];
	_ =	sdelay $0x3  }
0x33: {  	p0 =	seq.s32 s10, $0x1;
	s10 =	sld [smem:$0x3FB1];
	_ =	sdelay $0x3  }
0x34: {  	[smem:$0x3FB1] =	sst s10  }
0x35: {  	s10 =	sld [smem:$0x3FB0];
	_ =	sdelay $0x3  }
0x36: {  	p1 =	seq.s32 s10, $0x1;
	s10 =	sld [smem:$0x3FB1];
	_ =	sdelay $0x3  }
0x37: {  	[smem:$0x3FB1] =	sst s10  }
0x38: {  	s10 =	sld [smem:$0x3FB2]  }
0x39: {  	_ = 	snop;
	(pc) =	sbr.ind lr, $3  }
0x3a: {  	_ = 	snop  }
0x3b: {  	_ = 	snop  }
0x3c: {  	p2 =	seq.s32 s10, $0x1;
	s10 =	sld [smem:$0x3FB1]  }
0x3d: {  	_ =	shalt  }
0x3e: {  	_ =	shalt  }
0x3f: {  	_ =	shalt  }
0x40: {  	_ =	shalt  }
0x41: {  	_ =	shalt  }
0x42: {  	_ =	shalt  }
0x43: {  	_ =	shalt  }
0x44: {  	_ =	shalt  }
0x45: {  	_ =	shalt  }
0x46: {  	_ =	shalt  }
0x47: {  	_ =	shalt  }
0x48: {  	_ =	shalt  }
0x49: {  	_ =	shalt  }
0x4a: {  	_ =	shalt  }
0x4b: {  	_ =	shalt  }
0x4c: {  	_ =	shalt  }
0x4d: {  	_ =	shalt  }
0x4e: {  	_ =	shalt  }
0x4f: {  	_ =	shalt  }
0x50: {  	_ =	shalt  }
0x51: {  	_ =	shalt  }
0x52: {  	_ =	shalt  }
0x53: {  	_ =	shalt  }
0x54: {  	_ =	shalt  }
0x55: {  	_ =	shalt  }
0x56: {  	_ =	shalt  }
0x57: {  	_ =	shalt  }
0x58: {  	_ =	shalt  }
0x59: {  	_ =	shalt  }
0x5a: {  	_ =	shalt  }
0x5b: {  	_ =	shalt  }
0x5c: {  	_ =	shalt  }
0x5d: {  	_ =	shalt  }
0x5e: {  	_ =	shalt  }
0x5f: {  	_ =	shalt  }
0x60: {  	_ =	shalt  }
0x61: {  	_ =	shalt  }
0x62: {  	_ =	shalt  }
0x63: {  	_ =	shalt  }
0x64: {  	_ =	shalt  }
0x65: {  	_ =	shalt  }
0x66: {  	_ =	shalt  }
0x67: {  	_ =	shalt  }
0x68: {  	_ =	shalt  }
0x69: {  	_ =	shalt  }
0x6a: {  	_ =	shalt  }
0x6b: {  	_ =	shalt  }
0x6c: {  	_ =	shalt  }
0x6d: {  	_ =	shalt  }
0x6e: {  	_ =	shalt  }
0x6f: {  	_ =	shalt  }
0x70: {  	_ =	shalt  }
0x71: {  	_ =	shalt  }
0x72: {  	_ =	shalt  }
0x73: {  	_ =	shalt  }
0x74: {  	_ =	shalt  }
0x75: {  	_ =	shalt  }
0x76: {  	_ =	shalt  }
0x77: {  	_ =	shalt  }
0x78: {  	_ =	shalt  }
0x79: {  	_ =	shalt  }
0x7a: {  	_ =	shalt  }
0x7b: {  	_ =	shalt  }
0x7c: {  	_ =	shalt  }
0x7d: {  	_ =	shalt  }
0x7e: {  	_ =	shalt  }
0x7f: {  	_ =	shalt  }
0x80: {  	_ =	shalt  }
0x81: {  	_ =	shalt  }
0x82: {  	_ =	shalt  }
0x83: {  	_ =	shalt  }
0x84: {  	_ =	shalt  }
0x85: {  	_ =	shalt  }
0x86: {  	_ =	shalt  }
0x87: {  	_ =	shalt  }
.Lfunc_end0:
.L_simem_size_0:
called_computation.2_lowered:
.L_overlay_start_0:
0x88: {  	s2 =	sld [smem:$0x3FD9]  }
0x89: {  	s3 =	sld [smem:$0x3FFE];
	_ =	sdelay $0x1  }
0x8a: {  	s1 =	srdreg.scid  }
0x8b: {  	s0 =	sand.u32 $0x1, s1  }
0x8c: {  	s14 =	sshll.u32 s0, $0xA;
	s2 =	sadd.s32 s3, s2  }
0x8d: {  	s2 =	sadd.s32 s2, s14  }
0x8e: {  	[smem:$0x3FBD] =	sst s2  }
0x8f: {  	_ = 	snop  }
0x90: {  	s2 =	sld [smem:$0x3FD0];
	_ =	sdelay $0x2  }
0x91: {  	s15 =	simm.s32 $0xA;
	s4 =	simm.s32 $0x10  }
0x92: {  	[smem:s4], [sflag:s15] =	dma.local [hbm:s2], $0x1  }
0x93: {  	_ =	swait.eq [sflag:s15], $0x1  }
0x94: {  	[sflag:s15] =	ssyncset.done $0x0  }
0x95: {  	[sflag:s15] =	ssyncadd.s32 $0xFFFFFFFF  }
0x96: {  	s16 =	sld [smem:$0x10];
	(tm) =	ssettm $0x1  }
0x97: {  	s17 =	sld [smem:$0x3FFB];
	_ =	sdelay $0x3  }
0x98: {  	_ =	strace s17  }
0x99: {  	s3 =	sld [smem:$0x3FFC];
	_ =	sdelay $0x3  }
0x9a: {  	_ =	strace s3  }
0x9b: {  	s3 =	sld [smem:$0x3FFD];
	_ =	sdelay $0x3  }
0x9c: {  	_ =	strace s3  }
0x9d: {  	_ =	strace $0x8FFFFFFF  }
0x9e: {  	s18 =	sld [smem:$0x3FDB];
	_ =	sdelay $0x1  }
0x9f: {  	s19 =	simm.s32 $_scs_section_size  }
0xa0: {  	s5 =	simm.s32 $_size__tile_overlayer_lowered;
	s6 =	simm.s32 $_tile_overlayer_lowered  }
0xa1: {  	s22 =	simm.s32 $0x1BFF;
	s21 =	sshll.u32 s6, $0x1;
	s3 =	sadd.s32 s19, s18  }
0xa2: {  	s7 =	simm.s32 $0x0;
	s20 =	sshll.u32 s5, $0x1;
	s5 =	sadd.s32 s21, s3  }
0xa3: {  	[timem:s7], [sflag:s22] =	dma.local [hbm:s5], s20  }
0xa4: {  	_ =	swait.ge [sflag:s22], s20  }
0xa5: {  	s4 =	ssub.s32 $0x0, s20;
	[sflag:s22] =	ssyncset.done $0x0  }
0xa6: {  	[sflag:s22] =	ssyncadd.s32 s4;
	_ =	sdelay $0x1  }
0xa7: {  	s23 =	simm.s32 $0x1B8B  }
0xa8: {  	_ =	swait.ge [sflag:s23], $0x1  }
0xa9: {  	[sflag:s23] =	ssyncset.done $0x0  }
0xaa: {  	s25 =	simm.s32 $0x1B8E;
	s24 =	sld [smem:$0x3FFE];
	[sflag:s23] =	ssyncadd.s32 $0xFFFFFFFF  }
0xab: {  	s26 =	simm.s32 $execute0_lowered;
	[smem:$0x3FD2] =	sst s25  }
0xac: {  	s5 =	sshll.u32 s26, $0x1;
	_ =	strace $0x8000004C;
	[dreg:$0x1] =	wrdreg $0xFFFFFFFF  }
0xad: {  	s28 =	simm.s32 $_size_execute0_lowered;
	s3 =	sadd.s32 s3, s5;
	[dreg:$0x0] =	wrdreg $0x0  }
0xae: {  	s5 =	sshll.u32 s28, $0x1;
	[dreg:$0x2] =	wrdreg s3  }
0xaf: {  	[dreg:$0x3] =	wrdreg s5  }
0xb0: {  	[dreg:$0x4] =	wrdreg $0xC0  }
0xb1: {  	_ =	task [dreg:s7], $0x5FFFF  }
0xb2: {  	[dreg:$0x1] =	wrdreg $0xFFFFFFFF  }
0xb3: {  	[dreg:$0x0] =	wrdreg $0x60  }
0xb4: {  	[dreg:$0x2] =	wrdreg s24  }
0xb5: {  	[dreg:$0x3] =	wrdreg s16  }
0xb6: {  	[dreg:$0x4] =	wrdreg $0xB2200  }
0xb7: {  	[dreg:$0x5] =	wrdreg $0x9  }
0xb8: {  	_ =	task.clear_ibuf [dreg:s7], $0x6FFFF;
	_ =	strace $0x9000004C  }
0xb9: {  	s29 =	simm.s32 $0x9;
	_ =	strace $0x8000004E  }
0xba: {  	_ =	swait.ge [sflag:s29], $0x1  }
0xbb: {  	[sflag:s29] =	ssyncadd.s32 $0xFFFFFFFF  }
0xbc: {  	_ =	strace $0x9000004E  }
0xbd: {  	_ =	sfence  }
0xbe: {  	s30 =	sld [smem:$0x0];
	_ =	sdelay $0x2  }
0xbf: {  	s31 =	sshll.u32 s1, $0xD;
	s1 =	sshrl.u32 s1, $0x2  }
0xc0: {  	s3 =	sand.u32 $0x4000, s31;
	s1 =	sadd.s32 s1, s30  }
0xc1: {  	s0 =	sor.u32 s3, s0;
	s1 =	sshll.u32 s1, $0x11  }
0xc2: {  	s0 =	sor.u32 s1, s0  }
0xc3: {  	s0 =	sadd.s32 $0x8F2B, s0  }
0xc4: {  	[sflag:s0] =	ssyncadd.remote.s32 $0x1  }
0xc5: {  	_ =	sfence.sel $0xFFFF  }
0xc6: {  	[dreg:$0x0] =	wrdreg $0xFFFFFFFF;
	(pc) =	sbr.abs _section_cstart, $3  }
0xc7: {  	[dreg:$0x1] =	wrdreg $0xFFFFFFFF  }
0xc8: {  	_ =	task.clear_ibuf [dreg:s7], $0x2FFFF;
	_ =	strace $0x9FFFFFFF  }
0xc9: {  	(tm) =	ssettm $0x7FFFFFFF  }
tec
execute0_lowered:
.L_overlay_start_1:
0x0: {  	(tag) =	ssettag $0x1  }
0x1: {  	s0 =	rddreg [dreg:$0x0]  }
0x2: {  	s1 =	rddreg [dreg:$0x1];
	s3 =	srdreg.scid  }
0x3: {  	s13 =	stileid.u32;
	s2 =	rddreg [dreg:$0x2]  }
0x4: {  	s15 =	simm.s32 $0x50;
	s16 =	simm.s32 $0x4E20;
	s17 =	simm.s32 $0x6220  }
0x5: {  	s19 =	simm.s32 $0x7620;
	s28 =	simm.s32 $0x2;
	s29 =	simm.s32 $0x3  }
0x6: {  	s30 =	simm.s32 $0x4;
	s31 =	simm.s32 $0x5;
	s14 =	simm.s32 $0x7  }
0x7: {  	s18 =	simm.s32 $0x8;
	s20 =	simm.s32 $0x9;
	s9 =	smul.u32 $0x9C00, s13  }
0x8: {  	s5 =	sand.u32 $0x1, s3;
	s4 =	sshll.u32 s13, $0x1;
	s10 =	smul.u32 $0x13800, s13  }
0x9: {  	s3 =	simm.s32 $0x0;
	s23 =	sadd.s32 $0x92400, s2;
	s11 =	smul.u32 $0x27000, s13  }
0xa: {  	p0 =	seq.s32 s13, $0xF;
	s13 =	simm.s32 $0xB;
	s4 =	sor.u32 s5, s4  }
0xb: {  	[smem:$0x7FF] =	sst s3;
	s7 =	ssub.s32 $0x2, s5;
	s5 =	smul.u32 $0x138800, s5  }
0xc: {  	s6 =	smul.u32 $0x4E2, s4;
	_ =	strace $0x8000004D;
	s4 =	sadd.s32 $0x16600, s0  }
0xd: {  	s8 =	sshrl.u32 s7, $0x1;
	s22 =	sshrl.u32 s9, $0x3;
	[dreg:$0x7] =	wrdreg s23  }
0xe: {  	s26 =	sshrl.u32 s11, $0x2;
	s23 =	simm.s32 $0x9E20;
	s7 =	ssub.s32 s7, s8  }
0xf: {  	s8 =	sadd.s32 s1, s22;
	s24 =	sadd.s32 s10, s5;
	s1 =	sadd.s32 $0x12480, s1  }
0x10: {  	s5 =	sshrl.u32 s5, $0x3;
	s22 =	simm.s32 $0xA;
	[dreg:$0x6] =	wrdreg s8  }
0x11: {  	s6 =	sadd.s32 s6, s0;
	s0 =	sadd.s32 $0x3D800, s0;
	[dreg:$0x8] =	wrdreg s1  }
0x12: {  	s25 =	sshrl.u32 s24, $0x3;
	s12 =	smax.u32 s7, $0x1;
	s21 =	sadd.s32 $0xC800, s6  }
0x13: {  	s6 =	sadd.s32 $0x2A00, s6;
	s1 =	sadd.s32 s0, s25;
	[dreg:$0x4] =	wrdreg s21  }
0x14: {  	s0 =	sadd.s32 s0, s5;
	[dreg:$0x5] =	wrdreg s6;
	s6 =	sadd.s32 s9, s2  }
0x15: {  	[dreg:$0x9] =	wrdreg s1;
	s1 =	sadd.s32 s26, s2;
	s11 =	sadd.s32 $0x24900, s0  }
0x16: {  	s21 =	simm.s32 $0x8A20;
	s26 =	simm.s32 $0x1;
	s0 =	simm.s32 $0x0  }
0x17: {  	s24 =	sshrl.u32 @!p0 s6, $0x3;
	s25 =	sshrl.u32 @!p0 s1, $0x3;
	s1 =	simm.s32 $0x6  }
.LBB2_1:
0x18: {  	s5 =	rddreg [dreg:$0x4]  }
0x19: {  	[tilespmem:s3], [sflag:$0xB] =	stream.linear.gather [hbm4b:s5+s3], $0x2710, $0x38;
	[tilespmem:$0x14E60] =	vst v63  }
0x1a: {  	_ =	swait.ge [sflag:s13], $0x2710  }
0x1b: {  	[sflag:s13] =	ssyncset.done $0x0  }
0x1c: {  	s6 =	simm.s32 $0x2710;
	s9 =	rddreg [dreg:$0x5];
	[sflag:s13] =	ssyncadd.s32 $0xFFFFD8F0  }
0x1d: {  	[tilespmem:s6], [sflag:$0xB] =	stream.linear.gather [hbm4b:s9+s3], $0x2710, $0x38;
	[tilespmem:$0x14E60] =	vst v63  }
0x1e: {  	_ = 	snop  }
0x1f: {  	[tilespmem:s16], [sflag:$0x1] =	stream.indirect.gather [hbm4b:s4+s15], $0x40, s3, s15, $0xb8;
	[tilespmem:$0x14E60] =	vst v63  }
0x20: {  	_ = 	snop  }
0x21: {  	[tilespmem:s17], [sflag:$0x2] =	stream.indirect.gather [hbm4b:s4+s15], $0x40, s15, s15, $0xb8;
	[tilespmem:$0x14E60] =	vst v63  }
0x22: {  	s10 =	simm.s32 $0xA0  }
0x23: {  	[tilespmem:s19], [sflag:$0x3] =	stream.indirect.gather [hbm4b:s4+s15], $0x40, s10, s15, $0xb8;
	[tilespmem:$0x14E60] =	vst v63  }
0x24: {  	s6 =	simm.s32 $0xF0  }
0x25: {  	[tilespmem:s21], [sflag:$0x4] =	stream.indirect.gather [hbm4b:s4+s15], $0x40, s6, s15, $0xb8;
	[tilespmem:$0x14E60] =	vst v63  }
0x26: {  	s7 =	simm.s32 $0x140;
	s5 =	rddreg [dreg:$0x7]  }
0x27: {  	[tilespmem:s23], [sflag:$0x5] =	stream.indirect.gather [hbm4b:s4+s15], $0x40, s7, s15, $0xb8;
	[tilespmem:$0x14E60] =	vst v63  }
0x28: {  	s6 =	sshrl.u32 @p0 s5, $0x3;
	s5 =	simm.s32 @p0 $0x1FCC;
	s7 =	rddreg [dreg:$0x8]  }
0x29: {  	[spmem:s6], [sflag:s5] =	dma.local @p0 [hbm:s7], $0x1400  }
0x2a: {  	s5 =	simm.s32 @p0 $0xC  }
0x2b: {  	s7 =	stileid.u32;
	_ =	swait.ge @p0 [sflag:s5], $0x1400  }
0x2c: {  	s7 =	sshll.u32 @!p0 s7, $0x6;
	[sflag:s5] =	ssyncset.done @p0 $0x0  }
0x2d: {  	[sflag:s5] =	ssyncadd.s32 @p0 $0xFFFFEC00;
	s5 =	sor.u32 @!p0 $0x1C0C, s7;
	s7 =	rddreg [dreg:$0x6]  }
0x2e: {  	[spmem:s24], [sflag:s5] =	dma.local @!p0 [hbm:s7], $0x1380  }
0x2f: {  	s7 =	simm.s32 @!p0 $0xC  }
0x30: {  	_ =	swait.ge @!p0 [sflag:s7], $0x1380  }
0x31: {  	[sflag:s7] =	ssyncset.done @!p0 $0x0  }
0x32: {  	[sflag:s7] =	ssyncadd.s32 @!p0 $0xFFFFEC80  }
0x33: {  	_ =	swait.ge [sflag:s13], $0x2710  }
0x34: {  	[sflag:s13] =	ssyncset.done $0x0  }
0x35: {  	[sflag:s13] =	ssyncadd.s32 $0xFFFFD8F0  }
0x36: {  	[bflag:$0x0] =	sbarrier.arrive $0xFFFF  }
0x37: {  	_ =	swait.ge [sflag:s26], $0x1400  }
0x38: {  	[sflag:s26] =	ssyncset.done $0x0  }
0x39: {  	s8 =	simm.s32 $0x2710;
	[sflag:s26] =	ssyncadd.s32 $0xFFFFEC00  }
0x3a: {  	[spmem:s2] =	stream.indirect.scatter.add.f32 [tilespmem:s16], [sflag:$0x6], $0x40, s8, s15, $0xb8;
	[tilespmem:$0x14E60] =	vst v63  }
0x3b: {  	_ =	swait.ge [sflag:s28], $0x1400  }
0x3c: {  	[sflag:s28] =	ssyncset.done $0x0  }
0x3d: {  	s9 =	simm.s32 $0x2760;
	[sflag:s28] =	ssyncadd.s32 $0xFFFFEC00  }
0x3e: {  	[spmem:s2] =	stream.indirect.scatter.add.f32 [tilespmem:s17], [sflag:$0x7], $0x40, s9, s15, $0xb8;
	[tilespmem:$0x14E60] =	vst v63  }
0x3f: {  	_ =	swait.ge [sflag:s29], $0x1400  }
0x40: {  	[sflag:s29] =	ssyncset.done $0x0  }
0x41: {  	s10 =	simm.s32 $0x27B0;
	[sflag:s29] =	ssyncadd.s32 $0xFFFFEC00  }
0x42: {  	[spmem:s2] =	stream.indirect.scatter.add.f32 [tilespmem:s19], [sflag:$0x8], $0x40, s10, s15, $0xb8;
	[tilespmem:$0x14E60] =	vst v63  }
0x43: {  	_ =	swait.ge [sflag:s30], $0x1400  }
0x44: {  	[sflag:s30] =	ssyncset.done $0x0  }
0x45: {  	s8 =	simm.s32 $0x2800;
	[sflag:s30] =	ssyncadd.s32 $0xFFFFEC00  }
0x46: {  	[spmem:s2] =	stream.indirect.scatter.add.f32 [tilespmem:s21], [sflag:$0x9], $0x40, s8, s15, $0xb8;
	[tilespmem:$0x14E60] =	vst v63  }
0x47: {  	_ =	swait.ge [sflag:s31], $0x1400  }
0x48: {  	[sflag:s31] =	ssyncset.done $0x0  }
0x49: {  	s9 =	simm.s32 $0x2850;
	[sflag:s31] =	ssyncadd.s32 $0xFFFFEC00  }
0x4a: {  	[spmem:s2] =	stream.indirect.scatter.add.f32 [tilespmem:s23], [sflag:$0xA], $0x40, s9, s15, $0xb8;
	[tilespmem:$0x14E60] =	vst v63  }
0x4b: {  	_ =	swait.ge [sflag:s1], $0x1400  }
0x4c: {  	[sflag:s1] =	ssyncset.done $0x0  }
0x4d: {  	s10 =	simm.s32 $0x190;
	[sflag:s1] =	ssyncadd.s32 $0xFFFFEC00  }
0x4e: {  	[tilespmem:s16], [sflag:$0x1] =	stream.indirect.gather [hbm4b:s4+s15], $0x40, s10, s15, $0xb8;
	[tilespmem:$0x14E60] =	vst v63  }
0x4f: {  	_ =	swait.ge [sflag:s14], $0x1400  }
0x50: {  	[sflag:s14] =	ssyncset.done $0x0  }
0x51: {  	s8 =	simm.s32 $0x1E0;
	[sflag:s14] =	ssyncadd.s32 $0xFFFFEC00  }
0x52: {  	[tilespmem:s17], [sflag:$0x2] =	stream.indirect.gather [hbm4b:s4+s15], $0x40, s8, s15, $0xb8;
	[tilespmem:$0x14E60] =	vst v63  }
0x53: {  	_ =	swait.ge [sflag:s18], $0x1400  }
0x54: {  	[sflag:s18] =	ssyncset.done $0x0  }
0x55: {  	s9 =	simm.s32 $0x230;
	[sflag:s18] =	ssyncadd.s32 $0xFFFFEC00  }
0x56: {  	[tilespmem:s19], [sflag:$0x3] =	stream.indirect.gather [hbm4b:s4+s15], $0x40, s9, s15, $0xb8;
	[tilespmem:$0x14E60] =	vst v63  }
0x57: {  	_ =	swait.ge [sflag:s20], $0x1400  }
0x58: {  	[sflag:s20] =	ssyncset.done $0x0  }
0x59: {  	s10 =	simm.s32 $0x280;
	[sflag:s20] =	ssyncadd.s32 $0xFFFFEC00  }
0x5a: {  	[tilespmem:s21], [sflag:$0x4] =	stream.indirect.gather [hbm4b:s4+s15], $0x40, s10, s15, $0xb8;
	[tilespmem:$0x14E60] =	vst v63  }
0x5b: {  	_ =	swait.ge [sflag:s22], $0x1400  }
0x5c: {  	[sflag:s22] =	ssyncset.done $0x0  }
0x5d: {  	s7 =	simm.s32 $0x640;
	s8 =	simm.s32 $0x2D0;
	[sflag:s22] =	ssyncadd.s32 $0xFFFFEC00  }
.LBB2_2:
0x5e: {  	[tilespmem:s23], [sflag:$0x5] =	stream.indirect.gather [hbm4b:s4+s15], $0x40, s8, s15, $0xb8;
	[tilespmem:$0x14E60] =	vst v63  }
0x5f: {  	s8 =	smov.u32 s7  }
0x60: {  	p1 =	sne.s32 s7, $0x8FC0;
	s7 =	sadd.s32 $0x640, s7;
	_ =	swait.ge [sflag:s26], $0x1400  }
0x61: {  	s8 =	sshra.s32 s8, $0x2;
	[sflag:s26] =	ssyncset.done $0x0  }
0x62: {  	s9 =	sadd.s32 $0x2710, s8;
	[sflag:s26] =	ssyncadd.s32 $0xFFFFEC00  }
0x63: {  	[spmem:s2] =	stream.indirect.scatter.add.f32 [tilespmem:s16], [sflag:$0x6], $0x40, s9, s15, $0xb8;
	[tilespmem:$0x14E60] =	vst v63  }
0x64: {  	_ =	swait.ge [sflag:s28], $0x1400  }
0x65: {  	[sflag:s28] =	ssyncset.done $0x0  }
0x66: {  	s9 =	sadd.s32 $0x2760, s8;
	[sflag:s28] =	ssyncadd.s32 $0xFFFFEC00  }
0x67: {  	[spmem:s2] =	stream.indirect.scatter.add.f32 [tilespmem:s17], [sflag:$0x7], $0x40, s9, s15, $0xb8;
	[tilespmem:$0x14E60] =	vst v63  }
0x68: {  	_ =	swait.ge [sflag:s29], $0x1400  }
0x69: {  	[sflag:s29] =	ssyncset.done $0x0  }
0x6a: {  	s9 =	sadd.s32 $0x27B0, s8;
	[sflag:s29] =	ssyncadd.s32 $0xFFFFEC00  }
0x6b: {  	[spmem:s2] =	stream.indirect.scatter.add.f32 [tilespmem:s19], [sflag:$0x8], $0x40, s9, s15, $0xb8;
	[tilespmem:$0x14E60] =	vst v63  }
0x6c: {  	_ =	swait.ge [sflag:s30], $0x1400  }
0x6d: {  	[sflag:s30] =	ssyncset.done $0x0  }
0x6e: {  	s9 =	sadd.s32 $0x2800, s8;
	[sflag:s30] =	ssyncadd.s32 $0xFFFFEC00  }
0x6f: {  	[spmem:s2] =	stream.indirect.scatter.add.f32 [tilespmem:s21], [sflag:$0x9], $0x40, s9, s15, $0xb8;
	[tilespmem:$0x14E60] =	vst v63  }
0x70: {  	_ =	swait.ge [sflag:s31], $0x1400  }
0x71: {  	[sflag:s31] =	ssyncset.done $0x0  }
0x72: {  	s9 =	sadd.s32 $0x2850, s8;
	[sflag:s31] =	ssyncadd.s32 $0xFFFFEC00  }
0x73: {  	[spmem:s2] =	stream.indirect.scatter.add.f32 [tilespmem:s23], [sflag:$0xA], $0x40, s9, s15, $0xb8;
	[tilespmem:$0x14E60] =	vst v63  }
0x74: {  	_ =	swait.ge [sflag:s1], $0x1400  }
0x75: {  	[sflag:s1] =	ssyncset.done $0x0  }
0x76: {  	s9 =	sadd.s32 $0x190, s8;
	[sflag:s1] =	ssyncadd.s32 $0xFFFFEC00  }
0x77: {  	[tilespmem:s16], [sflag:$0x1] =	stream.indirect.gather [hbm4b:s4+s15], $0x40, s9, s15, $0xb8;
	[tilespmem:$0x14E60] =	vst v63  }
0x78: {  	_ =	swait.ge [sflag:s14], $0x1400  }
0x79: {  	[sflag:s14] =	ssyncset.done $0x0  }
0x7a: {  	s9 =	sadd.s32 $0x1E0, s8;
	[sflag:s14] =	ssyncadd.s32 $0xFFFFEC00  }
0x7b: {  	[tilespmem:s17], [sflag:$0x2] =	stream.indirect.gather [hbm4b:s4+s15], $0x40, s9, s15, $0xb8;
	[tilespmem:$0x14E60] =	vst v63  }
0x7c: {  	_ =	swait.ge [sflag:s18], $0x1400  }
0x7d: {  	[sflag:s18] =	ssyncset.done $0x0  }
0x7e: {  	s9 =	sadd.s32 $0x230, s8;
	[sflag:s18] =	ssyncadd.s32 $0xFFFFEC00  }
0x7f: {  	[tilespmem:s19], [sflag:$0x3] =	stream.indirect.gather [hbm4b:s4+s15], $0x40, s9, s15, $0xb8;
	[tilespmem:$0x14E60] =	vst v63  }
0x80: {  	_ =	swait.ge [sflag:s20], $0x1400  }
0x81: {  	[sflag:s20] =	ssyncset.done $0x0  }
.Ltmp0:
0x82: {  	s9 =	sadd.s32 $0x280, s8;
	[sflag:s20] =	ssyncadd.s32 $0xFFFFEC00;
	(pc) =	sbr.rel @p1 .LBB2_2-.Ltmp0, $4  }
0x83: {  	[tilespmem:s21], [sflag:$0x4] =	stream.indirect.gather [hbm4b:s4+s15], $0x40, s9, s15, $0xb8;
	[tilespmem:$0x14E60] =	vst v63  }
0x84: {  	_ =	swait.ge [sflag:s22], $0x1400  }
0x85: {  	[sflag:s22] =	ssyncset.done $0x0  }
0x86: {  	s8 =	sadd.s32 $0x2D0, s8;
	[sflag:s22] =	ssyncadd.s32 $0xFFFFEC00  }
0x87: {  	[tilespmem:s23], [sflag:$0x5] =	stream.indirect.gather [hbm4b:s4+s15], $0x40, s8, s15, $0xb8;
	[tilespmem:$0x14E60] =	vst v63  }
0x88: {  	_ =	swait.ge [sflag:s26], $0x1400  }
0x89: {  	[sflag:s26] =	ssyncset.done $0x0  }
0x8a: {  	s7 =	simm.s32 $0x4C90;
	[sflag:s26] =	ssyncadd.s32 $0xFFFFEC00  }
0x8b: {  	[spmem:s2] =	stream.indirect.scatter.add.f32 [tilespmem:s16], [sflag:$0x6], $0x40, s7, s15, $0xb8;
	[tilespmem:$0x14E60] =	vst v63  }
0x8c: {  	_ =	swait.ge [sflag:s28], $0x1400  }
0x8d: {  	[sflag:s28] =	ssyncset.done $0x0  }
0x8e: {  	s10 =	simm.s32 $0x4CE0;
	[sflag:s28] =	ssyncadd.s32 $0xFFFFEC00  }
0x8f: {  	[spmem:s2] =	stream.indirect.scatter.add.f32 [tilespmem:s17], [sflag:$0x7], $0x40, s10, s15, $0xb8;
	[tilespmem:$0x14E60] =	vst v63  }
0x90: {  	_ =	swait.ge [sflag:s29], $0x1400  }
0x91: {  	[sflag:s29] =	ssyncset.done $0x0  }
0x92: {  	s8 =	simm.s32 $0x4D30;
	[sflag:s29] =	ssyncadd.s32 $0xFFFFEC00  }
0x93: {  	[spmem:s2] =	stream.indirect.scatter.add.f32 [tilespmem:s19], [sflag:$0x8], $0x40, s8, s15, $0xb8;
	[tilespmem:$0x14E60] =	vst v63  }
0x94: {  	_ =	swait.ge [sflag:s30], $0x1400  }
0x95: {  	[sflag:s30] =	ssyncset.done $0x0  }
0x96: {  	s9 =	simm.s32 $0x4D80;
	[sflag:s30] =	ssyncadd.s32 $0xFFFFEC00  }
0x97: {  	[spmem:s2] =	stream.indirect.scatter.add.f32 [tilespmem:s21], [sflag:$0x9], $0x40, s9, s15, $0xb8;
	[tilespmem:$0x14E60] =	vst v63  }
0x98: {  	_ =	swait.ge [sflag:s31], $0x1400  }
0x99: {  	[sflag:s31] =	ssyncset.done $0x0  }
0x9a: {  	s10 =	simm.s32 $0x4DD0;
	[sflag:s31] =	ssyncadd.s32 $0xFFFFEC00  }
0x9b: {  	[spmem:s2] =	stream.indirect.scatter.add.f32 [tilespmem:s23], [sflag:$0xA], $0x40, s10, s15, $0xb8;
	[tilespmem:$0x14E60] =	vst v63  }
0x9c: {  	_ =	swait.ge [sflag:s1], $0x1400  }
0x9d: {  	[sflag:s1] =	ssyncset.done $0x0  }
0x9e: {  	[sflag:s1] =	ssyncadd.s32 $0xFFFFEC00  }
0x9f: {  	_ =	swait.ge [sflag:s14], $0x1400  }
0xa0: {  	[sflag:s14] =	ssyncset.done $0x0  }
0xa1: {  	[sflag:s14] =	ssyncadd.s32 $0xFFFFEC00  }
0xa2: {  	_ =	swait.ge [sflag:s18], $0x1400  }
0xa3: {  	[sflag:s18] =	ssyncset.done $0x0  }
0xa4: {  	[sflag:s18] =	ssyncadd.s32 $0xFFFFEC00  }
0xa5: {  	_ =	swait.ge [sflag:s20], $0x1400  }
0xa6: {  	[sflag:s20] =	ssyncset.done $0x0  }
0xa7: {  	[sflag:s20] =	ssyncadd.s32 $0xFFFFEC00  }
0xa8: {  	_ =	swait.ge [sflag:s22], $0x1400  }
0xa9: {  	[sflag:s22] =	ssyncset.done $0x0  }
0xaa: {  	s7 =	simm.s32 @p0 $0x1;
	s8 =	simm.s32 @p0 $0x10;
	[sflag:s22] =	ssyncadd.s32 $0xFFFFEC00  }
0xab: {  	s9 =	simm.s32 @p0 $0x8;
	s10 =	simm.s32 @p0 $0x1FCC;
	[bflag:$0x0] =	sbarrier.arrive $0xFFFF  }
0xac: {  	[hbm:s11@s8], [sflag:s10] =	dma.strided @p0 [spmem:s6@s9], $0x1400, s7, $0x8   }
0xad: {  	s0 =	sadd.s32 $0x1, s0;
	s6 =	simm.s32 @p0 $0xC  }
0xae: {  	p1 =	sne.s32 s0, s12;
	_ =	swait.ge @p0 [sflag:s6], $0x1400  }
0xaf: {  	s7 =	simm.s32 @!p0 $0x10;
	s8 =	simm.s32 @!p0 $0x8;
	[sflag:s6] =	ssyncset.done @p0 $0x0  }
0xb0: {  	s9 =	rddreg [dreg:$0x9];
	[sflag:s6] =	ssyncadd.s32 @p0 $0xFFFFEC00;
	s6 =	simm.s32 @!p0 $0x1  }
0xb1: {  	[hbm:s9@s7], [sflag:s5] =	dma.strided @!p0 [spmem:s25@s8], $0x1380, s6, $0x8   }
.Ltmp1:
0xb2: {  	_ = 	snop;
	(pc) =	sbr.rel @p1 .LBB2_1-.Ltmp1, $4  }
0xb3: {  	s5 =	simm.s32 @!p0 $0xC  }
0xb4: {  	_ =	swait.ge @!p0 [sflag:s5], $0x1380  }
0xb5: {  	[sflag:s5] =	ssyncset.done @!p0 $0x0  }
0xb6: {  	[sflag:s5] =	ssyncadd.s32 @!p0 $0xFFFFEC80  }
0xb7: {  	_ =	sfence.sel $0x180000  }
0xb8: {  	[bflag:$0x0] =	sbarrier.arrive $0xFFFF  }
0xb9: {  	_ =	strace $0x9000004D  }
0xba: {  	s0 =	stileid.u32;
	[bflag:$0x2] =	sbarrier.arrive $0xFFFF  }
0xbb: {  	p0 =	sne.s32 s0, $0x0;
	s0 =	rddreg [dreg:$0x3]  }
0xbc: {  	s0 =	sadd.s32 @!p0 $0x100000, s0  }
0xbd: {  	[sflag:s0] =	ssyncadd.tile.s32 @!p0 $0x1;
	_ =	shalt  }
.Lfunc_end2:
_tile_overlayer_lowered:
.L_overlay_start_2:
0xbe: {  	(tag) =	ssettag $0x2  }
0xbf: {  	s0 =	rddreg [dreg:$0x0];
	s2 =	stileid.u32  }
0xc0: {  	s1 =	rddreg [dreg:$0x1];
	p0 =	sne.s32 s2, $0x0  }
0xc1: {  	s3 =	rddreg [dreg:$0x2];
	[bflag:$0x3] =	sbarrier.arrive $0xFFFF;
	s2 =	simm.s32 @!p0 $0x1C0C  }
0xc2: {  	[timem:s3], [sflag:s2] =	dma.local @!p0 [hbm:s0], s1  }
0xc3: {  	s0 =	simm.s32 @!p0 $0xC  }
0xc4: {  	_ =	swait.ge @!p0 [sflag:s0], s1  }
0xc5: {  	s1 =	ssub.s32 @!p0 $0x0, s1;
	[sflag:s0] =	ssyncset.done @!p0 $0x0  }
0xc6: {  	[sflag:s0] =	ssyncadd.s32 @!p0 s1  }
0xc7: {  	[bflag:$0x3] =	sbarrier.arrive $0xFFFF  }
0xc8: {  	_ =	shalt  }

// kernel: kernel.9.cloned.1.call-start
scs
__scs_entry_jumppad:
0x0: {  	(pc) =	sbr.rel $0x88, $3  }
0x1: {  	(tag) =	ssettag $0x0;
	lr =	simm.s32 $0x1  }
0x2: {  	[smem:$0x3F96] =	sst lr;
	_ =	strace $0xD0000000  }
0x3: {  	_ = 	snop  }
0x4: {  	_ = 	snop  }
0x5: {  	_ = 	snop  }
0x6: {  	_ = 	snop  }
0x7: {  	_ = 	snop  }
__scs_overlays_trampoline_lowered:
0x8: {  	[smem:$0x3FA5] =	sst s0  }
0x9: {  	[smem:$0x3FA6] =	sst s1  }
0xa: {  	[smem:$0x3FA7] =	sst s2  }
0xb: {  	[smem:$0x3FA8] =	sst s3  }
0xc: {  	[smem:$0x3FA9] =	sst s4  }
0xd: {  	[smem:$0x3FAA] =	sst s5  }
0xe: {  	[smem:$0x3FAB] =	sst s6  }
0xf: {  	[smem:$0x3FAC] =	sst s7  }
0x10: {  	[smem:$0x3FAD] =	sst s8  }
0x11: {  	[smem:$0x3FAE] =	sst s9;
	s0 =	simm.s32 @!p0 $0x0  }
0x12: {  	s1 =	sld [smem:$0x3F94];
	s0 =	simm.s32 @p0 $0x1  }
0x13: {  	[smem:$0x3FAF] =	sst s0;
	s0 =	simm.s32 @!p1 $0x0  }
0x14: {  	s2 =	sld [smem:$0x3F93];
	s0 =	simm.s32 @p1 $0x1  }
0x15: {  	[smem:$0x3FB0] =	sst s0;
	s0 =	simm.s32 @!p2 $0x0  }
0x16: {  	s3 =	sld [smem:$0x3FDB];
	s0 =	simm.s32 @p2 $0x1  }
0x17: {  	s4 =	simm.s32 $0x1BF5;
	[smem:$0x3FB2] =	sst s0  }
0x18: {  	s0 =	sld [smem:$0x3F95];
	_ =	swait.ge [sflag:s4], $0x0  }
0x19: {  	s7 =	sld [smem:$0x3F96]  }
0x1a: {  	s8 =	sadd.s32 $0xFFFFE003, lr  }
0x1b: {  	s9 =	sadd.s32 $0xFFFFFEF7, lr;
	s5 =	simm.s32 $0xFFFFFFFF;
	p2 =	slt.u32 s8, $0xFFFFF086  }
0x1c: {  	p1 =	slt.u32 s9, $0xF7A;
	s5 =	simm.s32 @!p2 $0x0  }
0x1d: {  	s5 =	simm.s32 @p1 $0x1;
	p0 =	seq.s32 s7, s2  }
0x1e: {  	s7 =	smul.u32 @!p0 $0xF7A, s2;
	p2 =	seq.s32 @!p0 s5, $0x0  }
0x1f: {  	s9 =	smul.u32 $0xF7A, s1;
	s8 =	simm.s32 @!p0 $0x1BF5;
	p2 =	por !p2, p0  }
0x20: {  	[sflag:s8] =	ssyncset.s32 @!p0 $0xFFFFF086;
	s6 =	sadd.s32 @!p0 s3, s7;
	s7 =	simm.s32 @!p0 $0x108  }
0x21: {  	s3 =	sadd.s32 s3, s9;
	s6 =	sadd.s32 @!p0 $0x88, s6;
	s7 =	simm.s32 @p2 $0x1082  }
0x22: {  	[simem:s7], [sflag:s8] =	dma.local @!p0 [hbm:s6], $0xF7A  }
0x23: {  	s9 =	sor.u32 $0xD0000000, s2;
	s6 =	simm.s32 $0x108;
	_ =	swait.ge @!p0 [sflag:s8], $0x0  }
0x24: {  	s3 =	sadd.s32 $0x88, s3;
	s6 =	simm.s32 @!p1 $0x1082;
	[sflag:s4] =	ssyncset.s32 $0xFFFFF086  }
0x25: {  	[simem:s6], [sflag:s4] =	dma.local [hbm:s3], $0xF7A  }
0x26: {  	[smem:$0x3F96] =	sst s1;
	(tag) =	ssettag s2;
	_ =	strace s9  }
0x27: {  	s1 =	sld [smem:$0x3FA6]  }
0x28: {  	s2 =	sld [smem:$0x3FA7]  }
0x29: {  	s4 =	sld [smem:$0x3FA9]  }
0x2a: {  	p0 =	seq.s32 s5, $0x0;
	s5 =	sld [smem:$0x3FAA]  }
0x2b: {  	s6 =	sld [smem:$0x3FAB]  }
0x2c: {  	s7 =	sld [smem:$0x3FAC]  }
0x2d: {  	s3 =	simm.s32 $0x108;
	s8 =	sld [smem:$0x3FAD]  }
0x2e: {  	s3 =	simm.s32 @!p0 $0x1082;
	s9 =	sld [smem:$0x3FAE]  }
0x2f: {  	lr =	sadd.s32 s0, s3;
	s0 =	sld [smem:$0x3FA5]  }
0x30: {  	s3 =	sld [smem:$0x3FA8]  }
0x31: {  	[smem:$0x3FB1] =	sst s10  }
0x32: {  	s10 =	sld [smem:$0x3FAF];
	_ =	sdelay $0x3  }
0x33: {  	p0 =	seq.s32 s10, $0x1;
	s10 =	sld [smem:$0x3FB1];
	_ =	sdelay $0x3  }
0x34: {  	[smem:$0x3FB1] =	sst s10  }
0x35: {  	s10 =	sld [smem:$0x3FB0];
	_ =	sdelay $0x3  }
0x36: {  	p1 =	seq.s32 s10, $0x1;
	s10 =	sld [smem:$0x3FB1];
	_ =	sdelay $0x3  }
0x37: {  	[smem:$0x3FB1] =	sst s10  }
0x38: {  	s10 =	sld [smem:$0x3FB2]  }
0x39: {  	_ = 	snop;
	(pc) =	sbr.ind lr, $3  }
0x3a: {  	_ = 	snop  }
0x3b: {  	_ = 	snop  }
0x3c: {  	p2 =	seq.s32 s10, $0x1;
	s10 =	sld [smem:$0x3FB1]  }
0x3d: {  	_ =	shalt  }
0x3e: {  	_ =	shalt  }
0x3f: {  	_ =	shalt  }
0x40: {  	_ =	shalt  }
0x41: {  	_ =	shalt  }
0x42: {  	_ =	shalt  }
0x43: {  	_ =	shalt  }
0x44: {  	_ =	shalt  }
0x45: {  	_ =	shalt  }
0x46: {  	_ =	shalt  }
0x47: {  	_ =	shalt  }
0x48: {  	_ =	shalt  }
0x49: {  	_ =	shalt  }
0x4a: {  	_ =	shalt  }
0x4b: {  	_ =	shalt  }
0x4c: {  	_ =	shalt  }
0x4d: {  	_ =	shalt  }
0x4e: {  	_ =	shalt  }
0x4f: {  	_ =	shalt  }
0x50: {  	_ =	shalt  }
0x51: {  	_ =	shalt  }
0x52: {  	_ =	shalt  }
0x53: {  	_ =	shalt  }
0x54: {  	_ =	shalt  }
0x55: {  	_ =	shalt  }
0x56: {  	_ =	shalt  }
0x57: {  	_ =	shalt  }
0x58: {  	_ =	shalt  }
0x59: {  	_ =	shalt  }
0x5a: {  	_ =	shalt  }
0x5b: {  	_ =	shalt  }
0x5c: {  	_ =	shalt  }
0x5d: {  	_ =	shalt  }
0x5e: {  	_ =	shalt  }
0x5f: {  	_ =	shalt  }
0x60: {  	_ =	shalt  }
0x61: {  	_ =	shalt  }
0x62: {  	_ =	shalt  }
0x63: {  	_ =	shalt  }
0x64: {  	_ =	shalt  }
0x65: {  	_ =	shalt  }
0x66: {  	_ =	shalt  }
0x67: {  	_ =	shalt  }
0x68: {  	_ =	shalt  }
0x69: {  	_ =	shalt  }
0x6a: {  	_ =	shalt  }
0x6b: {  	_ =	shalt  }
0x6c: {  	_ =	shalt  }
0x6d: {  	_ =	shalt  }
0x6e: {  	_ =	shalt  }
0x6f: {  	_ =	shalt  }
0x70: {  	_ =	shalt  }
0x71: {  	_ =	shalt  }
0x72: {  	_ =	shalt  }
0x73: {  	_ =	shalt  }
0x74: {  	_ =	shalt  }
0x75: {  	_ =	shalt  }
0x76: {  	_ =	shalt  }
0x77: {  	_ =	shalt  }
0x78: {  	_ =	shalt  }
0x79: {  	_ =	shalt  }
0x7a: {  	_ =	shalt  }
0x7b: {  	_ =	shalt  }
0x7c: {  	_ =	shalt  }
0x7d: {  	_ =	shalt  }
0x7e: {  	_ =	shalt  }
0x7f: {  	_ =	shalt  }
0x80: {  	_ =	shalt  }
0x81: {  	_ =	shalt  }
0x82: {  	_ =	shalt  }
0x83: {  	_ =	shalt  }
0x84: {  	_ =	shalt  }
0x85: {  	_ =	shalt  }
0x86: {  	_ =	shalt  }
0x87: {  	_ =	shalt  }
.Lfunc_end0:
.L_simem_size_0:
called_computation_lowered:
.L_overlay_start_0:
0x88: {  	s2 =	sld [smem:$0x3FD9]  }
0x89: {  	s3 =	sld [smem:$0x3FFE];
	_ =	sdelay $0x1  }
0x8a: {  	s1 =	srdreg.scid  }
0x8b: {  	s0 =	sand.u32 $0x1, s1  }
0x8c: {  	s14 =	sshll.u32 s0, $0xA;
	s2 =	sadd.s32 s3, s2  }
0x8d: {  	s2 =	sadd.s32 s2, s14  }
0x8e: {  	[smem:$0x3FBD] =	sst s2  }
0x8f: {  	_ = 	snop  }
0x90: {  	s2 =	sld [smem:$0x3FD0];
	_ =	sdelay $0x2  }
0x91: {  	s15 =	simm.s32 $0xA;
	s4 =	simm.s32 $0x10  }
0x92: {  	[smem:s4], [sflag:s15] =	dma.local [hbm:s2], $0x1  }
0x93: {  	_ =	swait.eq [sflag:s15], $0x1  }
0x94: {  	[sflag:s15] =	ssyncset.done $0x0  }
0x95: {  	s16 =	sld [smem:$0x10];
	[sflag:s15] =	ssyncadd.s32 $0xFFFFFFFF  }
0x96: {  	s17 =	sld [smem:$0x11];
	(tm) =	ssettm $0x1  }
0x97: {  	s18 =	sld [smem:$0x3FFB];
	_ =	sdelay $0x3  }
0x98: {  	_ =	strace s18  }
0x99: {  	s4 =	sld [smem:$0x3FFC];
	_ =	sdelay $0x3  }
0x9a: {  	_ =	strace s4  }
0x9b: {  	s4 =	sld [smem:$0x3FFD];
	_ =	sdelay $0x3  }
0x9c: {  	_ =	strace s4  }
0x9d: {  	_ =	strace $0x8FFFFFFF  }
0x9e: {  	s19 =	sld [smem:$0x3FDB];
	_ =	sdelay $0x1  }
0x9f: {  	s5 =	simm.s32 $_scs_section_size  }
0xa0: {  	s6 =	simm.s32 $_size__tile_overlayer_lowered;
	s7 =	simm.s32 $_tile_overlayer_lowered  }
0xa1: {  	s22 =	simm.s32 $0x1BFF;
	s21 =	sshll.u32 s7, $0x1;
	s4 =	sadd.s32 s5, s19  }
0xa2: {  	s8 =	simm.s32 $0x0;
	s20 =	sshll.u32 s6, $0x1;
	s6 =	sadd.s32 s21, s4  }
0xa3: {  	[timem:s8], [sflag:s22] =	dma.local [hbm:s6], s20  }
0xa4: {  	_ =	swait.ge [sflag:s22], s20  }
0xa5: {  	s5 =	ssub.s32 $0x0, s20;
	[sflag:s22] =	ssyncset.done $0x0  }
0xa6: {  	[sflag:s22] =	ssyncadd.s32 s5;
	_ =	sdelay $0x1  }
0xa7: {  	s23 =	simm.s32 $0x1B8B  }
0xa8: {  	_ =	swait.ge [sflag:s23], $0x1  }
0xa9: {  	[sflag:s23] =	ssyncset.done $0x0  }
0xaa: {  	s25 =	simm.s32 $0x1B8E;
	s24 =	sld [smem:$0x3FFE];
	[sflag:s23] =	ssyncadd.s32 $0xFFFFFFFF  }
0xab: {  	s26 =	simm.s32 $execute0_lowered;
	[smem:$0x3FD2] =	sst s25  }
0xac: {  	s6 =	sshll.u32 s26, $0x1;
	_ =	strace $0x80000046;
	[dreg:$0x1] =	wrdreg $0xFFFFFFFF  }
0xad: {  	s28 =	simm.s32 $_size_execute0_lowered;
	s4 =	sadd.s32 s4, s6;
	[dreg:$0x0] =	wrdreg $0x0  }
0xae: {  	s6 =	sshll.u32 s28, $0x1;
	[dreg:$0x2] =	wrdreg s4  }
0xaf: {  	[dreg:$0x3] =	wrdreg s6  }
0xb0: {  	[dreg:$0x4] =	wrdreg $0xC0  }
0xb1: {  	_ =	task [dreg:s8], $0x5FFFF  }
0xb2: {  	[dreg:$0x1] =	wrdreg $0xFFFFFFFF  }
0xb3: {  	[dreg:$0x0] =	wrdreg $0x60  }
0xb4: {  	[dreg:$0x2] =	wrdreg s24  }
0xb5: {  	[dreg:$0x3] =	wrdreg s16  }
0xb6: {  	[dreg:$0x4] =	wrdreg s17  }
0xb7: {  	[dreg:$0x5] =	wrdreg $0xB2200  }
0xb8: {  	[dreg:$0x6] =	wrdreg $0x153600  }
0xb9: {  	[dreg:$0x7] =	wrdreg $0x9  }
0xba: {  	_ =	task.clear_ibuf [dreg:s8], $0x8FFFF;
	_ =	strace $0x90000046  }
0xbb: {  	s29 =	simm.s32 $0x9;
	_ =	strace $0x80000048  }
0xbc: {  	_ =	swait.ge [sflag:s29], $0x1  }
0xbd: {  	[sflag:s29] =	ssyncadd.s32 $0xFFFFFFFF  }
0xbe: {  	_ =	strace $0x90000048  }
0xbf: {  	_ =	sfence  }
0xc0: {  	s30 =	sld [smem:$0x0];
	_ =	sdelay $0x2  }
0xc1: {  	s31 =	sshll.u32 s1, $0xD;
	s1 =	sshrl.u32 s1, $0x2  }
0xc2: {  	s3 =	sand.u32 $0x4000, s31;
	s1 =	sadd.s32 s1, s30  }
0xc3: {  	s0 =	sor.u32 s3, s0;
	s1 =	sshll.u32 s1, $0x11  }
0xc4: {  	s0 =	sor.u32 s1, s0  }
0xc5: {  	s0 =	sadd.s32 $0x8F2B, s0  }
0xc6: {  	[sflag:s0] =	ssyncadd.remote.s32 $0x1  }
0xc7: {  	_ =	sfence.sel $0xFFFF  }
0xc8: {  	[dreg:$0x0] =	wrdreg $0xFFFFFFFF;
	(pc) =	sbr.abs _section_cstart, $3  }
0xc9: {  	[dreg:$0x1] =	wrdreg $0xFFFFFFFF  }
0xca: {  	_ =	task.clear_ibuf [dreg:s8], $0x2FFFF;
	_ =	strace $0x9FFFFFFF  }
0xcb: {  	(tm) =	ssettm $0x7FFFFFFF  }
tec
execute0_lowered:
.L_overlay_start_1:
0x0: {  	(tag) =	ssettag $0x1  }
0x1: {  	s0 =	rddreg [dreg:$0x0]  }
0x2: {  	s1 =	rddreg [dreg:$0x1]  }
0x3: {  	s4 =	rddreg [dreg:$0x2]  }
0x4: {  	s2 =	rddreg [dreg:$0x3];
	s5 =	srdreg.scid  }
0x5: {  	s14 =	stileid.u32;
	s3 =	rddreg [dreg:$0x4]  }
0x6: {  	s7 =	simm.s32 $0x0;
	s28 =	simm.s32 $0x6220;
	s30 =	simm.s32 $0x7620  }
0x7: {  	s29 =	simm.s32 $0x9E20;
	s31 =	simm.s32 $0x1;
	s6 =	sand.u32 $0x1, s5  }
0x8: {  	s13 =	sshll.u32 s14, $0x1;
	[smem:$0x7FF] =	sst s7;
	s11 =	smul.u32 $0x9C00, s14  }
0x9: {  	s9 =	sadd.s32 $0x3D800, s0;
	s18 =	smul.u32 $0x2700, s14;
	s19 =	sadd.s32 $0x92400, s2  }
0xa: {  	s20 =	smul.u32 $0x27000, s14;
	s21 =	sadd.s32 $0x24900, s3;
	p0 =	seq.s32 s14, $0xF  }
0xb: {  	s5 =	sor.u32 s6, s13;
	s8 =	ssub.s32 $0x2, s6;
	s6 =	smul.u32 $0x138800, s6  }
0xc: {  	_ =	strace $0x80000047;
	s13 =	smul.u32 $0x13800, s14;
	[dreg:$0xa] =	wrdreg s19  }
0xd: {  	[dreg:$0xc] =	wrdreg s21;
	s21 =	simm.s32 $0x50;
	s14 =	simm.s32 $0xE  }
0xe: {  	s19 =	simm.s32 $0x0;
	s15 =	smul.u32 $0x4E2, s5;
	s5 =	sadd.s32 $0x16600, s0  }
0xf: {  	s10 =	sshrl.u32 s8, $0x1;
	s17 =	sshrl.u32 s11, $0x3;
	s12 =	sadd.s32 s11, s2  }
0x10: {  	s23 =	sshrl.u32 s20, $0x2;
	s25 =	sshrl.u32 s11, $0x2;
	s20 =	simm.s32 $0x14E60  }
0x11: {  	s11 =	simm.s32 $0x7;
	s8 =	ssub.s32 s8, s10;
	s10 =	sshrl.u32 s18, $0x3  }
0x12: {  	s22 =	sadd.s32 s13, s6;
	s6 =	sshrl.u32 s6, $0x3;
	s13 =	simm.s32 $0x8  }
0x13: {  	s7 =	sadd.s32 s15, s0;
	s0 =	sadd.s32 $0x8BA00, s0;
	s10 =	sadd.s32 s4, s10  }
0x14: {  	s4 =	sadd.s32 $0x4920, s4;
	s6 =	sadd.s32 $0x24900, s6;
	s26 =	smax.u32 s8, $0x1  }
0x15: {  	s8 =	simm.s32 $0x5;
	s15 =	simm.s32 $0x9;
	[dreg:$0x9] =	wrdreg s10  }
0x16: {  	s16 =	sadd.s32 $0xC800, s7;
	s7 =	sadd.s32 $0x2A00, s7;
	[dreg:$0xd] =	wrdreg s4  }
0x17: {  	s4 =	sadd.s32 s23, s2;
	[dreg:$0x12] =	wrdreg s26;
	s23 =	simm.s32 $0xB  }
0x18: {  	s26 =	simm.s32 $0x4E20;
	s10 =	simm.s32 $0xC;
	[dreg:$0x6] =	wrdreg s16  }
0x19: {  	[dreg:$0x7] =	wrdreg s7;
	s7 =	sadd.s32 s1, s17;
	s1 =	sadd.s32 $0x12480, s1  }
0x1a: {  	s16 =	simm.s32 $0xF;
	[dreg:$0xb] =	wrdreg s1;
	s1 =	sshrl.u32 s22, $0x3  }
0x1b: {  	s17 =	simm.s32 $0xA;
	[dreg:$0x8] =	wrdreg s7;
	s24 =	sadd.s32 s9, s1  }
0x1c: {  	s7 =	sadd.s32 s18, s3;
	s1 =	sadd.s32 s0, s1;
	[dreg:$0xe] =	wrdreg s24  }
0x1d: {  	s18 =	simm.s32 $0x10;
	s9 =	sadd.s32 s9, s6;
	[dreg:$0xf] =	wrdreg s1  }
0x1e: {  	s0 =	sadd.s32 s0, s6;
	s6 =	simm.s32 $0x3;
	[dreg:$0x10] =	wrdreg s9  }
0x1f: {  	s1 =	sadd.s32 s25, s3;
	[dreg:$0x11] =	wrdreg s0;
	s0 =	sshrl.u32 @!p0 s12, $0x3  }
0x20: {  	s9 =	simm.s32 $0x6;
	[dreg:$0x13] =	wrdreg s0;
	s0 =	sshrl.u32 @!p0 s7, $0x3  }
0x21: {  	s12 =	simm.s32 $0xD;
	[dreg:$0x14] =	wrdreg s0;
	s0 =	sshrl.u32 @!p0 s4, $0x3  }
0x22: {  	s7 =	simm.s32 $0x4;
	[dreg:$0x15] =	wrdreg s0;
	s0 =	sshrl.u32 @!p0 s1, $0x3  }
0x23: {  	v0 =	vimm.f32 $1.000000000e+00;
	s1 =	simm.s32 $0x8A20;
	[dreg:$0x16] =	wrdreg s0;
	s0 =	simm.s32 $0x2  }
.LBB2_1:
0x24: {  	[dreg:$0x17] =	wrdreg s19  }
0x25: {  	s4 =	simm.s32 $0x0;
	s24 =	rddreg [dreg:$0x6]  }
0x26: {  	[tilespmem:s4], [sflag:$0xB] =	stream.linear.gather [hbm4b:s24+s4], $0x2710, $0x38;
	[tilespmem:$0x17A70] =	vst v63  }
0x27: {  	_ =	swait.ge [sflag:s23], $0x2710  }
0x28: {  	[sflag:s23] =	ssyncset.done $0x0  }
0x29: {  	s22 =	simm.s32 $0x2710;
	s25 =	rddreg [dreg:$0x7];
	[sflag:s23] =	ssyncadd.s32 $0xFFFFD8F0  }
0x2a: {  	[tilespmem:s22], [sflag:$0xB] =	stream.linear.gather [hbm4b:s25+s4], $0x2710, $0x38;
	[tilespmem:$0x17A70] =	vst v63  }
0x2b: {  	_ = 	snop  }
0x2c: {  	[tilespmem:s26], [sflag:$0x1] =	stream.indirect.gather [hbm4b:s5+s21], $0x40, s4, s21, $0xb8;
	[tilespmem:$0x17A70] =	vst v63  }
0x2d: {  	_ = 	snop  }
0x2e: {  	[tilespmem:s28], [sflag:$0x2] =	stream.indirect.gather [hbm4b:s5+s21], $0x40, s21, s21, $0xb8;
	[tilespmem:$0x17A70] =	vst v63  }
0x2f: {  	s22 =	simm.s32 $0xA0;
	s4 =	rddreg [dreg:$0xa]  }
0x30: {  	[tilespmem:s30], [sflag:$0x3] =	stream.indirect.gather [hbm4b:s5+s21], $0x40, s22, s21, $0xb8;
	[tilespmem:$0x17A70] =	vst v63  }
0x31: {  	s24 =	simm.s32 $0xF0;
	s19 =	rddreg [dreg:$0xb];
	s22 =	sshrl.u32 @p0 s4, $0x3  }
0x32: {  	[tilespmem:s1], [sflag:$0x4] =	stream.indirect.gather [hbm4b:s5+s21], $0x40, s24, s21, $0xb8;
	[tilespmem:$0x17A70] =	vst v63  }
0x33: {  	s25 =	simm.s32 $0x140;
	s4 =	simm.s32 @p0 $0x1FD1;
	[dreg:$0x19] =	wrdreg s22  }
0x34: {  	[tilespmem:s29], [sflag:$0x5] =	stream.indirect.gather [hbm4b:s5+s21], $0x40, s25, s21, $0xb8;
	[tilespmem:$0x17A70] =	vst v63  }
0x35: {  	[spmem:s22], [sflag:s4] =	dma.local @p0 [hbm:s19], $0x1400  }
0x36: {  	s19 =	simm.s32 @p0 $0x11  }
0x37: {  	_ =	swait.ge @p0 [sflag:s19], $0x1400  }
0x38: {  	s22 =	rddreg [dreg:$0xc]  }
0x39: {  	[sflag:s19] =	ssyncset.done @p0 $0x0;
	s24 =	sshrl.u32 @p0 s22, $0x3;
	s22 =	rddreg [dreg:$0xd]  }
0x3a: {  	[sflag:s19] =	ssyncadd.s32 @p0 $0xFFFFEC00;
	[dreg:$0x1a] =	wrdreg s24  }
0x3b: {  	[spmem:s24], [sflag:s4] =	dma.local @p0 [hbm:s22], $0x500  }
0x3c: {  	s4 =	stileid.u32  }
0x3d: {  	_ =	swait.ge @p0 [sflag:s19], $0x500;
	s4 =	sshll.u32 @!p0 s4, $0x6  }
0x3e: {  	[sflag:s19] =	ssyncset.done @p0 $0x0;
	s24 =	sor.u32 @!p0 $0x1C11, s4;
	s4 =	rddreg [dreg:$0x8]  }
0x3f: {  	[sflag:s19] =	ssyncadd.s32 @p0 $0xFFFFFB00;
	s19 =	rddreg [dreg:$0x13]  }
0x40: {  	[spmem:s19], [sflag:s24] =	dma.local @!p0 [hbm:s4], $0x1380  }
0x41: {  	s4 =	simm.s32 @!p0 $0x11  }
0x42: {  	_ =	swait.ge @!p0 [sflag:s4], $0x1380;
	[dreg:$0x18] =	wrdreg s24  }
0x43: {  	[sflag:s4] =	ssyncset.done @!p0 $0x0;
	s19 =	rddreg [dreg:$0x9]  }
0x44: {  	s22 =	rddreg [dreg:$0x14];
	[sflag:s4] =	ssyncadd.s32 @!p0 $0xFFFFEC80  }
0x45: {  	[spmem:s22], [sflag:s24] =	dma.local @!p0 [hbm:s19], $0x4E0  }
0x46: {  	_ =	swait.ge @!p0 [sflag:s4], $0x4E0  }
0x47: {  	[sflag:s4] =	ssyncset.done @!p0 $0x0  }
0x48: {  	s19 =	simm.s32 $0x0;
	[sflag:s4] =	ssyncadd.s32 @!p0 $0xFFFFFB20;
	s4 =	simm.s32 $0x40  }
.LBB2_2:
0x49: {  	p1 =	sne.s32 s4, $0x13C0;
	[tilespmem:s19+$0x14E60] =	vst v0;
	s19 =	smov.u32 s4;
	s4 =	sadd.s32 $0x40, s4  }
.Ltmp0:
0x4a: {  	(pc) =	sbr.rel @p1 .LBB2_2-.Ltmp0, $2  }
0x4b: {  	_ =	sdelay $0x2  }
0x4c: {  	s19 =	sshra.s32 s19, $0x2  }
0x4d: {  	[tilespmem:s19+$0x14E60] =	vst v0  }
0x4e: {  	_ =	swait.ge [sflag:s23], $0x2710  }
0x4f: {  	[sflag:s23] =	ssyncset.done $0x0  }
0x50: {  	[sflag:s23] =	ssyncadd.s32 $0xFFFFD8F0  }
0x51: {  	[bflag:$0x0] =	sbarrier.arrive $0xFFFF  }
0x52: {  	_ =	swait.ge [sflag:s31], $0x1400  }
0x53: {  	[sflag:s31] =	ssyncset.done $0x0  }
0x54: {  	s4 =	simm.s32 $0x2710;
	[sflag:s31] =	ssyncadd.s32 $0xFFFFEC00  }
0x55: {  	[spmem:s2] =	stream.indirect.scatter.add.f32 [tilespmem:s26], [sflag:$0x6], $0x40, s4, s21, $0xb8;
	[tilespmem:$0x17A70] =	vst v63  }
0x56: {  	_ = 	snop  }
0x57: {  	[spmem:s3] =	stream.indirect.scatter.add.f32 [tilespmem:s20], [sflag:$0xC], $0x10, s4, s21, $0xb8;
	[tilespmem:$0x17A70] =	vst v63  }
0x58: {  	_ =	swait.ge [sflag:s0], $0x1400  }
0x59: {  	[sflag:s0] =	ssyncset.done $0x0  }
0x5a: {  	s22 =	simm.s32 $0x2760;
	[sflag:s0] =	ssyncadd.s32 $0xFFFFEC00  }
0x5b: {  	[spmem:s2] =	stream.indirect.scatter.add.f32 [tilespmem:s28], [sflag:$0x7], $0x40, s22, s21, $0xb8;
	[tilespmem:$0x17A70] =	vst v63  }
0x5c: {  	_ = 	snop  }
0x5d: {  	[spmem:s3] =	stream.indirect.scatter.add.f32 [tilespmem:s20], [sflag:$0xD], $0x10, s22, s21, $0xb8;
	[tilespmem:$0x17A70] =	vst v63  }
0x5e: {  	_ =	swait.ge [sflag:s6], $0x1400  }
0x5f: {  	[sflag:s6] =	ssyncset.done $0x0  }
0x60: {  	s23 =	simm.s32 $0x27B0;
	[sflag:s6] =	ssyncadd.s32 $0xFFFFEC00  }
0x61: {  	[spmem:s2] =	stream.indirect.scatter.add.f32 [tilespmem:s30], [sflag:$0x8], $0x40, s23, s21, $0xb8;
	[tilespmem:$0x17A70] =	vst v63  }
0x62: {  	_ = 	snop  }
0x63: {  	[spmem:s3] =	stream.indirect.scatter.add.f32 [tilespmem:s20], [sflag:$0xE], $0x10, s23, s21, $0xb8;
	[tilespmem:$0x17A70] =	vst v63  }
0x64: {  	_ =	swait.ge [sflag:s7], $0x1400  }
0x65: {  	[sflag:s7] =	ssyncset.done $0x0  }
0x66: {  	s24 =	simm.s32 $0x2800;
	[sflag:s7] =	ssyncadd.s32 $0xFFFFEC00  }
0x67: {  	[spmem:s2] =	stream.indirect.scatter.add.f32 [tilespmem:s1], [sflag:$0x9], $0x40, s24, s21, $0xb8;
	[tilespmem:$0x17A70] =	vst v63  }
0x68: {  	_ = 	snop  }
0x69: {  	[spmem:s3] =	stream.indirect.scatter.add.f32 [tilespmem:s20], [sflag:$0xF], $0x10, s24, s21, $0xb8;
	[tilespmem:$0x17A70] =	vst v63  }
0x6a: {  	_ =	swait.ge [sflag:s8], $0x1400  }
0x6b: {  	[sflag:s8] =	ssyncset.done $0x0  }
0x6c: {  	s25 =	simm.s32 $0x2850;
	[sflag:s8] =	ssyncadd.s32 $0xFFFFEC00  }
0x6d: {  	[spmem:s2] =	stream.indirect.scatter.add.f32 [tilespmem:s29], [sflag:$0xA], $0x40, s25, s21, $0xb8;
	[tilespmem:$0x17A70] =	vst v63  }
0x6e: {  	_ = 	snop  }
0x6f: {  	[spmem:s3] =	stream.indirect.scatter.add.f32 [tilespmem:s20], [sflag:$0x10], $0x10, s25, s21, $0xb8;
	[tilespmem:$0x17A70] =	vst v63  }
0x70: {  	_ =	swait.ge [sflag:s9], $0x1400  }
0x71: {  	[sflag:s9] =	ssyncset.done $0x0  }
0x72: {  	s19 =	simm.s32 $0x190;
	[sflag:s9] =	ssyncadd.s32 $0xFFFFEC00  }
0x73: {  	[tilespmem:s26], [sflag:$0x1] =	stream.indirect.gather [hbm4b:s5+s21], $0x40, s19, s21, $0xb8;
	[tilespmem:$0x17A70] =	vst v63  }
0x74: {  	_ =	swait.ge [sflag:s10], $0x500  }
0x75: {  	[sflag:s10] =	ssyncset.done $0x0  }
0x76: {  	[sflag:s10] =	ssyncadd.s32 $0xFFFFFB00  }
0x77: {  	_ =	swait.ge [sflag:s11], $0x1400  }
0x78: {  	[sflag:s11] =	ssyncset.done $0x0  }
0x79: {  	s22 =	simm.s32 $0x1E0;
	[sflag:s11] =	ssyncadd.s32 $0xFFFFEC00  }
0x7a: {  	[tilespmem:s28], [sflag:$0x2] =	stream.indirect.gather [hbm4b:s5+s21], $0x40, s22, s21, $0xb8;
	[tilespmem:$0x17A70] =	vst v63  }
0x7b: {  	_ =	swait.ge [sflag:s12], $0x500  }
0x7c: {  	[sflag:s12] =	ssyncset.done $0x0  }
0x7d: {  	[sflag:s12] =	ssyncadd.s32 $0xFFFFFB00  }
0x7e: {  	_ =	swait.ge [sflag:s13], $0x1400  }
0x7f: {  	[sflag:s13] =	ssyncset.done $0x0  }
0x80: {  	s23 =	simm.s32 $0x230;
	[sflag:s13] =	ssyncadd.s32 $0xFFFFEC00  }
0x81: {  	[tilespmem:s30], [sflag:$0x3] =	stream.indirect.gather [hbm4b:s5+s21], $0x40, s23, s21, $0xb8;
	[tilespmem:$0x17A70] =	vst v63  }
0x82: {  	_ =	swait.ge [sflag:s14], $0x500  }
0x83: {  	[sflag:s14] =	ssyncset.done $0x0  }
0x84: {  	[sflag:s14] =	ssyncadd.s32 $0xFFFFFB00  }
0x85: {  	_ =	swait.ge [sflag:s15], $0x1400  }
0x86: {  	[sflag:s15] =	ssyncset.done $0x0  }
0x87: {  	s24 =	simm.s32 $0x280;
	[sflag:s15] =	ssyncadd.s32 $0xFFFFEC00  }
0x88: {  	[tilespmem:s1], [sflag:$0x4] =	stream.indirect.gather [hbm4b:s5+s21], $0x40, s24, s21, $0xb8;
	[tilespmem:$0x17A70] =	vst v63  }
0x89: {  	_ =	swait.ge [sflag:s16], $0x500  }
0x8a: {  	[sflag:s16] =	ssyncset.done $0x0  }
0x8b: {  	[sflag:s16] =	ssyncadd.s32 $0xFFFFFB00  }
0x8c: {  	_ =	swait.ge [sflag:s17], $0x1400  }
0x8d: {  	[sflag:s17] =	ssyncset.done $0x0  }
0x8e: {  	s25 =	simm.s32 $0x2D0;
	[sflag:s17] =	ssyncadd.s32 $0xFFFFEC00  }
0x8f: {  	[tilespmem:s29], [sflag:$0x5] =	stream.indirect.gather [hbm4b:s5+s21], $0x40, s25, s21, $0xb8;
	[tilespmem:$0x17A70] =	vst v63  }
0x90: {  	_ =	swait.ge [sflag:s18], $0x500  }
0x91: {  	s4 =	simm.s32 $0x640;
	[sflag:s18] =	ssyncset.done $0x0  }
.LBB2_4:
0x92: {  	p1 =	sne.s32 s4, $0x8FC0  }
0x93: {  	[sflag:s18] =	ssyncadd.s32 $0xFFFFFB00;
	s19 =	smov.u32 s4;
	s4 =	sadd.s32 $0x640, s4  }
0x94: {  	_ =	swait.ge [sflag:s31], $0x1400  }
0x95: {  	s19 =	sshra.s32 s19, $0x2;
	[sflag:s31] =	ssyncset.done $0x0  }
0x96: {  	s25 =	sadd.s32 $0x2710, s19;
	[sflag:s31] =	ssyncadd.s32 $0xFFFFEC00  }
0x97: {  	[spmem:s2] =	stream.indirect.scatter.add.f32 [tilespmem:s26], [sflag:$0x6], $0x40, s25, s21, $0xb8;
	[tilespmem:$0x17A70] =	vst v63  }
0x98: {  	_ = 	snop  }
0x99: {  	[spmem:s3] =	stream.indirect.scatter.add.f32 [tilespmem:s20], [sflag:$0xC], $0x10, s25, s21, $0xb8;
	[tilespmem:$0x17A70] =	vst v63  }
0x9a: {  	_ =	swait.ge [sflag:s0], $0x1400  }
0x9b: {  	[sflag:s0] =	ssyncset.done $0x0  }
0x9c: {  	s25 =	sadd.s32 $0x2760, s19;
	[sflag:s0] =	ssyncadd.s32 $0xFFFFEC00  }
0x9d: {  	[spmem:s2] =	stream.indirect.scatter.add.f32 [tilespmem:s28], [sflag:$0x7], $0x40, s25, s21, $0xb8;
	[tilespmem:$0x17A70] =	vst v63  }
0x9e: {  	_ = 	snop  }
0x9f: {  	[spmem:s3] =	stream.indirect.scatter.add.f32 [tilespmem:s20], [sflag:$0xD], $0x10, s25, s21, $0xb8;
	[tilespmem:$0x17A70] =	vst v63  }
0xa0: {  	_ =	swait.ge [sflag:s6], $0x1400  }
0xa1: {  	[sflag:s6] =	ssyncset.done $0x0  }
0xa2: {  	s25 =	sadd.s32 $0x27B0, s19;
	[sflag:s6] =	ssyncadd.s32 $0xFFFFEC00  }
0xa3: {  	[spmem:s2] =	stream.indirect.scatter.add.f32 [tilespmem:s30], [sflag:$0x8], $0x40, s25, s21, $0xb8;
	[tilespmem:$0x17A70] =	vst v63  }
0xa4: {  	_ = 	snop  }
0xa5: {  	[spmem:s3] =	stream.indirect.scatter.add.f32 [tilespmem:s20], [sflag:$0xE], $0x10, s25, s21, $0xb8;
	[tilespmem:$0x17A70] =	vst v63  }
0xa6: {  	_ =	swait.ge [sflag:s7], $0x1400  }
0xa7: {  	[sflag:s7] =	ssyncset.done $0x0  }
0xa8: {  	s25 =	sadd.s32 $0x2800, s19;
	[sflag:s7] =	ssyncadd.s32 $0xFFFFEC00  }
0xa9: {  	[spmem:s2] =	stream.indirect.scatter.add.f32 [tilespmem:s1], [sflag:$0x9], $0x40, s25, s21, $0xb8;
	[tilespmem:$0x17A70] =	vst v63  }
0xaa: {  	_ = 	snop  }
0xab: {  	[spmem:s3] =	stream.indirect.scatter.add.f32 [tilespmem:s20], [sflag:$0xF], $0x10, s25, s21, $0xb8;
	[tilespmem:$0x17A70] =	vst v63  }
0xac: {  	_ =	swait.ge [sflag:s8], $0x1400  }
0xad: {  	[sflag:s8] =	ssyncset.done $0x0  }
0xae: {  	s25 =	sadd.s32 $0x2850, s19;
	[sflag:s8] =	ssyncadd.s32 $0xFFFFEC00  }
0xaf: {  	[spmem:s2] =	stream.indirect.scatter.add.f32 [tilespmem:s29], [sflag:$0xA], $0x40, s25, s21, $0xb8;
	[tilespmem:$0x17A70] =	vst v63  }
0xb0: {  	_ = 	snop  }
0xb1: {  	[spmem:s3] =	stream.indirect.scatter.add.f32 [tilespmem:s20], [sflag:$0x10], $0x10, s25, s21, $0xb8;
	[tilespmem:$0x17A70] =	vst v63  }
0xb2: {  	_ =	swait.ge [sflag:s9], $0x1400  }
0xb3: {  	[sflag:s9] =	ssyncset.done $0x0  }
0xb4: {  	s25 =	sadd.s32 $0x190, s19;
	[sflag:s9] =	ssyncadd.s32 $0xFFFFEC00  }
0xb5: {  	[tilespmem:s26], [sflag:$0x1] =	stream.indirect.gather [hbm4b:s5+s21], $0x40, s25, s21, $0xb8;
	[tilespmem:$0x17A70] =	vst v63  }
0xb6: {  	_ =	swait.ge [sflag:s10], $0x500  }
0xb7: {  	[sflag:s10] =	ssyncset.done $0x0  }
0xb8: {  	[sflag:s10] =	ssyncadd.s32 $0xFFFFFB00  }
0xb9: {  	_ =	swait.ge [sflag:s11], $0x1400  }
0xba: {  	[sflag:s11] =	ssyncset.done $0x0  }
0xbb: {  	s25 =	sadd.s32 $0x1E0, s19;
	[sflag:s11] =	ssyncadd.s32 $0xFFFFEC00  }
0xbc: {  	[tilespmem:s28], [sflag:$0x2] =	stream.indirect.gather [hbm4b:s5+s21], $0x40, s25, s21, $0xb8;
	[tilespmem:$0x17A70] =	vst v63  }
0xbd: {  	_ =	swait.ge [sflag:s12], $0x500  }
0xbe: {  	[sflag:s12] =	ssyncset.done $0x0  }
0xbf: {  	[sflag:s12] =	ssyncadd.s32 $0xFFFFFB00  }
0xc0: {  	_ =	swait.ge [sflag:s13], $0x1400  }
0xc1: {  	[sflag:s13] =	ssyncset.done $0x0  }
0xc2: {  	s25 =	sadd.s32 $0x230, s19;
	[sflag:s13] =	ssyncadd.s32 $0xFFFFEC00  }
0xc3: {  	[tilespmem:s30], [sflag:$0x3] =	stream.indirect.gather [hbm4b:s5+s21], $0x40, s25, s21, $0xb8;
	[tilespmem:$0x17A70] =	vst v63  }
0xc4: {  	_ =	swait.ge [sflag:s14], $0x500  }
0xc5: {  	[sflag:s14] =	ssyncset.done $0x0  }
0xc6: {  	[sflag:s14] =	ssyncadd.s32 $0xFFFFFB00  }
0xc7: {  	_ =	swait.ge [sflag:s15], $0x1400  }
0xc8: {  	[sflag:s15] =	ssyncset.done $0x0  }
0xc9: {  	s25 =	sadd.s32 $0x280, s19;
	[sflag:s15] =	ssyncadd.s32 $0xFFFFEC00  }
0xca: {  	[tilespmem:s1], [sflag:$0x4] =	stream.indirect.gather [hbm4b:s5+s21], $0x40, s25, s21, $0xb8;
	[tilespmem:$0x17A70] =	vst v63  }
0xcb: {  	_ =	swait.ge [sflag:s16], $0x500  }
0xcc: {  	[sflag:s16] =	ssyncset.done $0x0  }
0xcd: {  	[sflag:s16] =	ssyncadd.s32 $0xFFFFFB00  }
0xce: {  	_ =	swait.ge [sflag:s17], $0x1400  }
.Ltmp1:
0xcf: {  	[sflag:s17] =	ssyncset.done $0x0;
	(pc) =	sbr.rel @p1 .LBB2_4-.Ltmp1, $4  }
0xd0: {  	s19 =	sadd.s32 $0x2D0, s19;
	[sflag:s17] =	ssyncadd.s32 $0xFFFFEC00  }
0xd1: {  	[tilespmem:s29], [sflag:$0x5] =	stream.indirect.gather [hbm4b:s5+s21], $0x40, s19, s21, $0xb8;
	[tilespmem:$0x17A70] =	vst v63  }
0xd2: {  	_ =	swait.ge [sflag:s18], $0x500  }
0xd3: {  	[sflag:s18] =	ssyncset.done $0x0  }
0xd4: {  	[sflag:s18] =	ssyncadd.s32 $0xFFFFFB00  }
0xd5: {  	_ =	swait.ge [sflag:s31], $0x1400  }
0xd6: {  	[sflag:s31] =	ssyncset.done $0x0  }
0xd7: {  	s4 =	simm.s32 $0x4C90;
	[sflag:s31] =	ssyncadd.s32 $0xFFFFEC00  }
0xd8: {  	[spmem:s2] =	stream.indirect.scatter.add.f32 [tilespmem:s26], [sflag:$0x6], $0x40, s4, s21, $0xb8;
	[tilespmem:$0x17A70] =	vst v63  }
0xd9: {  	_ = 	snop  }
0xda: {  	[spmem:s3] =	stream.indirect.scatter.add.f32 [tilespmem:s20], [sflag:$0xC], $0x10, s4, s21, $0xb8;
	[tilespmem:$0x17A70] =	vst v63  }
0xdb: {  	_ =	swait.ge [sflag:s0], $0x1400  }
0xdc: {  	[sflag:s0] =	ssyncset.done $0x0  }
0xdd: {  	s25 =	simm.s32 $0x4CE0;
	[sflag:s0] =	ssyncadd.s32 $0xFFFFEC00  }
0xde: {  	[spmem:s2] =	stream.indirect.scatter.add.f32 [tilespmem:s28], [sflag:$0x7], $0x40, s25, s21, $0xb8;
	[tilespmem:$0x17A70] =	vst v63  }
0xdf: {  	_ = 	snop  }
0xe0: {  	[spmem:s3] =	stream.indirect.scatter.add.f32 [tilespmem:s20], [sflag:$0xD], $0x10, s25, s21, $0xb8;
	[tilespmem:$0x17A70] =	vst v63  }
0xe1: {  	_ =	swait.ge [sflag:s6], $0x1400  }
0xe2: {  	[sflag:s6] =	ssyncset.done $0x0  }
0xe3: {  	s19 =	simm.s32 $0x4D30;
	[sflag:s6] =	ssyncadd.s32 $0xFFFFEC00  }
0xe4: {  	[spmem:s2] =	stream.indirect.scatter.add.f32 [tilespmem:s30], [sflag:$0x8], $0x40, s19, s21, $0xb8;
	[tilespmem:$0x17A70] =	vst v63  }
0xe5: {  	_ = 	snop  }
0xe6: {  	[spmem:s3] =	stream.indirect.scatter.add.f32 [tilespmem:s20], [sflag:$0xE], $0x10, s19, s21, $0xb8;
	[tilespmem:$0x17A70] =	vst v63  }
0xe7: {  	_ =	swait.ge [sflag:s7], $0x1400  }
0xe8: {  	[sflag:s7] =	ssyncset.done $0x0  }
0xe9: {  	s22 =	simm.s32 $0x4D80;
	[sflag:s7] =	ssyncadd.s32 $0xFFFFEC00  }
0xea: {  	[spmem:s2] =	stream.indirect.scatter.add.f32 [tilespmem:s1], [sflag:$0x9], $0x40, s22, s21, $0xb8;
	[tilespmem:$0x17A70] =	vst v63  }
0xeb: {  	_ = 	snop  }
0xec: {  	[spmem:s3] =	stream.indirect.scatter.add.f32 [tilespmem:s20], [sflag:$0xF], $0x10, s22, s21, $0xb8;
	[tilespmem:$0x17A70] =	vst v63  }
0xed: {  	_ =	swait.ge [sflag:s8], $0x1400  }
0xee: {  	[sflag:s8] =	ssyncset.done $0x0  }
0xef: {  	s23 =	simm.s32 $0x4DD0;
	[sflag:s8] =	ssyncadd.s32 $0xFFFFEC00  }
0xf0: {  	[spmem:s2] =	stream.indirect.scatter.add.f32 [tilespmem:s29], [sflag:$0xA], $0x40, s23, s21, $0xb8;
	[tilespmem:$0x17A70] =	vst v63  }
0xf1: {  	_ = 	snop  }
0xf2: {  	[spmem:s3] =	stream.indirect.scatter.add.f32 [tilespmem:s20], [sflag:$0x10], $0x10, s23, s21, $0xb8;
	[tilespmem:$0x17A70] =	vst v63  }
0xf3: {  	_ =	swait.ge [sflag:s9], $0x1400  }
0xf4: {  	[sflag:s9] =	ssyncset.done $0x0  }
0xf5: {  	[sflag:s9] =	ssyncadd.s32 $0xFFFFEC00  }
0xf6: {  	_ =	swait.ge [sflag:s10], $0x500  }
0xf7: {  	[sflag:s10] =	ssyncset.done $0x0  }
0xf8: {  	[sflag:s10] =	ssyncadd.s32 $0xFFFFFB00  }
0xf9: {  	_ =	swait.ge [sflag:s11], $0x1400  }
0xfa: {  	[sflag:s11] =	ssyncset.done $0x0  }
0xfb: {  	[sflag:s11] =	ssyncadd.s32 $0xFFFFEC00  }
0xfc: {  	_ =	swait.ge [sflag:s12], $0x500  }
0xfd: {  	[sflag:s12] =	ssyncset.done $0x0  }
0xfe: {  	[sflag:s12] =	ssyncadd.s32 $0xFFFFFB00  }
0xff: {  	_ =	swait.ge [sflag:s13], $0x1400  }
0x100: {  	[sflag:s13] =	ssyncset.done $0x0  }
0x101: {  	[sflag:s13] =	ssyncadd.s32 $0xFFFFEC00  }
0x102: {  	_ =	swait.ge [sflag:s14], $0x500  }
0x103: {  	[sflag:s14] =	ssyncset.done $0x0  }
0x104: {  	[sflag:s14] =	ssyncadd.s32 $0xFFFFFB00  }
0x105: {  	_ =	swait.ge [sflag:s15], $0x1400  }
0x106: {  	[sflag:s15] =	ssyncset.done $0x0  }
0x107: {  	[sflag:s15] =	ssyncadd.s32 $0xFFFFEC00  }
0x108: {  	_ =	swait.ge [sflag:s16], $0x500  }
0x109: {  	[sflag:s16] =	ssyncset.done $0x0  }
0x10a: {  	[sflag:s16] =	ssyncadd.s32 $0xFFFFFB00  }
0x10b: {  	_ =	swait.ge [sflag:s17], $0x1400  }
0x10c: {  	[sflag:s17] =	ssyncset.done $0x0  }
0x10d: {  	[sflag:s17] =	ssyncadd.s32 $0xFFFFEC00  }
0x10e: {  	_ =	swait.ge [sflag:s18], $0x500  }
0x10f: {  	[sflag:s18] =	ssyncset.done $0x0  }
0x110: {  	[sflag:s18] =	ssyncadd.s32 $0xFFFFFB00  }
0x111: {  	[bflag:$0x0] =	sbarrier.arrive $0xFFFF  }
0x112: {  	s4 =	simm.s32 @p0 $0x1;
	s25 =	simm.s32 @p0 $0x8;
	s24 =	rddreg [dreg:$0x10]  }
0x113: {  	s19 =	simm.s32 @p0 $0x10;
	s22 =	simm.s32 @p0 $0x1FD1;
	s23 =	rddreg [dreg:$0x19]  }
0x114: {  	[hbm:s24@s19], [sflag:s22] =	dma.strided @p0 [spmem:s23@s25], $0x1400, s4, $0x8   }
0x115: {  	s4 =	simm.s32 @p0 $0x11  }
0x116: {  	s24 =	simm.s32 @p0 $0x2;
	s19 =	simm.s32 @p0 $0x1;
	_ =	swait.ge @p0 [sflag:s4], $0x1400  }
0x117: {  	s22 =	simm.s32 @p0 $0x10;
	[sflag:s4] =	ssyncset.done @p0 $0x0;
	s23 =	rddreg [dreg:$0x11]  }
0x118: {  	s25 =	simm.s32 @p0 $0x1FD1;
	[sflag:s4] =	ssyncadd.s32 @p0 $0xFFFFEC00;
	s4 =	rddreg [dreg:$0x1a]  }
0x119: {  	[hbm:s23@s22], [sflag:s25] =	dma.strided @p0 [spmem:s4@s24], $0x500, s19, $0x2   }
0x11a: {  	s4 =	simm.s32 @p0 $0x11  }
0x11b: {  	_ =	swait.ge @p0 [sflag:s4], $0x500  }
0x11c: {  	s25 =	simm.s32 @!p0 $0x1;
	s24 =	rddreg [dreg:$0xe]  }
0x11d: {  	s19 =	simm.s32 @!p0 $0x10;
	[sflag:s4] =	ssyncset.done @p0 $0x0;
	s23 =	rddreg [dreg:$0x15]  }
0x11e: {  	s22 =	simm.s32 @!p0 $0x8;
	[sflag:s4] =	ssyncadd.s32 @p0 $0xFFFFFB00;
	s4 =	rddreg [dreg:$0x18]  }
0x11f: {  	[hbm:s24@s19], [sflag:s4] =	dma.strided @!p0 [spmem:s23@s22], $0x1380, s25, $0x8   }
0x120: {  	s4 =	simm.s32 @!p0 $0x11  }
0x121: {  	_ =	swait.ge @!p0 [sflag:s4], $0x1380  }
0x122: {  	s24 =	simm.s32 @!p0 $0x2;
	s25 =	rddreg [dreg:$0xf]  }
0x123: {  	s19 =	simm.s32 @!p0 $0x1;
	[sflag:s4] =	ssyncset.done @!p0 $0x0;
	s23 =	rddreg [dreg:$0x16]  }
0x124: {  	s22 =	rddreg [dreg:$0x18];
	[sflag:s4] =	ssyncadd.s32 @!p0 $0xFFFFEC80;
	s4 =	simm.s32 @!p0 $0x10  }
0x125: {  	[hbm:s25@s4], [sflag:s22] =	dma.strided @!p0 [spmem:s23@s24], $0x4E0, s19, $0x2   }
0x126: {  	s22 =	simm.s32 @!p0 $0x11  }
0x127: {  	_ =	swait.ge @!p0 [sflag:s22], $0x4E0  }
0x128: {  	s24 =	rddreg [dreg:$0x17]  }
0x129: {  	s25 =	rddreg [dreg:$0x12];
	s19 =	sadd.s32 $0x1, s24  }
0x12a: {  	p1 =	sne.s32 s19, s25  }
.Ltmp2:
0x12b: {  	_ = 	snop;
	(pc) =	sbr.rel @p1 .LBB2_1-.Ltmp2, $3  }
0x12c: {  	_ =	sdelay $0x1  }
0x12d: {  	[sflag:s22] =	ssyncset.done @!p0 $0x0  }
0x12e: {  	s23 =	simm.s32 $0xB;
	[sflag:s22] =	ssyncadd.s32 @!p0 $0xFFFFFB20  }
0x12f: {  	_ =	sfence.sel $0x180000  }
0x130: {  	[bflag:$0x0] =	sbarrier.arrive $0xFFFF  }
0x131: {  	_ =	strace $0x90000047  }
0x132: {  	s0 =	stileid.u32;
	[bflag:$0x2] =	sbarrier.arrive $0xFFFF  }
0x133: {  	p0 =	sne.s32 s0, $0x0;
	s0 =	rddreg [dreg:$0x5]  }
0x134: {  	s0 =	sadd.s32 @!p0 $0x100000, s0  }
0x135: {  	[sflag:s0] =	ssyncadd.tile.s32 @!p0 $0x1;
	_ =	shalt  }
.Lfunc_end2:
_tile_overlayer_lowered:
.L_overlay_start_2:
0x136: {  	(tag) =	ssettag $0x2  }
0x137: {  	s0 =	rddreg [dreg:$0x0];
	s2 =	stileid.u32  }
0x138: {  	s1 =	rddreg [dreg:$0x1];
	p0 =	sne.s32 s2, $0x0  }
0x139: {  	s3 =	rddreg [dreg:$0x2];
	[bflag:$0x3] =	sbarrier.arrive $0xFFFF;
	s2 =	simm.s32 @!p0 $0x1C11  }
0x13a: {  	[timem:s3], [sflag:s2] =	dma.local @!p0 [hbm:s0], s1  }
0x13b: {  	s0 =	simm.s32 @!p0 $0x11  }
0x13c: {  	_ =	swait.ge @!p0 [sflag:s0], s1  }
0x13d: {  	s1 =	ssub.s32 @!p0 $0x0, s1;
	[sflag:s0] =	ssyncset.done @!p0 $0x0  }
0x13e: {  	[sflag:s0] =	ssyncadd.s32 @!p0 s1  }
0x13f: {  	[bflag:$0x3] =	sbarrier.arrive $0xFFFF  }
0x140: {  	_ =	shalt  }

</sc_bundles>
